<compile_context>
chip_gen: v7x
topology: tpu7x:2x2x1
jax: 0.10.2.dev20260603
libtpu: 0.0.44.dev20260713+nightly
codegen_flags: <defaults>
</compile_context>

<pallas_src>
import functools

import jax
import jax.numpy as jnp
from jax import lax
from jax.experimental import pallas as pl
from jax.experimental.pallas import tpu as pltpu
from jax.experimental.pallas import tpu_sc as plsc

Q, D, CAP, A, K_NN, H = 1024, 128, 100000, 8, 32, 64
KB = 2048
CAP_PAD = 100352
N_BLK = CAP_PAD // KB
CH = 128
NCH = CAP_PAD // CH
NCH_PAD = 896
NV = NCH_PAD // 16
NV_REAL = -(-NCH // 16)
NW = 32
QPW = Q // NW
NSEL = 48
NCAND = 96
NCV = NCAND // 16
BIG = 1e30
CUT = 1e29


def _stage_a(obs_ref, obs_sq_ref, keys_ref, key_sq_ref, w1_ref, b1_ref,
             w2_ref, b2_ref, w3_ref, b3_ref, dists_ref, cmin_ref, qnet_ref):
    i = pl.program_id(0)
    dot = lax.dot_general(obs_ref[...], keys_ref[...],
                          (((1,), (1,)), ((), ())),
                          preferred_element_type=jnp.float32)
    dblk = obs_sq_ref[...] - 2.0 * dot + key_sq_ref[...]
    dists_ref[...] = dblk.reshape(Q, KB // CH, CH)
    cmin_ref[...] = jnp.min(dblk.reshape(Q, KB // CH, CH), axis=2).reshape(
        1, Q, KB // CH)

    @pl.when(i == 0)
    def _mlp():
        h = jnp.maximum(
            lax.dot_general(obs_ref[...], w1_ref[...],
                            (((1,), (1,)), ((), ())),
                            preferred_element_type=jnp.float32) + b1_ref[...],
            0.0)
        h = jnp.maximum(
            lax.dot_general(h, w2_ref[...], (((1,), (1,)), ((), ())),
                            preferred_element_type=jnp.float32) + b2_ref[...],
            0.0)
        qnet_ref[...] = lax.dot_general(
            h, w3_ref[...], (((1,), (1,)), ((), ())),
            preferred_element_type=jnp.float32) + b3_ref[...]


def _splat_f(x):
    return jnp.full((16,), x, jnp.float32)


def _splat_i(x):
    return jnp.full((16,), x, jnp.int32)


_LANE15 = functools.partial(jnp.full, (16,), 15, jnp.int32)


_GDN = lax.GatherDimensionNumbers(
    offset_dims=(), collapsed_slice_dims=(0,), start_index_map=(0,))


def _lane_gather(v, idx):
    return lax.gather(v, idx[:, None], _GDN, (1,),
                      mode=lax.GatherScatterMode.PROMISE_IN_BOUNDS)


def _hmax(v):
    return _lane_gather(plsc.cummax(v), _LANE15())


def _hmin(v):
    return -_hmax(-v)


def _sc_body(dists_hbm, cmin_hbm, qnet_hbm, values_hbm, act_hbm,
             cmins_v, qnet_v, tbuf_v, chsel_v, chunks_v, cd_v, cp_v, sel_v,
             vrows_v, act_v, sem_c0, sem_c1, sem_v0, sem_v1):
    nc = 2
    wid = lax.axis_index("s") * nc + lax.axis_index("c")
    q0 = wid * QPW
    pltpu.sync_copy(cmin_hbm.at[pl.ds(q0, QPW)], cmins_v)
    pltpu.sync_copy(qnet_hbm.at[pl.ds(q0, QPW)], qnet_v)
    iota = lax.iota(jnp.int32, 16)
    sem_c = [sem_c0, sem_c1]
    sem_v = [sem_v0, sem_v1]

    def pass1(qi, carry):
        q = q0 + qi
        mn_a = cmins_v[qi, pl.ds(0, 16)]
        for j in range(1, NV // 2):
            mn_a = jnp.minimum(mn_a, cmins_v[qi, pl.ds(j * 16, 16)])
        mn_b = cmins_v[qi, pl.ds(NV // 2 * 16, 16)]
        for j in range(NV // 2 + 1, NV):
            mn_b = jnp.minimum(mn_b, cmins_v[qi, pl.ds(j * 16, 16)])
        lo0 = _hmin(jnp.minimum(mn_a, mn_b)) - 1.0
        hi0 = _hmax(jnp.maximum(mn_a, mn_b))

        def bis1(_, lohi):
            lo, hi = lohi
            mid = (lo + hi) * 0.5
            cnt = _splat_i(0)
            for j in range(NV):
                m = cmins_v[qi, pl.ds(j * 16, 16)] <= mid
                cnt = cnt + plsc.all_reduce_population_count(m)
            ge = cnt >= K_NN
            return jnp.where(ge, lo, mid), jnp.where(ge, mid, hi)

        _, t = lax.fori_loop(0, 12, bis1, (lo0, hi0))
        plsc.store_scatter(tbuf_v, [_splat_i(qi)], t, mask=iota == 0)

        padrow = _splat_i(q * NCH + (NCH - 1))
        for j in range(NSEL // 16):
            chsel_v[qi, pl.ds(j * 16, 16)] = padrow
        coff = _splat_i(0)
        for j in range(NV_REAL):
            v = cmins_v[qi, pl.ds(j * 16, 16)]
            m = v <= t
            pf = plsc.cumsum(jnp.where(m, 1, 0))
            pos = coff + pf - 1
            m = jnp.logical_and(m, pos < NSEL)
            rowid = _splat_i(q * NCH + j * 16) + iota
            plsc.store_scatter(chsel_v, [_splat_i(qi), pos], rowid, mask=m)
            coff = coff + plsc.all_reduce_population_count(m)
        return carry

    lax.fori_loop(0, QPW, pass1, 0)

    pltpu.async_copy(dists_hbm.at[chsel_v.at[0]], chunks_v.at[0], sem_c[0])

    def p2a_one(qi, b):
        q = q0 + qi

        @pl.when(qi + 1 < QPW)
        def _prefetch():
            pltpu.async_copy(dists_hbm.at[chsel_v.at[qi + 1]],
                             chunks_v.at[1 - b], sem_c[1 - b])

        pltpu.make_async_copy(dists_hbm.at[chsel_v.at[qi]],
                              chunks_v.at[b], sem_c[b]).wait()
        t = plsc.load_gather(tbuf_v, [_splat_i(qi)])
        for j in range(NCV):
            cd_v[pl.ds(j * 16, 16)] = _splat_f(BIG)

        def chunk_body(j, eoff):
            for e in range(CH // 16):
                v = chunks_v[b, j, pl.ds(e * 16, 16)]
                cnt = plsc.all_reduce_population_count(v <= t)
                lpos = _splat_i(j * CH + e * 16) + iota
                sv, sp = plsc.sort_key_val(v, lpos)
                pos = jnp.minimum(eoff + iota, NCAND - 1)
                plsc.store_scatter(cd_v, [pos], sv)
                plsc.store_scatter(cp_v, [pos], sp)
                eoff = eoff + cnt
            return eoff

        lax.fori_loop(0, NSEL, chunk_body, _splat_i(0))

        cmn = cd_v[pl.ds(0, 16)]
        for j in range(1, NCV):
            cmn = jnp.minimum(cmn, cd_v[pl.ds(j * 16, 16)])
        clo0 = _hmin(cmn) - 1.0

        def bis2(_, lohi):
            lo2, hi2 = lohi
            mid = (lo2 + hi2) * 0.5
            cnt = _splat_i(0)
            for j in range(NCV):
                m = cd_v[pl.ds(j * 16, 16)] <= mid
                cnt = cnt + plsc.all_reduce_population_count(m)
            ge = cnt >= K_NN
            return jnp.where(ge, lo2, mid), jnp.where(ge, mid, hi2)

        clo, chi = lax.fori_loop(0, 40, bis2, (clo0, t))

        c1 = _splat_i(0)
        for j in range(NCV):
            c1 = c1 + plsc.all_reduce_population_count(
                cd_v[pl.ds(j * 16, 16)] <= clo)
        need = _splat_i(K_NN) - c1
        c2run = _splat_i(0)
        soff = _splat_i(0)
        for j in range(NCV):
            d = cd_v[pl.ds(j * 16, 16)]
            p = cp_v[pl.ds(j * 16, 16)]
            m1 = d <= clo
            m2 = jnp.logical_and(d <= chi, jnp.logical_not(m1))
            pf2 = plsc.cumsum(jnp.where(m2, 1, 0))
            sel2 = jnp.logical_and(m2, (pf2 + c2run) <= need)
            c2run = c2run + plsc.all_reduce_population_count(m2)
            selm = jnp.logical_or(m1, sel2)
            rowv = plsc.load_gather(
                chsel_v.at[qi], [lax.shift_right_logical(p, 7)], mask=selm)
            gkey = (rowv - q * NCH) * CH + jnp.bitwise_and(p, CH - 1)
            pfs = plsc.cumsum(jnp.where(selm, 1, 0))
            plsc.store_scatter(sel_v, [_splat_i(qi), soff + pfs - 1], gkey,
                               mask=selm)
            soff = soff + plsc.all_reduce_population_count(selm)

    def pass2a(i, carry):
        p2a_one(2 * i, 0)
        p2a_one(2 * i + 1, 1)
        return carry

    lax.fori_loop(0, QPW // 2, pass2a, 0)

    pltpu.async_copy(values_hbm.at[sel_v.at[0]], vrows_v.at[0], sem_v[0])

    def p2b_one(qi, b):
        @pl.when(qi + 1 < QPW)
        def _prefetch():
            pltpu.async_copy(values_hbm.at[sel_v.at[qi + 1]],
                             vrows_v.at[1 - b], sem_v[1 - b])

        pltpu.make_async_copy(values_hbm.at[sel_v.at[qi]],
                              vrows_v.at[b], sem_v[b]).wait()
        acc = vrows_v[b, 0, pl.ds(0, 16)]
        for r in range(1, K_NN):
            acc = acc + vrows_v[b, r, pl.ds(0, 16)]
        qvec = acc * (1.0 / K_NN) + qnet_v[qi, pl.ds(0, 16)]
        amax = _hmax(qvec)
        aidx = jnp.where(qvec == amax, iota, 16)
        act = -_hmax(-aidx)
        plsc.store_scatter(act_v, [_splat_i(qi)], act, mask=iota == 0)

    def pass2b(i, carry):
        p2b_one(2 * i, 0)
        p2b_one(2 * i + 1, 1)
        return carry

    lax.fori_loop(0, QPW // 2, pass2b, 0)
    pltpu.sync_copy(act_v, act_hbm.at[pl.ds(q0, QPW)])


def _make_sc_kernel():
    return functools.partial(
        pl.kernel,
        out_type=jax.ShapeDtypeStruct((Q,), jnp.int32),
        mesh=plsc.VectorSubcoreMesh(core_axis_name="c", subcore_axis_name="s",
                                    num_cores=2, num_subcores=16),
        compiler_params=pltpu.CompilerParams(needs_layout_passes=False,
                                             use_tc_tiling_on_sc=True),
        scratch_types=[
            pltpu.VMEM((QPW, NCH_PAD), jnp.float32),
            pltpu.VMEM((QPW, 128), jnp.float32),
            pltpu.VMEM((QPW,), jnp.float32),
            pltpu.VMEM((QPW, NSEL), jnp.int32),
            pltpu.VMEM((2, NSEL, CH), jnp.float32),
            pltpu.VMEM((NCAND,), jnp.float32),
            pltpu.VMEM((NCAND,), jnp.int32),
            pltpu.VMEM((QPW, K_NN), jnp.int32),
            pltpu.VMEM((2, K_NN, 128), jnp.float32),
            pltpu.VMEM((QPW,), jnp.int32),
            pltpu.SemaphoreType.DMA,
            pltpu.SemaphoreType.DMA,
            pltpu.SemaphoreType.DMA,
            pltpu.SemaphoreType.DMA,
        ],
    )(_sc_body)


def kernel(observation, keys, values, W1, b1, W2, b2, W3, b3):
    pad = CAP_PAD - CAP
    keys_p = jnp.concatenate([keys, jnp.zeros((pad, D), jnp.float32)], axis=0)
    key_sq = jnp.sum(keys * keys, axis=-1)
    key_sq_p = jnp.concatenate([key_sq, jnp.full((pad,), BIG, jnp.float32)])
    obs_sq = jnp.sum(observation * observation, axis=-1, keepdims=True)
    w3_p = jnp.concatenate([W3, jnp.zeros((128 - A, H), jnp.float32)], axis=0)
    b3_p = jnp.concatenate([b3, jnp.full((128 - A,), -BIG, jnp.float32)])
    values_p = jnp.concatenate(
        [values, jnp.zeros((CAP, 128 - A), jnp.float32)], axis=1)

    full = lambda s: pl.BlockSpec(s, lambda i: tuple(0 for _ in s))
    dists, cmin3, qnet = pl.pallas_call(
        _stage_a,
        grid=(N_BLK,),
        in_specs=[
            full((Q, D)),
            full((Q, 1)),
            pl.BlockSpec((KB, D), lambda i: (i, 0)),
            pl.BlockSpec((1, KB), lambda i: (0, i)),
            full((H, D)),
            full((1, H)),
            full((H, H)),
            full((1, H)),
            full((128, H)),
            full((1, 128)),
        ],
        out_specs=[
            pl.BlockSpec((Q, KB // CH, CH), lambda i: (0, i, 0)),
            pl.BlockSpec((1, Q, KB // CH), lambda i: (i, 0, 0)),
            full((Q, 128)),
        ],
        out_shape=[
            jax.ShapeDtypeStruct((Q, NCH, CH), jnp.float32),
            jax.ShapeDtypeStruct((N_BLK, Q, KB // CH), jnp.float32),
            jax.ShapeDtypeStruct((Q, 128), jnp.float32),
        ],
    )(observation, obs_sq, keys_p, key_sq_p.reshape(1, CAP_PAD),
      W1, b1.reshape(1, H), W2, b2.reshape(1, H), w3_p, b3_p.reshape(1, 128))

    cmin = jnp.transpose(cmin3, (1, 0, 2)).reshape(Q, NCH)
    cmin = jnp.concatenate(
        [cmin, jnp.full((Q, NCH_PAD - NCH), BIG, jnp.float32)], axis=1)
    dists_flat = dists.reshape(Q * NCH, CH)

    return _make_sc_kernel()(dists_flat, cmin, qnet, values_p)

# --- scband reference (transcript-rebuilt; emitter-appended) ---
"""Pipeline reference for scband-mlppolicy-10213432230161 (READ-ONLY COPY).

The authoritative reference and input builder live on the scoring server;
editing this copy changes nothing except your own understanding.
"""

import jax, jax.numpy as jnp
import numpy as np

Q, D, CAP, A, K_NN, H = 1024, 128, 100000, 8, 32, 64

def setup_inputs(seed: int = 0) -> dict:
    key = jax.random.key(seed)
    ks = jax.random.split(key, 9)
    observation = jax.random.normal(ks[0], (Q, D), dtype=jnp.float32)
    keys = jax.random.normal(ks[1], (CAP, D), dtype=jnp.float32)
    values = jax.random.normal(ks[2], (CAP, A), dtype=jnp.float32)
    W1 = jax.random.normal(ks[3], (H, D), dtype=jnp.float32) * 0.05
    b1 = jnp.zeros((H,), dtype=jnp.float32)
    W2 = jax.random.normal(ks[4], (H, H), dtype=jnp.float32) * 0.05
    b2 = jnp.zeros((H,), dtype=jnp.float32)
    W3 = jax.random.normal(ks[5], (A, H), dtype=jnp.float32) * 0.05
    b3 = jnp.zeros((A,), dtype=jnp.float32)
    return {"observation": observation, "keys": keys, "values": values,
            "W1": W1, "b1": b1, "W2": W2, "b2": b2, "W3": W3, "b3": b3}

def reference(observation, keys, values, W1, b1, W2, b2, W3, b3):
    # q_net: Linear(ob_dim,64) -> ReLU -> Linear(64,64) -> ReLU -> Linear(64, ac_dim)
    h = jax.nn.relu(observation @ W1.T + b1)
    h = jax.nn.relu(h @ W2.T + b2)
    q_net_q = h @ W3.T + b3  # [Q, A]
    # QEC table: k-NN lookup of observation against episodic buffer keys (squared L2)
    obs_sq = jnp.sum(observation * observation, axis=-1, keepdims=True)  # [Q,1]
    key_sq = jnp.sum(keys * keys, axis=-1)  # [CAP]
    dists = obs_sq - 2.0 * (observation @ keys.T) + key_sq[None, :]  # [Q, CAP]
    _, idx = jax.lax.top_k(-dists, K_NN)  # nearest neighbors, [Q, K_NN]
    nn_vals = jnp.take(values, idx, axis=0)  # [Q, K_NN, A]
    qec_q = jnp.mean(nn_vals, axis=1)  # [Q, A]
    # use_q_net=True: combine episodic estimate with parametric q-network estimate
    q = qec_q + q_net_q
    action = jnp.argmax(q, axis=-1)
    return action

if __name__ == "__main__":
    import jax
    _d = setup_inputs()
    print(jax.jit(kernel)(*tuple(_d.values())))

</pallas_src>

<mosaic_0001>
#map = affine_map<(d0, d1) -> (0, 0)>
#map1 = affine_map<(d0, d1) -> (0)>
module attributes {stable_mosaic.version = 14 : i64} {
  func.func @_sc_body(%arg0: i32, %arg1: i32, %arg2: memref<802816x128xf32, #tpu.memory_space<hbm>>, %arg3: memref<1024x896xf32, #tpu.memory_space<hbm>>, %arg4: memref<1024x128xf32, #tpu.memory_space<hbm>>, %arg5: memref<100000x128xf32, #tpu.memory_space<hbm>>, %arg6: memref<1024xi32, #tpu.memory_space<hbm>>, %arg7: memref<32x896xf32, #tpu.memory_space<vmem>>, %arg8: memref<32x128xf32, #tpu.memory_space<vmem>>, %arg9: memref<32xf32, #tpu.memory_space<vmem>>, %arg10: memref<32x48xi32, #tpu.memory_space<vmem>>, %arg11: memref<2x48x128xf32, #tpu.memory_space<vmem>>, %arg12: memref<96xf32, #tpu.memory_space<vmem>>, %arg13: memref<96xi32, #tpu.memory_space<vmem>>, %arg14: memref<32x32xi32, #tpu.memory_space<vmem>>, %arg15: memref<2x32x128xf32, #tpu.memory_space<vmem>>, %arg16: memref<32xi32, #tpu.memory_space<vmem>>, %arg17: memref<!tpu.dma_semaphore, #tpu.memory_space<semaphore_mem>>, %arg18: memref<!tpu.dma_semaphore, #tpu.memory_space<semaphore_mem>>, %arg19: memref<!tpu.dma_semaphore, #tpu.memory_space<semaphore_mem>>, %arg20: memref<!tpu.dma_semaphore, #tpu.memory_space<semaphore_mem>>) attributes {dimension_semantics = [#tpu.dimension_semantics<core_parallel>, #tpu.dimension_semantics<subcore_parallel>], iteration_bounds = array<i64: 2, 16>, scalar_prefetch = 0 : i64, scratch_operands = 14 : i64, tpu.core_type = #tpu.core_type<sc_vector_subcore>, window_params = [{transform_indices = #map}, {transform_indices = #map}, {transform_indices = #map}, {transform_indices = #map}, {transform_indices = #map1}]} {
    %mul3A = arith.constant 2 : i32
    %mul3A_0 = arith.muli %arg1, %mul3A : i32
    %add3A = arith.addi %mul3A_0, %arg0 : i32
    %mul3A_1 = arith.constant 32 : i32
    %mul3A_2 = arith.muli %add3A, %mul3A_1 : i32
    "tpu.region"() ({
      %run_scoped3A = tpu.sem_alloc : memref<!tpu.dma_semaphore, #tpu.memory_space<semaphore_mem>>
      %dma_start3A_43 = arith.constant 0 : i32
      %dma_start3A_44 = tpu.memref_slice %arg3[%mul3A_2, %dma_start3A_43] : memref<1024x896xf32, #tpu.memory_space<hbm>> -> memref<32x896xf32, #tpu.memory_space<hbm>>
      %dma_start3A_45 = arith.constant 0 : i32
      %dma_start3A_46 = tpu.memref_slice %arg3[%mul3A_2, %dma_start3A_45] : memref<1024x896xf32, #tpu.memory_space<hbm>> -> memref<32x896xf32, #tpu.memory_space<hbm>>
      tpu.enqueue_dma source(%dma_start3A_46 : memref<32x896xf32, #tpu.memory_space<hbm>>) target(%arg7 : memref<32x896xf32, #tpu.memory_space<vmem>>) target_semaphore(%run_scoped3A : memref<!tpu.dma_semaphore, #tpu.memory_space<semaphore_mem>>)
      %dma_wait3A = arith.constant 0 : i32
      %dma_wait3A_47 = tpu.memref_slice %arg3[%mul3A_2, %dma_wait3A] : memref<1024x896xf32, #tpu.memory_space<hbm>> -> memref<32x896xf32, #tpu.memory_space<hbm>>
      %dma_wait3A_48 = arith.constant 0 : i32
      %dma_wait3A_49 = tpu.memref_slice %arg3[%mul3A_2, %dma_wait3A_48] : memref<1024x896xf32, #tpu.memory_space<hbm>> -> memref<32x896xf32, #tpu.memory_space<hbm>>
      tpu.wait_dma2 semaphore(%run_scoped3A : memref<!tpu.dma_semaphore, #tpu.memory_space<semaphore_mem>>) src(%dma_wait3A_49 : memref<32x896xf32, #tpu.memory_space<hbm>>) dst(%arg7 : memref<32x896xf32, #tpu.memory_space<vmem>>)
      tpu.yield
    }) : () -> ()
    "tpu.region"() ({
      %run_scoped3A = tpu.sem_alloc : memref<!tpu.dma_semaphore, #tpu.memory_space<semaphore_mem>>
      %dma_start3A_43 = arith.constant 0 : i32
      %dma_start3A_44 = tpu.memref_slice %arg4[%mul3A_2, %dma_start3A_43] : memref<1024x128xf32, #tpu.memory_space<hbm>> -> memref<32x128xf32, #tpu.memory_space<hbm>>
      %dma_start3A_45 = arith.constant 0 : i32
      %dma_start3A_46 = tpu.memref_slice %arg4[%mul3A_2, %dma_start3A_45] : memref<1024x128xf32, #tpu.memory_space<hbm>> -> memref<32x128xf32, #tpu.memory_space<hbm>>
      tpu.enqueue_dma source(%dma_start3A_46 : memref<32x128xf32, #tpu.memory_space<hbm>>) target(%arg8 : memref<32x128xf32, #tpu.memory_space<vmem>>) target_semaphore(%run_scoped3A : memref<!tpu.dma_semaphore, #tpu.memory_space<semaphore_mem>>)
      %dma_wait3A = arith.constant 0 : i32
      %dma_wait3A_47 = tpu.memref_slice %arg4[%mul3A_2, %dma_wait3A] : memref<1024x128xf32, #tpu.memory_space<hbm>> -> memref<32x128xf32, #tpu.memory_space<hbm>>
      %dma_wait3A_48 = arith.constant 0 : i32
      %dma_wait3A_49 = tpu.memref_slice %arg4[%mul3A_2, %dma_wait3A_48] : memref<1024x128xf32, #tpu.memory_space<hbm>> -> memref<32x128xf32, #tpu.memory_space<hbm>>
      tpu.wait_dma2 semaphore(%run_scoped3A : memref<!tpu.dma_semaphore, #tpu.memory_space<semaphore_mem>>) src(%dma_wait3A_49 : memref<32x128xf32, #tpu.memory_space<hbm>>) dst(%arg8 : memref<32x128xf32, #tpu.memory_space<vmem>>)
      tpu.yield
    }) : () -> ()
    %iota3A = tpu.iota {dimensions = array<i32: 0>} : vector<16xi32>
    %scan3A = arith.constant 0 : i32
    %scan3A_3 = arith.constant 0 : i32
    %scan3A_4 = arith.constant 32 : i32
    %scan3A_5 = arith.addi %scan3A_3, %scan3A_4 : i32
    %scan3A_6 = arith.constant 1 : i32
    scf.for %scan3A_43 = %scan3A_3 to %scan3A_5 step %scan3A_6  : i32 {
      %add3A_44 = arith.addi %mul3A_2, %scan3A_43 : i32
      %get3A = arith.index_cast %scan3A_43 : i32 to index
      %get3A_45 = arith.constant 0 : index
      %get3A_46 = tpu.vector_load %arg7[%get3A, %get3A_45] {strides = array<i32>} : memref<32x896xf32, #tpu.memory_space<vmem>>, vector<16xf32>,
      %get3A_47 = arith.index_cast %scan3A_43 : i32 to index
      %get3A_48 = arith.constant 16 : index
      %get3A_49 = tpu.vector_load %arg7[%get3A_47, %get3A_48] {strides = array<i32>} : memref<32x896xf32, #tpu.memory_space<vmem>>, vector<16xf32>,
      %min3A = arith.minimumf %get3A_46, %get3A_49 : vector<16xf32>
      %get3A_50 = arith.index_cast %scan3A_43 : i32 to index
      %get3A_51 = arith.constant 32 : index
      %get3A_52 = tpu.vector_load %arg7[%get3A_50, %get3A_51] {strides = array<i32>} : memref<32x896xf32, #tpu.memory_space<vmem>>, vector<16xf32>,
      %min3A_53 = arith.minimumf %min3A, %get3A_52 : vector<16xf32>
      %get3A_54 = arith.index_cast %scan3A_43 : i32 to index
      %get3A_55 = arith.constant 48 : index
      %get3A_56 = tpu.vector_load %arg7[%get3A_54, %get3A_55] {strides = array<i32>} : memref<32x896xf32, #tpu.memory_space<vmem>>, vector<16xf32>,
      %min3A_57 = arith.minimumf %min3A_53, %get3A_56 : vector<16xf32>
      %get3A_58 = arith.index_cast %scan3A_43 : i32 to index
      %get3A_59 = arith.constant 64 : index
      %get3A_60 = tpu.vector_load %arg7[%get3A_58, %get3A_59] {strides = array<i32>} : memref<32x896xf32, #tpu.memory_space<vmem>>, vector<16xf32>,
      %min3A_61 = arith.minimumf %min3A_57, %get3A_60 : vector<16xf32>
      %get3A_62 = arith.index_cast %scan3A_43 : i32 to index
      %get3A_63 = arith.constant 80 : index
      %get3A_64 = tpu.vector_load %arg7[%get3A_62, %get3A_63] {strides = array<i32>} : memref<32x896xf32, #tpu.memory_space<vmem>>, vector<16xf32>,
      %min3A_65 = arith.minimumf %min3A_61, %get3A_64 : vector<16xf32>
      %get3A_66 = arith.index_cast %scan3A_43 : i32 to index
      %get3A_67 = arith.constant 96 : index
      %get3A_68 = tpu.vector_load %arg7[%get3A_66, %get3A_67] {strides = array<i32>} : memref<32x896xf32, #tpu.memory_space<vmem>>, vector<16xf32>,
      %min3A_69 = arith.minimumf %min3A_65, %get3A_68 : vector<16xf32>
      %get3A_70 = arith.index_cast %scan3A_43 : i32 to index
      %get3A_71 = arith.constant 112 : index
      %get3A_72 = tpu.vector_load %arg7[%get3A_70, %get3A_71] {strides = array<i32>} : memref<32x896xf32, #tpu.memory_space<vmem>>, vector<16xf32>,
      %min3A_73 = arith.minimumf %min3A_69, %get3A_72 : vector<16xf32>
      %get3A_74 = arith.index_cast %scan3A_43 : i32 to index
      %get3A_75 = arith.constant 128 : index
      %get3A_76 = tpu.vector_load %arg7[%get3A_74, %get3A_75] {strides = array<i32>} : memref<32x896xf32, #tpu.memory_space<vmem>>, vector<16xf32>,
      %min3A_77 = arith.minimumf %min3A_73, %get3A_76 : vector<16xf32>
      %get3A_78 = arith.index_cast %scan3A_43 : i32 to index
      %get3A_79 = arith.constant 144 : index
      %get3A_80 = tpu.vector_load %arg7[%get3A_78, %get3A_79] {strides = array<i32>} : memref<32x896xf32, #tpu.memory_space<vmem>>, vector<16xf32>,
      %min3A_81 = arith.minimumf %min3A_77, %get3A_80 : vector<16xf32>
      %get3A_82 = arith.index_cast %scan3A_43 : i32 to index
      %get3A_83 = arith.constant 160 : index
      %get3A_84 = tpu.vector_load %arg7[%get3A_82, %get3A_83] {strides = array<i32>} : memref<32x896xf32, #tpu.memory_space<vmem>>, vector<16xf32>,
      %min3A_85 = arith.minimumf %min3A_81, %get3A_84 : vector<16xf32>
      %get3A_86 = arith.index_cast %scan3A_43 : i32 to index
      %get3A_87 = arith.constant 176 : index
      %get3A_88 = tpu.vector_load %arg7[%get3A_86, %get3A_87] {strides = array<i32>} : memref<32x896xf32, #tpu.memory_space<vmem>>, vector<16xf32>,
      %min3A_89 = arith.minimumf %min3A_85, %get3A_88 : vector<16xf32>
      %get3A_90 = arith.index_cast %scan3A_43 : i32 to index
      %get3A_91 = arith.constant 192 : index
      %get3A_92 = tpu.vector_load %arg7[%get3A_90, %get3A_91] {strides = array<i32>} : memref<32x896xf32, #tpu.memory_space<vmem>>, vector<16xf32>,
      %min3A_93 = arith.minimumf %min3A_89, %get3A_92 : vector<16xf32>
      %get3A_94 = arith.index_cast %scan3A_43 : i32 to index
      %get3A_95 = arith.constant 208 : index
      %get3A_96 = tpu.vector_load %arg7[%get3A_94, %get3A_95] {strides = array<i32>} : memref<32x896xf32, #tpu.memory_space<vmem>>, vector<16xf32>,
      %min3A_97 = arith.minimumf %min3A_93, %get3A_96 : vector<16xf32>
      %get3A_98 = arith.index_cast %scan3A_43 : i32 to index
      %get3A_99 = arith.constant 224 : index
      %get3A_100 = tpu.vector_load %arg7[%get3A_98, %get3A_99] {strides = array<i32>} : memref<32x896xf32, #tpu.memory_space<vmem>>, vector<16xf32>,
      %min3A_101 = arith.minimumf %min3A_97, %get3A_100 : vector<16xf32>
      %get3A_102 = arith.index_cast %scan3A_43 : i32 to index
      %get3A_103 = arith.constant 240 : index
      %get3A_104 = tpu.vector_load %arg7[%get3A_102, %get3A_103] {strides = array<i32>} : memref<32x896xf32, #tpu.memory_space<vmem>>, vector<16xf32>,
      %min3A_105 = arith.minimumf %min3A_101, %get3A_104 : vector<16xf32>
      %get3A_106 = arith.index_cast %scan3A_43 : i32 to index
      %get3A_107 = arith.constant 256 : index
      %get3A_108 = tpu.vector_load %arg7[%get3A_106, %get3A_107] {strides = array<i32>} : memref<32x896xf32, #tpu.memory_space<vmem>>, vector<16xf32>,
      %min3A_109 = arith.minimumf %min3A_105, %get3A_108 : vector<16xf32>
      %get3A_110 = arith.index_cast %scan3A_43 : i32 to index
      %get3A_111 = arith.constant 272 : index
      %get3A_112 = tpu.vector_load %arg7[%get3A_110, %get3A_111] {strides = array<i32>} : memref<32x896xf32, #tpu.memory_space<vmem>>, vector<16xf32>,
      %min3A_113 = arith.minimumf %min3A_109, %get3A_112 : vector<16xf32>
      %get3A_114 = arith.index_cast %scan3A_43 : i32 to index
      %get3A_115 = arith.constant 288 : index
      %get3A_116 = tpu.vector_load %arg7[%get3A_114, %get3A_115] {strides = array<i32>} : memref<32x896xf32, #tpu.memory_space<vmem>>, vector<16xf32>,
      %min3A_117 = arith.minimumf %min3A_113, %get3A_116 : vector<16xf32>
      %get3A_118 = arith.index_cast %scan3A_43 : i32 to index
      %get3A_119 = arith.constant 304 : index
      %get3A_120 = tpu.vector_load %arg7[%get3A_118, %get3A_119] {strides = array<i32>} : memref<32x896xf32, #tpu.memory_space<vmem>>, vector<16xf32>,
      %min3A_121 = arith.minimumf %min3A_117, %get3A_120 : vector<16xf32>
      %get3A_122 = arith.index_cast %scan3A_43 : i32 to index
      %get3A_123 = arith.constant 320 : index
      %get3A_124 = tpu.vector_load %arg7[%get3A_122, %get3A_123] {strides = array<i32>} : memref<32x896xf32, #tpu.memory_space<vmem>>, vector<16xf32>,
      %min3A_125 = arith.minimumf %min3A_121, %get3A_124 : vector<16xf32>
      %get3A_126 = arith.index_cast %scan3A_43 : i32 to index
      %get3A_127 = arith.constant 336 : index
      %get3A_128 = tpu.vector_load %arg7[%get3A_126, %get3A_127] {strides = array<i32>} : memref<32x896xf32, #tpu.memory_space<vmem>>, vector<16xf32>,
      %min3A_129 = arith.minimumf %min3A_125, %get3A_128 : vector<16xf32>
      %get3A_130 = arith.index_cast %scan3A_43 : i32 to index
      %get3A_131 = arith.constant 352 : index
      %get3A_132 = tpu.vector_load %arg7[%get3A_130, %get3A_131] {strides = array<i32>} : memref<32x896xf32, #tpu.memory_space<vmem>>, vector<16xf32>,
      %min3A_133 = arith.minimumf %min3A_129, %get3A_132 : vector<16xf32>
      %get3A_134 = arith.index_cast %scan3A_43 : i32 to index
      %get3A_135 = arith.constant 368 : index
      %get3A_136 = tpu.vector_load %arg7[%get3A_134, %get3A_135] {strides = array<i32>} : memref<32x896xf32, #tpu.memory_space<vmem>>, vector<16xf32>,
      %min3A_137 = arith.minimumf %min3A_133, %get3A_136 : vector<16xf32>
      %get3A_138 = arith.index_cast %scan3A_43 : i32 to index
      %get3A_139 = arith.constant 384 : index
      %get3A_140 = tpu.vector_load %arg7[%get3A_138, %get3A_139] {strides = array<i32>} : memref<32x896xf32, #tpu.memory_space<vmem>>, vector<16xf32>,
      %min3A_141 = arith.minimumf %min3A_137, %get3A_140 : vector<16xf32>
      %get3A_142 = arith.index_cast %scan3A_43 : i32 to index
      %get3A_143 = arith.constant 400 : index
      %get3A_144 = tpu.vector_load %arg7[%get3A_142, %get3A_143] {strides = array<i32>} : memref<32x896xf32, #tpu.memory_space<vmem>>, vector<16xf32>,
      %min3A_145 = arith.minimumf %min3A_141, %get3A_144 : vector<16xf32>
      %get3A_146 = arith.index_cast %scan3A_43 : i32 to index
      %get3A_147 = arith.constant 416 : index
      %get3A_148 = tpu.vector_load %arg7[%get3A_146, %get3A_147] {strides = array<i32>} : memref<32x896xf32, #tpu.memory_space<vmem>>, vector<16xf32>,
      %min3A_149 = arith.minimumf %min3A_145, %get3A_148 : vector<16xf32>
      %get3A_150 = arith.index_cast %scan3A_43 : i32 to index
      %get3A_151 = arith.constant 432 : index
      %get3A_152 = tpu.vector_load %arg7[%get3A_150, %get3A_151] {strides = array<i32>} : memref<32x896xf32, #tpu.memory_space<vmem>>, vector<16xf32>,
      %min3A_153 = arith.minimumf %min3A_149, %get3A_152 : vector<16xf32>
      %get3A_154 = arith.index_cast %scan3A_43 : i32 to index
      %get3A_155 = arith.constant 448 : index
      %get3A_156 = tpu.vector_load %arg7[%get3A_154, %get3A_155] {strides = array<i32>} : memref<32x896xf32, #tpu.memory_space<vmem>>, vector<16xf32>,
      %get3A_157 = arith.index_cast %scan3A_43 : i32 to index
      %get3A_158 = arith.constant 464 : index
      %get3A_159 = tpu.vector_load %arg7[%get3A_157, %get3A_158] {strides = array<i32>} : memref<32x896xf32, #tpu.memory_space<vmem>>, vector<16xf32>,
      %min3A_160 = arith.minimumf %get3A_156, %get3A_159 : vector<16xf32>
      %get3A_161 = arith.index_cast %scan3A_43 : i32 to index
      %get3A_162 = arith.constant 480 : index
      %get3A_163 = tpu.vector_load %arg7[%get3A_161, %get3A_162] {strides = array<i32>} : memref<32x896xf32, #tpu.memory_space<vmem>>, vector<16xf32>,
      %min3A_164 = arith.minimumf %min3A_160, %get3A_163 : vector<16xf32>
      %get3A_165 = arith.index_cast %scan3A_43 : i32 to index
      %get3A_166 = arith.constant 496 : index
      %get3A_167 = tpu.vector_load %arg7[%get3A_165, %get3A_166] {strides = array<i32>} : memref<32x896xf32, #tpu.memory_space<vmem>>, vector<16xf32>,
      %min3A_168 = arith.minimumf %min3A_164, %get3A_167 : vector<16xf32>
      %get3A_169 = arith.index_cast %scan3A_43 : i32 to index
      %get3A_170 = arith.constant 512 : index
      %get3A_171 = tpu.vector_load %arg7[%get3A_169, %get3A_170] {strides = array<i32>} : memref<32x896xf32, #tpu.memory_space<vmem>>, vector<16xf32>,
      %min3A_172 = arith.minimumf %min3A_168, %get3A_171 : vector<16xf32>
      %get3A_173 = arith.index_cast %scan3A_43 : i32 to index
      %get3A_174 = arith.constant 528 : index
      %get3A_175 = tpu.vector_load %arg7[%get3A_173, %get3A_174] {strides = array<i32>} : memref<32x896xf32, #tpu.memory_space<vmem>>, vector<16xf32>,
      %min3A_176 = arith.minimumf %min3A_172, %get3A_175 : vector<16xf32>
      %get3A_177 = arith.index_cast %scan3A_43 : i32 to index
      %get3A_178 = arith.constant 544 : index
      %get3A_179 = tpu.vector_load %arg7[%get3A_177, %get3A_178] {strides = array<i32>} : memref<32x896xf32, #tpu.memory_space<vmem>>, vector<16xf32>,
      %min3A_180 = arith.minimumf %min3A_176, %get3A_179 : vector<16xf32>
      %get3A_181 = arith.index_cast %scan3A_43 : i32 to index
      %get3A_182 = arith.constant 560 : index
      %get3A_183 = tpu.vector_load %arg7[%get3A_181, %get3A_182] {strides = array<i32>} : memref<32x896xf32, #tpu.memory_space<vmem>>, vector<16xf32>,
      %min3A_184 = arith.minimumf %min3A_180, %get3A_183 : vector<16xf32>
      %get3A_185 = arith.index_cast %scan3A_43 : i32 to index
      %get3A_186 = arith.constant 576 : index
      %get3A_187 = tpu.vector_load %arg7[%get3A_185, %get3A_186] {strides = array<i32>} : memref<32x896xf32, #tpu.memory_space<vmem>>, vector<16xf32>,
      %min3A_188 = arith.minimumf %min3A_184, %get3A_187 : vector<16xf32>
      %get3A_189 = arith.index_cast %scan3A_43 : i32 to index
      %get3A_190 = arith.constant 592 : index
      %get3A_191 = tpu.vector_load %arg7[%get3A_189, %get3A_190] {strides = array<i32>} : memref<32x896xf32, #tpu.memory_space<vmem>>, vector<16xf32>,
      %min3A_192 = arith.minimumf %min3A_188, %get3A_191 : vector<16xf32>
      %get3A_193 = arith.index_cast %scan3A_43 : i32 to index
      %get3A_194 = arith.constant 608 : index
      %get3A_195 = tpu.vector_load %arg7[%get3A_193, %get3A_194] {strides = array<i32>} : memref<32x896xf32, #tpu.memory_space<vmem>>, vector<16xf32>,
      %min3A_196 = arith.minimumf %min3A_192, %get3A_195 : vector<16xf32>
      %get3A_197 = arith.index_cast %scan3A_43 : i32 to index
      %get3A_198 = arith.constant 624 : index
      %get3A_199 = tpu.vector_load %arg7[%get3A_197, %get3A_198] {strides = array<i32>} : memref<32x896xf32, #tpu.memory_space<vmem>>, vector<16xf32>,
      %min3A_200 = arith.minimumf %min3A_196, %get3A_199 : vector<16xf32>
      %get3A_201 = arith.index_cast %scan3A_43 : i32 to index
      %get3A_202 = arith.constant 640 : index
      %get3A_203 = tpu.vector_load %arg7[%get3A_201, %get3A_202] {strides = array<i32>} : memref<32x896xf32, #tpu.memory_space<vmem>>, vector<16xf32>,
      %min3A_204 = arith.minimumf %min3A_200, %get3A_203 : vector<16xf32>
      %get3A_205 = arith.index_cast %scan3A_43 : i32 to index
      %get3A_206 = arith.constant 656 : index
      %get3A_207 = tpu.vector_load %arg7[%get3A_205, %get3A_206] {strides = array<i32>} : memref<32x896xf32, #tpu.memory_space<vmem>>, vector<16xf32>,
      %min3A_208 = arith.minimumf %min3A_204, %get3A_207 : vector<16xf32>
      %get3A_209 = arith.index_cast %scan3A_43 : i32 to index
      %get3A_210 = arith.constant 672 : index
      %get3A_211 = tpu.vector_load %arg7[%get3A_209, %get3A_210] {strides = array<i32>} : memref<32x896xf32, #tpu.memory_space<vmem>>, vector<16xf32>,
      %min3A_212 = arith.minimumf %min3A_208, %get3A_211 : vector<16xf32>
      %get3A_213 = arith.index_cast %scan3A_43 : i32 to index
      %get3A_214 = arith.constant 688 : index
      %get3A_215 = tpu.vector_load %arg7[%get3A_213, %get3A_214] {strides = array<i32>} : memref<32x896xf32, #tpu.memory_space<vmem>>, vector<16xf32>,
      %min3A_216 = arith.minimumf %min3A_212, %get3A_215 : vector<16xf32>
      %get3A_217 = arith.index_cast %scan3A_43 : i32 to index
      %get3A_218 = arith.constant 704 : index
      %get3A_219 = tpu.vector_load %arg7[%get3A_217, %get3A_218] {strides = array<i32>} : memref<32x896xf32, #tpu.memory_space<vmem>>, vector<16xf32>,
      %min3A_220 = arith.minimumf %min3A_216, %get3A_219 : vector<16xf32>
      %get3A_221 = arith.index_cast %scan3A_43 : i32 to index
      %get3A_222 = arith.constant 720 : index
      %get3A_223 = tpu.vector_load %arg7[%get3A_221, %get3A_222] {strides = array<i32>} : memref<32x896xf32, #tpu.memory_space<vmem>>, vector<16xf32>,
      %min3A_224 = arith.minimumf %min3A_220, %get3A_223 : vector<16xf32>
      %get3A_225 = arith.index_cast %scan3A_43 : i32 to index
      %get3A_226 = arith.constant 736 : index
      %get3A_227 = tpu.vector_load %arg7[%get3A_225, %get3A_226] {strides = array<i32>} : memref<32x896xf32, #tpu.memory_space<vmem>>, vector<16xf32>,
      %min3A_228 = arith.minimumf %min3A_224, %get3A_227 : vector<16xf32>
      %get3A_229 = arith.index_cast %scan3A_43 : i32 to index
      %get3A_230 = arith.constant 752 : index
      %get3A_231 = tpu.vector_load %arg7[%get3A_229, %get3A_230] {strides = array<i32>} : memref<32x896xf32, #tpu.memory_space<vmem>>, vector<16xf32>,
      %min3A_232 = arith.minimumf %min3A_228, %get3A_231 : vector<16xf32>
      %get3A_233 = arith.index_cast %scan3A_43 : i32 to index
      %get3A_234 = arith.constant 768 : index
      %get3A_235 = tpu.vector_load %arg7[%get3A_233, %get3A_234] {strides = array<i32>} : memref<32x896xf32, #tpu.memory_space<vmem>>, vector<16xf32>,
      %min3A_236 = arith.minimumf %min3A_232, %get3A_235 : vector<16xf32>
      %get3A_237 = arith.index_cast %scan3A_43 : i32 to index
      %get3A_238 = arith.constant 784 : index
      %get3A_239 = tpu.vector_load %arg7[%get3A_237, %get3A_238] {strides = array<i32>} : memref<32x896xf32, #tpu.memory_space<vmem>>, vector<16xf32>,
      %min3A_240 = arith.minimumf %min3A_236, %get3A_239 : vector<16xf32>
      %get3A_241 = arith.index_cast %scan3A_43 : i32 to index
      %get3A_242 = arith.constant 800 : index
      %get3A_243 = tpu.vector_load %arg7[%get3A_241, %get3A_242] {strides = array<i32>} : memref<32x896xf32, #tpu.memory_space<vmem>>, vector<16xf32>,
      %min3A_244 = arith.minimumf %min3A_240, %get3A_243 : vector<16xf32>
      %get3A_245 = arith.index_cast %scan3A_43 : i32 to index
      %get3A_246 = arith.constant 816 : index
      %get3A_247 = tpu.vector_load %arg7[%get3A_245, %get3A_246] {strides = array<i32>} : memref<32x896xf32, #tpu.memory_space<vmem>>, vector<16xf32>,
      %min3A_248 = arith.minimumf %min3A_244, %get3A_247 : vector<16xf32>
      %get3A_249 = arith.index_cast %scan3A_43 : i32 to index
      %get3A_250 = arith.constant 832 : index
      %get3A_251 = tpu.vector_load %arg7[%get3A_249, %get3A_250] {strides = array<i32>} : memref<32x896xf32, #tpu.memory_space<vmem>>, vector<16xf32>,
      %min3A_252 = arith.minimumf %min3A_248, %get3A_251 : vector<16xf32>
      %get3A_253 = arith.index_cast %scan3A_43 : i32 to index
      %get3A_254 = arith.constant 848 : index
      %get3A_255 = tpu.vector_load %arg7[%get3A_253, %get3A_254] {strides = array<i32>} : memref<32x896xf32, #tpu.memory_space<vmem>>, vector<16xf32>,
      %min3A_256 = arith.minimumf %min3A_252, %get3A_255 : vector<16xf32>
      %get3A_257 = arith.index_cast %scan3A_43 : i32 to index
      %get3A_258 = arith.constant 864 : index
      %get3A_259 = tpu.vector_load %arg7[%get3A_257, %get3A_258] {strides = array<i32>} : memref<32x896xf32, #tpu.memory_space<vmem>>, vector<16xf32>,
      %min3A_260 = arith.minimumf %min3A_256, %get3A_259 : vector<16xf32>
      %get3A_261 = arith.index_cast %scan3A_43 : i32 to index
      %get3A_262 = arith.constant 880 : index
      %get3A_263 = tpu.vector_load %arg7[%get3A_261, %get3A_262] {strides = array<i32>} : memref<32x896xf32, #tpu.memory_space<vmem>>, vector<16xf32>,
      %min3A_264 = arith.minimumf %min3A_260, %get3A_263 : vector<16xf32>
      %min3A_265 = arith.minimumf %min3A_153, %min3A_264 : vector<16xf32>
      %neg3A = arith.constant 0.000000e+00 : f32
      %neg3A_266 = vector.broadcast %neg3A : f32 to vector<16xf32>
      %neg3A_267 = arith.subf %neg3A_266, %min3A_265 : vector<16xf32>
      %broadcast_in_dim3A = arith.constant true
      %broadcast_in_dim3A_268 = vector.broadcast %broadcast_in_dim3A : i1 to vector<16xi1>
      %masked_cummax3A = tpu.scan <max>, %neg3A_267 masked %broadcast_in_dim3A_268 : vector<16xf32>, vector<16xi1> -> vector<16xf32>
      %broadcast_in_dim3A_269 = arith.constant 15 : i32
      %broadcast_in_dim3A_270 = vector.broadcast %broadcast_in_dim3A_269 : i32 to vector<16xi32>
      %broadcast_in_dim3A_271 = vector.shape_cast %broadcast_in_dim3A_270 : vector<16xi32> to vector<16x1xi32>
      %gather3A = vector.shape_cast %broadcast_in_dim3A_271 : vector<16x1xi32> to vector<16xi32>
      %gather3A_272 = tpu.dynamic_gather %masked_cummax3A[%gather3A] in [0] : vector<16xf32>, vector<16xi32> -> vector<16xf32>
      %neg3A_273 = arith.constant 0.000000e+00 : f32
      %neg3A_274 = vector.broadcast %neg3A_273 : f32 to vector<16xf32>
      %neg3A_275 = arith.subf %neg3A_274, %gather3A_272 : vector<16xf32>
      %sub3A = arith.constant 1.000000e+00 : f32
      %sub3A_276 = vector.broadcast %sub3A : f32 to vector<16xf32>
      %sub3A_277 = arith.subf %neg3A_275, %sub3A_276 : vector<16xf32>
      %max3A = arith.maximumf %min3A_153, %min3A_264 : vector<16xf32>
      %broadcast_in_dim3A_278 = arith.constant true
      %broadcast_in_dim3A_279 = vector.broadcast %broadcast_in_dim3A_278 : i1 to vector<16xi1>
      %masked_cummax3A_280 = tpu.scan <max>, %max3A masked %broadcast_in_dim3A_279 : vector<16xf32>, vector<16xi1> -> vector<16xf32>
      %broadcast_in_dim3A_281 = arith.constant 15 : i32
      %broadcast_in_dim3A_282 = vector.broadcast %broadcast_in_dim3A_281 : i32 to vector<16xi32>
      %broadcast_in_dim3A_283 = vector.shape_cast %broadcast_in_dim3A_282 : vector<16xi32> to vector<16x1xi32>
      %gather3A_284 = vector.shape_cast %broadcast_in_dim3A_283 : vector<16x1xi32> to vector<16xi32>
      %gather3A_285 = tpu.dynamic_gather %masked_cummax3A_280[%gather3A_284] in [0] : vector<16xf32>, vector<16xi32> -> vector<16xf32>
      %scan3A_286 = arith.constant 0 : i32
      %scan3A_287 = arith.constant 12 : i32
      %scan3A_288 = arith.addi %scan3A_286, %scan3A_287 : i32
      %scan3A_289 = arith.constant 1 : i32
      %scan3A_290:2 = scf.for %scan3A_1724 = %scan3A_286 to %scan3A_288 step %scan3A_289 iter_args(%scan3A_1725 = %sub3A_277, %scan3A_1726 = %gather3A_285) -> (vector<16xf32>, vector<16xf32>)  : i32 {
        %add3A_1727 = arith.addf %scan3A_1725, %scan3A_1726 : vector<16xf32>
        %mul3A_1728 = arith.constant 5.000000e-01 : f32
        %mul3A_1729 = vector.broadcast %mul3A_1728 : f32 to vector<16xf32>
        %mul3A_1730 = arith.mulf %add3A_1727, %mul3A_1729 : vector<16xf32>
        %broadcast_in_dim3A_1731 = arith.constant 0 : i32
        %broadcast_in_dim3A_1732 = vector.broadcast %broadcast_in_dim3A_1731 : i32 to vector<16xi32>
        %get3A_1733 = arith.index_cast %scan3A_43 : i32 to index
        %get3A_1734 = arith.constant 0 : index
        %get3A_1735 = tpu.vector_load %arg7[%get3A_1733, %get3A_1734] {strides = array<i32>} : memref<32x896xf32, #tpu.memory_space<vmem>>, vector<16xf32>,
        %le3A_1736 = arith.cmpf ole, %get3A_1735, %mul3A_1730 : vector<16xf32>
        %all_reduce_population_count3A_1737 = tpu.all_reduce %le3A_1736 {dim = 0 : i64, kind = #tpu.reduction_kind<sum>} : vector<16xi1> -> vector<16xi32>
        %add3A_1738 = arith.addi %broadcast_in_dim3A_1732, %all_reduce_population_count3A_1737 : vector<16xi32>
        %get3A_1739 = arith.index_cast %scan3A_43 : i32 to index
        %get3A_1740 = arith.constant 16 : index
        %get3A_1741 = tpu.vector_load %arg7[%get3A_1739, %get3A_1740] {strides = array<i32>} : memref<32x896xf32, #tpu.memory_space<vmem>>, vector<16xf32>,
        %le3A_1742 = arith.cmpf ole, %get3A_1741, %mul3A_1730 : vector<16xf32>
        %all_reduce_population_count3A_1743 = tpu.all_reduce %le3A_1742 {dim = 0 : i64, kind = #tpu.reduction_kind<sum>} : vector<16xi1> -> vector<16xi32>
        %add3A_1744 = arith.addi %add3A_1738, %all_reduce_population_count3A_1743 : vector<16xi32>
        %get3A_1745 = arith.index_cast %scan3A_43 : i32 to index
        %get3A_1746 = arith.constant 32 : index
        %get3A_1747 = tpu.vector_load %arg7[%get3A_1745, %get3A_1746] {strides = array<i32>} : memref<32x896xf32, #tpu.memory_space<vmem>>, vector<16xf32>,
        %le3A_1748 = arith.cmpf ole, %get3A_1747, %mul3A_1730 : vector<16xf32>
        %all_reduce_population_count3A_1749 = tpu.all_reduce %le3A_1748 {dim = 0 : i64, kind = #tpu.reduction_kind<sum>} : vector<16xi1> -> vector<16xi32>
        %add3A_1750 = arith.addi %add3A_1744, %all_reduce_population_count3A_1749 : vector<16xi32>
        %get3A_1751 = arith.index_cast %scan3A_43 : i32 to index
        %get3A_1752 = arith.constant 48 : index
        %get3A_1753 = tpu.vector_load %arg7[%get3A_1751, %get3A_1752] {strides = array<i32>} : memref<32x896xf32, #tpu.memory_space<vmem>>, vector<16xf32>,
        %le3A_1754 = arith.cmpf ole, %get3A_1753, %mul3A_1730 : vector<16xf32>
        %all_reduce_population_count3A_1755 = tpu.all_reduce %le3A_1754 {dim = 0 : i64, kind = #tpu.reduction_kind<sum>} : vector<16xi1> -> vector<16xi32>
        %add3A_1756 = arith.addi %add3A_1750, %all_reduce_population_count3A_1755 : vector<16xi32>
        %get3A_1757 = arith.index_cast %scan3A_43 : i32 to index
        %get3A_1758 = arith.constant 64 : index
        %get3A_1759 = tpu.vector_load %arg7[%get3A_1757, %get3A_1758] {strides = array<i32>} : memref<32x896xf32, #tpu.memory_space<vmem>>, vector<16xf32>,
        %le3A_1760 = arith.cmpf ole, %get3A_1759, %mul3A_1730 : vector<16xf32>
        %all_reduce_population_count3A_1761 = tpu.all_reduce %le3A_1760 {dim = 0 : i64, kind = #tpu.reduction_kind<sum>} : vector<16xi1> -> vector<16xi32>
        %add3A_1762 = arith.addi %add3A_1756, %all_reduce_population_count3A_1761 : vector<16xi32>
        %get3A_1763 = arith.index_cast %scan3A_43 : i32 to index
        %get3A_1764 = arith.constant 80 : index
        %get3A_1765 = tpu.vector_load %arg7[%get3A_1763, %get3A_1764] {strides = array<i32>} : memref<32x896xf32, #tpu.memory_space<vmem>>, vector<16xf32>,
        %le3A_1766 = arith.cmpf ole, %get3A_1765, %mul3A_1730 : vector<16xf32>
        %all_reduce_population_count3A_1767 = tpu.all_reduce %le3A_1766 {dim = 0 : i64, kind = #tpu.reduction_kind<sum>} : vector<16xi1> -> vector<16xi32>
        %add3A_1768 = arith.addi %add3A_1762, %all_reduce_population_count3A_1767 : vector<16xi32>
        %get3A_1769 = arith.index_cast %scan3A_43 : i32 to index
        %get3A_1770 = arith.constant 96 : index
        %get3A_1771 = tpu.vector_load %arg7[%get3A_1769, %get3A_1770] {strides = array<i32>} : memref<32x896xf32, #tpu.memory_space<vmem>>, vector<16xf32>,
        %le3A_1772 = arith.cmpf ole, %get3A_1771, %mul3A_1730 : vector<16xf32>
        %all_reduce_population_count3A_1773 = tpu.all_reduce %le3A_1772 {dim = 0 : i64, kind = #tpu.reduction_kind<sum>} : vector<16xi1> -> vector<16xi32>
        %add3A_1774 = arith.addi %add3A_1768, %all_reduce_population_count3A_1773 : vector<16xi32>
        %get3A_1775 = arith.index_cast %scan3A_43 : i32 to index
        %get3A_1776 = arith.constant 112 : index
        %get3A_1777 = tpu.vector_load %arg7[%get3A_1775, %get3A_1776] {strides = array<i32>} : memref<32x896xf32, #tpu.memory_space<vmem>>, vector<16xf32>,
        %le3A_1778 = arith.cmpf ole, %get3A_1777, %mul3A_1730 : vector<16xf32>
        %all_reduce_population_count3A_1779 = tpu.all_reduce %le3A_1778 {dim = 0 : i64, kind = #tpu.reduction_kind<sum>} : vector<16xi1> -> vector<16xi32>
        %add3A_1780 = arith.addi %add3A_1774, %all_reduce_population_count3A_1779 : vector<16xi32>
        %get3A_1781 = arith.index_cast %scan3A_43 : i32 to index
        %get3A_1782 = arith.constant 128 : index
        %get3A_1783 = tpu.vector_load %arg7[%get3A_1781, %get3A_1782] {strides = array<i32>} : memref<32x896xf32, #tpu.memory_space<vmem>>, vector<16xf32>,
        %le3A_1784 = arith.cmpf ole, %get3A_1783, %mul3A_1730 : vector<16xf32>
        %all_reduce_population_count3A_1785 = tpu.all_reduce %le3A_1784 {dim = 0 : i64, kind = #tpu.reduction_kind<sum>} : vector<16xi1> -> vector<16xi32>
        %add3A_1786 = arith.addi %add3A_1780, %all_reduce_population_count3A_1785 : vector<16xi32>
        %get3A_1787 = arith.index_cast %scan3A_43 : i32 to index
        %get3A_1788 = arith.constant 144 : index
        %get3A_1789 = tpu.vector_load %arg7[%get3A_1787, %get3A_1788] {strides = array<i32>} : memref<32x896xf32, #tpu.memory_space<vmem>>, vector<16xf32>,
        %le3A_1790 = arith.cmpf ole, %get3A_1789, %mul3A_1730 : vector<16xf32>
        %all_reduce_population_count3A_1791 = tpu.all_reduce %le3A_1790 {dim = 0 : i64, kind = #tpu.reduction_kind<sum>} : vector<16xi1> -> vector<16xi32>
        %add3A_1792 = arith.addi %add3A_1786, %all_reduce_population_count3A_1791 : vector<16xi32>
        %get3A_1793 = arith.index_cast %scan3A_43 : i32 to index
        %get3A_1794 = arith.constant 160 : index
        %get3A_1795 = tpu.vector_load %arg7[%get3A_1793, %get3A_1794] {strides = array<i32>} : memref<32x896xf32, #tpu.memory_space<vmem>>, vector<16xf32>,
        %le3A_1796 = arith.cmpf ole, %get3A_1795, %mul3A_1730 : vector<16xf32>
        %all_reduce_population_count3A_1797 = tpu.all_reduce %le3A_1796 {dim = 0 : i64, kind = #tpu.reduction_kind<sum>} : vector<16xi1> -> vector<16xi32>
        %add3A_1798 = arith.addi %add3A_1792, %all_reduce_population_count3A_1797 : vector<16xi32>
        %get3A_1799 = arith.index_cast %scan3A_43 : i32 to index
        %get3A_1800 = arith.constant 176 : index
        %get3A_1801 = tpu.vector_load %arg7[%get3A_1799, %get3A_1800] {strides = array<i32>} : memref<32x896xf32, #tpu.memory_space<vmem>>, vector<16xf32>,
        %le3A_1802 = arith.cmpf ole, %get3A_1801, %mul3A_1730 : vector<16xf32>
        %all_reduce_population_count3A_1803 = tpu.all_reduce %le3A_1802 {dim = 0 : i64, kind = #tpu.reduction_kind<sum>} : vector<16xi1> -> vector<16xi32>
        %add3A_1804 = arith.addi %add3A_1798, %all_reduce_population_count3A_1803 : vector<16xi32>
        %get3A_1805 = arith.index_cast %scan3A_43 : i32 to index
        %get3A_1806 = arith.constant 192 : index
        %get3A_1807 = tpu.vector_load %arg7[%get3A_1805, %get3A_1806] {strides = array<i32>} : memref<32x896xf32, #tpu.memory_space<vmem>>, vector<16xf32>,
        %le3A_1808 = arith.cmpf ole, %get3A_1807, %mul3A_1730 : vector<16xf32>
        %all_reduce_population_count3A_1809 = tpu.all_reduce %le3A_1808 {dim = 0 : i64, kind = #tpu.reduction_kind<sum>} : vector<16xi1> -> vector<16xi32>
        %add3A_1810 = arith.addi %add3A_1804, %all_reduce_population_count3A_1809 : vector<16xi32>
        %get3A_1811 = arith.index_cast %scan3A_43 : i32 to index
        %get3A_1812 = arith.constant 208 : index
        %get3A_1813 = tpu.vector_load %arg7[%get3A_1811, %get3A_1812] {strides = array<i32>} : memref<32x896xf32, #tpu.memory_space<vmem>>, vector<16xf32>,
        %le3A_1814 = arith.cmpf ole, %get3A_1813, %mul3A_1730 : vector<16xf32>
        %all_reduce_population_count3A_1815 = tpu.all_reduce %le3A_1814 {dim = 0 : i64, kind = #tpu.reduction_kind<sum>} : vector<16xi1> -> vector<16xi32>
        %add3A_1816 = arith.addi %add3A_1810, %all_reduce_population_count3A_1815 : vector<16xi32>
        %get3A_1817 = arith.index_cast %scan3A_43 : i32 to index
        %get3A_1818 = arith.constant 224 : index
        %get3A_1819 = tpu.vector_load %arg7[%get3A_1817, %get3A_1818] {strides = array<i32>} : memref<32x896xf32, #tpu.memory_space<vmem>>, vector<16xf32>,
        %le3A_1820 = arith.cmpf ole, %get3A_1819, %mul3A_1730 : vector<16xf32>
        %all_reduce_population_count3A_1821 = tpu.all_reduce %le3A_1820 {dim = 0 : i64, kind = #tpu.reduction_kind<sum>} : vector<16xi1> -> vector<16xi32>
        %add3A_1822 = arith.addi %add3A_1816, %all_reduce_population_count3A_1821 : vector<16xi32>
        %get3A_1823 = arith.index_cast %scan3A_43 : i32 to index
        %get3A_1824 = arith.constant 240 : index
        %get3A_1825 = tpu.vector_load %arg7[%get3A_1823, %get3A_1824] {strides = array<i32>} : memref<32x896xf32, #tpu.memory_space<vmem>>, vector<16xf32>,
        %le3A_1826 = arith.cmpf ole, %get3A_1825, %mul3A_1730 : vector<16xf32>
        %all_reduce_population_count3A_1827 = tpu.all_reduce %le3A_1826 {dim = 0 : i64, kind = #tpu.reduction_kind<sum>} : vector<16xi1> -> vector<16xi32>
        %add3A_1828 = arith.addi %add3A_1822, %all_reduce_population_count3A_1827 : vector<16xi32>
        %get3A_1829 = arith.index_cast %scan3A_43 : i32 to index
        %get3A_1830 = arith.constant 256 : index
        %get3A_1831 = tpu.vector_load %arg7[%get3A_1829, %get3A_1830] {strides = array<i32>} : memref<32x896xf32, #tpu.memory_space<vmem>>, vector<16xf32>,
        %le3A_1832 = arith.cmpf ole, %get3A_1831, %mul3A_1730 : vector<16xf32>
        %all_reduce_population_count3A_1833 = tpu.all_reduce %le3A_1832 {dim = 0 : i64, kind = #tpu.reduction_kind<sum>} : vector<16xi1> -> vector<16xi32>
        %add3A_1834 = arith.addi %add3A_1828, %all_reduce_population_count3A_1833 : vector<16xi32>
        %get3A_1835 = arith.index_cast %scan3A_43 : i32 to index
        %get3A_1836 = arith.constant 272 : index
        %get3A_1837 = tpu.vector_load %arg7[%get3A_1835, %get3A_1836] {strides = array<i32>} : memref<32x896xf32, #tpu.memory_space<vmem>>, vector<16xf32>,
        %le3A_1838 = arith.cmpf ole, %get3A_1837, %mul3A_1730 : vector<16xf32>
        %all_reduce_population_count3A_1839 = tpu.all_reduce %le3A_1838 {dim = 0 : i64, kind = #tpu.reduction_kind<sum>} : vector<16xi1> -> vector<16xi32>
        %add3A_1840 = arith.addi %add3A_1834, %all_reduce_population_count3A_1839 : vector<16xi32>
        %get3A_1841 = arith.index_cast %scan3A_43 : i32 to index
        %get3A_1842 = arith.constant 288 : index
        %get3A_1843 = tpu.vector_load %arg7[%get3A_1841, %get3A_1842] {strides = array<i32>} : memref<32x896xf32, #tpu.memory_space<vmem>>, vector<16xf32>,
        %le3A_1844 = arith.cmpf ole, %get3A_1843, %mul3A_1730 : vector<16xf32>
        %all_reduce_population_count3A_1845 = tpu.all_reduce %le3A_1844 {dim = 0 : i64, kind = #tpu.reduction_kind<sum>} : vector<16xi1> -> vector<16xi32>
        %add3A_1846 = arith.addi %add3A_1840, %all_reduce_population_count3A_1845 : vector<16xi32>
        %get3A_1847 = arith.index_cast %scan3A_43 : i32 to index
        %get3A_1848 = arith.constant 304 : index
        %get3A_1849 = tpu.vector_load %arg7[%get3A_1847, %get3A_1848] {strides = array<i32>} : memref<32x896xf32, #tpu.memory_space<vmem>>, vector<16xf32>,
        %le3A_1850 = arith.cmpf ole, %get3A_1849, %mul3A_1730 : vector<16xf32>
        %all_reduce_population_count3A_1851 = tpu.all_reduce %le3A_1850 {dim = 0 : i64, kind = #tpu.reduction_kind<sum>} : vector<16xi1> -> vector<16xi32>
        %add3A_1852 = arith.addi %add3A_1846, %all_reduce_population_count3A_1851 : vector<16xi32>
        %get3A_1853 = arith.index_cast %scan3A_43 : i32 to index
        %get3A_1854 = arith.constant 320 : index
        %get3A_1855 = tpu.vector_load %arg7[%get3A_1853, %get3A_1854] {strides = array<i32>} : memref<32x896xf32, #tpu.memory_space<vmem>>, vector<16xf32>,
        %le3A_1856 = arith.cmpf ole, %get3A_1855, %mul3A_1730 : vector<16xf32>
        %all_reduce_population_count3A_1857 = tpu.all_reduce %le3A_1856 {dim = 0 : i64, kind = #tpu.reduction_kind<sum>} : vector<16xi1> -> vector<16xi32>
        %add3A_1858 = arith.addi %add3A_1852, %all_reduce_population_count3A_1857 : vector<16xi32>
        %get3A_1859 = arith.index_cast %scan3A_43 : i32 to index
        %get3A_1860 = arith.constant 336 : index
        %get3A_1861 = tpu.vector_load %arg7[%get3A_1859, %get3A_1860] {strides = array<i32>} : memref<32x896xf32, #tpu.memory_space<vmem>>, vector<16xf32>,
        %le3A_1862 = arith.cmpf ole, %get3A_1861, %mul3A_1730 : vector<16xf32>
        %all_reduce_population_count3A_1863 = tpu.all_reduce %le3A_1862 {dim = 0 : i64, kind = #tpu.reduction_kind<sum>} : vector<16xi1> -> vector<16xi32>
        %add3A_1864 = arith.addi %add3A_1858, %all_reduce_population_count3A_1863 : vector<16xi32>
        %get3A_1865 = arith.index_cast %scan3A_43 : i32 to index
        %get3A_1866 = arith.constant 352 : index
        %get3A_1867 = tpu.vector_load %arg7[%get3A_1865, %get3A_1866] {strides = array<i32>} : memref<32x896xf32, #tpu.memory_space<vmem>>, vector<16xf32>,
        %le3A_1868 = arith.cmpf ole, %get3A_1867, %mul3A_1730 : vector<16xf32>
        %all_reduce_population_count3A_1869 = tpu.all_reduce %le3A_1868 {dim = 0 : i64, kind = #tpu.reduction_kind<sum>} : vector<16xi1> -> vector<16xi32>
        %add3A_1870 = arith.addi %add3A_1864, %all_reduce_population_count3A_1869 : vector<16xi32>
        %get3A_1871 = arith.index_cast %scan3A_43 : i32 to index
        %get3A_1872 = arith.constant 368 : index
        %get3A_1873 = tpu.vector_load %arg7[%get3A_1871, %get3A_1872] {strides = array<i32>} : memref<32x896xf32, #tpu.memory_space<vmem>>, vector<16xf32>,
        %le3A_1874 = arith.cmpf ole, %get3A_1873, %mul3A_1730 : vector<16xf32>
        %all_reduce_population_count3A_1875 = tpu.all_reduce %le3A_1874 {dim = 0 : i64, kind = #tpu.reduction_kind<sum>} : vector<16xi1> -> vector<16xi32>
        %add3A_1876 = arith.addi %add3A_1870, %all_reduce_population_count3A_1875 : vector<16xi32>
        %get3A_1877 = arith.index_cast %scan3A_43 : i32 to index
        %get3A_1878 = arith.constant 384 : index
        %get3A_1879 = tpu.vector_load %arg7[%get3A_1877, %get3A_1878] {strides = array<i32>} : memref<32x896xf32, #tpu.memory_space<vmem>>, vector<16xf32>,
        %le3A_1880 = arith.cmpf ole, %get3A_1879, %mul3A_1730 : vector<16xf32>
        %all_reduce_population_count3A_1881 = tpu.all_reduce %le3A_1880 {dim = 0 : i64, kind = #tpu.reduction_kind<sum>} : vector<16xi1> -> vector<16xi32>
        %add3A_1882 = arith.addi %add3A_1876, %all_reduce_population_count3A_1881 : vector<16xi32>
        %get3A_1883 = arith.index_cast %scan3A_43 : i32 to index
        %get3A_1884 = arith.constant 400 : index
        %get3A_1885 = tpu.vector_load %arg7[%get3A_1883, %get3A_1884] {strides = array<i32>} : memref<32x896xf32, #tpu.memory_space<vmem>>, vector<16xf32>,
        %le3A_1886 = arith.cmpf ole, %get3A_1885, %mul3A_1730 : vector<16xf32>
        %all_reduce_population_count3A_1887 = tpu.all_reduce %le3A_1886 {dim = 0 : i64, kind = #tpu.reduction_kind<sum>} : vector<16xi1> -> vector<16xi32>
        %add3A_1888 = arith.addi %add3A_1882, %all_reduce_population_count3A_1887 : vector<16xi32>
        %get3A_1889 = arith.index_cast %scan3A_43 : i32 to index
        %get3A_1890 = arith.constant 416 : index
        %get3A_1891 = tpu.vector_load %arg7[%get3A_1889, %get3A_1890] {strides = array<i32>} : memref<32x896xf32, #tpu.memory_space<vmem>>, vector<16xf32>,
        %le3A_1892 = arith.cmpf ole, %get3A_1891, %mul3A_1730 : vector<16xf32>
        %all_reduce_population_count3A_1893 = tpu.all_reduce %le3A_1892 {dim = 0 : i64, kind = #tpu.reduction_kind<sum>} : vector<16xi1> -> vector<16xi32>
        %add3A_1894 = arith.addi %add3A_1888, %all_reduce_population_count3A_1893 : vector<16xi32>
        %get3A_1895 = arith.index_cast %scan3A_43 : i32 to index
        %get3A_1896 = arith.constant 432 : index
        %get3A_1897 = tpu.vector_load %arg7[%get3A_1895, %get3A_1896] {strides = array<i32>} : memref<32x896xf32, #tpu.memory_space<vmem>>, vector<16xf32>,
        %le3A_1898 = arith.cmpf ole, %get3A_1897, %mul3A_1730 : vector<16xf32>
        %all_reduce_population_count3A_1899 = tpu.all_reduce %le3A_1898 {dim = 0 : i64, kind = #tpu.reduction_kind<sum>} : vector<16xi1> -> vector<16xi32>
        %add3A_1900 = arith.addi %add3A_1894, %all_reduce_population_count3A_1899 : vector<16xi32>
        %get3A_1901 = arith.index_cast %scan3A_43 : i32 to index
        %get3A_1902 = arith.constant 448 : index
        %get3A_1903 = tpu.vector_load %arg7[%get3A_1901, %get3A_1902] {strides = array<i32>} : memref<32x896xf32, #tpu.memory_space<vmem>>, vector<16xf32>,
        %le3A_1904 = arith.cmpf ole, %get3A_1903, %mul3A_1730 : vector<16xf32>
        %all_reduce_population_count3A_1905 = tpu.all_reduce %le3A_1904 {dim = 0 : i64, kind = #tpu.reduction_kind<sum>} : vector<16xi1> -> vector<16xi32>
        %add3A_1906 = arith.addi %add3A_1900, %all_reduce_population_count3A_1905 : vector<16xi32>
        %get3A_1907 = arith.index_cast %scan3A_43 : i32 to index
        %get3A_1908 = arith.constant 464 : index
        %get3A_1909 = tpu.vector_load %arg7[%get3A_1907, %get3A_1908] {strides = array<i32>} : memref<32x896xf32, #tpu.memory_space<vmem>>, vector<16xf32>,
        %le3A_1910 = arith.cmpf ole, %get3A_1909, %mul3A_1730 : vector<16xf32>
        %all_reduce_population_count3A_1911 = tpu.all_reduce %le3A_1910 {dim = 0 : i64, kind = #tpu.reduction_kind<sum>} : vector<16xi1> -> vector<16xi32>
        %add3A_1912 = arith.addi %add3A_1906, %all_reduce_population_count3A_1911 : vector<16xi32>
        %get3A_1913 = arith.index_cast %scan3A_43 : i32 to index
        %get3A_1914 = arith.constant 480 : index
        %get3A_1915 = tpu.vector_load %arg7[%get3A_1913, %get3A_1914] {strides = array<i32>} : memref<32x896xf32, #tpu.memory_space<vmem>>, vector<16xf32>,
        %le3A_1916 = arith.cmpf ole, %get3A_1915, %mul3A_1730 : vector<16xf32>
        %all_reduce_population_count3A_1917 = tpu.all_reduce %le3A_1916 {dim = 0 : i64, kind = #tpu.reduction_kind<sum>} : vector<16xi1> -> vector<16xi32>
        %add3A_1918 = arith.addi %add3A_1912, %all_reduce_population_count3A_1917 : vector<16xi32>
        %get3A_1919 = arith.index_cast %scan3A_43 : i32 to index
        %get3A_1920 = arith.constant 496 : index
        %get3A_1921 = tpu.vector_load %arg7[%get3A_1919, %get3A_1920] {strides = array<i32>} : memref<32x896xf32, #tpu.memory_space<vmem>>, vector<16xf32>,
        %le3A_1922 = arith.cmpf ole, %get3A_1921, %mul3A_1730 : vector<16xf32>
        %all_reduce_population_count3A_1923 = tpu.all_reduce %le3A_1922 {dim = 0 : i64, kind = #tpu.reduction_kind<sum>} : vector<16xi1> -> vector<16xi32>
        %add3A_1924 = arith.addi %add3A_1918, %all_reduce_population_count3A_1923 : vector<16xi32>
        %get3A_1925 = arith.index_cast %scan3A_43 : i32 to index
        %get3A_1926 = arith.constant 512 : index
        %get3A_1927 = tpu.vector_load %arg7[%get3A_1925, %get3A_1926] {strides = array<i32>} : memref<32x896xf32, #tpu.memory_space<vmem>>, vector<16xf32>,
        %le3A_1928 = arith.cmpf ole, %get3A_1927, %mul3A_1730 : vector<16xf32>
        %all_reduce_population_count3A_1929 = tpu.all_reduce %le3A_1928 {dim = 0 : i64, kind = #tpu.reduction_kind<sum>} : vector<16xi1> -> vector<16xi32>
        %add3A_1930 = arith.addi %add3A_1924, %all_reduce_population_count3A_1929 : vector<16xi32>
        %get3A_1931 = arith.index_cast %scan3A_43 : i32 to index
        %get3A_1932 = arith.constant 528 : index
        %get3A_1933 = tpu.vector_load %arg7[%get3A_1931, %get3A_1932] {strides = array<i32>} : memref<32x896xf32, #tpu.memory_space<vmem>>, vector<16xf32>,
        %le3A_1934 = arith.cmpf ole, %get3A_1933, %mul3A_1730 : vector<16xf32>
        %all_reduce_population_count3A_1935 = tpu.all_reduce %le3A_1934 {dim = 0 : i64, kind = #tpu.reduction_kind<sum>} : vector<16xi1> -> vector<16xi32>
        %add3A_1936 = arith.addi %add3A_1930, %all_reduce_population_count3A_1935 : vector<16xi32>
        %get3A_1937 = arith.index_cast %scan3A_43 : i32 to index
        %get3A_1938 = arith.constant 544 : index
        %get3A_1939 = tpu.vector_load %arg7[%get3A_1937, %get3A_1938] {strides = array<i32>} : memref<32x896xf32, #tpu.memory_space<vmem>>, vector<16xf32>,
        %le3A_1940 = arith.cmpf ole, %get3A_1939, %mul3A_1730 : vector<16xf32>
        %all_reduce_population_count3A_1941 = tpu.all_reduce %le3A_1940 {dim = 0 : i64, kind = #tpu.reduction_kind<sum>} : vector<16xi1> -> vector<16xi32>
        %add3A_1942 = arith.addi %add3A_1936, %all_reduce_population_count3A_1941 : vector<16xi32>
        %get3A_1943 = arith.index_cast %scan3A_43 : i32 to index
        %get3A_1944 = arith.constant 560 : index
        %get3A_1945 = tpu.vector_load %arg7[%get3A_1943, %get3A_1944] {strides = array<i32>} : memref<32x896xf32, #tpu.memory_space<vmem>>, vector<16xf32>,
        %le3A_1946 = arith.cmpf ole, %get3A_1945, %mul3A_1730 : vector<16xf32>
        %all_reduce_population_count3A_1947 = tpu.all_reduce %le3A_1946 {dim = 0 : i64, kind = #tpu.reduction_kind<sum>} : vector<16xi1> -> vector<16xi32>
        %add3A_1948 = arith.addi %add3A_1942, %all_reduce_population_count3A_1947 : vector<16xi32>
        %get3A_1949 = arith.index_cast %scan3A_43 : i32 to index
        %get3A_1950 = arith.constant 576 : index
        %get3A_1951 = tpu.vector_load %arg7[%get3A_1949, %get3A_1950] {strides = array<i32>} : memref<32x896xf32, #tpu.memory_space<vmem>>, vector<16xf32>,
        %le3A_1952 = arith.cmpf ole, %get3A_1951, %mul3A_1730 : vector<16xf32>
        %all_reduce_population_count3A_1953 = tpu.all_reduce %le3A_1952 {dim = 0 : i64, kind = #tpu.reduction_kind<sum>} : vector<16xi1> -> vector<16xi32>
        %add3A_1954 = arith.addi %add3A_1948, %all_reduce_population_count3A_1953 : vector<16xi32>
        %get3A_1955 = arith.index_cast %scan3A_43 : i32 to index
        %get3A_1956 = arith.constant 592 : index
        %get3A_1957 = tpu.vector_load %arg7[%get3A_1955, %get3A_1956] {strides = array<i32>} : memref<32x896xf32, #tpu.memory_space<vmem>>, vector<16xf32>,
        %le3A_1958 = arith.cmpf ole, %get3A_1957, %mul3A_1730 : vector<16xf32>
        %all_reduce_population_count3A_1959 = tpu.all_reduce %le3A_1958 {dim = 0 : i64, kind = #tpu.reduction_kind<sum>} : vector<16xi1> -> vector<16xi32>
        %add3A_1960 = arith.addi %add3A_1954, %all_reduce_population_count3A_1959 : vector<16xi32>
        %get3A_1961 = arith.index_cast %scan3A_43 : i32 to index
        %get3A_1962 = arith.constant 608 : index
        %get3A_1963 = tpu.vector_load %arg7[%get3A_1961, %get3A_1962] {strides = array<i32>} : memref<32x896xf32, #tpu.memory_space<vmem>>, vector<16xf32>,
        %le3A_1964 = arith.cmpf ole, %get3A_1963, %mul3A_1730 : vector<16xf32>
        %all_reduce_population_count3A_1965 = tpu.all_reduce %le3A_1964 {dim = 0 : i64, kind = #tpu.reduction_kind<sum>} : vector<16xi1> -> vector<16xi32>
        %add3A_1966 = arith.addi %add3A_1960, %all_reduce_population_count3A_1965 : vector<16xi32>
        %get3A_1967 = arith.index_cast %scan3A_43 : i32 to index
        %get3A_1968 = arith.constant 624 : index
        %get3A_1969 = tpu.vector_load %arg7[%get3A_1967, %get3A_1968] {strides = array<i32>} : memref<32x896xf32, #tpu.memory_space<vmem>>, vector<16xf32>,
        %le3A_1970 = arith.cmpf ole, %get3A_1969, %mul3A_1730 : vector<16xf32>
        %all_reduce_population_count3A_1971 = tpu.all_reduce %le3A_1970 {dim = 0 : i64, kind = #tpu.reduction_kind<sum>} : vector<16xi1> -> vector<16xi32>
        %add3A_1972 = arith.addi %add3A_1966, %all_reduce_population_count3A_1971 : vector<16xi32>
        %get3A_1973 = arith.index_cast %scan3A_43 : i32 to index
        %get3A_1974 = arith.constant 640 : index
        %get3A_1975 = tpu.vector_load %arg7[%get3A_1973, %get3A_1974] {strides = array<i32>} : memref<32x896xf32, #tpu.memory_space<vmem>>, vector<16xf32>,
        %le3A_1976 = arith.cmpf ole, %get3A_1975, %mul3A_1730 : vector<16xf32>
        %all_reduce_population_count3A_1977 = tpu.all_reduce %le3A_1976 {dim = 0 : i64, kind = #tpu.reduction_kind<sum>} : vector<16xi1> -> vector<16xi32>
        %add3A_1978 = arith.addi %add3A_1972, %all_reduce_population_count3A_1977 : vector<16xi32>
        %get3A_1979 = arith.index_cast %scan3A_43 : i32 to index
        %get3A_1980 = arith.constant 656 : index
        %get3A_1981 = tpu.vector_load %arg7[%get3A_1979, %get3A_1980] {strides = array<i32>} : memref<32x896xf32, #tpu.memory_space<vmem>>, vector<16xf32>,
        %le3A_1982 = arith.cmpf ole, %get3A_1981, %mul3A_1730 : vector<16xf32>
        %all_reduce_population_count3A_1983 = tpu.all_reduce %le3A_1982 {dim = 0 : i64, kind = #tpu.reduction_kind<sum>} : vector<16xi1> -> vector<16xi32>
        %add3A_1984 = arith.addi %add3A_1978, %all_reduce_population_count3A_1983 : vector<16xi32>
        %get3A_1985 = arith.index_cast %scan3A_43 : i32 to index
        %get3A_1986 = arith.constant 672 : index
        %get3A_1987 = tpu.vector_load %arg7[%get3A_1985, %get3A_1986] {strides = array<i32>} : memref<32x896xf32, #tpu.memory_space<vmem>>, vector<16xf32>,
        %le3A_1988 = arith.cmpf ole, %get3A_1987, %mul3A_1730 : vector<16xf32>
        %all_reduce_population_count3A_1989 = tpu.all_reduce %le3A_1988 {dim = 0 : i64, kind = #tpu.reduction_kind<sum>} : vector<16xi1> -> vector<16xi32>
        %add3A_1990 = arith.addi %add3A_1984, %all_reduce_population_count3A_1989 : vector<16xi32>
        %get3A_1991 = arith.index_cast %scan3A_43 : i32 to index
        %get3A_1992 = arith.constant 688 : index
        %get3A_1993 = tpu.vector_load %arg7[%get3A_1991, %get3A_1992] {strides = array<i32>} : memref<32x896xf32, #tpu.memory_space<vmem>>, vector<16xf32>,
        %le3A_1994 = arith.cmpf ole, %get3A_1993, %mul3A_1730 : vector<16xf32>
        %all_reduce_population_count3A_1995 = tpu.all_reduce %le3A_1994 {dim = 0 : i64, kind = #tpu.reduction_kind<sum>} : vector<16xi1> -> vector<16xi32>
        %add3A_1996 = arith.addi %add3A_1990, %all_reduce_population_count3A_1995 : vector<16xi32>
        %get3A_1997 = arith.index_cast %scan3A_43 : i32 to index
        %get3A_1998 = arith.constant 704 : index
        %get3A_1999 = tpu.vector_load %arg7[%get3A_1997, %get3A_1998] {strides = array<i32>} : memref<32x896xf32, #tpu.memory_space<vmem>>, vector<16xf32>,
        %le3A_2000 = arith.cmpf ole, %get3A_1999, %mul3A_1730 : vector<16xf32>
        %all_reduce_population_count3A_2001 = tpu.all_reduce %le3A_2000 {dim = 0 : i64, kind = #tpu.reduction_kind<sum>} : vector<16xi1> -> vector<16xi32>
        %add3A_2002 = arith.addi %add3A_1996, %all_reduce_population_count3A_2001 : vector<16xi32>
        %get3A_2003 = arith.index_cast %scan3A_43 : i32 to index
        %get3A_2004 = arith.constant 720 : index
        %get3A_2005 = tpu.vector_load %arg7[%get3A_2003, %get3A_2004] {strides = array<i32>} : memref<32x896xf32, #tpu.memory_space<vmem>>, vector<16xf32>,
        %le3A_2006 = arith.cmpf ole, %get3A_2005, %mul3A_1730 : vector<16xf32>
        %all_reduce_population_count3A_2007 = tpu.all_reduce %le3A_2006 {dim = 0 : i64, kind = #tpu.reduction_kind<sum>} : vector<16xi1> -> vector<16xi32>
        %add3A_2008 = arith.addi %add3A_2002, %all_reduce_population_count3A_2007 : vector<16xi32>
        %get3A_2009 = arith.index_cast %scan3A_43 : i32 to index
        %get3A_2010 = arith.constant 736 : index
        %get3A_2011 = tpu.vector_load %arg7[%get3A_2009, %get3A_2010] {strides = array<i32>} : memref<32x896xf32, #tpu.memory_space<vmem>>, vector<16xf32>,
        %le3A_2012 = arith.cmpf ole, %get3A_2011, %mul3A_1730 : vector<16xf32>
        %all_reduce_population_count3A_2013 = tpu.all_reduce %le3A_2012 {dim = 0 : i64, kind = #tpu.reduction_kind<sum>} : vector<16xi1> -> vector<16xi32>
        %add3A_2014 = arith.addi %add3A_2008, %all_reduce_population_count3A_2013 : vector<16xi32>
        %get3A_2015 = arith.index_cast %scan3A_43 : i32 to index
        %get3A_2016 = arith.constant 752 : index
        %get3A_2017 = tpu.vector_load %arg7[%get3A_2015, %get3A_2016] {strides = array<i32>} : memref<32x896xf32, #tpu.memory_space<vmem>>, vector<16xf32>,
        %le3A_2018 = arith.cmpf ole, %get3A_2017, %mul3A_1730 : vector<16xf32>
        %all_reduce_population_count3A_2019 = tpu.all_reduce %le3A_2018 {dim = 0 : i64, kind = #tpu.reduction_kind<sum>} : vector<16xi1> -> vector<16xi32>
        %add3A_2020 = arith.addi %add3A_2014, %all_reduce_population_count3A_2019 : vector<16xi32>
        %get3A_2021 = arith.index_cast %scan3A_43 : i32 to index
        %get3A_2022 = arith.constant 768 : index
        %get3A_2023 = tpu.vector_load %arg7[%get3A_2021, %get3A_2022] {strides = array<i32>} : memref<32x896xf32, #tpu.memory_space<vmem>>, vector<16xf32>,
        %le3A_2024 = arith.cmpf ole, %get3A_2023, %mul3A_1730 : vector<16xf32>
        %all_reduce_population_count3A_2025 = tpu.all_reduce %le3A_2024 {dim = 0 : i64, kind = #tpu.reduction_kind<sum>} : vector<16xi1> -> vector<16xi32>
        %add3A_2026 = arith.addi %add3A_2020, %all_reduce_population_count3A_2025 : vector<16xi32>
        %get3A_2027 = arith.index_cast %scan3A_43 : i32 to index
        %get3A_2028 = arith.constant 784 : index
        %get3A_2029 = tpu.vector_load %arg7[%get3A_2027, %get3A_2028] {strides = array<i32>} : memref<32x896xf32, #tpu.memory_space<vmem>>, vector<16xf32>,
        %le3A_2030 = arith.cmpf ole, %get3A_2029, %mul3A_1730 : vector<16xf32>
        %all_reduce_population_count3A_2031 = tpu.all_reduce %le3A_2030 {dim = 0 : i64, kind = #tpu.reduction_kind<sum>} : vector<16xi1> -> vector<16xi32>
        %add3A_2032 = arith.addi %add3A_2026, %all_reduce_population_count3A_2031 : vector<16xi32>
        %get3A_2033 = arith.index_cast %scan3A_43 : i32 to index
        %get3A_2034 = arith.constant 800 : index
        %get3A_2035 = tpu.vector_load %arg7[%get3A_2033, %get3A_2034] {strides = array<i32>} : memref<32x896xf32, #tpu.memory_space<vmem>>, vector<16xf32>,
        %le3A_2036 = arith.cmpf ole, %get3A_2035, %mul3A_1730 : vector<16xf32>
        %all_reduce_population_count3A_2037 = tpu.all_reduce %le3A_2036 {dim = 0 : i64, kind = #tpu.reduction_kind<sum>} : vector<16xi1> -> vector<16xi32>
        %add3A_2038 = arith.addi %add3A_2032, %all_reduce_population_count3A_2037 : vector<16xi32>
        %get3A_2039 = arith.index_cast %scan3A_43 : i32 to index
        %get3A_2040 = arith.constant 816 : index
        %get3A_2041 = tpu.vector_load %arg7[%get3A_2039, %get3A_2040] {strides = array<i32>} : memref<32x896xf32, #tpu.memory_space<vmem>>, vector<16xf32>,
        %le3A_2042 = arith.cmpf ole, %get3A_2041, %mul3A_1730 : vector<16xf32>
        %all_reduce_population_count3A_2043 = tpu.all_reduce %le3A_2042 {dim = 0 : i64, kind = #tpu.reduction_kind<sum>} : vector<16xi1> -> vector<16xi32>
        %add3A_2044 = arith.addi %add3A_2038, %all_reduce_population_count3A_2043 : vector<16xi32>
        %get3A_2045 = arith.index_cast %scan3A_43 : i32 to index
        %get3A_2046 = arith.constant 832 : index
        %get3A_2047 = tpu.vector_load %arg7[%get3A_2045, %get3A_2046] {strides = array<i32>} : memref<32x896xf32, #tpu.memory_space<vmem>>, vector<16xf32>,
        %le3A_2048 = arith.cmpf ole, %get3A_2047, %mul3A_1730 : vector<16xf32>
        %all_reduce_population_count3A_2049 = tpu.all_reduce %le3A_2048 {dim = 0 : i64, kind = #tpu.reduction_kind<sum>} : vector<16xi1> -> vector<16xi32>
        %add3A_2050 = arith.addi %add3A_2044, %all_reduce_population_count3A_2049 : vector<16xi32>
        %get3A_2051 = arith.index_cast %scan3A_43 : i32 to index
        %get3A_2052 = arith.constant 848 : index
        %get3A_2053 = tpu.vector_load %arg7[%get3A_2051, %get3A_2052] {strides = array<i32>} : memref<32x896xf32, #tpu.memory_space<vmem>>, vector<16xf32>,
        %le3A_2054 = arith.cmpf ole, %get3A_2053, %mul3A_1730 : vector<16xf32>
        %all_reduce_population_count3A_2055 = tpu.all_reduce %le3A_2054 {dim = 0 : i64, kind = #tpu.reduction_kind<sum>} : vector<16xi1> -> vector<16xi32>
        %add3A_2056 = arith.addi %add3A_2050, %all_reduce_population_count3A_2055 : vector<16xi32>
        %get3A_2057 = arith.index_cast %scan3A_43 : i32 to index
        %get3A_2058 = arith.constant 864 : index
        %get3A_2059 = tpu.vector_load %arg7[%get3A_2057, %get3A_2058] {strides = array<i32>} : memref<32x896xf32, #tpu.memory_space<vmem>>, vector<16xf32>,
        %le3A_2060 = arith.cmpf ole, %get3A_2059, %mul3A_1730 : vector<16xf32>
        %all_reduce_population_count3A_2061 = tpu.all_reduce %le3A_2060 {dim = 0 : i64, kind = #tpu.reduction_kind<sum>} : vector<16xi1> -> vector<16xi32>
        %add3A_2062 = arith.addi %add3A_2056, %all_reduce_population_count3A_2061 : vector<16xi32>
        %get3A_2063 = arith.index_cast %scan3A_43 : i32 to index
        %get3A_2064 = arith.constant 880 : index
        %get3A_2065 = tpu.vector_load %arg7[%get3A_2063, %get3A_2064] {strides = array<i32>} : memref<32x896xf32, #tpu.memory_space<vmem>>, vector<16xf32>,
        %le3A_2066 = arith.cmpf ole, %get3A_2065, %mul3A_1730 : vector<16xf32>
        %all_reduce_population_count3A_2067 = tpu.all_reduce %le3A_2066 {dim = 0 : i64, kind = #tpu.reduction_kind<sum>} : vector<16xi1> -> vector<16xi32>
        %add3A_2068 = arith.addi %add3A_2062, %all_reduce_population_count3A_2067 : vector<16xi32>
        %ge3A = arith.constant 32 : i32
        %ge3A_2069 = vector.broadcast %ge3A : i32 to vector<16xi32>
        %ge3A_2070 = arith.cmpi sge, %add3A_2068, %ge3A_2069 : vector<16xi32>
        %select_n3A_2071 = arith.select %ge3A_2070, %scan3A_1725, %mul3A_1730 : vector<16xi1>, vector<16xf32>
        %select_n3A_2072 = arith.select %ge3A_2070, %mul3A_1730, %scan3A_1726 : vector<16xi1>, vector<16xf32>
        scf.yield %select_n3A_2071, %select_n3A_2072 : vector<16xf32>, vector<16xf32>
      }
      %scan3A_291 = arith.constant 12 : i32
      %broadcast_in_dim3A_292 = vector.broadcast %scan3A_43 : i32 to vector<16xi32>
      %eq3A = arith.constant 0 : i32
      %eq3A_293 = vector.broadcast %eq3A : i32 to vector<16xi32>
      %eq3A_294 = arith.cmpi eq, %iota3A, %eq3A_293 : vector<16xi32>
      tpu.vector_store_idx %arg9[%broadcast_in_dim3A_292], %scan3A_290#1 masked %eq3A_294 : memref<32xf32, #tpu.memory_space<vmem>>[vector<16xi32>], vector<16xf32>, vector<16xi1>
      %mul3A_295 = arith.constant 784 : i32
      %mul3A_296 = arith.muli %add3A_44, %mul3A_295 : i32
      %add3A_297 = arith.constant 783 : i32
      %add3A_298 = arith.addi %mul3A_296, %add3A_297 : i32
      %broadcast_in_dim3A_299 = vector.broadcast %add3A_298 : i32 to vector<16xi32>
      %swap3A = arith.index_cast %scan3A_43 : i32 to index
      %swap3A_300 = arith.constant 0 : index
      %swap3A_301 = tpu.vector_load %arg10[%swap3A, %swap3A_300] {strides = array<i32>} : memref<32x48xi32, #tpu.memory_space<vmem>>, vector<16xi32>,
      tpu.vector_store %arg10[%swap3A, %swap3A_300], %broadcast_in_dim3A_299 {strides = array<i32>} : memref<32x48xi32, #tpu.memory_space<vmem>>, vector<16xi32>,
      %swap3A_302 = arith.index_cast %scan3A_43 : i32 to index
      %swap3A_303 = arith.constant 16 : index
      %swap3A_304 = tpu.vector_load %arg10[%swap3A_302, %swap3A_303] {strides = array<i32>} : memref<32x48xi32, #tpu.memory_space<vmem>>, vector<16xi32>,
      tpu.vector_store %arg10[%swap3A_302, %swap3A_303], %broadcast_in_dim3A_299 {strides = array<i32>} : memref<32x48xi32, #tpu.memory_space<vmem>>, vector<16xi32>,
      %swap3A_305 = arith.index_cast %scan3A_43 : i32 to index
      %swap3A_306 = arith.constant 32 : index
      %swap3A_307 = tpu.vector_load %arg10[%swap3A_305, %swap3A_306] {strides = array<i32>} : memref<32x48xi32, #tpu.memory_space<vmem>>, vector<16xi32>,
      tpu.vector_store %arg10[%swap3A_305, %swap3A_306], %broadcast_in_dim3A_299 {strides = array<i32>} : memref<32x48xi32, #tpu.memory_space<vmem>>, vector<16xi32>,
      %broadcast_in_dim3A_308 = arith.constant 0 : i32
      %broadcast_in_dim3A_309 = vector.broadcast %broadcast_in_dim3A_308 : i32 to vector<16xi32>
      %get3A_310 = arith.index_cast %scan3A_43 : i32 to index
      %get3A_311 = arith.constant 0 : index
      %get3A_312 = tpu.vector_load %arg7[%get3A_310, %get3A_311] {strides = array<i32>} : memref<32x896xf32, #tpu.memory_space<vmem>>, vector<16xf32>,
      %le3A = arith.cmpf ole, %get3A_312, %scan3A_290#1 : vector<16xf32>
      %jit3A = arith.constant 1 : i32
      %jit3A_313 = arith.constant 0 : i32
      %broadcast_in_dim3A_314 = vector.broadcast %jit3A : i32 to vector<16xi32>
      %broadcast_in_dim3A_315 = vector.broadcast %jit3A_313 : i32 to vector<16xi32>
      %select_n3A = arith.select %le3A, %broadcast_in_dim3A_314, %broadcast_in_dim3A_315 : vector<16xi1>, vector<16xi32>
      %broadcast_in_dim3A_316 = arith.constant true
      %broadcast_in_dim3A_317 = vector.broadcast %broadcast_in_dim3A_316 : i1 to vector<16xi1>
      %masked_cumsum3A = tpu.scan <sum>, %select_n3A masked %broadcast_in_dim3A_317 : vector<16xi32>, vector<16xi1> -> vector<16xi32>
      %add3A_318 = arith.addi %broadcast_in_dim3A_309, %masked_cumsum3A : vector<16xi32>
      %sub3A_319 = arith.constant 1 : i32
      %sub3A_320 = vector.broadcast %sub3A_319 : i32 to vector<16xi32>
      %sub3A_321 = arith.subi %add3A_318, %sub3A_320 : vector<16xi32>
      %lt3A = arith.constant 48 : i32
      %lt3A_322 = vector.broadcast %lt3A : i32 to vector<16xi32>
      %lt3A_323 = arith.cmpi slt, %sub3A_321, %lt3A_322 : vector<16xi32>
      %and3A = arith.andi %le3A, %lt3A_323 : vector<16xi1>
      %mul3A_324 = arith.constant 784 : i32
      %mul3A_325 = arith.muli %add3A_44, %mul3A_324 : i32
      %add3A_326 = arith.constant 0 : i32
      %add3A_327 = arith.addi %mul3A_325, %add3A_326 : i32
      %broadcast_in_dim3A_328 = vector.broadcast %add3A_327 : i32 to vector<16xi32>
      %add3A_329 = arith.addi %broadcast_in_dim3A_328, %iota3A : vector<16xi32>
      %broadcast_in_dim3A_330 = vector.broadcast %scan3A_43 : i32 to vector<16xi32>
      tpu.vector_store_idx %arg10[%broadcast_in_dim3A_330, %sub3A_321], %add3A_329 masked %and3A : memref<32x48xi32, #tpu.memory_space<vmem>>[vector<16xi32>, vector<16xi32>], vector<16xi32>, vector<16xi1>
      %all_reduce_population_count3A = tpu.all_reduce %and3A {dim = 0 : i64, kind = #tpu.reduction_kind<sum>} : vector<16xi1> -> vector<16xi32>
      %add3A_331 = arith.addi %broadcast_in_dim3A_309, %all_reduce_population_count3A : vector<16xi32>
      %get3A_332 = arith.index_cast %scan3A_43 : i32 to index
      %get3A_333 = arith.constant 16 : index
      %get3A_334 = tpu.vector_load %arg7[%get3A_332, %get3A_333] {strides = array<i32>} : memref<32x896xf32, #tpu.memory_space<vmem>>, vector<16xf32>,
      %le3A_335 = arith.cmpf ole, %get3A_334, %scan3A_290#1 : vector<16xf32>
      %jit3A_336 = arith.constant 1 : i32
      %jit3A_337 = arith.constant 0 : i32
      %broadcast_in_dim3A_338 = vector.broadcast %jit3A_336 : i32 to vector<16xi32>
      %broadcast_in_dim3A_339 = vector.broadcast %jit3A_337 : i32 to vector<16xi32>
      %select_n3A_340 = arith.select %le3A_335, %broadcast_in_dim3A_338, %broadcast_in_dim3A_339 : vector<16xi1>, vector<16xi32>
      %broadcast_in_dim3A_341 = arith.constant true
      %broadcast_in_dim3A_342 = vector.broadcast %broadcast_in_dim3A_341 : i1 to vector<16xi1>
      %masked_cumsum3A_343 = tpu.scan <sum>, %select_n3A_340 masked %broadcast_in_dim3A_342 : vector<16xi32>, vector<16xi1> -> vector<16xi32>
      %add3A_344 = arith.addi %add3A_331, %masked_cumsum3A_343 : vector<16xi32>
      %sub3A_345 = arith.constant 1 : i32
      %sub3A_346 = vector.broadcast %sub3A_345 : i32 to vector<16xi32>
      %sub3A_347 = arith.subi %add3A_344, %sub3A_346 : vector<16xi32>
      %lt3A_348 = arith.constant 48 : i32
      %lt3A_349 = vector.broadcast %lt3A_348 : i32 to vector<16xi32>
      %lt3A_350 = arith.cmpi slt, %sub3A_347, %lt3A_349 : vector<16xi32>
      %and3A_351 = arith.andi %le3A_335, %lt3A_350 : vector<16xi1>
      %mul3A_352 = arith.constant 784 : i32
      %mul3A_353 = arith.muli %add3A_44, %mul3A_352 : i32
      %add3A_354 = arith.constant 16 : i32
      %add3A_355 = arith.addi %mul3A_353, %add3A_354 : i32
      %broadcast_in_dim3A_356 = vector.broadcast %add3A_355 : i32 to vector<16xi32>
      %add3A_357 = arith.addi %broadcast_in_dim3A_356, %iota3A : vector<16xi32>
      %broadcast_in_dim3A_358 = vector.broadcast %scan3A_43 : i32 to vector<16xi32>
      tpu.vector_store_idx %arg10[%broadcast_in_dim3A_358, %sub3A_347], %add3A_357 masked %and3A_351 : memref<32x48xi32, #tpu.memory_space<vmem>>[vector<16xi32>, vector<16xi32>], vector<16xi32>, vector<16xi1>
      %all_reduce_population_count3A_359 = tpu.all_reduce %and3A_351 {dim = 0 : i64, kind = #tpu.reduction_kind<sum>} : vector<16xi1> -> vector<16xi32>
      %add3A_360 = arith.addi %add3A_331, %all_reduce_population_count3A_359 : vector<16xi32>
      %get3A_361 = arith.index_cast %scan3A_43 : i32 to index
      %get3A_362 = arith.constant 32 : index
      %get3A_363 = tpu.vector_load %arg7[%get3A_361, %get3A_362] {strides = array<i32>} : memref<32x896xf32, #tpu.memory_space<vmem>>, vector<16xf32>,
      %le3A_364 = arith.cmpf ole, %get3A_363, %scan3A_290#1 : vector<16xf32>
      %jit3A_365 = arith.constant 1 : i32
      %jit3A_366 = arith.constant 0 : i32
      %broadcast_in_dim3A_367 = vector.broadcast %jit3A_365 : i32 to vector<16xi32>
      %broadcast_in_dim3A_368 = vector.broadcast %jit3A_366 : i32 to vector<16xi32>
      %select_n3A_369 = arith.select %le3A_364, %broadcast_in_dim3A_367, %broadcast_in_dim3A_368 : vector<16xi1>, vector<16xi32>
      %broadcast_in_dim3A_370 = arith.constant true
      %broadcast_in_dim3A_371 = vector.broadcast %broadcast_in_dim3A_370 : i1 to vector<16xi1>
      %masked_cumsum3A_372 = tpu.scan <sum>, %select_n3A_369 masked %broadcast_in_dim3A_371 : vector<16xi32>, vector<16xi1> -> vector<16xi32>
      %add3A_373 = arith.addi %add3A_360, %masked_cumsum3A_372 : vector<16xi32>
      %sub3A_374 = arith.constant 1 : i32
      %sub3A_375 = vector.broadcast %sub3A_374 : i32 to vector<16xi32>
      %sub3A_376 = arith.subi %add3A_373, %sub3A_375 : vector<16xi32>
      %lt3A_377 = arith.constant 48 : i32
      %lt3A_378 = vector.broadcast %lt3A_377 : i32 to vector<16xi32>
      %lt3A_379 = arith.cmpi slt, %sub3A_376, %lt3A_378 : vector<16xi32>
      %and3A_380 = arith.andi %le3A_364, %lt3A_379 : vector<16xi1>
      %mul3A_381 = arith.constant 784 : i32
      %mul3A_382 = arith.muli %add3A_44, %mul3A_381 : i32
      %add3A_383 = arith.constant 32 : i32
      %add3A_384 = arith.addi %mul3A_382, %add3A_383 : i32
      %broadcast_in_dim3A_385 = vector.broadcast %add3A_384 : i32 to vector<16xi32>
      %add3A_386 = arith.addi %broadcast_in_dim3A_385, %iota3A : vector<16xi32>
      %broadcast_in_dim3A_387 = vector.broadcast %scan3A_43 : i32 to vector<16xi32>
      tpu.vector_store_idx %arg10[%broadcast_in_dim3A_387, %sub3A_376], %add3A_386 masked %and3A_380 : memref<32x48xi32, #tpu.memory_space<vmem>>[vector<16xi32>, vector<16xi32>], vector<16xi32>, vector<16xi1>
      %all_reduce_population_count3A_388 = tpu.all_reduce %and3A_380 {dim = 0 : i64, kind = #tpu.reduction_kind<sum>} : vector<16xi1> -> vector<16xi32>
      %add3A_389 = arith.addi %add3A_360, %all_reduce_population_count3A_388 : vector<16xi32>
      %get3A_390 = arith.index_cast %scan3A_43 : i32 to index
      %get3A_391 = arith.constant 48 : index
      %get3A_392 = tpu.vector_load %arg7[%get3A_390, %get3A_391] {strides = array<i32>} : memref<32x896xf32, #tpu.memory_space<vmem>>, vector<16xf32>,
      %le3A_393 = arith.cmpf ole, %get3A_392, %scan3A_290#1 : vector<16xf32>
      %jit3A_394 = arith.constant 1 : i32
      %jit3A_395 = arith.constant 0 : i32
      %broadcast_in_dim3A_396 = vector.broadcast %jit3A_394 : i32 to vector<16xi32>
      %broadcast_in_dim3A_397 = vector.broadcast %jit3A_395 : i32 to vector<16xi32>
      %select_n3A_398 = arith.select %le3A_393, %broadcast_in_dim3A_396, %broadcast_in_dim3A_397 : vector<16xi1>, vector<16xi32>
      %broadcast_in_dim3A_399 = arith.constant true
      %broadcast_in_dim3A_400 = vector.broadcast %broadcast_in_dim3A_399 : i1 to vector<16xi1>
      %masked_cumsum3A_401 = tpu.scan <sum>, %select_n3A_398 masked %broadcast_in_dim3A_400 : vector<16xi32>, vector<16xi1> -> vector<16xi32>
      %add3A_402 = arith.addi %add3A_389, %masked_cumsum3A_401 : vector<16xi32>
      %sub3A_403 = arith.constant 1 : i32
      %sub3A_404 = vector.broadcast %sub3A_403 : i32 to vector<16xi32>
      %sub3A_405 = arith.subi %add3A_402, %sub3A_404 : vector<16xi32>
      %lt3A_406 = arith.constant 48 : i32
      %lt3A_407 = vector.broadcast %lt3A_406 : i32 to vector<16xi32>
      %lt3A_408 = arith.cmpi slt, %sub3A_405, %lt3A_407 : vector<16xi32>
      %and3A_409 = arith.andi %le3A_393, %lt3A_408 : vector<16xi1>
      %mul3A_410 = arith.constant 784 : i32
      %mul3A_411 = arith.muli %add3A_44, %mul3A_410 : i32
      %add3A_412 = arith.constant 48 : i32
      %add3A_413 = arith.addi %mul3A_411, %add3A_412 : i32
      %broadcast_in_dim3A_414 = vector.broadcast %add3A_413 : i32 to vector<16xi32>
      %add3A_415 = arith.addi %broadcast_in_dim3A_414, %iota3A : vector<16xi32>
      %broadcast_in_dim3A_416 = vector.broadcast %scan3A_43 : i32 to vector<16xi32>
      tpu.vector_store_idx %arg10[%broadcast_in_dim3A_416, %sub3A_405], %add3A_415 masked %and3A_409 : memref<32x48xi32, #tpu.memory_space<vmem>>[vector<16xi32>, vector<16xi32>], vector<16xi32>, vector<16xi1>
      %all_reduce_population_count3A_417 = tpu.all_reduce %and3A_409 {dim = 0 : i64, kind = #tpu.reduction_kind<sum>} : vector<16xi1> -> vector<16xi32>
      %add3A_418 = arith.addi %add3A_389, %all_reduce_population_count3A_417 : vector<16xi32>
      %get3A_419 = arith.index_cast %scan3A_43 : i32 to index
      %get3A_420 = arith.constant 64 : index
      %get3A_421 = tpu.vector_load %arg7[%get3A_419, %get3A_420] {strides = array<i32>} : memref<32x896xf32, #tpu.memory_space<vmem>>, vector<16xf32>,
      %le3A_422 = arith.cmpf ole, %get3A_421, %scan3A_290#1 : vector<16xf32>
      %jit3A_423 = arith.constant 1 : i32
      %jit3A_424 = arith.constant 0 : i32
      %broadcast_in_dim3A_425 = vector.broadcast %jit3A_423 : i32 to vector<16xi32>
      %broadcast_in_dim3A_426 = vector.broadcast %jit3A_424 : i32 to vector<16xi32>
      %select_n3A_427 = arith.select %le3A_422, %broadcast_in_dim3A_425, %broadcast_in_dim3A_426 : vector<16xi1>, vector<16xi32>
      %broadcast_in_dim3A_428 = arith.constant true
      %broadcast_in_dim3A_429 = vector.broadcast %broadcast_in_dim3A_428 : i1 to vector<16xi1>
      %masked_cumsum3A_430 = tpu.scan <sum>, %select_n3A_427 masked %broadcast_in_dim3A_429 : vector<16xi32>, vector<16xi1> -> vector<16xi32>
      %add3A_431 = arith.addi %add3A_418, %masked_cumsum3A_430 : vector<16xi32>
      %sub3A_432 = arith.constant 1 : i32
      %sub3A_433 = vector.broadcast %sub3A_432 : i32 to vector<16xi32>
      %sub3A_434 = arith.subi %add3A_431, %sub3A_433 : vector<16xi32>
      %lt3A_435 = arith.constant 48 : i32
      %lt3A_436 = vector.broadcast %lt3A_435 : i32 to vector<16xi32>
      %lt3A_437 = arith.cmpi slt, %sub3A_434, %lt3A_436 : vector<16xi32>
      %and3A_438 = arith.andi %le3A_422, %lt3A_437 : vector<16xi1>
      %mul3A_439 = arith.constant 784 : i32
      %mul3A_440 = arith.muli %add3A_44, %mul3A_439 : i32
      %add3A_441 = arith.constant 64 : i32
      %add3A_442 = arith.addi %mul3A_440, %add3A_441 : i32
      %broadcast_in_dim3A_443 = vector.broadcast %add3A_442 : i32 to vector<16xi32>
      %add3A_444 = arith.addi %broadcast_in_dim3A_443, %iota3A : vector<16xi32>
      %broadcast_in_dim3A_445 = vector.broadcast %scan3A_43 : i32 to vector<16xi32>
      tpu.vector_store_idx %arg10[%broadcast_in_dim3A_445, %sub3A_434], %add3A_444 masked %and3A_438 : memref<32x48xi32, #tpu.memory_space<vmem>>[vector<16xi32>, vector<16xi32>], vector<16xi32>, vector<16xi1>
      %all_reduce_population_count3A_446 = tpu.all_reduce %and3A_438 {dim = 0 : i64, kind = #tpu.reduction_kind<sum>} : vector<16xi1> -> vector<16xi32>
      %add3A_447 = arith.addi %add3A_418, %all_reduce_population_count3A_446 : vector<16xi32>
      %get3A_448 = arith.index_cast %scan3A_43 : i32 to index
      %get3A_449 = arith.constant 80 : index
      %get3A_450 = tpu.vector_load %arg7[%get3A_448, %get3A_449] {strides = array<i32>} : memref<32x896xf32, #tpu.memory_space<vmem>>, vector<16xf32>,
      %le3A_451 = arith.cmpf ole, %get3A_450, %scan3A_290#1 : vector<16xf32>
      %jit3A_452 = arith.constant 1 : i32
      %jit3A_453 = arith.constant 0 : i32
      %broadcast_in_dim3A_454 = vector.broadcast %jit3A_452 : i32 to vector<16xi32>
      %broadcast_in_dim3A_455 = vector.broadcast %jit3A_453 : i32 to vector<16xi32>
      %select_n3A_456 = arith.select %le3A_451, %broadcast_in_dim3A_454, %broadcast_in_dim3A_455 : vector<16xi1>, vector<16xi32>
      %broadcast_in_dim3A_457 = arith.constant true
      %broadcast_in_dim3A_458 = vector.broadcast %broadcast_in_dim3A_457 : i1 to vector<16xi1>
      %masked_cumsum3A_459 = tpu.scan <sum>, %select_n3A_456 masked %broadcast_in_dim3A_458 : vector<16xi32>, vector<16xi1> -> vector<16xi32>
      %add3A_460 = arith.addi %add3A_447, %masked_cumsum3A_459 : vector<16xi32>
      %sub3A_461 = arith.constant 1 : i32
      %sub3A_462 = vector.broadcast %sub3A_461 : i32 to vector<16xi32>
      %sub3A_463 = arith.subi %add3A_460, %sub3A_462 : vector<16xi32>
      %lt3A_464 = arith.constant 48 : i32
      %lt3A_465 = vector.broadcast %lt3A_464 : i32 to vector<16xi32>
      %lt3A_466 = arith.cmpi slt, %sub3A_463, %lt3A_465 : vector<16xi32>
      %and3A_467 = arith.andi %le3A_451, %lt3A_466 : vector<16xi1>
      %mul3A_468 = arith.constant 784 : i32
      %mul3A_469 = arith.muli %add3A_44, %mul3A_468 : i32
      %add3A_470 = arith.constant 80 : i32
      %add3A_471 = arith.addi %mul3A_469, %add3A_470 : i32
      %broadcast_in_dim3A_472 = vector.broadcast %add3A_471 : i32 to vector<16xi32>
      %add3A_473 = arith.addi %broadcast_in_dim3A_472, %iota3A : vector<16xi32>
      %broadcast_in_dim3A_474 = vector.broadcast %scan3A_43 : i32 to vector<16xi32>
      tpu.vector_store_idx %arg10[%broadcast_in_dim3A_474, %sub3A_463], %add3A_473 masked %and3A_467 : memref<32x48xi32, #tpu.memory_space<vmem>>[vector<16xi32>, vector<16xi32>], vector<16xi32>, vector<16xi1>
      %all_reduce_population_count3A_475 = tpu.all_reduce %and3A_467 {dim = 0 : i64, kind = #tpu.reduction_kind<sum>} : vector<16xi1> -> vector<16xi32>
      %add3A_476 = arith.addi %add3A_447, %all_reduce_population_count3A_475 : vector<16xi32>
      %get3A_477 = arith.index_cast %scan3A_43 : i32 to index
      %get3A_478 = arith.constant 96 : index
      %get3A_479 = tpu.vector_load %arg7[%get3A_477, %get3A_478] {strides = array<i32>} : memref<32x896xf32, #tpu.memory_space<vmem>>, vector<16xf32>,
      %le3A_480 = arith.cmpf ole, %get3A_479, %scan3A_290#1 : vector<16xf32>
      %jit3A_481 = arith.constant 1 : i32
      %jit3A_482 = arith.constant 0 : i32
      %broadcast_in_dim3A_483 = vector.broadcast %jit3A_481 : i32 to vector<16xi32>
      %broadcast_in_dim3A_484 = vector.broadcast %jit3A_482 : i32 to vector<16xi32>
      %select_n3A_485 = arith.select %le3A_480, %broadcast_in_dim3A_483, %broadcast_in_dim3A_484 : vector<16xi1>, vector<16xi32>
      %broadcast_in_dim3A_486 = arith.constant true
      %broadcast_in_dim3A_487 = vector.broadcast %broadcast_in_dim3A_486 : i1 to vector<16xi1>
      %masked_cumsum3A_488 = tpu.scan <sum>, %select_n3A_485 masked %broadcast_in_dim3A_487 : vector<16xi32>, vector<16xi1> -> vector<16xi32>
      %add3A_489 = arith.addi %add3A_476, %masked_cumsum3A_488 : vector<16xi32>
      %sub3A_490 = arith.constant 1 : i32
      %sub3A_491 = vector.broadcast %sub3A_490 : i32 to vector<16xi32>
      %sub3A_492 = arith.subi %add3A_489, %sub3A_491 : vector<16xi32>
      %lt3A_493 = arith.constant 48 : i32
      %lt3A_494 = vector.broadcast %lt3A_493 : i32 to vector<16xi32>
      %lt3A_495 = arith.cmpi slt, %sub3A_492, %lt3A_494 : vector<16xi32>
      %and3A_496 = arith.andi %le3A_480, %lt3A_495 : vector<16xi1>
      %mul3A_497 = arith.constant 784 : i32
      %mul3A_498 = arith.muli %add3A_44, %mul3A_497 : i32
      %add3A_499 = arith.constant 96 : i32
      %add3A_500 = arith.addi %mul3A_498, %add3A_499 : i32
      %broadcast_in_dim3A_501 = vector.broadcast %add3A_500 : i32 to vector<16xi32>
      %add3A_502 = arith.addi %broadcast_in_dim3A_501, %iota3A : vector<16xi32>
      %broadcast_in_dim3A_503 = vector.broadcast %scan3A_43 : i32 to vector<16xi32>
      tpu.vector_store_idx %arg10[%broadcast_in_dim3A_503, %sub3A_492], %add3A_502 masked %and3A_496 : memref<32x48xi32, #tpu.memory_space<vmem>>[vector<16xi32>, vector<16xi32>], vector<16xi32>, vector<16xi1>
      %all_reduce_population_count3A_504 = tpu.all_reduce %and3A_496 {dim = 0 : i64, kind = #tpu.reduction_kind<sum>} : vector<16xi1> -> vector<16xi32>
      %add3A_505 = arith.addi %add3A_476, %all_reduce_population_count3A_504 : vector<16xi32>
      %get3A_506 = arith.index_cast %scan3A_43 : i32 to index
      %get3A_507 = arith.constant 112 : index
      %get3A_508 = tpu.vector_load %arg7[%get3A_506, %get3A_507] {strides = array<i32>} : memref<32x896xf32, #tpu.memory_space<vmem>>, vector<16xf32>,
      %le3A_509 = arith.cmpf ole, %get3A_508, %scan3A_290#1 : vector<16xf32>
      %jit3A_510 = arith.constant 1 : i32
      %jit3A_511 = arith.constant 0 : i32
      %broadcast_in_dim3A_512 = vector.broadcast %jit3A_510 : i32 to vector<16xi32>
      %broadcast_in_dim3A_513 = vector.broadcast %jit3A_511 : i32 to vector<16xi32>
      %select_n3A_514 = arith.select %le3A_509, %broadcast_in_dim3A_512, %broadcast_in_dim3A_513 : vector<16xi1>, vector<16xi32>
      %broadcast_in_dim3A_515 = arith.constant true
      %broadcast_in_dim3A_516 = vector.broadcast %broadcast_in_dim3A_515 : i1 to vector<16xi1>
      %masked_cumsum3A_517 = tpu.scan <sum>, %select_n3A_514 masked %broadcast_in_dim3A_516 : vector<16xi32>, vector<16xi1> -> vector<16xi32>
      %add3A_518 = arith.addi %add3A_505, %masked_cumsum3A_517 : vector<16xi32>
      %sub3A_519 = arith.constant 1 : i32
      %sub3A_520 = vector.broadcast %sub3A_519 : i32 to vector<16xi32>
      %sub3A_521 = arith.subi %add3A_518, %sub3A_520 : vector<16xi32>
      %lt3A_522 = arith.constant 48 : i32
      %lt3A_523 = vector.broadcast %lt3A_522 : i32 to vector<16xi32>
      %lt3A_524 = arith.cmpi slt, %sub3A_521, %lt3A_523 : vector<16xi32>
      %and3A_525 = arith.andi %le3A_509, %lt3A_524 : vector<16xi1>
      %mul3A_526 = arith.constant 784 : i32
      %mul3A_527 = arith.muli %add3A_44, %mul3A_526 : i32
      %add3A_528 = arith.constant 112 : i32
      %add3A_529 = arith.addi %mul3A_527, %add3A_528 : i32
      %broadcast_in_dim3A_530 = vector.broadcast %add3A_529 : i32 to vector<16xi32>
      %add3A_531 = arith.addi %broadcast_in_dim3A_530, %iota3A : vector<16xi32>
      %broadcast_in_dim3A_532 = vector.broadcast %scan3A_43 : i32 to vector<16xi32>
      tpu.vector_store_idx %arg10[%broadcast_in_dim3A_532, %sub3A_521], %add3A_531 masked %and3A_525 : memref<32x48xi32, #tpu.memory_space<vmem>>[vector<16xi32>, vector<16xi32>], vector<16xi32>, vector<16xi1>
      %all_reduce_population_count3A_533 = tpu.all_reduce %and3A_525 {dim = 0 : i64, kind = #tpu.reduction_kind<sum>} : vector<16xi1> -> vector<16xi32>
      %add3A_534 = arith.addi %add3A_505, %all_reduce_population_count3A_533 : vector<16xi32>
      %get3A_535 = arith.index_cast %scan3A_43 : i32 to index
      %get3A_536 = arith.constant 128 : index
      %get3A_537 = tpu.vector_load %arg7[%get3A_535, %get3A_536] {strides = array<i32>} : memref<32x896xf32, #tpu.memory_space<vmem>>, vector<16xf32>,
      %le3A_538 = arith.cmpf ole, %get3A_537, %scan3A_290#1 : vector<16xf32>
      %jit3A_539 = arith.constant 1 : i32
      %jit3A_540 = arith.constant 0 : i32
      %broadcast_in_dim3A_541 = vector.broadcast %jit3A_539 : i32 to vector<16xi32>
      %broadcast_in_dim3A_542 = vector.broadcast %jit3A_540 : i32 to vector<16xi32>
      %select_n3A_543 = arith.select %le3A_538, %broadcast_in_dim3A_541, %broadcast_in_dim3A_542 : vector<16xi1>, vector<16xi32>
      %broadcast_in_dim3A_544 = arith.constant true
      %broadcast_in_dim3A_545 = vector.broadcast %broadcast_in_dim3A_544 : i1 to vector<16xi1>
      %masked_cumsum3A_546 = tpu.scan <sum>, %select_n3A_543 masked %broadcast_in_dim3A_545 : vector<16xi32>, vector<16xi1> -> vector<16xi32>
      %add3A_547 = arith.addi %add3A_534, %masked_cumsum3A_546 : vector<16xi32>
      %sub3A_548 = arith.constant 1 : i32
      %sub3A_549 = vector.broadcast %sub3A_548 : i32 to vector<16xi32>
      %sub3A_550 = arith.subi %add3A_547, %sub3A_549 : vector<16xi32>
      %lt3A_551 = arith.constant 48 : i32
      %lt3A_552 = vector.broadcast %lt3A_551 : i32 to vector<16xi32>
      %lt3A_553 = arith.cmpi slt, %sub3A_550, %lt3A_552 : vector<16xi32>
      %and3A_554 = arith.andi %le3A_538, %lt3A_553 : vector<16xi1>
      %mul3A_555 = arith.constant 784 : i32
      %mul3A_556 = arith.muli %add3A_44, %mul3A_555 : i32
      %add3A_557 = arith.constant 128 : i32
      %add3A_558 = arith.addi %mul3A_556, %add3A_557 : i32
      %broadcast_in_dim3A_559 = vector.broadcast %add3A_558 : i32 to vector<16xi32>
      %add3A_560 = arith.addi %broadcast_in_dim3A_559, %iota3A : vector<16xi32>
      %broadcast_in_dim3A_561 = vector.broadcast %scan3A_43 : i32 to vector<16xi32>
      tpu.vector_store_idx %arg10[%broadcast_in_dim3A_561, %sub3A_550], %add3A_560 masked %and3A_554 : memref<32x48xi32, #tpu.memory_space<vmem>>[vector<16xi32>, vector<16xi32>], vector<16xi32>, vector<16xi1>
      %all_reduce_population_count3A_562 = tpu.all_reduce %and3A_554 {dim = 0 : i64, kind = #tpu.reduction_kind<sum>} : vector<16xi1> -> vector<16xi32>
      %add3A_563 = arith.addi %add3A_534, %all_reduce_population_count3A_562 : vector<16xi32>
      %get3A_564 = arith.index_cast %scan3A_43 : i32 to index
      %get3A_565 = arith.constant 144 : index
      %get3A_566 = tpu.vector_load %arg7[%get3A_564, %get3A_565] {strides = array<i32>} : memref<32x896xf32, #tpu.memory_space<vmem>>, vector<16xf32>,
      %le3A_567 = arith.cmpf ole, %get3A_566, %scan3A_290#1 : vector<16xf32>
      %jit3A_568 = arith.constant 1 : i32
      %jit3A_569 = arith.constant 0 : i32
      %broadcast_in_dim3A_570 = vector.broadcast %jit3A_568 : i32 to vector<16xi32>
      %broadcast_in_dim3A_571 = vector.broadcast %jit3A_569 : i32 to vector<16xi32>
      %select_n3A_572 = arith.select %le3A_567, %broadcast_in_dim3A_570, %broadcast_in_dim3A_571 : vector<16xi1>, vector<16xi32>
      %broadcast_in_dim3A_573 = arith.constant true
      %broadcast_in_dim3A_574 = vector.broadcast %broadcast_in_dim3A_573 : i1 to vector<16xi1>
      %masked_cumsum3A_575 = tpu.scan <sum>, %select_n3A_572 masked %broadcast_in_dim3A_574 : vector<16xi32>, vector<16xi1> -> vector<16xi32>
      %add3A_576 = arith.addi %add3A_563, %masked_cumsum3A_575 : vector<16xi32>
      %sub3A_577 = arith.constant 1 : i32
      %sub3A_578 = vector.broadcast %sub3A_577 : i32 to vector<16xi32>
      %sub3A_579 = arith.subi %add3A_576, %sub3A_578 : vector<16xi32>
      %lt3A_580 = arith.constant 48 : i32
      %lt3A_581 = vector.broadcast %lt3A_580 : i32 to vector<16xi32>
      %lt3A_582 = arith.cmpi slt, %sub3A_579, %lt3A_581 : vector<16xi32>
      %and3A_583 = arith.andi %le3A_567, %lt3A_582 : vector<16xi1>
      %mul3A_584 = arith.constant 784 : i32
      %mul3A_585 = arith.muli %add3A_44, %mul3A_584 : i32
      %add3A_586 = arith.constant 144 : i32
      %add3A_587 = arith.addi %mul3A_585, %add3A_586 : i32
      %broadcast_in_dim3A_588 = vector.broadcast %add3A_587 : i32 to vector<16xi32>
      %add3A_589 = arith.addi %broadcast_in_dim3A_588, %iota3A : vector<16xi32>
      %broadcast_in_dim3A_590 = vector.broadcast %scan3A_43 : i32 to vector<16xi32>
      tpu.vector_store_idx %arg10[%broadcast_in_dim3A_590, %sub3A_579], %add3A_589 masked %and3A_583 : memref<32x48xi32, #tpu.memory_space<vmem>>[vector<16xi32>, vector<16xi32>], vector<16xi32>, vector<16xi1>
      %all_reduce_population_count3A_591 = tpu.all_reduce %and3A_583 {dim = 0 : i64, kind = #tpu.reduction_kind<sum>} : vector<16xi1> -> vector<16xi32>
      %add3A_592 = arith.addi %add3A_563, %all_reduce_population_count3A_591 : vector<16xi32>
      %get3A_593 = arith.index_cast %scan3A_43 : i32 to index
      %get3A_594 = arith.constant 160 : index
      %get3A_595 = tpu.vector_load %arg7[%get3A_593, %get3A_594] {strides = array<i32>} : memref<32x896xf32, #tpu.memory_space<vmem>>, vector<16xf32>,
      %le3A_596 = arith.cmpf ole, %get3A_595, %scan3A_290#1 : vector<16xf32>
      %jit3A_597 = arith.constant 1 : i32
      %jit3A_598 = arith.constant 0 : i32
      %broadcast_in_dim3A_599 = vector.broadcast %jit3A_597 : i32 to vector<16xi32>
      %broadcast_in_dim3A_600 = vector.broadcast %jit3A_598 : i32 to vector<16xi32>
      %select_n3A_601 = arith.select %le3A_596, %broadcast_in_dim3A_599, %broadcast_in_dim3A_600 : vector<16xi1>, vector<16xi32>
      %broadcast_in_dim3A_602 = arith.constant true
      %broadcast_in_dim3A_603 = vector.broadcast %broadcast_in_dim3A_602 : i1 to vector<16xi1>
      %masked_cumsum3A_604 = tpu.scan <sum>, %select_n3A_601 masked %broadcast_in_dim3A_603 : vector<16xi32>, vector<16xi1> -> vector<16xi32>
      %add3A_605 = arith.addi %add3A_592, %masked_cumsum3A_604 : vector<16xi32>
      %sub3A_606 = arith.constant 1 : i32
      %sub3A_607 = vector.broadcast %sub3A_606 : i32 to vector<16xi32>
      %sub3A_608 = arith.subi %add3A_605, %sub3A_607 : vector<16xi32>
      %lt3A_609 = arith.constant 48 : i32
      %lt3A_610 = vector.broadcast %lt3A_609 : i32 to vector<16xi32>
      %lt3A_611 = arith.cmpi slt, %sub3A_608, %lt3A_610 : vector<16xi32>
      %and3A_612 = arith.andi %le3A_596, %lt3A_611 : vector<16xi1>
      %mul3A_613 = arith.constant 784 : i32
      %mul3A_614 = arith.muli %add3A_44, %mul3A_613 : i32
      %add3A_615 = arith.constant 160 : i32
      %add3A_616 = arith.addi %mul3A_614, %add3A_615 : i32
      %broadcast_in_dim3A_617 = vector.broadcast %add3A_616 : i32 to vector<16xi32>
      %add3A_618 = arith.addi %broadcast_in_dim3A_617, %iota3A : vector<16xi32>
      %broadcast_in_dim3A_619 = vector.broadcast %scan3A_43 : i32 to vector<16xi32>
      tpu.vector_store_idx %arg10[%broadcast_in_dim3A_619, %sub3A_608], %add3A_618 masked %and3A_612 : memref<32x48xi32, #tpu.memory_space<vmem>>[vector<16xi32>, vector<16xi32>], vector<16xi32>, vector<16xi1>
      %all_reduce_population_count3A_620 = tpu.all_reduce %and3A_612 {dim = 0 : i64, kind = #tpu.reduction_kind<sum>} : vector<16xi1> -> vector<16xi32>
      %add3A_621 = arith.addi %add3A_592, %all_reduce_population_count3A_620 : vector<16xi32>
      %get3A_622 = arith.index_cast %scan3A_43 : i32 to index
      %get3A_623 = arith.constant 176 : index
      %get3A_624 = tpu.vector_load %arg7[%get3A_622, %get3A_623] {strides = array<i32>} : memref<32x896xf32, #tpu.memory_space<vmem>>, vector<16xf32>,
      %le3A_625 = arith.cmpf ole, %get3A_624, %scan3A_290#1 : vector<16xf32>
      %jit3A_626 = arith.constant 1 : i32
      %jit3A_627 = arith.constant 0 : i32
      %broadcast_in_dim3A_628 = vector.broadcast %jit3A_626 : i32 to vector<16xi32>
      %broadcast_in_dim3A_629 = vector.broadcast %jit3A_627 : i32 to vector<16xi32>
      %select_n3A_630 = arith.select %le3A_625, %broadcast_in_dim3A_628, %broadcast_in_dim3A_629 : vector<16xi1>, vector<16xi32>
      %broadcast_in_dim3A_631 = arith.constant true
      %broadcast_in_dim3A_632 = vector.broadcast %broadcast_in_dim3A_631 : i1 to vector<16xi1>
      %masked_cumsum3A_633 = tpu.scan <sum>, %select_n3A_630 masked %broadcast_in_dim3A_632 : vector<16xi32>, vector<16xi1> -> vector<16xi32>
      %add3A_634 = arith.addi %add3A_621, %masked_cumsum3A_633 : vector<16xi32>
      %sub3A_635 = arith.constant 1 : i32
      %sub3A_636 = vector.broadcast %sub3A_635 : i32 to vector<16xi32>
      %sub3A_637 = arith.subi %add3A_634, %sub3A_636 : vector<16xi32>
      %lt3A_638 = arith.constant 48 : i32
      %lt3A_639 = vector.broadcast %lt3A_638 : i32 to vector<16xi32>
      %lt3A_640 = arith.cmpi slt, %sub3A_637, %lt3A_639 : vector<16xi32>
      %and3A_641 = arith.andi %le3A_625, %lt3A_640 : vector<16xi1>
      %mul3A_642 = arith.constant 784 : i32
      %mul3A_643 = arith.muli %add3A_44, %mul3A_642 : i32
      %add3A_644 = arith.constant 176 : i32
      %add3A_645 = arith.addi %mul3A_643, %add3A_644 : i32
      %broadcast_in_dim3A_646 = vector.broadcast %add3A_645 : i32 to vector<16xi32>
      %add3A_647 = arith.addi %broadcast_in_dim3A_646, %iota3A : vector<16xi32>
      %broadcast_in_dim3A_648 = vector.broadcast %scan3A_43 : i32 to vector<16xi32>
      tpu.vector_store_idx %arg10[%broadcast_in_dim3A_648, %sub3A_637], %add3A_647 masked %and3A_641 : memref<32x48xi32, #tpu.memory_space<vmem>>[vector<16xi32>, vector<16xi32>], vector<16xi32>, vector<16xi1>
      %all_reduce_population_count3A_649 = tpu.all_reduce %and3A_641 {dim = 0 : i64, kind = #tpu.reduction_kind<sum>} : vector<16xi1> -> vector<16xi32>
      %add3A_650 = arith.addi %add3A_621, %all_reduce_population_count3A_649 : vector<16xi32>
      %get3A_651 = arith.index_cast %scan3A_43 : i32 to index
      %get3A_652 = arith.constant 192 : index
      %get3A_653 = tpu.vector_load %arg7[%get3A_651, %get3A_652] {strides = array<i32>} : memref<32x896xf32, #tpu.memory_space<vmem>>, vector<16xf32>,
      %le3A_654 = arith.cmpf ole, %get3A_653, %scan3A_290#1 : vector<16xf32>
      %jit3A_655 = arith.constant 1 : i32
      %jit3A_656 = arith.constant 0 : i32
      %broadcast_in_dim3A_657 = vector.broadcast %jit3A_655 : i32 to vector<16xi32>
      %broadcast_in_dim3A_658 = vector.broadcast %jit3A_656 : i32 to vector<16xi32>
      %select_n3A_659 = arith.select %le3A_654, %broadcast_in_dim3A_657, %broadcast_in_dim3A_658 : vector<16xi1>, vector<16xi32>
      %broadcast_in_dim3A_660 = arith.constant true
      %broadcast_in_dim3A_661 = vector.broadcast %broadcast_in_dim3A_660 : i1 to vector<16xi1>
      %masked_cumsum3A_662 = tpu.scan <sum>, %select_n3A_659 masked %broadcast_in_dim3A_661 : vector<16xi32>, vector<16xi1> -> vector<16xi32>
      %add3A_663 = arith.addi %add3A_650, %masked_cumsum3A_662 : vector<16xi32>
      %sub3A_664 = arith.constant 1 : i32
      %sub3A_665 = vector.broadcast %sub3A_664 : i32 to vector<16xi32>
      %sub3A_666 = arith.subi %add3A_663, %sub3A_665 : vector<16xi32>
      %lt3A_667 = arith.constant 48 : i32
      %lt3A_668 = vector.broadcast %lt3A_667 : i32 to vector<16xi32>
      %lt3A_669 = arith.cmpi slt, %sub3A_666, %lt3A_668 : vector<16xi32>
      %and3A_670 = arith.andi %le3A_654, %lt3A_669 : vector<16xi1>
      %mul3A_671 = arith.constant 784 : i32
      %mul3A_672 = arith.muli %add3A_44, %mul3A_671 : i32
      %add3A_673 = arith.constant 192 : i32
      %add3A_674 = arith.addi %mul3A_672, %add3A_673 : i32
      %broadcast_in_dim3A_675 = vector.broadcast %add3A_674 : i32 to vector<16xi32>
      %add3A_676 = arith.addi %broadcast_in_dim3A_675, %iota3A : vector<16xi32>
      %broadcast_in_dim3A_677 = vector.broadcast %scan3A_43 : i32 to vector<16xi32>
      tpu.vector_store_idx %arg10[%broadcast_in_dim3A_677, %sub3A_666], %add3A_676 masked %and3A_670 : memref<32x48xi32, #tpu.memory_space<vmem>>[vector<16xi32>, vector<16xi32>], vector<16xi32>, vector<16xi1>
      %all_reduce_population_count3A_678 = tpu.all_reduce %and3A_670 {dim = 0 : i64, kind = #tpu.reduction_kind<sum>} : vector<16xi1> -> vector<16xi32>
      %add3A_679 = arith.addi %add3A_650, %all_reduce_population_count3A_678 : vector<16xi32>
      %get3A_680 = arith.index_cast %scan3A_43 : i32 to index
      %get3A_681 = arith.constant 208 : index
      %get3A_682 = tpu.vector_load %arg7[%get3A_680, %get3A_681] {strides = array<i32>} : memref<32x896xf32, #tpu.memory_space<vmem>>, vector<16xf32>,
      %le3A_683 = arith.cmpf ole, %get3A_682, %scan3A_290#1 : vector<16xf32>
      %jit3A_684 = arith.constant 1 : i32
      %jit3A_685 = arith.constant 0 : i32
      %broadcast_in_dim3A_686 = vector.broadcast %jit3A_684 : i32 to vector<16xi32>
      %broadcast_in_dim3A_687 = vector.broadcast %jit3A_685 : i32 to vector<16xi32>
      %select_n3A_688 = arith.select %le3A_683, %broadcast_in_dim3A_686, %broadcast_in_dim3A_687 : vector<16xi1>, vector<16xi32>
      %broadcast_in_dim3A_689 = arith.constant true
      %broadcast_in_dim3A_690 = vector.broadcast %broadcast_in_dim3A_689 : i1 to vector<16xi1>
      %masked_cumsum3A_691 = tpu.scan <sum>, %select_n3A_688 masked %broadcast_in_dim3A_690 : vector<16xi32>, vector<16xi1> -> vector<16xi32>
      %add3A_692 = arith.addi %add3A_679, %masked_cumsum3A_691 : vector<16xi32>
      %sub3A_693 = arith.constant 1 : i32
      %sub3A_694 = vector.broadcast %sub3A_693 : i32 to vector<16xi32>
      %sub3A_695 = arith.subi %add3A_692, %sub3A_694 : vector<16xi32>
      %lt3A_696 = arith.constant 48 : i32
      %lt3A_697 = vector.broadcast %lt3A_696 : i32 to vector<16xi32>
      %lt3A_698 = arith.cmpi slt, %sub3A_695, %lt3A_697 : vector<16xi32>
      %and3A_699 = arith.andi %le3A_683, %lt3A_698 : vector<16xi1>
      %mul3A_700 = arith.constant 784 : i32
      %mul3A_701 = arith.muli %add3A_44, %mul3A_700 : i32
      %add3A_702 = arith.constant 208 : i32
      %add3A_703 = arith.addi %mul3A_701, %add3A_702 : i32
      %broadcast_in_dim3A_704 = vector.broadcast %add3A_703 : i32 to vector<16xi32>
      %add3A_705 = arith.addi %broadcast_in_dim3A_704, %iota3A : vector<16xi32>
      %broadcast_in_dim3A_706 = vector.broadcast %scan3A_43 : i32 to vector<16xi32>
      tpu.vector_store_idx %arg10[%broadcast_in_dim3A_706, %sub3A_695], %add3A_705 masked %and3A_699 : memref<32x48xi32, #tpu.memory_space<vmem>>[vector<16xi32>, vector<16xi32>], vector<16xi32>, vector<16xi1>
      %all_reduce_population_count3A_707 = tpu.all_reduce %and3A_699 {dim = 0 : i64, kind = #tpu.reduction_kind<sum>} : vector<16xi1> -> vector<16xi32>
      %add3A_708 = arith.addi %add3A_679, %all_reduce_population_count3A_707 : vector<16xi32>
      %get3A_709 = arith.index_cast %scan3A_43 : i32 to index
      %get3A_710 = arith.constant 224 : index
      %get3A_711 = tpu.vector_load %arg7[%get3A_709, %get3A_710] {strides = array<i32>} : memref<32x896xf32, #tpu.memory_space<vmem>>, vector<16xf32>,
      %le3A_712 = arith.cmpf ole, %get3A_711, %scan3A_290#1 : vector<16xf32>
      %jit3A_713 = arith.constant 1 : i32
      %jit3A_714 = arith.constant 0 : i32
      %broadcast_in_dim3A_715 = vector.broadcast %jit3A_713 : i32 to vector<16xi32>
      %broadcast_in_dim3A_716 = vector.broadcast %jit3A_714 : i32 to vector<16xi32>
      %select_n3A_717 = arith.select %le3A_712, %broadcast_in_dim3A_715, %broadcast_in_dim3A_716 : vector<16xi1>, vector<16xi32>
      %broadcast_in_dim3A_718 = arith.constant true
      %broadcast_in_dim3A_719 = vector.broadcast %broadcast_in_dim3A_718 : i1 to vector<16xi1>
      %masked_cumsum3A_720 = tpu.scan <sum>, %select_n3A_717 masked %broadcast_in_dim3A_719 : vector<16xi32>, vector<16xi1> -> vector<16xi32>
      %add3A_721 = arith.addi %add3A_708, %masked_cumsum3A_720 : vector<16xi32>
      %sub3A_722 = arith.constant 1 : i32
      %sub3A_723 = vector.broadcast %sub3A_722 : i32 to vector<16xi32>
      %sub3A_724 = arith.subi %add3A_721, %sub3A_723 : vector<16xi32>
      %lt3A_725 = arith.constant 48 : i32
      %lt3A_726 = vector.broadcast %lt3A_725 : i32 to vector<16xi32>
      %lt3A_727 = arith.cmpi slt, %sub3A_724, %lt3A_726 : vector<16xi32>
      %and3A_728 = arith.andi %le3A_712, %lt3A_727 : vector<16xi1>
      %mul3A_729 = arith.constant 784 : i32
      %mul3A_730 = arith.muli %add3A_44, %mul3A_729 : i32
      %add3A_731 = arith.constant 224 : i32
      %add3A_732 = arith.addi %mul3A_730, %add3A_731 : i32
      %broadcast_in_dim3A_733 = vector.broadcast %add3A_732 : i32 to vector<16xi32>
      %add3A_734 = arith.addi %broadcast_in_dim3A_733, %iota3A : vector<16xi32>
      %broadcast_in_dim3A_735 = vector.broadcast %scan3A_43 : i32 to vector<16xi32>
      tpu.vector_store_idx %arg10[%broadcast_in_dim3A_735, %sub3A_724], %add3A_734 masked %and3A_728 : memref<32x48xi32, #tpu.memory_space<vmem>>[vector<16xi32>, vector<16xi32>], vector<16xi32>, vector<16xi1>
      %all_reduce_population_count3A_736 = tpu.all_reduce %and3A_728 {dim = 0 : i64, kind = #tpu.reduction_kind<sum>} : vector<16xi1> -> vector<16xi32>
      %add3A_737 = arith.addi %add3A_708, %all_reduce_population_count3A_736 : vector<16xi32>
      %get3A_738 = arith.index_cast %scan3A_43 : i32 to index
      %get3A_739 = arith.constant 240 : index
      %get3A_740 = tpu.vector_load %arg7[%get3A_738, %get3A_739] {strides = array<i32>} : memref<32x896xf32, #tpu.memory_space<vmem>>, vector<16xf32>,
      %le3A_741 = arith.cmpf ole, %get3A_740, %scan3A_290#1 : vector<16xf32>
      %jit3A_742 = arith.constant 1 : i32
      %jit3A_743 = arith.constant 0 : i32
      %broadcast_in_dim3A_744 = vector.broadcast %jit3A_742 : i32 to vector<16xi32>
      %broadcast_in_dim3A_745 = vector.broadcast %jit3A_743 : i32 to vector<16xi32>
      %select_n3A_746 = arith.select %le3A_741, %broadcast_in_dim3A_744, %broadcast_in_dim3A_745 : vector<16xi1>, vector<16xi32>
      %broadcast_in_dim3A_747 = arith.constant true
      %broadcast_in_dim3A_748 = vector.broadcast %broadcast_in_dim3A_747 : i1 to vector<16xi1>
      %masked_cumsum3A_749 = tpu.scan <sum>, %select_n3A_746 masked %broadcast_in_dim3A_748 : vector<16xi32>, vector<16xi1> -> vector<16xi32>
      %add3A_750 = arith.addi %add3A_737, %masked_cumsum3A_749 : vector<16xi32>
      %sub3A_751 = arith.constant 1 : i32
      %sub3A_752 = vector.broadcast %sub3A_751 : i32 to vector<16xi32>
      %sub3A_753 = arith.subi %add3A_750, %sub3A_752 : vector<16xi32>
      %lt3A_754 = arith.constant 48 : i32
      %lt3A_755 = vector.broadcast %lt3A_754 : i32 to vector<16xi32>
      %lt3A_756 = arith.cmpi slt, %sub3A_753, %lt3A_755 : vector<16xi32>
      %and3A_757 = arith.andi %le3A_741, %lt3A_756 : vector<16xi1>
      %mul3A_758 = arith.constant 784 : i32
      %mul3A_759 = arith.muli %add3A_44, %mul3A_758 : i32
      %add3A_760 = arith.constant 240 : i32
      %add3A_761 = arith.addi %mul3A_759, %add3A_760 : i32
      %broadcast_in_dim3A_762 = vector.broadcast %add3A_761 : i32 to vector<16xi32>
      %add3A_763 = arith.addi %broadcast_in_dim3A_762, %iota3A : vector<16xi32>
      %broadcast_in_dim3A_764 = vector.broadcast %scan3A_43 : i32 to vector<16xi32>
      tpu.vector_store_idx %arg10[%broadcast_in_dim3A_764, %sub3A_753], %add3A_763 masked %and3A_757 : memref<32x48xi32, #tpu.memory_space<vmem>>[vector<16xi32>, vector<16xi32>], vector<16xi32>, vector<16xi1>
      %all_reduce_population_count3A_765 = tpu.all_reduce %and3A_757 {dim = 0 : i64, kind = #tpu.reduction_kind<sum>} : vector<16xi1> -> vector<16xi32>
      %add3A_766 = arith.addi %add3A_737, %all_reduce_population_count3A_765 : vector<16xi32>
      %get3A_767 = arith.index_cast %scan3A_43 : i32 to index
      %get3A_768 = arith.constant 256 : index
      %get3A_769 = tpu.vector_load %arg7[%get3A_767, %get3A_768] {strides = array<i32>} : memref<32x896xf32, #tpu.memory_space<vmem>>, vector<16xf32>,
      %le3A_770 = arith.cmpf ole, %get3A_769, %scan3A_290#1 : vector<16xf32>
      %jit3A_771 = arith.constant 1 : i32
      %jit3A_772 = arith.constant 0 : i32
      %broadcast_in_dim3A_773 = vector.broadcast %jit3A_771 : i32 to vector<16xi32>
      %broadcast_in_dim3A_774 = vector.broadcast %jit3A_772 : i32 to vector<16xi32>
      %select_n3A_775 = arith.select %le3A_770, %broadcast_in_dim3A_773, %broadcast_in_dim3A_774 : vector<16xi1>, vector<16xi32>
      %broadcast_in_dim3A_776 = arith.constant true
      %broadcast_in_dim3A_777 = vector.broadcast %broadcast_in_dim3A_776 : i1 to vector<16xi1>
      %masked_cumsum3A_778 = tpu.scan <sum>, %select_n3A_775 masked %broadcast_in_dim3A_777 : vector<16xi32>, vector<16xi1> -> vector<16xi32>
      %add3A_779 = arith.addi %add3A_766, %masked_cumsum3A_778 : vector<16xi32>
      %sub3A_780 = arith.constant 1 : i32
      %sub3A_781 = vector.broadcast %sub3A_780 : i32 to vector<16xi32>
      %sub3A_782 = arith.subi %add3A_779, %sub3A_781 : vector<16xi32>
      %lt3A_783 = arith.constant 48 : i32
      %lt3A_784 = vector.broadcast %lt3A_783 : i32 to vector<16xi32>
      %lt3A_785 = arith.cmpi slt, %sub3A_782, %lt3A_784 : vector<16xi32>
      %and3A_786 = arith.andi %le3A_770, %lt3A_785 : vector<16xi1>
      %mul3A_787 = arith.constant 784 : i32
      %mul3A_788 = arith.muli %add3A_44, %mul3A_787 : i32
      %add3A_789 = arith.constant 256 : i32
      %add3A_790 = arith.addi %mul3A_788, %add3A_789 : i32
      %broadcast_in_dim3A_791 = vector.broadcast %add3A_790 : i32 to vector<16xi32>
      %add3A_792 = arith.addi %broadcast_in_dim3A_791, %iota3A : vector<16xi32>
      %broadcast_in_dim3A_793 = vector.broadcast %scan3A_43 : i32 to vector<16xi32>
      tpu.vector_store_idx %arg10[%broadcast_in_dim3A_793, %sub3A_782], %add3A_792 masked %and3A_786 : memref<32x48xi32, #tpu.memory_space<vmem>>[vector<16xi32>, vector<16xi32>], vector<16xi32>, vector<16xi1>
      %all_reduce_population_count3A_794 = tpu.all_reduce %and3A_786 {dim = 0 : i64, kind = #tpu.reduction_kind<sum>} : vector<16xi1> -> vector<16xi32>
      %add3A_795 = arith.addi %add3A_766, %all_reduce_population_count3A_794 : vector<16xi32>
      %get3A_796 = arith.index_cast %scan3A_43 : i32 to index
      %get3A_797 = arith.constant 272 : index
      %get3A_798 = tpu.vector_load %arg7[%get3A_796, %get3A_797] {strides = array<i32>} : memref<32x896xf32, #tpu.memory_space<vmem>>, vector<16xf32>,
      %le3A_799 = arith.cmpf ole, %get3A_798, %scan3A_290#1 : vector<16xf32>
      %jit3A_800 = arith.constant 1 : i32
      %jit3A_801 = arith.constant 0 : i32
      %broadcast_in_dim3A_802 = vector.broadcast %jit3A_800 : i32 to vector<16xi32>
      %broadcast_in_dim3A_803 = vector.broadcast %jit3A_801 : i32 to vector<16xi32>
      %select_n3A_804 = arith.select %le3A_799, %broadcast_in_dim3A_802, %broadcast_in_dim3A_803 : vector<16xi1>, vector<16xi32>
      %broadcast_in_dim3A_805 = arith.constant true
      %broadcast_in_dim3A_806 = vector.broadcast %broadcast_in_dim3A_805 : i1 to vector<16xi1>
      %masked_cumsum3A_807 = tpu.scan <sum>, %select_n3A_804 masked %broadcast_in_dim3A_806 : vector<16xi32>, vector<16xi1> -> vector<16xi32>
      %add3A_808 = arith.addi %add3A_795, %masked_cumsum3A_807 : vector<16xi32>
      %sub3A_809 = arith.constant 1 : i32
      %sub3A_810 = vector.broadcast %sub3A_809 : i32 to vector<16xi32>
      %sub3A_811 = arith.subi %add3A_808, %sub3A_810 : vector<16xi32>
      %lt3A_812 = arith.constant 48 : i32
      %lt3A_813 = vector.broadcast %lt3A_812 : i32 to vector<16xi32>
      %lt3A_814 = arith.cmpi slt, %sub3A_811, %lt3A_813 : vector<16xi32>
      %and3A_815 = arith.andi %le3A_799, %lt3A_814 : vector<16xi1>
      %mul3A_816 = arith.constant 784 : i32
      %mul3A_817 = arith.muli %add3A_44, %mul3A_816 : i32
      %add3A_818 = arith.constant 272 : i32
      %add3A_819 = arith.addi %mul3A_817, %add3A_818 : i32
      %broadcast_in_dim3A_820 = vector.broadcast %add3A_819 : i32 to vector<16xi32>
      %add3A_821 = arith.addi %broadcast_in_dim3A_820, %iota3A : vector<16xi32>
      %broadcast_in_dim3A_822 = vector.broadcast %scan3A_43 : i32 to vector<16xi32>
      tpu.vector_store_idx %arg10[%broadcast_in_dim3A_822, %sub3A_811], %add3A_821 masked %and3A_815 : memref<32x48xi32, #tpu.memory_space<vmem>>[vector<16xi32>, vector<16xi32>], vector<16xi32>, vector<16xi1>
      %all_reduce_population_count3A_823 = tpu.all_reduce %and3A_815 {dim = 0 : i64, kind = #tpu.reduction_kind<sum>} : vector<16xi1> -> vector<16xi32>
      %add3A_824 = arith.addi %add3A_795, %all_reduce_population_count3A_823 : vector<16xi32>
      %get3A_825 = arith.index_cast %scan3A_43 : i32 to index
      %get3A_826 = arith.constant 288 : index
      %get3A_827 = tpu.vector_load %arg7[%get3A_825, %get3A_826] {strides = array<i32>} : memref<32x896xf32, #tpu.memory_space<vmem>>, vector<16xf32>,
      %le3A_828 = arith.cmpf ole, %get3A_827, %scan3A_290#1 : vector<16xf32>
      %jit3A_829 = arith.constant 1 : i32
      %jit3A_830 = arith.constant 0 : i32
      %broadcast_in_dim3A_831 = vector.broadcast %jit3A_829 : i32 to vector<16xi32>
      %broadcast_in_dim3A_832 = vector.broadcast %jit3A_830 : i32 to vector<16xi32>
      %select_n3A_833 = arith.select %le3A_828, %broadcast_in_dim3A_831, %broadcast_in_dim3A_832 : vector<16xi1>, vector<16xi32>
      %broadcast_in_dim3A_834 = arith.constant true
      %broadcast_in_dim3A_835 = vector.broadcast %broadcast_in_dim3A_834 : i1 to vector<16xi1>
      %masked_cumsum3A_836 = tpu.scan <sum>, %select_n3A_833 masked %broadcast_in_dim3A_835 : vector<16xi32>, vector<16xi1> -> vector<16xi32>
      %add3A_837 = arith.addi %add3A_824, %masked_cumsum3A_836 : vector<16xi32>
      %sub3A_838 = arith.constant 1 : i32
      %sub3A_839 = vector.broadcast %sub3A_838 : i32 to vector<16xi32>
      %sub3A_840 = arith.subi %add3A_837, %sub3A_839 : vector<16xi32>
      %lt3A_841 = arith.constant 48 : i32
      %lt3A_842 = vector.broadcast %lt3A_841 : i32 to vector<16xi32>
      %lt3A_843 = arith.cmpi slt, %sub3A_840, %lt3A_842 : vector<16xi32>
      %and3A_844 = arith.andi %le3A_828, %lt3A_843 : vector<16xi1>
      %mul3A_845 = arith.constant 784 : i32
      %mul3A_846 = arith.muli %add3A_44, %mul3A_845 : i32
      %add3A_847 = arith.constant 288 : i32
      %add3A_848 = arith.addi %mul3A_846, %add3A_847 : i32
      %broadcast_in_dim3A_849 = vector.broadcast %add3A_848 : i32 to vector<16xi32>
      %add3A_850 = arith.addi %broadcast_in_dim3A_849, %iota3A : vector<16xi32>
      %broadcast_in_dim3A_851 = vector.broadcast %scan3A_43 : i32 to vector<16xi32>
      tpu.vector_store_idx %arg10[%broadcast_in_dim3A_851, %sub3A_840], %add3A_850 masked %and3A_844 : memref<32x48xi32, #tpu.memory_space<vmem>>[vector<16xi32>, vector<16xi32>], vector<16xi32>, vector<16xi1>
      %all_reduce_population_count3A_852 = tpu.all_reduce %and3A_844 {dim = 0 : i64, kind = #tpu.reduction_kind<sum>} : vector<16xi1> -> vector<16xi32>
      %add3A_853 = arith.addi %add3A_824, %all_reduce_population_count3A_852 : vector<16xi32>
      %get3A_854 = arith.index_cast %scan3A_43 : i32 to index
      %get3A_855 = arith.constant 304 : index
      %get3A_856 = tpu.vector_load %arg7[%get3A_854, %get3A_855] {strides = array<i32>} : memref<32x896xf32, #tpu.memory_space<vmem>>, vector<16xf32>,
      %le3A_857 = arith.cmpf ole, %get3A_856, %scan3A_290#1 : vector<16xf32>
      %jit3A_858 = arith.constant 1 : i32
      %jit3A_859 = arith.constant 0 : i32
      %broadcast_in_dim3A_860 = vector.broadcast %jit3A_858 : i32 to vector<16xi32>
      %broadcast_in_dim3A_861 = vector.broadcast %jit3A_859 : i32 to vector<16xi32>
      %select_n3A_862 = arith.select %le3A_857, %broadcast_in_dim3A_860, %broadcast_in_dim3A_861 : vector<16xi1>, vector<16xi32>
      %broadcast_in_dim3A_863 = arith.constant true
      %broadcast_in_dim3A_864 = vector.broadcast %broadcast_in_dim3A_863 : i1 to vector<16xi1>
      %masked_cumsum3A_865 = tpu.scan <sum>, %select_n3A_862 masked %broadcast_in_dim3A_864 : vector<16xi32>, vector<16xi1> -> vector<16xi32>
      %add3A_866 = arith.addi %add3A_853, %masked_cumsum3A_865 : vector<16xi32>
      %sub3A_867 = arith.constant 1 : i32
      %sub3A_868 = vector.broadcast %sub3A_867 : i32 to vector<16xi32>
      %sub3A_869 = arith.subi %add3A_866, %sub3A_868 : vector<16xi32>
      %lt3A_870 = arith.constant 48 : i32
      %lt3A_871 = vector.broadcast %lt3A_870 : i32 to vector<16xi32>
      %lt3A_872 = arith.cmpi slt, %sub3A_869, %lt3A_871 : vector<16xi32>
      %and3A_873 = arith.andi %le3A_857, %lt3A_872 : vector<16xi1>
      %mul3A_874 = arith.constant 784 : i32
      %mul3A_875 = arith.muli %add3A_44, %mul3A_874 : i32
      %add3A_876 = arith.constant 304 : i32
      %add3A_877 = arith.addi %mul3A_875, %add3A_876 : i32
      %broadcast_in_dim3A_878 = vector.broadcast %add3A_877 : i32 to vector<16xi32>
      %add3A_879 = arith.addi %broadcast_in_dim3A_878, %iota3A : vector<16xi32>
      %broadcast_in_dim3A_880 = vector.broadcast %scan3A_43 : i32 to vector<16xi32>
      tpu.vector_store_idx %arg10[%broadcast_in_dim3A_880, %sub3A_869], %add3A_879 masked %and3A_873 : memref<32x48xi32, #tpu.memory_space<vmem>>[vector<16xi32>, vector<16xi32>], vector<16xi32>, vector<16xi1>
      %all_reduce_population_count3A_881 = tpu.all_reduce %and3A_873 {dim = 0 : i64, kind = #tpu.reduction_kind<sum>} : vector<16xi1> -> vector<16xi32>
      %add3A_882 = arith.addi %add3A_853, %all_reduce_population_count3A_881 : vector<16xi32>
      %get3A_883 = arith.index_cast %scan3A_43 : i32 to index
      %get3A_884 = arith.constant 320 : index
      %get3A_885 = tpu.vector_load %arg7[%get3A_883, %get3A_884] {strides = array<i32>} : memref<32x896xf32, #tpu.memory_space<vmem>>, vector<16xf32>,
      %le3A_886 = arith.cmpf ole, %get3A_885, %scan3A_290#1 : vector<16xf32>
      %jit3A_887 = arith.constant 1 : i32
      %jit3A_888 = arith.constant 0 : i32
      %broadcast_in_dim3A_889 = vector.broadcast %jit3A_887 : i32 to vector<16xi32>
      %broadcast_in_dim3A_890 = vector.broadcast %jit3A_888 : i32 to vector<16xi32>
      %select_n3A_891 = arith.select %le3A_886, %broadcast_in_dim3A_889, %broadcast_in_dim3A_890 : vector<16xi1>, vector<16xi32>
      %broadcast_in_dim3A_892 = arith.constant true
      %broadcast_in_dim3A_893 = vector.broadcast %broadcast_in_dim3A_892 : i1 to vector<16xi1>
      %masked_cumsum3A_894 = tpu.scan <sum>, %select_n3A_891 masked %broadcast_in_dim3A_893 : vector<16xi32>, vector<16xi1> -> vector<16xi32>
      %add3A_895 = arith.addi %add3A_882, %masked_cumsum3A_894 : vector<16xi32>
      %sub3A_896 = arith.constant 1 : i32
      %sub3A_897 = vector.broadcast %sub3A_896 : i32 to vector<16xi32>
      %sub3A_898 = arith.subi %add3A_895, %sub3A_897 : vector<16xi32>
      %lt3A_899 = arith.constant 48 : i32
      %lt3A_900 = vector.broadcast %lt3A_899 : i32 to vector<16xi32>
      %lt3A_901 = arith.cmpi slt, %sub3A_898, %lt3A_900 : vector<16xi32>
      %and3A_902 = arith.andi %le3A_886, %lt3A_901 : vector<16xi1>
      %mul3A_903 = arith.constant 784 : i32
      %mul3A_904 = arith.muli %add3A_44, %mul3A_903 : i32
      %add3A_905 = arith.constant 320 : i32
      %add3A_906 = arith.addi %mul3A_904, %add3A_905 : i32
      %broadcast_in_dim3A_907 = vector.broadcast %add3A_906 : i32 to vector<16xi32>
      %add3A_908 = arith.addi %broadcast_in_dim3A_907, %iota3A : vector<16xi32>
      %broadcast_in_dim3A_909 = vector.broadcast %scan3A_43 : i32 to vector<16xi32>
      tpu.vector_store_idx %arg10[%broadcast_in_dim3A_909, %sub3A_898], %add3A_908 masked %and3A_902 : memref<32x48xi32, #tpu.memory_space<vmem>>[vector<16xi32>, vector<16xi32>], vector<16xi32>, vector<16xi1>
      %all_reduce_population_count3A_910 = tpu.all_reduce %and3A_902 {dim = 0 : i64, kind = #tpu.reduction_kind<sum>} : vector<16xi1> -> vector<16xi32>
      %add3A_911 = arith.addi %add3A_882, %all_reduce_population_count3A_910 : vector<16xi32>
      %get3A_912 = arith.index_cast %scan3A_43 : i32 to index
      %get3A_913 = arith.constant 336 : index
      %get3A_914 = tpu.vector_load %arg7[%get3A_912, %get3A_913] {strides = array<i32>} : memref<32x896xf32, #tpu.memory_space<vmem>>, vector<16xf32>,
      %le3A_915 = arith.cmpf ole, %get3A_914, %scan3A_290#1 : vector<16xf32>
      %jit3A_916 = arith.constant 1 : i32
      %jit3A_917 = arith.constant 0 : i32
      %broadcast_in_dim3A_918 = vector.broadcast %jit3A_916 : i32 to vector<16xi32>
      %broadcast_in_dim3A_919 = vector.broadcast %jit3A_917 : i32 to vector<16xi32>
      %select_n3A_920 = arith.select %le3A_915, %broadcast_in_dim3A_918, %broadcast_in_dim3A_919 : vector<16xi1>, vector<16xi32>
      %broadcast_in_dim3A_921 = arith.constant true
      %broadcast_in_dim3A_922 = vector.broadcast %broadcast_in_dim3A_921 : i1 to vector<16xi1>
      %masked_cumsum3A_923 = tpu.scan <sum>, %select_n3A_920 masked %broadcast_in_dim3A_922 : vector<16xi32>, vector<16xi1> -> vector<16xi32>
      %add3A_924 = arith.addi %add3A_911, %masked_cumsum3A_923 : vector<16xi32>
      %sub3A_925 = arith.constant 1 : i32
      %sub3A_926 = vector.broadcast %sub3A_925 : i32 to vector<16xi32>
      %sub3A_927 = arith.subi %add3A_924, %sub3A_926 : vector<16xi32>
      %lt3A_928 = arith.constant 48 : i32
      %lt3A_929 = vector.broadcast %lt3A_928 : i32 to vector<16xi32>
      %lt3A_930 = arith.cmpi slt, %sub3A_927, %lt3A_929 : vector<16xi32>
      %and3A_931 = arith.andi %le3A_915, %lt3A_930 : vector<16xi1>
      %mul3A_932 = arith.constant 784 : i32
      %mul3A_933 = arith.muli %add3A_44, %mul3A_932 : i32
      %add3A_934 = arith.constant 336 : i32
      %add3A_935 = arith.addi %mul3A_933, %add3A_934 : i32
      %broadcast_in_dim3A_936 = vector.broadcast %add3A_935 : i32 to vector<16xi32>
      %add3A_937 = arith.addi %broadcast_in_dim3A_936, %iota3A : vector<16xi32>
      %broadcast_in_dim3A_938 = vector.broadcast %scan3A_43 : i32 to vector<16xi32>
      tpu.vector_store_idx %arg10[%broadcast_in_dim3A_938, %sub3A_927], %add3A_937 masked %and3A_931 : memref<32x48xi32, #tpu.memory_space<vmem>>[vector<16xi32>, vector<16xi32>], vector<16xi32>, vector<16xi1>
      %all_reduce_population_count3A_939 = tpu.all_reduce %and3A_931 {dim = 0 : i64, kind = #tpu.reduction_kind<sum>} : vector<16xi1> -> vector<16xi32>
      %add3A_940 = arith.addi %add3A_911, %all_reduce_population_count3A_939 : vector<16xi32>
      %get3A_941 = arith.index_cast %scan3A_43 : i32 to index
      %get3A_942 = arith.constant 352 : index
      %get3A_943 = tpu.vector_load %arg7[%get3A_941, %get3A_942] {strides = array<i32>} : memref<32x896xf32, #tpu.memory_space<vmem>>, vector<16xf32>,
      %le3A_944 = arith.cmpf ole, %get3A_943, %scan3A_290#1 : vector<16xf32>
      %jit3A_945 = arith.constant 1 : i32
      %jit3A_946 = arith.constant 0 : i32
      %broadcast_in_dim3A_947 = vector.broadcast %jit3A_945 : i32 to vector<16xi32>
      %broadcast_in_dim3A_948 = vector.broadcast %jit3A_946 : i32 to vector<16xi32>
      %select_n3A_949 = arith.select %le3A_944, %broadcast_in_dim3A_947, %broadcast_in_dim3A_948 : vector<16xi1>, vector<16xi32>
      %broadcast_in_dim3A_950 = arith.constant true
      %broadcast_in_dim3A_951 = vector.broadcast %broadcast_in_dim3A_950 : i1 to vector<16xi1>
      %masked_cumsum3A_952 = tpu.scan <sum>, %select_n3A_949 masked %broadcast_in_dim3A_951 : vector<16xi32>, vector<16xi1> -> vector<16xi32>
      %add3A_953 = arith.addi %add3A_940, %masked_cumsum3A_952 : vector<16xi32>
      %sub3A_954 = arith.constant 1 : i32
      %sub3A_955 = vector.broadcast %sub3A_954 : i32 to vector<16xi32>
      %sub3A_956 = arith.subi %add3A_953, %sub3A_955 : vector<16xi32>
      %lt3A_957 = arith.constant 48 : i32
      %lt3A_958 = vector.broadcast %lt3A_957 : i32 to vector<16xi32>
      %lt3A_959 = arith.cmpi slt, %sub3A_956, %lt3A_958 : vector<16xi32>
      %and3A_960 = arith.andi %le3A_944, %lt3A_959 : vector<16xi1>
      %mul3A_961 = arith.constant 784 : i32
      %mul3A_962 = arith.muli %add3A_44, %mul3A_961 : i32
      %add3A_963 = arith.constant 352 : i32
      %add3A_964 = arith.addi %mul3A_962, %add3A_963 : i32
      %broadcast_in_dim3A_965 = vector.broadcast %add3A_964 : i32 to vector<16xi32>
      %add3A_966 = arith.addi %broadcast_in_dim3A_965, %iota3A : vector<16xi32>
      %broadcast_in_dim3A_967 = vector.broadcast %scan3A_43 : i32 to vector<16xi32>
      tpu.vector_store_idx %arg10[%broadcast_in_dim3A_967, %sub3A_956], %add3A_966 masked %and3A_960 : memref<32x48xi32, #tpu.memory_space<vmem>>[vector<16xi32>, vector<16xi32>], vector<16xi32>, vector<16xi1>
      %all_reduce_population_count3A_968 = tpu.all_reduce %and3A_960 {dim = 0 : i64, kind = #tpu.reduction_kind<sum>} : vector<16xi1> -> vector<16xi32>
      %add3A_969 = arith.addi %add3A_940, %all_reduce_population_count3A_968 : vector<16xi32>
      %get3A_970 = arith.index_cast %scan3A_43 : i32 to index
      %get3A_971 = arith.constant 368 : index
      %get3A_972 = tpu.vector_load %arg7[%get3A_970, %get3A_971] {strides = array<i32>} : memref<32x896xf32, #tpu.memory_space<vmem>>, vector<16xf32>,
      %le3A_973 = arith.cmpf ole, %get3A_972, %scan3A_290#1 : vector<16xf32>
      %jit3A_974 = arith.constant 1 : i32
      %jit3A_975 = arith.constant 0 : i32
      %broadcast_in_dim3A_976 = vector.broadcast %jit3A_974 : i32 to vector<16xi32>
      %broadcast_in_dim3A_977 = vector.broadcast %jit3A_975 : i32 to vector<16xi32>
      %select_n3A_978 = arith.select %le3A_973, %broadcast_in_dim3A_976, %broadcast_in_dim3A_977 : vector<16xi1>, vector<16xi32>
      %broadcast_in_dim3A_979 = arith.constant true
      %broadcast_in_dim3A_980 = vector.broadcast %broadcast_in_dim3A_979 : i1 to vector<16xi1>
      %masked_cumsum3A_981 = tpu.scan <sum>, %select_n3A_978 masked %broadcast_in_dim3A_980 : vector<16xi32>, vector<16xi1> -> vector<16xi32>
      %add3A_982 = arith.addi %add3A_969, %masked_cumsum3A_981 : vector<16xi32>
      %sub3A_983 = arith.constant 1 : i32
      %sub3A_984 = vector.broadcast %sub3A_983 : i32 to vector<16xi32>
      %sub3A_985 = arith.subi %add3A_982, %sub3A_984 : vector<16xi32>
      %lt3A_986 = arith.constant 48 : i32
      %lt3A_987 = vector.broadcast %lt3A_986 : i32 to vector<16xi32>
      %lt3A_988 = arith.cmpi slt, %sub3A_985, %lt3A_987 : vector<16xi32>
      %and3A_989 = arith.andi %le3A_973, %lt3A_988 : vector<16xi1>
      %mul3A_990 = arith.constant 784 : i32
      %mul3A_991 = arith.muli %add3A_44, %mul3A_990 : i32
      %add3A_992 = arith.constant 368 : i32
      %add3A_993 = arith.addi %mul3A_991, %add3A_992 : i32
      %broadcast_in_dim3A_994 = vector.broadcast %add3A_993 : i32 to vector<16xi32>
      %add3A_995 = arith.addi %broadcast_in_dim3A_994, %iota3A : vector<16xi32>
      %broadcast_in_dim3A_996 = vector.broadcast %scan3A_43 : i32 to vector<16xi32>
      tpu.vector_store_idx %arg10[%broadcast_in_dim3A_996, %sub3A_985], %add3A_995 masked %and3A_989 : memref<32x48xi32, #tpu.memory_space<vmem>>[vector<16xi32>, vector<16xi32>], vector<16xi32>, vector<16xi1>
      %all_reduce_population_count3A_997 = tpu.all_reduce %and3A_989 {dim = 0 : i64, kind = #tpu.reduction_kind<sum>} : vector<16xi1> -> vector<16xi32>
      %add3A_998 = arith.addi %add3A_969, %all_reduce_population_count3A_997 : vector<16xi32>
      %get3A_999 = arith.index_cast %scan3A_43 : i32 to index
      %get3A_1000 = arith.constant 384 : index
      %get3A_1001 = tpu.vector_load %arg7[%get3A_999, %get3A_1000] {strides = array<i32>} : memref<32x896xf32, #tpu.memory_space<vmem>>, vector<16xf32>,
      %le3A_1002 = arith.cmpf ole, %get3A_1001, %scan3A_290#1 : vector<16xf32>
      %jit3A_1003 = arith.constant 1 : i32
      %jit3A_1004 = arith.constant 0 : i32
      %broadcast_in_dim3A_1005 = vector.broadcast %jit3A_1003 : i32 to vector<16xi32>
      %broadcast_in_dim3A_1006 = vector.broadcast %jit3A_1004 : i32 to vector<16xi32>
      %select_n3A_1007 = arith.select %le3A_1002, %broadcast_in_dim3A_1005, %broadcast_in_dim3A_1006 : vector<16xi1>, vector<16xi32>
      %broadcast_in_dim3A_1008 = arith.constant true
      %broadcast_in_dim3A_1009 = vector.broadcast %broadcast_in_dim3A_1008 : i1 to vector<16xi1>
      %masked_cumsum3A_1010 = tpu.scan <sum>, %select_n3A_1007 masked %broadcast_in_dim3A_1009 : vector<16xi32>, vector<16xi1> -> vector<16xi32>
      %add3A_1011 = arith.addi %add3A_998, %masked_cumsum3A_1010 : vector<16xi32>
      %sub3A_1012 = arith.constant 1 : i32
      %sub3A_1013 = vector.broadcast %sub3A_1012 : i32 to vector<16xi32>
      %sub3A_1014 = arith.subi %add3A_1011, %sub3A_1013 : vector<16xi32>
      %lt3A_1015 = arith.constant 48 : i32
      %lt3A_1016 = vector.broadcast %lt3A_1015 : i32 to vector<16xi32>
      %lt3A_1017 = arith.cmpi slt, %sub3A_1014, %lt3A_1016 : vector<16xi32>
      %and3A_1018 = arith.andi %le3A_1002, %lt3A_1017 : vector<16xi1>
      %mul3A_1019 = arith.constant 784 : i32
      %mul3A_1020 = arith.muli %add3A_44, %mul3A_1019 : i32
      %add3A_1021 = arith.constant 384 : i32
      %add3A_1022 = arith.addi %mul3A_1020, %add3A_1021 : i32
      %broadcast_in_dim3A_1023 = vector.broadcast %add3A_1022 : i32 to vector<16xi32>
      %add3A_1024 = arith.addi %broadcast_in_dim3A_1023, %iota3A : vector<16xi32>
      %broadcast_in_dim3A_1025 = vector.broadcast %scan3A_43 : i32 to vector<16xi32>
      tpu.vector_store_idx %arg10[%broadcast_in_dim3A_1025, %sub3A_1014], %add3A_1024 masked %and3A_1018 : memref<32x48xi32, #tpu.memory_space<vmem>>[vector<16xi32>, vector<16xi32>], vector<16xi32>, vector<16xi1>
      %all_reduce_population_count3A_1026 = tpu.all_reduce %and3A_1018 {dim = 0 : i64, kind = #tpu.reduction_kind<sum>} : vector<16xi1> -> vector<16xi32>
      %add3A_1027 = arith.addi %add3A_998, %all_reduce_population_count3A_1026 : vector<16xi32>
      %get3A_1028 = arith.index_cast %scan3A_43 : i32 to index
      %get3A_1029 = arith.constant 400 : index
      %get3A_1030 = tpu.vector_load %arg7[%get3A_1028, %get3A_1029] {strides = array<i32>} : memref<32x896xf32, #tpu.memory_space<vmem>>, vector<16xf32>,
      %le3A_1031 = arith.cmpf ole, %get3A_1030, %scan3A_290#1 : vector<16xf32>
      %jit3A_1032 = arith.constant 1 : i32
      %jit3A_1033 = arith.constant 0 : i32
      %broadcast_in_dim3A_1034 = vector.broadcast %jit3A_1032 : i32 to vector<16xi32>
      %broadcast_in_dim3A_1035 = vector.broadcast %jit3A_1033 : i32 to vector<16xi32>
      %select_n3A_1036 = arith.select %le3A_1031, %broadcast_in_dim3A_1034, %broadcast_in_dim3A_1035 : vector<16xi1>, vector<16xi32>
      %broadcast_in_dim3A_1037 = arith.constant true
      %broadcast_in_dim3A_1038 = vector.broadcast %broadcast_in_dim3A_1037 : i1 to vector<16xi1>
      %masked_cumsum3A_1039 = tpu.scan <sum>, %select_n3A_1036 masked %broadcast_in_dim3A_1038 : vector<16xi32>, vector<16xi1> -> vector<16xi32>
      %add3A_1040 = arith.addi %add3A_1027, %masked_cumsum3A_1039 : vector<16xi32>
      %sub3A_1041 = arith.constant 1 : i32
      %sub3A_1042 = vector.broadcast %sub3A_1041 : i32 to vector<16xi32>
      %sub3A_1043 = arith.subi %add3A_1040, %sub3A_1042 : vector<16xi32>
      %lt3A_1044 = arith.constant 48 : i32
      %lt3A_1045 = vector.broadcast %lt3A_1044 : i32 to vector<16xi32>
      %lt3A_1046 = arith.cmpi slt, %sub3A_1043, %lt3A_1045 : vector<16xi32>
      %and3A_1047 = arith.andi %le3A_1031, %lt3A_1046 : vector<16xi1>
      %mul3A_1048 = arith.constant 784 : i32
      %mul3A_1049 = arith.muli %add3A_44, %mul3A_1048 : i32
      %add3A_1050 = arith.constant 400 : i32
      %add3A_1051 = arith.addi %mul3A_1049, %add3A_1050 : i32
      %broadcast_in_dim3A_1052 = vector.broadcast %add3A_1051 : i32 to vector<16xi32>
      %add3A_1053 = arith.addi %broadcast_in_dim3A_1052, %iota3A : vector<16xi32>
      %broadcast_in_dim3A_1054 = vector.broadcast %scan3A_43 : i32 to vector<16xi32>
      tpu.vector_store_idx %arg10[%broadcast_in_dim3A_1054, %sub3A_1043], %add3A_1053 masked %and3A_1047 : memref<32x48xi32, #tpu.memory_space<vmem>>[vector<16xi32>, vector<16xi32>], vector<16xi32>, vector<16xi1>
      %all_reduce_population_count3A_1055 = tpu.all_reduce %and3A_1047 {dim = 0 : i64, kind = #tpu.reduction_kind<sum>} : vector<16xi1> -> vector<16xi32>
      %add3A_1056 = arith.addi %add3A_1027, %all_reduce_population_count3A_1055 : vector<16xi32>
      %get3A_1057 = arith.index_cast %scan3A_43 : i32 to index
      %get3A_1058 = arith.constant 416 : index
      %get3A_1059 = tpu.vector_load %arg7[%get3A_1057, %get3A_1058] {strides = array<i32>} : memref<32x896xf32, #tpu.memory_space<vmem>>, vector<16xf32>,
      %le3A_1060 = arith.cmpf ole, %get3A_1059, %scan3A_290#1 : vector<16xf32>
      %jit3A_1061 = arith.constant 1 : i32
      %jit3A_1062 = arith.constant 0 : i32
      %broadcast_in_dim3A_1063 = vector.broadcast %jit3A_1061 : i32 to vector<16xi32>
      %broadcast_in_dim3A_1064 = vector.broadcast %jit3A_1062 : i32 to vector<16xi32>
      %select_n3A_1065 = arith.select %le3A_1060, %broadcast_in_dim3A_1063, %broadcast_in_dim3A_1064 : vector<16xi1>, vector<16xi32>
      %broadcast_in_dim3A_1066 = arith.constant true
      %broadcast_in_dim3A_1067 = vector.broadcast %broadcast_in_dim3A_1066 : i1 to vector<16xi1>
      %masked_cumsum3A_1068 = tpu.scan <sum>, %select_n3A_1065 masked %broadcast_in_dim3A_1067 : vector<16xi32>, vector<16xi1> -> vector<16xi32>
      %add3A_1069 = arith.addi %add3A_1056, %masked_cumsum3A_1068 : vector<16xi32>
      %sub3A_1070 = arith.constant 1 : i32
      %sub3A_1071 = vector.broadcast %sub3A_1070 : i32 to vector<16xi32>
      %sub3A_1072 = arith.subi %add3A_1069, %sub3A_1071 : vector<16xi32>
      %lt3A_1073 = arith.constant 48 : i32
      %lt3A_1074 = vector.broadcast %lt3A_1073 : i32 to vector<16xi32>
      %lt3A_1075 = arith.cmpi slt, %sub3A_1072, %lt3A_1074 : vector<16xi32>
      %and3A_1076 = arith.andi %le3A_1060, %lt3A_1075 : vector<16xi1>
      %mul3A_1077 = arith.constant 784 : i32
      %mul3A_1078 = arith.muli %add3A_44, %mul3A_1077 : i32
      %add3A_1079 = arith.constant 416 : i32
      %add3A_1080 = arith.addi %mul3A_1078, %add3A_1079 : i32
      %broadcast_in_dim3A_1081 = vector.broadcast %add3A_1080 : i32 to vector<16xi32>
      %add3A_1082 = arith.addi %broadcast_in_dim3A_1081, %iota3A : vector<16xi32>
      %broadcast_in_dim3A_1083 = vector.broadcast %scan3A_43 : i32 to vector<16xi32>
      tpu.vector_store_idx %arg10[%broadcast_in_dim3A_1083, %sub3A_1072], %add3A_1082 masked %and3A_1076 : memref<32x48xi32, #tpu.memory_space<vmem>>[vector<16xi32>, vector<16xi32>], vector<16xi32>, vector<16xi1>
      %all_reduce_population_count3A_1084 = tpu.all_reduce %and3A_1076 {dim = 0 : i64, kind = #tpu.reduction_kind<sum>} : vector<16xi1> -> vector<16xi32>
      %add3A_1085 = arith.addi %add3A_1056, %all_reduce_population_count3A_1084 : vector<16xi32>
      %get3A_1086 = arith.index_cast %scan3A_43 : i32 to index
      %get3A_1087 = arith.constant 432 : index
      %get3A_1088 = tpu.vector_load %arg7[%get3A_1086, %get3A_1087] {strides = array<i32>} : memref<32x896xf32, #tpu.memory_space<vmem>>, vector<16xf32>,
      %le3A_1089 = arith.cmpf ole, %get3A_1088, %scan3A_290#1 : vector<16xf32>
      %jit3A_1090 = arith.constant 1 : i32
      %jit3A_1091 = arith.constant 0 : i32
      %broadcast_in_dim3A_1092 = vector.broadcast %jit3A_1090 : i32 to vector<16xi32>
      %broadcast_in_dim3A_1093 = vector.broadcast %jit3A_1091 : i32 to vector<16xi32>
      %select_n3A_1094 = arith.select %le3A_1089, %broadcast_in_dim3A_1092, %broadcast_in_dim3A_1093 : vector<16xi1>, vector<16xi32>
      %broadcast_in_dim3A_1095 = arith.constant true
      %broadcast_in_dim3A_1096 = vector.broadcast %broadcast_in_dim3A_1095 : i1 to vector<16xi1>
      %masked_cumsum3A_1097 = tpu.scan <sum>, %select_n3A_1094 masked %broadcast_in_dim3A_1096 : vector<16xi32>, vector<16xi1> -> vector<16xi32>
      %add3A_1098 = arith.addi %add3A_1085, %masked_cumsum3A_1097 : vector<16xi32>
      %sub3A_1099 = arith.constant 1 : i32
      %sub3A_1100 = vector.broadcast %sub3A_1099 : i32 to vector<16xi32>
      %sub3A_1101 = arith.subi %add3A_1098, %sub3A_1100 : vector<16xi32>
      %lt3A_1102 = arith.constant 48 : i32
      %lt3A_1103 = vector.broadcast %lt3A_1102 : i32 to vector<16xi32>
      %lt3A_1104 = arith.cmpi slt, %sub3A_1101, %lt3A_1103 : vector<16xi32>
      %and3A_1105 = arith.andi %le3A_1089, %lt3A_1104 : vector<16xi1>
      %mul3A_1106 = arith.constant 784 : i32
      %mul3A_1107 = arith.muli %add3A_44, %mul3A_1106 : i32
      %add3A_1108 = arith.constant 432 : i32
      %add3A_1109 = arith.addi %mul3A_1107, %add3A_1108 : i32
      %broadcast_in_dim3A_1110 = vector.broadcast %add3A_1109 : i32 to vector<16xi32>
      %add3A_1111 = arith.addi %broadcast_in_dim3A_1110, %iota3A : vector<16xi32>
      %broadcast_in_dim3A_1112 = vector.broadcast %scan3A_43 : i32 to vector<16xi32>
      tpu.vector_store_idx %arg10[%broadcast_in_dim3A_1112, %sub3A_1101], %add3A_1111 masked %and3A_1105 : memref<32x48xi32, #tpu.memory_space<vmem>>[vector<16xi32>, vector<16xi32>], vector<16xi32>, vector<16xi1>
      %all_reduce_population_count3A_1113 = tpu.all_reduce %and3A_1105 {dim = 0 : i64, kind = #tpu.reduction_kind<sum>} : vector<16xi1> -> vector<16xi32>
      %add3A_1114 = arith.addi %add3A_1085, %all_reduce_population_count3A_1113 : vector<16xi32>
      %get3A_1115 = arith.index_cast %scan3A_43 : i32 to index
      %get3A_1116 = arith.constant 448 : index
      %get3A_1117 = tpu.vector_load %arg7[%get3A_1115, %get3A_1116] {strides = array<i32>} : memref<32x896xf32, #tpu.memory_space<vmem>>, vector<16xf32>,
      %le3A_1118 = arith.cmpf ole, %get3A_1117, %scan3A_290#1 : vector<16xf32>
      %jit3A_1119 = arith.constant 1 : i32
      %jit3A_1120 = arith.constant 0 : i32
      %broadcast_in_dim3A_1121 = vector.broadcast %jit3A_1119 : i32 to vector<16xi32>
      %broadcast_in_dim3A_1122 = vector.broadcast %jit3A_1120 : i32 to vector<16xi32>
      %select_n3A_1123 = arith.select %le3A_1118, %broadcast_in_dim3A_1121, %broadcast_in_dim3A_1122 : vector<16xi1>, vector<16xi32>
      %broadcast_in_dim3A_1124 = arith.constant true
      %broadcast_in_dim3A_1125 = vector.broadcast %broadcast_in_dim3A_1124 : i1 to vector<16xi1>
      %masked_cumsum3A_1126 = tpu.scan <sum>, %select_n3A_1123 masked %broadcast_in_dim3A_1125 : vector<16xi32>, vector<16xi1> -> vector<16xi32>
      %add3A_1127 = arith.addi %add3A_1114, %masked_cumsum3A_1126 : vector<16xi32>
      %sub3A_1128 = arith.constant 1 : i32
      %sub3A_1129 = vector.broadcast %sub3A_1128 : i32 to vector<16xi32>
      %sub3A_1130 = arith.subi %add3A_1127, %sub3A_1129 : vector<16xi32>
      %lt3A_1131 = arith.constant 48 : i32
      %lt3A_1132 = vector.broadcast %lt3A_1131 : i32 to vector<16xi32>
      %lt3A_1133 = arith.cmpi slt, %sub3A_1130, %lt3A_1132 : vector<16xi32>
      %and3A_1134 = arith.andi %le3A_1118, %lt3A_1133 : vector<16xi1>
      %mul3A_1135 = arith.constant 784 : i32
      %mul3A_1136 = arith.muli %add3A_44, %mul3A_1135 : i32
      %add3A_1137 = arith.constant 448 : i32
      %add3A_1138 = arith.addi %mul3A_1136, %add3A_1137 : i32
      %broadcast_in_dim3A_1139 = vector.broadcast %add3A_1138 : i32 to vector<16xi32>
      %add3A_1140 = arith.addi %broadcast_in_dim3A_1139, %iota3A : vector<16xi32>
      %broadcast_in_dim3A_1141 = vector.broadcast %scan3A_43 : i32 to vector<16xi32>
      tpu.vector_store_idx %arg10[%broadcast_in_dim3A_1141, %sub3A_1130], %add3A_1140 masked %and3A_1134 : memref<32x48xi32, #tpu.memory_space<vmem>>[vector<16xi32>, vector<16xi32>], vector<16xi32>, vector<16xi1>
      %all_reduce_population_count3A_1142 = tpu.all_reduce %and3A_1134 {dim = 0 : i64, kind = #tpu.reduction_kind<sum>} : vector<16xi1> -> vector<16xi32>
      %add3A_1143 = arith.addi %add3A_1114, %all_reduce_population_count3A_1142 : vector<16xi32>
      %get3A_1144 = arith.index_cast %scan3A_43 : i32 to index
      %get3A_1145 = arith.constant 464 : index
      %get3A_1146 = tpu.vector_load %arg7[%get3A_1144, %get3A_1145] {strides = array<i32>} : memref<32x896xf32, #tpu.memory_space<vmem>>, vector<16xf32>,
      %le3A_1147 = arith.cmpf ole, %get3A_1146, %scan3A_290#1 : vector<16xf32>
      %jit3A_1148 = arith.constant 1 : i32
      %jit3A_1149 = arith.constant 0 : i32
      %broadcast_in_dim3A_1150 = vector.broadcast %jit3A_1148 : i32 to vector<16xi32>
      %broadcast_in_dim3A_1151 = vector.broadcast %jit3A_1149 : i32 to vector<16xi32>
      %select_n3A_1152 = arith.select %le3A_1147, %broadcast_in_dim3A_1150, %broadcast_in_dim3A_1151 : vector<16xi1>, vector<16xi32>
      %broadcast_in_dim3A_1153 = arith.constant true
      %broadcast_in_dim3A_1154 = vector.broadcast %broadcast_in_dim3A_1153 : i1 to vector<16xi1>
      %masked_cumsum3A_1155 = tpu.scan <sum>, %select_n3A_1152 masked %broadcast_in_dim3A_1154 : vector<16xi32>, vector<16xi1> -> vector<16xi32>
      %add3A_1156 = arith.addi %add3A_1143, %masked_cumsum3A_1155 : vector<16xi32>
      %sub3A_1157 = arith.constant 1 : i32
      %sub3A_1158 = vector.broadcast %sub3A_1157 : i32 to vector<16xi32>
      %sub3A_1159 = arith.subi %add3A_1156, %sub3A_1158 : vector<16xi32>
      %lt3A_1160 = arith.constant 48 : i32
      %lt3A_1161 = vector.broadcast %lt3A_1160 : i32 to vector<16xi32>
      %lt3A_1162 = arith.cmpi slt, %sub3A_1159, %lt3A_1161 : vector<16xi32>
      %and3A_1163 = arith.andi %le3A_1147, %lt3A_1162 : vector<16xi1>
      %mul3A_1164 = arith.constant 784 : i32
      %mul3A_1165 = arith.muli %add3A_44, %mul3A_1164 : i32
      %add3A_1166 = arith.constant 464 : i32
      %add3A_1167 = arith.addi %mul3A_1165, %add3A_1166 : i32
      %broadcast_in_dim3A_1168 = vector.broadcast %add3A_1167 : i32 to vector<16xi32>
      %add3A_1169 = arith.addi %broadcast_in_dim3A_1168, %iota3A : vector<16xi32>
      %broadcast_in_dim3A_1170 = vector.broadcast %scan3A_43 : i32 to vector<16xi32>
      tpu.vector_store_idx %arg10[%broadcast_in_dim3A_1170, %sub3A_1159], %add3A_1169 masked %and3A_1163 : memref<32x48xi32, #tpu.memory_space<vmem>>[vector<16xi32>, vector<16xi32>], vector<16xi32>, vector<16xi1>
      %all_reduce_population_count3A_1171 = tpu.all_reduce %and3A_1163 {dim = 0 : i64, kind = #tpu.reduction_kind<sum>} : vector<16xi1> -> vector<16xi32>
      %add3A_1172 = arith.addi %add3A_1143, %all_reduce_population_count3A_1171 : vector<16xi32>
      %get3A_1173 = arith.index_cast %scan3A_43 : i32 to index
      %get3A_1174 = arith.constant 480 : index
      %get3A_1175 = tpu.vector_load %arg7[%get3A_1173, %get3A_1174] {strides = array<i32>} : memref<32x896xf32, #tpu.memory_space<vmem>>, vector<16xf32>,
      %le3A_1176 = arith.cmpf ole, %get3A_1175, %scan3A_290#1 : vector<16xf32>
      %jit3A_1177 = arith.constant 1 : i32
      %jit3A_1178 = arith.constant 0 : i32
      %broadcast_in_dim3A_1179 = vector.broadcast %jit3A_1177 : i32 to vector<16xi32>
      %broadcast_in_dim3A_1180 = vector.broadcast %jit3A_1178 : i32 to vector<16xi32>
      %select_n3A_1181 = arith.select %le3A_1176, %broadcast_in_dim3A_1179, %broadcast_in_dim3A_1180 : vector<16xi1>, vector<16xi32>
      %broadcast_in_dim3A_1182 = arith.constant true
      %broadcast_in_dim3A_1183 = vector.broadcast %broadcast_in_dim3A_1182 : i1 to vector<16xi1>
      %masked_cumsum3A_1184 = tpu.scan <sum>, %select_n3A_1181 masked %broadcast_in_dim3A_1183 : vector<16xi32>, vector<16xi1> -> vector<16xi32>
      %add3A_1185 = arith.addi %add3A_1172, %masked_cumsum3A_1184 : vector<16xi32>
      %sub3A_1186 = arith.constant 1 : i32
      %sub3A_1187 = vector.broadcast %sub3A_1186 : i32 to vector<16xi32>
      %sub3A_1188 = arith.subi %add3A_1185, %sub3A_1187 : vector<16xi32>
      %lt3A_1189 = arith.constant 48 : i32
      %lt3A_1190 = vector.broadcast %lt3A_1189 : i32 to vector<16xi32>
      %lt3A_1191 = arith.cmpi slt, %sub3A_1188, %lt3A_1190 : vector<16xi32>
      %and3A_1192 = arith.andi %le3A_1176, %lt3A_1191 : vector<16xi1>
      %mul3A_1193 = arith.constant 784 : i32
      %mul3A_1194 = arith.muli %add3A_44, %mul3A_1193 : i32
      %add3A_1195 = arith.constant 480 : i32
      %add3A_1196 = arith.addi %mul3A_1194, %add3A_1195 : i32
      %broadcast_in_dim3A_1197 = vector.broadcast %add3A_1196 : i32 to vector<16xi32>
      %add3A_1198 = arith.addi %broadcast_in_dim3A_1197, %iota3A : vector<16xi32>
      %broadcast_in_dim3A_1199 = vector.broadcast %scan3A_43 : i32 to vector<16xi32>
      tpu.vector_store_idx %arg10[%broadcast_in_dim3A_1199, %sub3A_1188], %add3A_1198 masked %and3A_1192 : memref<32x48xi32, #tpu.memory_space<vmem>>[vector<16xi32>, vector<16xi32>], vector<16xi32>, vector<16xi1>
      %all_reduce_population_count3A_1200 = tpu.all_reduce %and3A_1192 {dim = 0 : i64, kind = #tpu.reduction_kind<sum>} : vector<16xi1> -> vector<16xi32>
      %add3A_1201 = arith.addi %add3A_1172, %all_reduce_population_count3A_1200 : vector<16xi32>
      %get3A_1202 = arith.index_cast %scan3A_43 : i32 to index
      %get3A_1203 = arith.constant 496 : index
      %get3A_1204 = tpu.vector_load %arg7[%get3A_1202, %get3A_1203] {strides = array<i32>} : memref<32x896xf32, #tpu.memory_space<vmem>>, vector<16xf32>,
      %le3A_1205 = arith.cmpf ole, %get3A_1204, %scan3A_290#1 : vector<16xf32>
      %jit3A_1206 = arith.constant 1 : i32
      %jit3A_1207 = arith.constant 0 : i32
      %broadcast_in_dim3A_1208 = vector.broadcast %jit3A_1206 : i32 to vector<16xi32>
      %broadcast_in_dim3A_1209 = vector.broadcast %jit3A_1207 : i32 to vector<16xi32>
      %select_n3A_1210 = arith.select %le3A_1205, %broadcast_in_dim3A_1208, %broadcast_in_dim3A_1209 : vector<16xi1>, vector<16xi32>
      %broadcast_in_dim3A_1211 = arith.constant true
      %broadcast_in_dim3A_1212 = vector.broadcast %broadcast_in_dim3A_1211 : i1 to vector<16xi1>
      %masked_cumsum3A_1213 = tpu.scan <sum>, %select_n3A_1210 masked %broadcast_in_dim3A_1212 : vector<16xi32>, vector<16xi1> -> vector<16xi32>
      %add3A_1214 = arith.addi %add3A_1201, %masked_cumsum3A_1213 : vector<16xi32>
      %sub3A_1215 = arith.constant 1 : i32
      %sub3A_1216 = vector.broadcast %sub3A_1215 : i32 to vector<16xi32>
      %sub3A_1217 = arith.subi %add3A_1214, %sub3A_1216 : vector<16xi32>
      %lt3A_1218 = arith.constant 48 : i32
      %lt3A_1219 = vector.broadcast %lt3A_1218 : i32 to vector<16xi32>
      %lt3A_1220 = arith.cmpi slt, %sub3A_1217, %lt3A_1219 : vector<16xi32>
      %and3A_1221 = arith.andi %le3A_1205, %lt3A_1220 : vector<16xi1>
      %mul3A_1222 = arith.constant 784 : i32
      %mul3A_1223 = arith.muli %add3A_44, %mul3A_1222 : i32
      %add3A_1224 = arith.constant 496 : i32
      %add3A_1225 = arith.addi %mul3A_1223, %add3A_1224 : i32
      %broadcast_in_dim3A_1226 = vector.broadcast %add3A_1225 : i32 to vector<16xi32>
      %add3A_1227 = arith.addi %broadcast_in_dim3A_1226, %iota3A : vector<16xi32>
      %broadcast_in_dim3A_1228 = vector.broadcast %scan3A_43 : i32 to vector<16xi32>
      tpu.vector_store_idx %arg10[%broadcast_in_dim3A_1228, %sub3A_1217], %add3A_1227 masked %and3A_1221 : memref<32x48xi32, #tpu.memory_space<vmem>>[vector<16xi32>, vector<16xi32>], vector<16xi32>, vector<16xi1>
      %all_reduce_population_count3A_1229 = tpu.all_reduce %and3A_1221 {dim = 0 : i64, kind = #tpu.reduction_kind<sum>} : vector<16xi1> -> vector<16xi32>
      %add3A_1230 = arith.addi %add3A_1201, %all_reduce_population_count3A_1229 : vector<16xi32>
      %get3A_1231 = arith.index_cast %scan3A_43 : i32 to index
      %get3A_1232 = arith.constant 512 : index
      %get3A_1233 = tpu.vector_load %arg7[%get3A_1231, %get3A_1232] {strides = array<i32>} : memref<32x896xf32, #tpu.memory_space<vmem>>, vector<16xf32>,
      %le3A_1234 = arith.cmpf ole, %get3A_1233, %scan3A_290#1 : vector<16xf32>
      %jit3A_1235 = arith.constant 1 : i32
      %jit3A_1236 = arith.constant 0 : i32
      %broadcast_in_dim3A_1237 = vector.broadcast %jit3A_1235 : i32 to vector<16xi32>
      %broadcast_in_dim3A_1238 = vector.broadcast %jit3A_1236 : i32 to vector<16xi32>
      %select_n3A_1239 = arith.select %le3A_1234, %broadcast_in_dim3A_1237, %broadcast_in_dim3A_1238 : vector<16xi1>, vector<16xi32>
      %broadcast_in_dim3A_1240 = arith.constant true
      %broadcast_in_dim3A_1241 = vector.broadcast %broadcast_in_dim3A_1240 : i1 to vector<16xi1>
      %masked_cumsum3A_1242 = tpu.scan <sum>, %select_n3A_1239 masked %broadcast_in_dim3A_1241 : vector<16xi32>, vector<16xi1> -> vector<16xi32>
      %add3A_1243 = arith.addi %add3A_1230, %masked_cumsum3A_1242 : vector<16xi32>
      %sub3A_1244 = arith.constant 1 : i32
      %sub3A_1245 = vector.broadcast %sub3A_1244 : i32 to vector<16xi32>
      %sub3A_1246 = arith.subi %add3A_1243, %sub3A_1245 : vector<16xi32>
      %lt3A_1247 = arith.constant 48 : i32
      %lt3A_1248 = vector.broadcast %lt3A_1247 : i32 to vector<16xi32>
      %lt3A_1249 = arith.cmpi slt, %sub3A_1246, %lt3A_1248 : vector<16xi32>
      %and3A_1250 = arith.andi %le3A_1234, %lt3A_1249 : vector<16xi1>
      %mul3A_1251 = arith.constant 784 : i32
      %mul3A_1252 = arith.muli %add3A_44, %mul3A_1251 : i32
      %add3A_1253 = arith.constant 512 : i32
      %add3A_1254 = arith.addi %mul3A_1252, %add3A_1253 : i32
      %broadcast_in_dim3A_1255 = vector.broadcast %add3A_1254 : i32 to vector<16xi32>
      %add3A_1256 = arith.addi %broadcast_in_dim3A_1255, %iota3A : vector<16xi32>
      %broadcast_in_dim3A_1257 = vector.broadcast %scan3A_43 : i32 to vector<16xi32>
      tpu.vector_store_idx %arg10[%broadcast_in_dim3A_1257, %sub3A_1246], %add3A_1256 masked %and3A_1250 : memref<32x48xi32, #tpu.memory_space<vmem>>[vector<16xi32>, vector<16xi32>], vector<16xi32>, vector<16xi1>
      %all_reduce_population_count3A_1258 = tpu.all_reduce %and3A_1250 {dim = 0 : i64, kind = #tpu.reduction_kind<sum>} : vector<16xi1> -> vector<16xi32>
      %add3A_1259 = arith.addi %add3A_1230, %all_reduce_population_count3A_1258 : vector<16xi32>
      %get3A_1260 = arith.index_cast %scan3A_43 : i32 to index
      %get3A_1261 = arith.constant 528 : index
      %get3A_1262 = tpu.vector_load %arg7[%get3A_1260, %get3A_1261] {strides = array<i32>} : memref<32x896xf32, #tpu.memory_space<vmem>>, vector<16xf32>,
      %le3A_1263 = arith.cmpf ole, %get3A_1262, %scan3A_290#1 : vector<16xf32>
      %jit3A_1264 = arith.constant 1 : i32
      %jit3A_1265 = arith.constant 0 : i32
      %broadcast_in_dim3A_1266 = vector.broadcast %jit3A_1264 : i32 to vector<16xi32>
      %broadcast_in_dim3A_1267 = vector.broadcast %jit3A_1265 : i32 to vector<16xi32>
      %select_n3A_1268 = arith.select %le3A_1263, %broadcast_in_dim3A_1266, %broadcast_in_dim3A_1267 : vector<16xi1>, vector<16xi32>
      %broadcast_in_dim3A_1269 = arith.constant true
      %broadcast_in_dim3A_1270 = vector.broadcast %broadcast_in_dim3A_1269 : i1 to vector<16xi1>
      %masked_cumsum3A_1271 = tpu.scan <sum>, %select_n3A_1268 masked %broadcast_in_dim3A_1270 : vector<16xi32>, vector<16xi1> -> vector<16xi32>
      %add3A_1272 = arith.addi %add3A_1259, %masked_cumsum3A_1271 : vector<16xi32>
      %sub3A_1273 = arith.constant 1 : i32
      %sub3A_1274 = vector.broadcast %sub3A_1273 : i32 to vector<16xi32>
      %sub3A_1275 = arith.subi %add3A_1272, %sub3A_1274 : vector<16xi32>
      %lt3A_1276 = arith.constant 48 : i32
      %lt3A_1277 = vector.broadcast %lt3A_1276 : i32 to vector<16xi32>
      %lt3A_1278 = arith.cmpi slt, %sub3A_1275, %lt3A_1277 : vector<16xi32>
      %and3A_1279 = arith.andi %le3A_1263, %lt3A_1278 : vector<16xi1>
      %mul3A_1280 = arith.constant 784 : i32
      %mul3A_1281 = arith.muli %add3A_44, %mul3A_1280 : i32
      %add3A_1282 = arith.constant 528 : i32
      %add3A_1283 = arith.addi %mul3A_1281, %add3A_1282 : i32
      %broadcast_in_dim3A_1284 = vector.broadcast %add3A_1283 : i32 to vector<16xi32>
      %add3A_1285 = arith.addi %broadcast_in_dim3A_1284, %iota3A : vector<16xi32>
      %broadcast_in_dim3A_1286 = vector.broadcast %scan3A_43 : i32 to vector<16xi32>
      tpu.vector_store_idx %arg10[%broadcast_in_dim3A_1286, %sub3A_1275], %add3A_1285 masked %and3A_1279 : memref<32x48xi32, #tpu.memory_space<vmem>>[vector<16xi32>, vector<16xi32>], vector<16xi32>, vector<16xi1>
      %all_reduce_population_count3A_1287 = tpu.all_reduce %and3A_1279 {dim = 0 : i64, kind = #tpu.reduction_kind<sum>} : vector<16xi1> -> vector<16xi32>
      %add3A_1288 = arith.addi %add3A_1259, %all_reduce_population_count3A_1287 : vector<16xi32>
      %get3A_1289 = arith.index_cast %scan3A_43 : i32 to index
      %get3A_1290 = arith.constant 544 : index
      %get3A_1291 = tpu.vector_load %arg7[%get3A_1289, %get3A_1290] {strides = array<i32>} : memref<32x896xf32, #tpu.memory_space<vmem>>, vector<16xf32>,
      %le3A_1292 = arith.cmpf ole, %get3A_1291, %scan3A_290#1 : vector<16xf32>
      %jit3A_1293 = arith.constant 1 : i32
      %jit3A_1294 = arith.constant 0 : i32
      %broadcast_in_dim3A_1295 = vector.broadcast %jit3A_1293 : i32 to vector<16xi32>
      %broadcast_in_dim3A_1296 = vector.broadcast %jit3A_1294 : i32 to vector<16xi32>
      %select_n3A_1297 = arith.select %le3A_1292, %broadcast_in_dim3A_1295, %broadcast_in_dim3A_1296 : vector<16xi1>, vector<16xi32>
      %broadcast_in_dim3A_1298 = arith.constant true
      %broadcast_in_dim3A_1299 = vector.broadcast %broadcast_in_dim3A_1298 : i1 to vector<16xi1>
      %masked_cumsum3A_1300 = tpu.scan <sum>, %select_n3A_1297 masked %broadcast_in_dim3A_1299 : vector<16xi32>, vector<16xi1> -> vector<16xi32>
      %add3A_1301 = arith.addi %add3A_1288, %masked_cumsum3A_1300 : vector<16xi32>
      %sub3A_1302 = arith.constant 1 : i32
      %sub3A_1303 = vector.broadcast %sub3A_1302 : i32 to vector<16xi32>
      %sub3A_1304 = arith.subi %add3A_1301, %sub3A_1303 : vector<16xi32>
      %lt3A_1305 = arith.constant 48 : i32
      %lt3A_1306 = vector.broadcast %lt3A_1305 : i32 to vector<16xi32>
      %lt3A_1307 = arith.cmpi slt, %sub3A_1304, %lt3A_1306 : vector<16xi32>
      %and3A_1308 = arith.andi %le3A_1292, %lt3A_1307 : vector<16xi1>
      %mul3A_1309 = arith.constant 784 : i32
      %mul3A_1310 = arith.muli %add3A_44, %mul3A_1309 : i32
      %add3A_1311 = arith.constant 544 : i32
      %add3A_1312 = arith.addi %mul3A_1310, %add3A_1311 : i32
      %broadcast_in_dim3A_1313 = vector.broadcast %add3A_1312 : i32 to vector<16xi32>
      %add3A_1314 = arith.addi %broadcast_in_dim3A_1313, %iota3A : vector<16xi32>
      %broadcast_in_dim3A_1315 = vector.broadcast %scan3A_43 : i32 to vector<16xi32>
      tpu.vector_store_idx %arg10[%broadcast_in_dim3A_1315, %sub3A_1304], %add3A_1314 masked %and3A_1308 : memref<32x48xi32, #tpu.memory_space<vmem>>[vector<16xi32>, vector<16xi32>], vector<16xi32>, vector<16xi1>
      %all_reduce_population_count3A_1316 = tpu.all_reduce %and3A_1308 {dim = 0 : i64, kind = #tpu.reduction_kind<sum>} : vector<16xi1> -> vector<16xi32>
      %add3A_1317 = arith.addi %add3A_1288, %all_reduce_population_count3A_1316 : vector<16xi32>
      %get3A_1318 = arith.index_cast %scan3A_43 : i32 to index
      %get3A_1319 = arith.constant 560 : index
      %get3A_1320 = tpu.vector_load %arg7[%get3A_1318, %get3A_1319] {strides = array<i32>} : memref<32x896xf32, #tpu.memory_space<vmem>>, vector<16xf32>,
      %le3A_1321 = arith.cmpf ole, %get3A_1320, %scan3A_290#1 : vector<16xf32>
      %jit3A_1322 = arith.constant 1 : i32
      %jit3A_1323 = arith.constant 0 : i32
      %broadcast_in_dim3A_1324 = vector.broadcast %jit3A_1322 : i32 to vector<16xi32>
      %broadcast_in_dim3A_1325 = vector.broadcast %jit3A_1323 : i32 to vector<16xi32>
      %select_n3A_1326 = arith.select %le3A_1321, %broadcast_in_dim3A_1324, %broadcast_in_dim3A_1325 : vector<16xi1>, vector<16xi32>
      %broadcast_in_dim3A_1327 = arith.constant true
      %broadcast_in_dim3A_1328 = vector.broadcast %broadcast_in_dim3A_1327 : i1 to vector<16xi1>
      %masked_cumsum3A_1329 = tpu.scan <sum>, %select_n3A_1326 masked %broadcast_in_dim3A_1328 : vector<16xi32>, vector<16xi1> -> vector<16xi32>
      %add3A_1330 = arith.addi %add3A_1317, %masked_cumsum3A_1329 : vector<16xi32>
      %sub3A_1331 = arith.constant 1 : i32
      %sub3A_1332 = vector.broadcast %sub3A_1331 : i32 to vector<16xi32>
      %sub3A_1333 = arith.subi %add3A_1330, %sub3A_1332 : vector<16xi32>
      %lt3A_1334 = arith.constant 48 : i32
      %lt3A_1335 = vector.broadcast %lt3A_1334 : i32 to vector<16xi32>
      %lt3A_1336 = arith.cmpi slt, %sub3A_1333, %lt3A_1335 : vector<16xi32>
      %and3A_1337 = arith.andi %le3A_1321, %lt3A_1336 : vector<16xi1>
      %mul3A_1338 = arith.constant 784 : i32
      %mul3A_1339 = arith.muli %add3A_44, %mul3A_1338 : i32
      %add3A_1340 = arith.constant 560 : i32
      %add3A_1341 = arith.addi %mul3A_1339, %add3A_1340 : i32
      %broadcast_in_dim3A_1342 = vector.broadcast %add3A_1341 : i32 to vector<16xi32>
      %add3A_1343 = arith.addi %broadcast_in_dim3A_1342, %iota3A : vector<16xi32>
      %broadcast_in_dim3A_1344 = vector.broadcast %scan3A_43 : i32 to vector<16xi32>
      tpu.vector_store_idx %arg10[%broadcast_in_dim3A_1344, %sub3A_1333], %add3A_1343 masked %and3A_1337 : memref<32x48xi32, #tpu.memory_space<vmem>>[vector<16xi32>, vector<16xi32>], vector<16xi32>, vector<16xi1>
      %all_reduce_population_count3A_1345 = tpu.all_reduce %and3A_1337 {dim = 0 : i64, kind = #tpu.reduction_kind<sum>} : vector<16xi1> -> vector<16xi32>
      %add3A_1346 = arith.addi %add3A_1317, %all_reduce_population_count3A_1345 : vector<16xi32>
      %get3A_1347 = arith.index_cast %scan3A_43 : i32 to index
      %get3A_1348 = arith.constant 576 : index
      %get3A_1349 = tpu.vector_load %arg7[%get3A_1347, %get3A_1348] {strides = array<i32>} : memref<32x896xf32, #tpu.memory_space<vmem>>, vector<16xf32>,
      %le3A_1350 = arith.cmpf ole, %get3A_1349, %scan3A_290#1 : vector<16xf32>
      %jit3A_1351 = arith.constant 1 : i32
      %jit3A_1352 = arith.constant 0 : i32
      %broadcast_in_dim3A_1353 = vector.broadcast %jit3A_1351 : i32 to vector<16xi32>
      %broadcast_in_dim3A_1354 = vector.broadcast %jit3A_1352 : i32 to vector<16xi32>
      %select_n3A_1355 = arith.select %le3A_1350, %broadcast_in_dim3A_1353, %broadcast_in_dim3A_1354 : vector<16xi1>, vector<16xi32>
      %broadcast_in_dim3A_1356 = arith.constant true
      %broadcast_in_dim3A_1357 = vector.broadcast %broadcast_in_dim3A_1356 : i1 to vector<16xi1>
      %masked_cumsum3A_1358 = tpu.scan <sum>, %select_n3A_1355 masked %broadcast_in_dim3A_1357 : vector<16xi32>, vector<16xi1> -> vector<16xi32>
      %add3A_1359 = arith.addi %add3A_1346, %masked_cumsum3A_1358 : vector<16xi32>
      %sub3A_1360 = arith.constant 1 : i32
      %sub3A_1361 = vector.broadcast %sub3A_1360 : i32 to vector<16xi32>
      %sub3A_1362 = arith.subi %add3A_1359, %sub3A_1361 : vector<16xi32>
      %lt3A_1363 = arith.constant 48 : i32
      %lt3A_1364 = vector.broadcast %lt3A_1363 : i32 to vector<16xi32>
      %lt3A_1365 = arith.cmpi slt, %sub3A_1362, %lt3A_1364 : vector<16xi32>
      %and3A_1366 = arith.andi %le3A_1350, %lt3A_1365 : vector<16xi1>
      %mul3A_1367 = arith.constant 784 : i32
      %mul3A_1368 = arith.muli %add3A_44, %mul3A_1367 : i32
      %add3A_1369 = arith.constant 576 : i32
      %add3A_1370 = arith.addi %mul3A_1368, %add3A_1369 : i32
      %broadcast_in_dim3A_1371 = vector.broadcast %add3A_1370 : i32 to vector<16xi32>
      %add3A_1372 = arith.addi %broadcast_in_dim3A_1371, %iota3A : vector<16xi32>
      %broadcast_in_dim3A_1373 = vector.broadcast %scan3A_43 : i32 to vector<16xi32>
      tpu.vector_store_idx %arg10[%broadcast_in_dim3A_1373, %sub3A_1362], %add3A_1372 masked %and3A_1366 : memref<32x48xi32, #tpu.memory_space<vmem>>[vector<16xi32>, vector<16xi32>], vector<16xi32>, vector<16xi1>
      %all_reduce_population_count3A_1374 = tpu.all_reduce %and3A_1366 {dim = 0 : i64, kind = #tpu.reduction_kind<sum>} : vector<16xi1> -> vector<16xi32>
      %add3A_1375 = arith.addi %add3A_1346, %all_reduce_population_count3A_1374 : vector<16xi32>
      %get3A_1376 = arith.index_cast %scan3A_43 : i32 to index
      %get3A_1377 = arith.constant 592 : index
      %get3A_1378 = tpu.vector_load %arg7[%get3A_1376, %get3A_1377] {strides = array<i32>} : memref<32x896xf32, #tpu.memory_space<vmem>>, vector<16xf32>,
      %le3A_1379 = arith.cmpf ole, %get3A_1378, %scan3A_290#1 : vector<16xf32>
      %jit3A_1380 = arith.constant 1 : i32
      %jit3A_1381 = arith.constant 0 : i32
      %broadcast_in_dim3A_1382 = vector.broadcast %jit3A_1380 : i32 to vector<16xi32>
      %broadcast_in_dim3A_1383 = vector.broadcast %jit3A_1381 : i32 to vector<16xi32>
      %select_n3A_1384 = arith.select %le3A_1379, %broadcast_in_dim3A_1382, %broadcast_in_dim3A_1383 : vector<16xi1>, vector<16xi32>
      %broadcast_in_dim3A_1385 = arith.constant true
      %broadcast_in_dim3A_1386 = vector.broadcast %broadcast_in_dim3A_1385 : i1 to vector<16xi1>
      %masked_cumsum3A_1387 = tpu.scan <sum>, %select_n3A_1384 masked %broadcast_in_dim3A_1386 : vector<16xi32>, vector<16xi1> -> vector<16xi32>
      %add3A_1388 = arith.addi %add3A_1375, %masked_cumsum3A_1387 : vector<16xi32>
      %sub3A_1389 = arith.constant 1 : i32
      %sub3A_1390 = vector.broadcast %sub3A_1389 : i32 to vector<16xi32>
      %sub3A_1391 = arith.subi %add3A_1388, %sub3A_1390 : vector<16xi32>
      %lt3A_1392 = arith.constant 48 : i32
      %lt3A_1393 = vector.broadcast %lt3A_1392 : i32 to vector<16xi32>
      %lt3A_1394 = arith.cmpi slt, %sub3A_1391, %lt3A_1393 : vector<16xi32>
      %and3A_1395 = arith.andi %le3A_1379, %lt3A_1394 : vector<16xi1>
      %mul3A_1396 = arith.constant 784 : i32
      %mul3A_1397 = arith.muli %add3A_44, %mul3A_1396 : i32
      %add3A_1398 = arith.constant 592 : i32
      %add3A_1399 = arith.addi %mul3A_1397, %add3A_1398 : i32
      %broadcast_in_dim3A_1400 = vector.broadcast %add3A_1399 : i32 to vector<16xi32>
      %add3A_1401 = arith.addi %broadcast_in_dim3A_1400, %iota3A : vector<16xi32>
      %broadcast_in_dim3A_1402 = vector.broadcast %scan3A_43 : i32 to vector<16xi32>
      tpu.vector_store_idx %arg10[%broadcast_in_dim3A_1402, %sub3A_1391], %add3A_1401 masked %and3A_1395 : memref<32x48xi32, #tpu.memory_space<vmem>>[vector<16xi32>, vector<16xi32>], vector<16xi32>, vector<16xi1>
      %all_reduce_population_count3A_1403 = tpu.all_reduce %and3A_1395 {dim = 0 : i64, kind = #tpu.reduction_kind<sum>} : vector<16xi1> -> vector<16xi32>
      %add3A_1404 = arith.addi %add3A_1375, %all_reduce_population_count3A_1403 : vector<16xi32>
      %get3A_1405 = arith.index_cast %scan3A_43 : i32 to index
      %get3A_1406 = arith.constant 608 : index
      %get3A_1407 = tpu.vector_load %arg7[%get3A_1405, %get3A_1406] {strides = array<i32>} : memref<32x896xf32, #tpu.memory_space<vmem>>, vector<16xf32>,
      %le3A_1408 = arith.cmpf ole, %get3A_1407, %scan3A_290#1 : vector<16xf32>
      %jit3A_1409 = arith.constant 1 : i32
      %jit3A_1410 = arith.constant 0 : i32
      %broadcast_in_dim3A_1411 = vector.broadcast %jit3A_1409 : i32 to vector<16xi32>
      %broadcast_in_dim3A_1412 = vector.broadcast %jit3A_1410 : i32 to vector<16xi32>
      %select_n3A_1413 = arith.select %le3A_1408, %broadcast_in_dim3A_1411, %broadcast_in_dim3A_1412 : vector<16xi1>, vector<16xi32>
      %broadcast_in_dim3A_1414 = arith.constant true
      %broadcast_in_dim3A_1415 = vector.broadcast %broadcast_in_dim3A_1414 : i1 to vector<16xi1>
      %masked_cumsum3A_1416 = tpu.scan <sum>, %select_n3A_1413 masked %broadcast_in_dim3A_1415 : vector<16xi32>, vector<16xi1> -> vector<16xi32>
      %add3A_1417 = arith.addi %add3A_1404, %masked_cumsum3A_1416 : vector<16xi32>
      %sub3A_1418 = arith.constant 1 : i32
      %sub3A_1419 = vector.broadcast %sub3A_1418 : i32 to vector<16xi32>
      %sub3A_1420 = arith.subi %add3A_1417, %sub3A_1419 : vector<16xi32>
      %lt3A_1421 = arith.constant 48 : i32
      %lt3A_1422 = vector.broadcast %lt3A_1421 : i32 to vector<16xi32>
      %lt3A_1423 = arith.cmpi slt, %sub3A_1420, %lt3A_1422 : vector<16xi32>
      %and3A_1424 = arith.andi %le3A_1408, %lt3A_1423 : vector<16xi1>
      %mul3A_1425 = arith.constant 784 : i32
      %mul3A_1426 = arith.muli %add3A_44, %mul3A_1425 : i32
      %add3A_1427 = arith.constant 608 : i32
      %add3A_1428 = arith.addi %mul3A_1426, %add3A_1427 : i32
      %broadcast_in_dim3A_1429 = vector.broadcast %add3A_1428 : i32 to vector<16xi32>
      %add3A_1430 = arith.addi %broadcast_in_dim3A_1429, %iota3A : vector<16xi32>
      %broadcast_in_dim3A_1431 = vector.broadcast %scan3A_43 : i32 to vector<16xi32>
      tpu.vector_store_idx %arg10[%broadcast_in_dim3A_1431, %sub3A_1420], %add3A_1430 masked %and3A_1424 : memref<32x48xi32, #tpu.memory_space<vmem>>[vector<16xi32>, vector<16xi32>], vector<16xi32>, vector<16xi1>
      %all_reduce_population_count3A_1432 = tpu.all_reduce %and3A_1424 {dim = 0 : i64, kind = #tpu.reduction_kind<sum>} : vector<16xi1> -> vector<16xi32>
      %add3A_1433 = arith.addi %add3A_1404, %all_reduce_population_count3A_1432 : vector<16xi32>
      %get3A_1434 = arith.index_cast %scan3A_43 : i32 to index
      %get3A_1435 = arith.constant 624 : index
      %get3A_1436 = tpu.vector_load %arg7[%get3A_1434, %get3A_1435] {strides = array<i32>} : memref<32x896xf32, #tpu.memory_space<vmem>>, vector<16xf32>,
      %le3A_1437 = arith.cmpf ole, %get3A_1436, %scan3A_290#1 : vector<16xf32>
      %jit3A_1438 = arith.constant 1 : i32
      %jit3A_1439 = arith.constant 0 : i32
      %broadcast_in_dim3A_1440 = vector.broadcast %jit3A_1438 : i32 to vector<16xi32>
      %broadcast_in_dim3A_1441 = vector.broadcast %jit3A_1439 : i32 to vector<16xi32>
      %select_n3A_1442 = arith.select %le3A_1437, %broadcast_in_dim3A_1440, %broadcast_in_dim3A_1441 : vector<16xi1>, vector<16xi32>
      %broadcast_in_dim3A_1443 = arith.constant true
      %broadcast_in_dim3A_1444 = vector.broadcast %broadcast_in_dim3A_1443 : i1 to vector<16xi1>
      %masked_cumsum3A_1445 = tpu.scan <sum>, %select_n3A_1442 masked %broadcast_in_dim3A_1444 : vector<16xi32>, vector<16xi1> -> vector<16xi32>
      %add3A_1446 = arith.addi %add3A_1433, %masked_cumsum3A_1445 : vector<16xi32>
      %sub3A_1447 = arith.constant 1 : i32
      %sub3A_1448 = vector.broadcast %sub3A_1447 : i32 to vector<16xi32>
      %sub3A_1449 = arith.subi %add3A_1446, %sub3A_1448 : vector<16xi32>
      %lt3A_1450 = arith.constant 48 : i32
      %lt3A_1451 = vector.broadcast %lt3A_1450 : i32 to vector<16xi32>
      %lt3A_1452 = arith.cmpi slt, %sub3A_1449, %lt3A_1451 : vector<16xi32>
      %and3A_1453 = arith.andi %le3A_1437, %lt3A_1452 : vector<16xi1>
      %mul3A_1454 = arith.constant 784 : i32
      %mul3A_1455 = arith.muli %add3A_44, %mul3A_1454 : i32
      %add3A_1456 = arith.constant 624 : i32
      %add3A_1457 = arith.addi %mul3A_1455, %add3A_1456 : i32
      %broadcast_in_dim3A_1458 = vector.broadcast %add3A_1457 : i32 to vector<16xi32>
      %add3A_1459 = arith.addi %broadcast_in_dim3A_1458, %iota3A : vector<16xi32>
      %broadcast_in_dim3A_1460 = vector.broadcast %scan3A_43 : i32 to vector<16xi32>
      tpu.vector_store_idx %arg10[%broadcast_in_dim3A_1460, %sub3A_1449], %add3A_1459 masked %and3A_1453 : memref<32x48xi32, #tpu.memory_space<vmem>>[vector<16xi32>, vector<16xi32>], vector<16xi32>, vector<16xi1>
      %all_reduce_population_count3A_1461 = tpu.all_reduce %and3A_1453 {dim = 0 : i64, kind = #tpu.reduction_kind<sum>} : vector<16xi1> -> vector<16xi32>
      %add3A_1462 = arith.addi %add3A_1433, %all_reduce_population_count3A_1461 : vector<16xi32>
      %get3A_1463 = arith.index_cast %scan3A_43 : i32 to index
      %get3A_1464 = arith.constant 640 : index
      %get3A_1465 = tpu.vector_load %arg7[%get3A_1463, %get3A_1464] {strides = array<i32>} : memref<32x896xf32, #tpu.memory_space<vmem>>, vector<16xf32>,
      %le3A_1466 = arith.cmpf ole, %get3A_1465, %scan3A_290#1 : vector<16xf32>
      %jit3A_1467 = arith.constant 1 : i32
      %jit3A_1468 = arith.constant 0 : i32
      %broadcast_in_dim3A_1469 = vector.broadcast %jit3A_1467 : i32 to vector<16xi32>
      %broadcast_in_dim3A_1470 = vector.broadcast %jit3A_1468 : i32 to vector<16xi32>
      %select_n3A_1471 = arith.select %le3A_1466, %broadcast_in_dim3A_1469, %broadcast_in_dim3A_1470 : vector<16xi1>, vector<16xi32>
      %broadcast_in_dim3A_1472 = arith.constant true
      %broadcast_in_dim3A_1473 = vector.broadcast %broadcast_in_dim3A_1472 : i1 to vector<16xi1>
      %masked_cumsum3A_1474 = tpu.scan <sum>, %select_n3A_1471 masked %broadcast_in_dim3A_1473 : vector<16xi32>, vector<16xi1> -> vector<16xi32>
      %add3A_1475 = arith.addi %add3A_1462, %masked_cumsum3A_1474 : vector<16xi32>
      %sub3A_1476 = arith.constant 1 : i32
      %sub3A_1477 = vector.broadcast %sub3A_1476 : i32 to vector<16xi32>
      %sub3A_1478 = arith.subi %add3A_1475, %sub3A_1477 : vector<16xi32>
      %lt3A_1479 = arith.constant 48 : i32
      %lt3A_1480 = vector.broadcast %lt3A_1479 : i32 to vector<16xi32>
      %lt3A_1481 = arith.cmpi slt, %sub3A_1478, %lt3A_1480 : vector<16xi32>
      %and3A_1482 = arith.andi %le3A_1466, %lt3A_1481 : vector<16xi1>
      %mul3A_1483 = arith.constant 784 : i32
      %mul3A_1484 = arith.muli %add3A_44, %mul3A_1483 : i32
      %add3A_1485 = arith.constant 640 : i32
      %add3A_1486 = arith.addi %mul3A_1484, %add3A_1485 : i32
      %broadcast_in_dim3A_1487 = vector.broadcast %add3A_1486 : i32 to vector<16xi32>
      %add3A_1488 = arith.addi %broadcast_in_dim3A_1487, %iota3A : vector<16xi32>
      %broadcast_in_dim3A_1489 = vector.broadcast %scan3A_43 : i32 to vector<16xi32>
      tpu.vector_store_idx %arg10[%broadcast_in_dim3A_1489, %sub3A_1478], %add3A_1488 masked %and3A_1482 : memref<32x48xi32, #tpu.memory_space<vmem>>[vector<16xi32>, vector<16xi32>], vector<16xi32>, vector<16xi1>
      %all_reduce_population_count3A_1490 = tpu.all_reduce %and3A_1482 {dim = 0 : i64, kind = #tpu.reduction_kind<sum>} : vector<16xi1> -> vector<16xi32>
      %add3A_1491 = arith.addi %add3A_1462, %all_reduce_population_count3A_1490 : vector<16xi32>
      %get3A_1492 = arith.index_cast %scan3A_43 : i32 to index
      %get3A_1493 = arith.constant 656 : index
      %get3A_1494 = tpu.vector_load %arg7[%get3A_1492, %get3A_1493] {strides = array<i32>} : memref<32x896xf32, #tpu.memory_space<vmem>>, vector<16xf32>,
      %le3A_1495 = arith.cmpf ole, %get3A_1494, %scan3A_290#1 : vector<16xf32>
      %jit3A_1496 = arith.constant 1 : i32
      %jit3A_1497 = arith.constant 0 : i32
      %broadcast_in_dim3A_1498 = vector.broadcast %jit3A_1496 : i32 to vector<16xi32>
      %broadcast_in_dim3A_1499 = vector.broadcast %jit3A_1497 : i32 to vector<16xi32>
      %select_n3A_1500 = arith.select %le3A_1495, %broadcast_in_dim3A_1498, %broadcast_in_dim3A_1499 : vector<16xi1>, vector<16xi32>
      %broadcast_in_dim3A_1501 = arith.constant true
      %broadcast_in_dim3A_1502 = vector.broadcast %broadcast_in_dim3A_1501 : i1 to vector<16xi1>
      %masked_cumsum3A_1503 = tpu.scan <sum>, %select_n3A_1500 masked %broadcast_in_dim3A_1502 : vector<16xi32>, vector<16xi1> -> vector<16xi32>
      %add3A_1504 = arith.addi %add3A_1491, %masked_cumsum3A_1503 : vector<16xi32>
      %sub3A_1505 = arith.constant 1 : i32
      %sub3A_1506 = vector.broadcast %sub3A_1505 : i32 to vector<16xi32>
      %sub3A_1507 = arith.subi %add3A_1504, %sub3A_1506 : vector<16xi32>
      %lt3A_1508 = arith.constant 48 : i32
      %lt3A_1509 = vector.broadcast %lt3A_1508 : i32 to vector<16xi32>
      %lt3A_1510 = arith.cmpi slt, %sub3A_1507, %lt3A_1509 : vector<16xi32>
      %and3A_1511 = arith.andi %le3A_1495, %lt3A_1510 : vector<16xi1>
      %mul3A_1512 = arith.constant 784 : i32
      %mul3A_1513 = arith.muli %add3A_44, %mul3A_1512 : i32
      %add3A_1514 = arith.constant 656 : i32
      %add3A_1515 = arith.addi %mul3A_1513, %add3A_1514 : i32
      %broadcast_in_dim3A_1516 = vector.broadcast %add3A_1515 : i32 to vector<16xi32>
      %add3A_1517 = arith.addi %broadcast_in_dim3A_1516, %iota3A : vector<16xi32>
      %broadcast_in_dim3A_1518 = vector.broadcast %scan3A_43 : i32 to vector<16xi32>
      tpu.vector_store_idx %arg10[%broadcast_in_dim3A_1518, %sub3A_1507], %add3A_1517 masked %and3A_1511 : memref<32x48xi32, #tpu.memory_space<vmem>>[vector<16xi32>, vector<16xi32>], vector<16xi32>, vector<16xi1>
      %all_reduce_population_count3A_1519 = tpu.all_reduce %and3A_1511 {dim = 0 : i64, kind = #tpu.reduction_kind<sum>} : vector<16xi1> -> vector<16xi32>
      %add3A_1520 = arith.addi %add3A_1491, %all_reduce_population_count3A_1519 : vector<16xi32>
      %get3A_1521 = arith.index_cast %scan3A_43 : i32 to index
      %get3A_1522 = arith.constant 672 : index
      %get3A_1523 = tpu.vector_load %arg7[%get3A_1521, %get3A_1522] {strides = array<i32>} : memref<32x896xf32, #tpu.memory_space<vmem>>, vector<16xf32>,
      %le3A_1524 = arith.cmpf ole, %get3A_1523, %scan3A_290#1 : vector<16xf32>
      %jit3A_1525 = arith.constant 1 : i32
      %jit3A_1526 = arith.constant 0 : i32
      %broadcast_in_dim3A_1527 = vector.broadcast %jit3A_1525 : i32 to vector<16xi32>
      %broadcast_in_dim3A_1528 = vector.broadcast %jit3A_1526 : i32 to vector<16xi32>
      %select_n3A_1529 = arith.select %le3A_1524, %broadcast_in_dim3A_1527, %broadcast_in_dim3A_1528 : vector<16xi1>, vector<16xi32>
      %broadcast_in_dim3A_1530 = arith.constant true
      %broadcast_in_dim3A_1531 = vector.broadcast %broadcast_in_dim3A_1530 : i1 to vector<16xi1>
      %masked_cumsum3A_1532 = tpu.scan <sum>, %select_n3A_1529 masked %broadcast_in_dim3A_1531 : vector<16xi32>, vector<16xi1> -> vector<16xi32>
      %add3A_1533 = arith.addi %add3A_1520, %masked_cumsum3A_1532 : vector<16xi32>
      %sub3A_1534 = arith.constant 1 : i32
      %sub3A_1535 = vector.broadcast %sub3A_1534 : i32 to vector<16xi32>
      %sub3A_1536 = arith.subi %add3A_1533, %sub3A_1535 : vector<16xi32>
      %lt3A_1537 = arith.constant 48 : i32
      %lt3A_1538 = vector.broadcast %lt3A_1537 : i32 to vector<16xi32>
      %lt3A_1539 = arith.cmpi slt, %sub3A_1536, %lt3A_1538 : vector<16xi32>
      %and3A_1540 = arith.andi %le3A_1524, %lt3A_1539 : vector<16xi1>
      %mul3A_1541 = arith.constant 784 : i32
      %mul3A_1542 = arith.muli %add3A_44, %mul3A_1541 : i32
      %add3A_1543 = arith.constant 672 : i32
      %add3A_1544 = arith.addi %mul3A_1542, %add3A_1543 : i32
      %broadcast_in_dim3A_1545 = vector.broadcast %add3A_1544 : i32 to vector<16xi32>
      %add3A_1546 = arith.addi %broadcast_in_dim3A_1545, %iota3A : vector<16xi32>
      %broadcast_in_dim3A_1547 = vector.broadcast %scan3A_43 : i32 to vector<16xi32>
      tpu.vector_store_idx %arg10[%broadcast_in_dim3A_1547, %sub3A_1536], %add3A_1546 masked %and3A_1540 : memref<32x48xi32, #tpu.memory_space<vmem>>[vector<16xi32>, vector<16xi32>], vector<16xi32>, vector<16xi1>
      %all_reduce_population_count3A_1548 = tpu.all_reduce %and3A_1540 {dim = 0 : i64, kind = #tpu.reduction_kind<sum>} : vector<16xi1> -> vector<16xi32>
      %add3A_1549 = arith.addi %add3A_1520, %all_reduce_population_count3A_1548 : vector<16xi32>
      %get3A_1550 = arith.index_cast %scan3A_43 : i32 to index
      %get3A_1551 = arith.constant 688 : index
      %get3A_1552 = tpu.vector_load %arg7[%get3A_1550, %get3A_1551] {strides = array<i32>} : memref<32x896xf32, #tpu.memory_space<vmem>>, vector<16xf32>,
      %le3A_1553 = arith.cmpf ole, %get3A_1552, %scan3A_290#1 : vector<16xf32>
      %jit3A_1554 = arith.constant 1 : i32
      %jit3A_1555 = arith.constant 0 : i32
      %broadcast_in_dim3A_1556 = vector.broadcast %jit3A_1554 : i32 to vector<16xi32>
      %broadcast_in_dim3A_1557 = vector.broadcast %jit3A_1555 : i32 to vector<16xi32>
      %select_n3A_1558 = arith.select %le3A_1553, %broadcast_in_dim3A_1556, %broadcast_in_dim3A_1557 : vector<16xi1>, vector<16xi32>
      %broadcast_in_dim3A_1559 = arith.constant true
      %broadcast_in_dim3A_1560 = vector.broadcast %broadcast_in_dim3A_1559 : i1 to vector<16xi1>
      %masked_cumsum3A_1561 = tpu.scan <sum>, %select_n3A_1558 masked %broadcast_in_dim3A_1560 : vector<16xi32>, vector<16xi1> -> vector<16xi32>
      %add3A_1562 = arith.addi %add3A_1549, %masked_cumsum3A_1561 : vector<16xi32>
      %sub3A_1563 = arith.constant 1 : i32
      %sub3A_1564 = vector.broadcast %sub3A_1563 : i32 to vector<16xi32>
      %sub3A_1565 = arith.subi %add3A_1562, %sub3A_1564 : vector<16xi32>
      %lt3A_1566 = arith.constant 48 : i32
      %lt3A_1567 = vector.broadcast %lt3A_1566 : i32 to vector<16xi32>
      %lt3A_1568 = arith.cmpi slt, %sub3A_1565, %lt3A_1567 : vector<16xi32>
      %and3A_1569 = arith.andi %le3A_1553, %lt3A_1568 : vector<16xi1>
      %mul3A_1570 = arith.constant 784 : i32
      %mul3A_1571 = arith.muli %add3A_44, %mul3A_1570 : i32
      %add3A_1572 = arith.constant 688 : i32
      %add3A_1573 = arith.addi %mul3A_1571, %add3A_1572 : i32
      %broadcast_in_dim3A_1574 = vector.broadcast %add3A_1573 : i32 to vector<16xi32>
      %add3A_1575 = arith.addi %broadcast_in_dim3A_1574, %iota3A : vector<16xi32>
      %broadcast_in_dim3A_1576 = vector.broadcast %scan3A_43 : i32 to vector<16xi32>
      tpu.vector_store_idx %arg10[%broadcast_in_dim3A_1576, %sub3A_1565], %add3A_1575 masked %and3A_1569 : memref<32x48xi32, #tpu.memory_space<vmem>>[vector<16xi32>, vector<16xi32>], vector<16xi32>, vector<16xi1>
      %all_reduce_population_count3A_1577 = tpu.all_reduce %and3A_1569 {dim = 0 : i64, kind = #tpu.reduction_kind<sum>} : vector<16xi1> -> vector<16xi32>
      %add3A_1578 = arith.addi %add3A_1549, %all_reduce_population_count3A_1577 : vector<16xi32>
      %get3A_1579 = arith.index_cast %scan3A_43 : i32 to index
      %get3A_1580 = arith.constant 704 : index
      %get3A_1581 = tpu.vector_load %arg7[%get3A_1579, %get3A_1580] {strides = array<i32>} : memref<32x896xf32, #tpu.memory_space<vmem>>, vector<16xf32>,
      %le3A_1582 = arith.cmpf ole, %get3A_1581, %scan3A_290#1 : vector<16xf32>
      %jit3A_1583 = arith.constant 1 : i32
      %jit3A_1584 = arith.constant 0 : i32
      %broadcast_in_dim3A_1585 = vector.broadcast %jit3A_1583 : i32 to vector<16xi32>
      %broadcast_in_dim3A_1586 = vector.broadcast %jit3A_1584 : i32 to vector<16xi32>
      %select_n3A_1587 = arith.select %le3A_1582, %broadcast_in_dim3A_1585, %broadcast_in_dim3A_1586 : vector<16xi1>, vector<16xi32>
      %broadcast_in_dim3A_1588 = arith.constant true
      %broadcast_in_dim3A_1589 = vector.broadcast %broadcast_in_dim3A_1588 : i1 to vector<16xi1>
      %masked_cumsum3A_1590 = tpu.scan <sum>, %select_n3A_1587 masked %broadcast_in_dim3A_1589 : vector<16xi32>, vector<16xi1> -> vector<16xi32>
      %add3A_1591 = arith.addi %add3A_1578, %masked_cumsum3A_1590 : vector<16xi32>
      %sub3A_1592 = arith.constant 1 : i32
      %sub3A_1593 = vector.broadcast %sub3A_1592 : i32 to vector<16xi32>
      %sub3A_1594 = arith.subi %add3A_1591, %sub3A_1593 : vector<16xi32>
      %lt3A_1595 = arith.constant 48 : i32
      %lt3A_1596 = vector.broadcast %lt3A_1595 : i32 to vector<16xi32>
      %lt3A_1597 = arith.cmpi slt, %sub3A_1594, %lt3A_1596 : vector<16xi32>
      %and3A_1598 = arith.andi %le3A_1582, %lt3A_1597 : vector<16xi1>
      %mul3A_1599 = arith.constant 784 : i32
      %mul3A_1600 = arith.muli %add3A_44, %mul3A_1599 : i32
      %add3A_1601 = arith.constant 704 : i32
      %add3A_1602 = arith.addi %mul3A_1600, %add3A_1601 : i32
      %broadcast_in_dim3A_1603 = vector.broadcast %add3A_1602 : i32 to vector<16xi32>
      %add3A_1604 = arith.addi %broadcast_in_dim3A_1603, %iota3A : vector<16xi32>
      %broadcast_in_dim3A_1605 = vector.broadcast %scan3A_43 : i32 to vector<16xi32>
      tpu.vector_store_idx %arg10[%broadcast_in_dim3A_1605, %sub3A_1594], %add3A_1604 masked %and3A_1598 : memref<32x48xi32, #tpu.memory_space<vmem>>[vector<16xi32>, vector<16xi32>], vector<16xi32>, vector<16xi1>
      %all_reduce_population_count3A_1606 = tpu.all_reduce %and3A_1598 {dim = 0 : i64, kind = #tpu.reduction_kind<sum>} : vector<16xi1> -> vector<16xi32>
      %add3A_1607 = arith.addi %add3A_1578, %all_reduce_population_count3A_1606 : vector<16xi32>
      %get3A_1608 = arith.index_cast %scan3A_43 : i32 to index
      %get3A_1609 = arith.constant 720 : index
      %get3A_1610 = tpu.vector_load %arg7[%get3A_1608, %get3A_1609] {strides = array<i32>} : memref<32x896xf32, #tpu.memory_space<vmem>>, vector<16xf32>,
      %le3A_1611 = arith.cmpf ole, %get3A_1610, %scan3A_290#1 : vector<16xf32>
      %jit3A_1612 = arith.constant 1 : i32
      %jit3A_1613 = arith.constant 0 : i32
      %broadcast_in_dim3A_1614 = vector.broadcast %jit3A_1612 : i32 to vector<16xi32>
      %broadcast_in_dim3A_1615 = vector.broadcast %jit3A_1613 : i32 to vector<16xi32>
      %select_n3A_1616 = arith.select %le3A_1611, %broadcast_in_dim3A_1614, %broadcast_in_dim3A_1615 : vector<16xi1>, vector<16xi32>
      %broadcast_in_dim3A_1617 = arith.constant true
      %broadcast_in_dim3A_1618 = vector.broadcast %broadcast_in_dim3A_1617 : i1 to vector<16xi1>
      %masked_cumsum3A_1619 = tpu.scan <sum>, %select_n3A_1616 masked %broadcast_in_dim3A_1618 : vector<16xi32>, vector<16xi1> -> vector<16xi32>
      %add3A_1620 = arith.addi %add3A_1607, %masked_cumsum3A_1619 : vector<16xi32>
      %sub3A_1621 = arith.constant 1 : i32
      %sub3A_1622 = vector.broadcast %sub3A_1621 : i32 to vector<16xi32>
      %sub3A_1623 = arith.subi %add3A_1620, %sub3A_1622 : vector<16xi32>
      %lt3A_1624 = arith.constant 48 : i32
      %lt3A_1625 = vector.broadcast %lt3A_1624 : i32 to vector<16xi32>
      %lt3A_1626 = arith.cmpi slt, %sub3A_1623, %lt3A_1625 : vector<16xi32>
      %and3A_1627 = arith.andi %le3A_1611, %lt3A_1626 : vector<16xi1>
      %mul3A_1628 = arith.constant 784 : i32
      %mul3A_1629 = arith.muli %add3A_44, %mul3A_1628 : i32
      %add3A_1630 = arith.constant 720 : i32
      %add3A_1631 = arith.addi %mul3A_1629, %add3A_1630 : i32
      %broadcast_in_dim3A_1632 = vector.broadcast %add3A_1631 : i32 to vector<16xi32>
      %add3A_1633 = arith.addi %broadcast_in_dim3A_1632, %iota3A : vector<16xi32>
      %broadcast_in_dim3A_1634 = vector.broadcast %scan3A_43 : i32 to vector<16xi32>
      tpu.vector_store_idx %arg10[%broadcast_in_dim3A_1634, %sub3A_1623], %add3A_1633 masked %and3A_1627 : memref<32x48xi32, #tpu.memory_space<vmem>>[vector<16xi32>, vector<16xi32>], vector<16xi32>, vector<16xi1>
      %all_reduce_population_count3A_1635 = tpu.all_reduce %and3A_1627 {dim = 0 : i64, kind = #tpu.reduction_kind<sum>} : vector<16xi1> -> vector<16xi32>
      %add3A_1636 = arith.addi %add3A_1607, %all_reduce_population_count3A_1635 : vector<16xi32>
      %get3A_1637 = arith.index_cast %scan3A_43 : i32 to index
      %get3A_1638 = arith.constant 736 : index
      %get3A_1639 = tpu.vector_load %arg7[%get3A_1637, %get3A_1638] {strides = array<i32>} : memref<32x896xf32, #tpu.memory_space<vmem>>, vector<16xf32>,
      %le3A_1640 = arith.cmpf ole, %get3A_1639, %scan3A_290#1 : vector<16xf32>
      %jit3A_1641 = arith.constant 1 : i32
      %jit3A_1642 = arith.constant 0 : i32
      %broadcast_in_dim3A_1643 = vector.broadcast %jit3A_1641 : i32 to vector<16xi32>
      %broadcast_in_dim3A_1644 = vector.broadcast %jit3A_1642 : i32 to vector<16xi32>
      %select_n3A_1645 = arith.select %le3A_1640, %broadcast_in_dim3A_1643, %broadcast_in_dim3A_1644 : vector<16xi1>, vector<16xi32>
      %broadcast_in_dim3A_1646 = arith.constant true
      %broadcast_in_dim3A_1647 = vector.broadcast %broadcast_in_dim3A_1646 : i1 to vector<16xi1>
      %masked_cumsum3A_1648 = tpu.scan <sum>, %select_n3A_1645 masked %broadcast_in_dim3A_1647 : vector<16xi32>, vector<16xi1> -> vector<16xi32>
      %add3A_1649 = arith.addi %add3A_1636, %masked_cumsum3A_1648 : vector<16xi32>
      %sub3A_1650 = arith.constant 1 : i32
      %sub3A_1651 = vector.broadcast %sub3A_1650 : i32 to vector<16xi32>
      %sub3A_1652 = arith.subi %add3A_1649, %sub3A_1651 : vector<16xi32>
      %lt3A_1653 = arith.constant 48 : i32
      %lt3A_1654 = vector.broadcast %lt3A_1653 : i32 to vector<16xi32>
      %lt3A_1655 = arith.cmpi slt, %sub3A_1652, %lt3A_1654 : vector<16xi32>
      %and3A_1656 = arith.andi %le3A_1640, %lt3A_1655 : vector<16xi1>
      %mul3A_1657 = arith.constant 784 : i32
      %mul3A_1658 = arith.muli %add3A_44, %mul3A_1657 : i32
      %add3A_1659 = arith.constant 736 : i32
      %add3A_1660 = arith.addi %mul3A_1658, %add3A_1659 : i32
      %broadcast_in_dim3A_1661 = vector.broadcast %add3A_1660 : i32 to vector<16xi32>
      %add3A_1662 = arith.addi %broadcast_in_dim3A_1661, %iota3A : vector<16xi32>
      %broadcast_in_dim3A_1663 = vector.broadcast %scan3A_43 : i32 to vector<16xi32>
      tpu.vector_store_idx %arg10[%broadcast_in_dim3A_1663, %sub3A_1652], %add3A_1662 masked %and3A_1656 : memref<32x48xi32, #tpu.memory_space<vmem>>[vector<16xi32>, vector<16xi32>], vector<16xi32>, vector<16xi1>
      %all_reduce_population_count3A_1664 = tpu.all_reduce %and3A_1656 {dim = 0 : i64, kind = #tpu.reduction_kind<sum>} : vector<16xi1> -> vector<16xi32>
      %add3A_1665 = arith.addi %add3A_1636, %all_reduce_population_count3A_1664 : vector<16xi32>
      %get3A_1666 = arith.index_cast %scan3A_43 : i32 to index
      %get3A_1667 = arith.constant 752 : index
      %get3A_1668 = tpu.vector_load %arg7[%get3A_1666, %get3A_1667] {strides = array<i32>} : memref<32x896xf32, #tpu.memory_space<vmem>>, vector<16xf32>,
      %le3A_1669 = arith.cmpf ole, %get3A_1668, %scan3A_290#1 : vector<16xf32>
      %jit3A_1670 = arith.constant 1 : i32
      %jit3A_1671 = arith.constant 0 : i32
      %broadcast_in_dim3A_1672 = vector.broadcast %jit3A_1670 : i32 to vector<16xi32>
      %broadcast_in_dim3A_1673 = vector.broadcast %jit3A_1671 : i32 to vector<16xi32>
      %select_n3A_1674 = arith.select %le3A_1669, %broadcast_in_dim3A_1672, %broadcast_in_dim3A_1673 : vector<16xi1>, vector<16xi32>
      %broadcast_in_dim3A_1675 = arith.constant true
      %broadcast_in_dim3A_1676 = vector.broadcast %broadcast_in_dim3A_1675 : i1 to vector<16xi1>
      %masked_cumsum3A_1677 = tpu.scan <sum>, %select_n3A_1674 masked %broadcast_in_dim3A_1676 : vector<16xi32>, vector<16xi1> -> vector<16xi32>
      %add3A_1678 = arith.addi %add3A_1665, %masked_cumsum3A_1677 : vector<16xi32>
      %sub3A_1679 = arith.constant 1 : i32
      %sub3A_1680 = vector.broadcast %sub3A_1679 : i32 to vector<16xi32>
      %sub3A_1681 = arith.subi %add3A_1678, %sub3A_1680 : vector<16xi32>
      %lt3A_1682 = arith.constant 48 : i32
      %lt3A_1683 = vector.broadcast %lt3A_1682 : i32 to vector<16xi32>
      %lt3A_1684 = arith.cmpi slt, %sub3A_1681, %lt3A_1683 : vector<16xi32>
      %and3A_1685 = arith.andi %le3A_1669, %lt3A_1684 : vector<16xi1>
      %mul3A_1686 = arith.constant 784 : i32
      %mul3A_1687 = arith.muli %add3A_44, %mul3A_1686 : i32
      %add3A_1688 = arith.constant 752 : i32
      %add3A_1689 = arith.addi %mul3A_1687, %add3A_1688 : i32
      %broadcast_in_dim3A_1690 = vector.broadcast %add3A_1689 : i32 to vector<16xi32>
      %add3A_1691 = arith.addi %broadcast_in_dim3A_1690, %iota3A : vector<16xi32>
      %broadcast_in_dim3A_1692 = vector.broadcast %scan3A_43 : i32 to vector<16xi32>
      tpu.vector_store_idx %arg10[%broadcast_in_dim3A_1692, %sub3A_1681], %add3A_1691 masked %and3A_1685 : memref<32x48xi32, #tpu.memory_space<vmem>>[vector<16xi32>, vector<16xi32>], vector<16xi32>, vector<16xi1>
      %all_reduce_population_count3A_1693 = tpu.all_reduce %and3A_1685 {dim = 0 : i64, kind = #tpu.reduction_kind<sum>} : vector<16xi1> -> vector<16xi32>
      %add3A_1694 = arith.addi %add3A_1665, %all_reduce_population_count3A_1693 : vector<16xi32>
      %get3A_1695 = arith.index_cast %scan3A_43 : i32 to index
      %get3A_1696 = arith.constant 768 : index
      %get3A_1697 = tpu.vector_load %arg7[%get3A_1695, %get3A_1696] {strides = array<i32>} : memref<32x896xf32, #tpu.memory_space<vmem>>, vector<16xf32>,
      %le3A_1698 = arith.cmpf ole, %get3A_1697, %scan3A_290#1 : vector<16xf32>
      %jit3A_1699 = arith.constant 1 : i32
      %jit3A_1700 = arith.constant 0 : i32
      %broadcast_in_dim3A_1701 = vector.broadcast %jit3A_1699 : i32 to vector<16xi32>
      %broadcast_in_dim3A_1702 = vector.broadcast %jit3A_1700 : i32 to vector<16xi32>
      %select_n3A_1703 = arith.select %le3A_1698, %broadcast_in_dim3A_1701, %broadcast_in_dim3A_1702 : vector<16xi1>, vector<16xi32>
      %broadcast_in_dim3A_1704 = arith.constant true
      %broadcast_in_dim3A_1705 = vector.broadcast %broadcast_in_dim3A_1704 : i1 to vector<16xi1>
      %masked_cumsum3A_1706 = tpu.scan <sum>, %select_n3A_1703 masked %broadcast_in_dim3A_1705 : vector<16xi32>, vector<16xi1> -> vector<16xi32>
      %add3A_1707 = arith.addi %add3A_1694, %masked_cumsum3A_1706 : vector<16xi32>
      %sub3A_1708 = arith.constant 1 : i32
      %sub3A_1709 = vector.broadcast %sub3A_1708 : i32 to vector<16xi32>
      %sub3A_1710 = arith.subi %add3A_1707, %sub3A_1709 : vector<16xi32>
      %lt3A_1711 = arith.constant 48 : i32
      %lt3A_1712 = vector.broadcast %lt3A_1711 : i32 to vector<16xi32>
      %lt3A_1713 = arith.cmpi slt, %sub3A_1710, %lt3A_1712 : vector<16xi32>
      %and3A_1714 = arith.andi %le3A_1698, %lt3A_1713 : vector<16xi1>
      %mul3A_1715 = arith.constant 784 : i32
      %mul3A_1716 = arith.muli %add3A_44, %mul3A_1715 : i32
      %add3A_1717 = arith.constant 768 : i32
      %add3A_1718 = arith.addi %mul3A_1716, %add3A_1717 : i32
      %broadcast_in_dim3A_1719 = vector.broadcast %add3A_1718 : i32 to vector<16xi32>
      %add3A_1720 = arith.addi %broadcast_in_dim3A_1719, %iota3A : vector<16xi32>
      %broadcast_in_dim3A_1721 = vector.broadcast %scan3A_43 : i32 to vector<16xi32>
      tpu.vector_store_idx %arg10[%broadcast_in_dim3A_1721, %sub3A_1710], %add3A_1720 masked %and3A_1714 : memref<32x48xi32, #tpu.memory_space<vmem>>[vector<16xi32>, vector<16xi32>], vector<16xi32>, vector<16xi1>
      %all_reduce_population_count3A_1722 = tpu.all_reduce %and3A_1714 {dim = 0 : i64, kind = #tpu.reduction_kind<sum>} : vector<16xi1> -> vector<16xi32>
      %add3A_1723 = arith.addi %add3A_1694, %all_reduce_population_count3A_1722 : vector<16xi32>
    }
    %scan3A_7 = arith.constant 32 : i32
    %dma_start3A = arith.constant 0 : i32
    %dma_start3A_8 = arith.constant 0 : i32
    %dma_start3A_9 = arith.constant 0 : i32
    %dma_start3A_10 = arith.constant 0 : i32
    %dma_start3A_11 = tpu.memref_slice %arg11[%dma_start3A_8, %dma_start3A_9, %dma_start3A_10] : memref<2x48x128xf32, #tpu.memory_space<vmem>> -> memref<1x48x128xf32, #tpu.memory_space<vmem>>
    %dma_start3A_12 = tpu.memref_squeeze %dma_start3A_11 : memref<1x48x128xf32, #tpu.memory_space<vmem>> -> memref<48x128xf32, #tpu.memory_space<vmem>>
    %dma_start3A_13 = arith.constant 0 : i32
    %dma_start3A_14 = tpu.memref_slice %arg10[%dma_start3A, %dma_start3A_13] : memref<32x48xi32, #tpu.memory_space<vmem>> -> memref<1x48xi32, #tpu.memory_space<vmem>>
    %dma_start3A_15 = tpu.memref_squeeze %dma_start3A_14 : memref<1x48xi32, #tpu.memory_space<vmem>> -> memref<48xi32, #tpu.memory_space<vmem>>
    %dma_start3A_16 = arith.constant 0 : i32
    %dma_start3A_17 = arith.constant 0 : i32
    %dma_start3A_18 = tpu.memref_slice %arg2[%dma_start3A_16, %dma_start3A_17] : memref<802816x128xf32, #tpu.memory_space<hbm>> -> memref<802816x128xf32, #tpu.memory_space<hbm>>
    tpu.enqueue_indirect_dma source(%dma_start3A_18 : memref<802816x128xf32, #tpu.memory_space<hbm>>) target(%dma_start3A_12 : memref<48x128xf32, #tpu.memory_space<vmem>>) offsets(%dma_start3A_15 : memref<48xi32, #tpu.memory_space<vmem>>) semaphore(%arg17 : memref<!tpu.dma_semaphore, #tpu.memory_space<semaphore_mem>>)
    %scan3A_19 = arith.constant 0 : i32
    %scan3A_20 = arith.constant 0 : i32
    %scan3A_21 = arith.constant 16 : i32
    %scan3A_22 = arith.addi %scan3A_20, %scan3A_21 : i32
    %scan3A_23 = arith.constant 1 : i32
    scf.for %scan3A_43 = %scan3A_20 to %scan3A_22 step %scan3A_23  : i32 {
      %mul3A_44 = arith.constant 2 : i32
      %mul3A_45 = arith.muli %mul3A_44, %scan3A_43 : i32
      %add3A_46 = arith.addi %mul3A_2, %mul3A_45 : i32
      %add3A_47 = arith.constant 1 : i32
      %add3A_48 = arith.addi %mul3A_45, %add3A_47 : i32
      %lt3A = arith.constant 32 : i32
      %lt3A_49 = arith.cmpi slt, %add3A_48, %lt3A : i32
      %convert_element_type3A = arith.extui %lt3A_49 : i1 to i32
      %cond3A = arith.constant 0 : i32
      %cond3A_50 = arith.cmpi ne, %convert_element_type3A, %cond3A : i32
      scf.if %cond3A_50 {
        %add3A_965 = arith.constant 1 : i32
        %add3A_966 = arith.addi %mul3A_45, %add3A_965 : i32
        %dma_start3A_967 = arith.constant 1 : i32
        %dma_start3A_968 = arith.constant 0 : i32
        %dma_start3A_969 = arith.constant 0 : i32
        %dma_start3A_970 = tpu.memref_slice %arg11[%dma_start3A_967, %dma_start3A_968, %dma_start3A_969] : memref<2x48x128xf32, #tpu.memory_space<vmem>> -> memref<1x48x128xf32, #tpu.memory_space<vmem>>
        %dma_start3A_971 = tpu.memref_squeeze %dma_start3A_970 : memref<1x48x128xf32, #tpu.memory_space<vmem>> -> memref<48x128xf32, #tpu.memory_space<vmem>>
        %dma_start3A_972 = arith.constant 0 : i32
        %dma_start3A_973 = tpu.memref_slice %arg10[%add3A_966, %dma_start3A_972] : memref<32x48xi32, #tpu.memory_space<vmem>> -> memref<1x48xi32, #tpu.memory_space<vmem>>
        %dma_start3A_974 = tpu.memref_squeeze %dma_start3A_973 : memref<1x48xi32, #tpu.memory_space<vmem>> -> memref<48xi32, #tpu.memory_space<vmem>>
        %dma_start3A_975 = arith.constant 0 : i32
        %dma_start3A_976 = arith.constant 0 : i32
        %dma_start3A_977 = tpu.memref_slice %arg2[%dma_start3A_975, %dma_start3A_976] : memref<802816x128xf32, #tpu.memory_space<hbm>> -> memref<802816x128xf32, #tpu.memory_space<hbm>>
        tpu.enqueue_indirect_dma source(%dma_start3A_977 : memref<802816x128xf32, #tpu.memory_space<hbm>>) target(%dma_start3A_971 : memref<48x128xf32, #tpu.memory_space<vmem>>) offsets(%dma_start3A_974 : memref<48xi32, #tpu.memory_space<vmem>>) semaphore(%arg18 : memref<!tpu.dma_semaphore, #tpu.memory_space<semaphore_mem>>)
      } else {
      }
      %dma_wait3A = arith.constant 0 : i32
      %dma_wait3A_51 = arith.constant 0 : i32
      %dma_wait3A_52 = arith.constant 0 : i32
      %dma_wait3A_53 = tpu.memref_slice %arg11[%dma_wait3A, %dma_wait3A_51, %dma_wait3A_52] : memref<2x48x128xf32, #tpu.memory_space<vmem>> -> memref<1x48x128xf32, #tpu.memory_space<vmem>>
      %dma_wait3A_54 = tpu.memref_squeeze %dma_wait3A_53 : memref<1x48x128xf32, #tpu.memory_space<vmem>> -> memref<48x128xf32, #tpu.memory_space<vmem>>
      %dma_wait3A_55 = arith.constant 0 : i32
      %dma_wait3A_56 = tpu.memref_slice %arg10[%mul3A_45, %dma_wait3A_55] : memref<32x48xi32, #tpu.memory_space<vmem>> -> memref<1x48xi32, #tpu.memory_space<vmem>>
      %dma_wait3A_57 = tpu.memref_squeeze %dma_wait3A_56 : memref<1x48xi32, #tpu.memory_space<vmem>> -> memref<48xi32, #tpu.memory_space<vmem>>
      %dma_wait3A_58 = arith.constant 0 : i32
      %dma_wait3A_59 = arith.constant 0 : i32
      %dma_wait3A_60 = tpu.memref_slice %arg2[%dma_wait3A_58, %dma_wait3A_59] : memref<802816x128xf32, #tpu.memory_space<hbm>> -> memref<802816x128xf32, #tpu.memory_space<hbm>>
      tpu.wait_indirect_dma semaphore(%arg17 : memref<!tpu.dma_semaphore, #tpu.memory_space<semaphore_mem>>) src(%dma_wait3A_60 : memref<802816x128xf32, #tpu.memory_space<hbm>>) dst(%dma_wait3A_54 : memref<48x128xf32, #tpu.memory_space<vmem>>)
      %broadcast_in_dim3A = vector.broadcast %mul3A_45 : i32 to vector<16xi32>
      %gather3A = tpu.vector_load_idx %arg9[%broadcast_in_dim3A] : memref<32xf32, #tpu.memory_space<vmem>>[vector<16xi32>], vector<16xf32>,
      %broadcast_in_dim3A_61 = arith.constant 1.000000e+30 : f32
      %broadcast_in_dim3A_62 = vector.broadcast %broadcast_in_dim3A_61 : f32 to vector<16xf32>
      %swap3A = arith.constant 0 : index
      %swap3A_63 = tpu.vector_load %arg12[%swap3A] {strides = array<i32>} : memref<96xf32, #tpu.memory_space<vmem>>, vector<16xf32>,
      tpu.vector_store %arg12[%swap3A], %broadcast_in_dim3A_62 {strides = array<i32>} : memref<96xf32, #tpu.memory_space<vmem>>, vector<16xf32>,
      %broadcast_in_dim3A_64 = arith.constant 1.000000e+30 : f32
      %broadcast_in_dim3A_65 = vector.broadcast %broadcast_in_dim3A_64 : f32 to vector<16xf32>
      %swap3A_66 = arith.constant 16 : index
      %swap3A_67 = tpu.vector_load %arg12[%swap3A_66] {strides = array<i32>} : memref<96xf32, #tpu.memory_space<vmem>>, vector<16xf32>,
      tpu.vector_store %arg12[%swap3A_66], %broadcast_in_dim3A_65 {strides = array<i32>} : memref<96xf32, #tpu.memory_space<vmem>>, vector<16xf32>,
      %broadcast_in_dim3A_68 = arith.constant 1.000000e+30 : f32
      %broadcast_in_dim3A_69 = vector.broadcast %broadcast_in_dim3A_68 : f32 to vector<16xf32>
      %swap3A_70 = arith.constant 32 : index
      %swap3A_71 = tpu.vector_load %arg12[%swap3A_70] {strides = array<i32>} : memref<96xf32, #tpu.memory_space<vmem>>, vector<16xf32>,
      tpu.vector_store %arg12[%swap3A_70], %broadcast_in_dim3A_69 {strides = array<i32>} : memref<96xf32, #tpu.memory_space<vmem>>, vector<16xf32>,
      %broadcast_in_dim3A_72 = arith.constant 1.000000e+30 : f32
      %broadcast_in_dim3A_73 = vector.broadcast %broadcast_in_dim3A_72 : f32 to vector<16xf32>
      %swap3A_74 = arith.constant 48 : index
      %swap3A_75 = tpu.vector_load %arg12[%swap3A_74] {strides = array<i32>} : memref<96xf32, #tpu.memory_space<vmem>>, vector<16xf32>,
      tpu.vector_store %arg12[%swap3A_74], %broadcast_in_dim3A_73 {strides = array<i32>} : memref<96xf32, #tpu.memory_space<vmem>>, vector<16xf32>,
      %broadcast_in_dim3A_76 = arith.constant 1.000000e+30 : f32
      %broadcast_in_dim3A_77 = vector.broadcast %broadcast_in_dim3A_76 : f32 to vector<16xf32>
      %swap3A_78 = arith.constant 64 : index
      %swap3A_79 = tpu.vector_load %arg12[%swap3A_78] {strides = array<i32>} : memref<96xf32, #tpu.memory_space<vmem>>, vector<16xf32>,
      tpu.vector_store %arg12[%swap3A_78], %broadcast_in_dim3A_77 {strides = array<i32>} : memref<96xf32, #tpu.memory_space<vmem>>, vector<16xf32>,
      %broadcast_in_dim3A_80 = arith.constant 1.000000e+30 : f32
      %broadcast_in_dim3A_81 = vector.broadcast %broadcast_in_dim3A_80 : f32 to vector<16xf32>
      %swap3A_82 = arith.constant 80 : index
      %swap3A_83 = tpu.vector_load %arg12[%swap3A_82] {strides = array<i32>} : memref<96xf32, #tpu.memory_space<vmem>>, vector<16xf32>,
      tpu.vector_store %arg12[%swap3A_82], %broadcast_in_dim3A_81 {strides = array<i32>} : memref<96xf32, #tpu.memory_space<vmem>>, vector<16xf32>,
      %broadcast_in_dim3A_84 = arith.constant 0 : i32
      %broadcast_in_dim3A_85 = vector.broadcast %broadcast_in_dim3A_84 : i32 to vector<16xi32>
      %scan3A_86 = arith.constant 0 : i32
      %scan3A_87 = arith.constant 48 : i32
      %scan3A_88 = arith.addi %scan3A_86, %scan3A_87 : i32
      %scan3A_89 = arith.constant 1 : i32
      %scan3A_90 = scf.for %scan3A_965 = %scan3A_86 to %scan3A_88 step %scan3A_89 iter_args(%scan3A_966 = %broadcast_in_dim3A_85) -> (vector<16xi32>)  : i32 {
        %get3A_967 = arith.constant 0 : i32
        %get3A_968 = arith.index_cast %get3A_967 : i32 to index
        %get3A_969 = arith.index_cast %scan3A_965 : i32 to index
        %get3A_970 = arith.constant 0 : index
        %get3A_971 = tpu.vector_load %arg11[%get3A_968, %get3A_969, %get3A_970] {strides = array<i32>} : memref<2x48x128xf32, #tpu.memory_space<vmem>>, vector<16xf32>,
        %le3A_972 = arith.cmpf ole, %get3A_971, %gather3A : vector<16xf32>
        %all_reduce_population_count3A_973 = tpu.all_reduce %le3A_972 {dim = 0 : i64, kind = #tpu.reduction_kind<sum>} : vector<16xi1> -> vector<16xi32>
        %mul3A_974 = arith.constant 128 : i32
        %mul3A_975 = arith.muli %scan3A_965, %mul3A_974 : i32
        %add3A_976 = arith.constant 0 : i32
        %add3A_977 = arith.addi %mul3A_975, %add3A_976 : i32
        %broadcast_in_dim3A_978 = vector.broadcast %add3A_977 : i32 to vector<16xi32>
        %add3A_979 = arith.addi %broadcast_in_dim3A_978, %iota3A : vector<16xi32>
        %masked_sort3A = arith.constant dense<true> : vector<16xi1>
        %masked_sort3A_980, %masked_sort3A_981, %masked_sort3A_982 = tpu.sort %get3A_971, %add3A_979 masked %masked_sort3A : (vector<16xf32>, vector<16xi32>, vector<16xi1>) -> (vector<16xi1>, vector<16xf32>, vector<16xi32>)
        %add3A_983 = arith.addi %scan3A_966, %iota3A : vector<16xi32>
        %min3A_984 = arith.constant 95 : i32
        %min3A_985 = vector.broadcast %min3A_984 : i32 to vector<16xi32>
        %min3A_986 = arith.minsi %add3A_983, %min3A_985 : vector<16xi32>
        tpu.vector_store_idx %arg12[%min3A_986], %masked_sort3A_981 : memref<96xf32, #tpu.memory_space<vmem>>[vector<16xi32>], vector<16xf32>,
        tpu.vector_store_idx %arg13[%min3A_986], %masked_sort3A_982 : memref<96xi32, #tpu.memory_space<vmem>>[vector<16xi32>], vector<16xi32>,
        %add3A_987 = arith.addi %scan3A_966, %all_reduce_population_count3A_973 : vector<16xi32>
        %get3A_988 = arith.constant 0 : i32
        %get3A_989 = arith.index_cast %get3A_988 : i32 to index
        %get3A_990 = arith.index_cast %scan3A_965 : i32 to index
        %get3A_991 = arith.constant 16 : index
        %get3A_992 = tpu.vector_load %arg11[%get3A_989, %get3A_990, %get3A_991] {strides = array<i32>} : memref<2x48x128xf32, #tpu.memory_space<vmem>>, vector<16xf32>,
        %le3A_993 = arith.cmpf ole, %get3A_992, %gather3A : vector<16xf32>
        %all_reduce_population_count3A_994 = tpu.all_reduce %le3A_993 {dim = 0 : i64, kind = #tpu.reduction_kind<sum>} : vector<16xi1> -> vector<16xi32>
        %mul3A_995 = arith.constant 128 : i32
        %mul3A_996 = arith.muli %scan3A_965, %mul3A_995 : i32
        %add3A_997 = arith.constant 16 : i32
        %add3A_998 = arith.addi %mul3A_996, %add3A_997 : i32
        %broadcast_in_dim3A_999 = vector.broadcast %add3A_998 : i32 to vector<16xi32>
        %add3A_1000 = arith.addi %broadcast_in_dim3A_999, %iota3A : vector<16xi32>
        %masked_sort3A_1001 = arith.constant dense<true> : vector<16xi1>
        %masked_sort3A_1002, %masked_sort3A_1003, %masked_sort3A_1004 = tpu.sort %get3A_992, %add3A_1000 masked %masked_sort3A_1001 : (vector<16xf32>, vector<16xi32>, vector<16xi1>) -> (vector<16xi1>, vector<16xf32>, vector<16xi32>)
        %add3A_1005 = arith.addi %add3A_987, %iota3A : vector<16xi32>
        %min3A_1006 = arith.constant 95 : i32
        %min3A_1007 = vector.broadcast %min3A_1006 : i32 to vector<16xi32>
        %min3A_1008 = arith.minsi %add3A_1005, %min3A_1007 : vector<16xi32>
        tpu.vector_store_idx %arg12[%min3A_1008], %masked_sort3A_1003 : memref<96xf32, #tpu.memory_space<vmem>>[vector<16xi32>], vector<16xf32>,
        tpu.vector_store_idx %arg13[%min3A_1008], %masked_sort3A_1004 : memref<96xi32, #tpu.memory_space<vmem>>[vector<16xi32>], vector<16xi32>,
        %add3A_1009 = arith.addi %add3A_987, %all_reduce_population_count3A_994 : vector<16xi32>
        %get3A_1010 = arith.constant 0 : i32
        %get3A_1011 = arith.index_cast %get3A_1010 : i32 to index
        %get3A_1012 = arith.index_cast %scan3A_965 : i32 to index
        %get3A_1013 = arith.constant 32 : index
        %get3A_1014 = tpu.vector_load %arg11[%get3A_1011, %get3A_1012, %get3A_1013] {strides = array<i32>} : memref<2x48x128xf32, #tpu.memory_space<vmem>>, vector<16xf32>,
        %le3A_1015 = arith.cmpf ole, %get3A_1014, %gather3A : vector<16xf32>
        %all_reduce_population_count3A_1016 = tpu.all_reduce %le3A_1015 {dim = 0 : i64, kind = #tpu.reduction_kind<sum>} : vector<16xi1> -> vector<16xi32>
        %mul3A_1017 = arith.constant 128 : i32
        %mul3A_1018 = arith.muli %scan3A_965, %mul3A_1017 : i32
        %add3A_1019 = arith.constant 32 : i32
        %add3A_1020 = arith.addi %mul3A_1018, %add3A_1019 : i32
        %broadcast_in_dim3A_1021 = vector.broadcast %add3A_1020 : i32 to vector<16xi32>
        %add3A_1022 = arith.addi %broadcast_in_dim3A_1021, %iota3A : vector<16xi32>
        %masked_sort3A_1023 = arith.constant dense<true> : vector<16xi1>
        %masked_sort3A_1024, %masked_sort3A_1025, %masked_sort3A_1026 = tpu.sort %get3A_1014, %add3A_1022 masked %masked_sort3A_1023 : (vector<16xf32>, vector<16xi32>, vector<16xi1>) -> (vector<16xi1>, vector<16xf32>, vector<16xi32>)
        %add3A_1027 = arith.addi %add3A_1009, %iota3A : vector<16xi32>
        %min3A_1028 = arith.constant 95 : i32
        %min3A_1029 = vector.broadcast %min3A_1028 : i32 to vector<16xi32>
        %min3A_1030 = arith.minsi %add3A_1027, %min3A_1029 : vector<16xi32>
        tpu.vector_store_idx %arg12[%min3A_1030], %masked_sort3A_1025 : memref<96xf32, #tpu.memory_space<vmem>>[vector<16xi32>], vector<16xf32>,
        tpu.vector_store_idx %arg13[%min3A_1030], %masked_sort3A_1026 : memref<96xi32, #tpu.memory_space<vmem>>[vector<16xi32>], vector<16xi32>,
        %add3A_1031 = arith.addi %add3A_1009, %all_reduce_population_count3A_1016 : vector<16xi32>
        %get3A_1032 = arith.constant 0 : i32
        %get3A_1033 = arith.index_cast %get3A_1032 : i32 to index
        %get3A_1034 = arith.index_cast %scan3A_965 : i32 to index
        %get3A_1035 = arith.constant 48 : index
        %get3A_1036 = tpu.vector_load %arg11[%get3A_1033, %get3A_1034, %get3A_1035] {strides = array<i32>} : memref<2x48x128xf32, #tpu.memory_space<vmem>>, vector<16xf32>,
        %le3A_1037 = arith.cmpf ole, %get3A_1036, %gather3A : vector<16xf32>
        %all_reduce_population_count3A_1038 = tpu.all_reduce %le3A_1037 {dim = 0 : i64, kind = #tpu.reduction_kind<sum>} : vector<16xi1> -> vector<16xi32>
        %mul3A_1039 = arith.constant 128 : i32
        %mul3A_1040 = arith.muli %scan3A_965, %mul3A_1039 : i32
        %add3A_1041 = arith.constant 48 : i32
        %add3A_1042 = arith.addi %mul3A_1040, %add3A_1041 : i32
        %broadcast_in_dim3A_1043 = vector.broadcast %add3A_1042 : i32 to vector<16xi32>
        %add3A_1044 = arith.addi %broadcast_in_dim3A_1043, %iota3A : vector<16xi32>
        %masked_sort3A_1045 = arith.constant dense<true> : vector<16xi1>
        %masked_sort3A_1046, %masked_sort3A_1047, %masked_sort3A_1048 = tpu.sort %get3A_1036, %add3A_1044 masked %masked_sort3A_1045 : (vector<16xf32>, vector<16xi32>, vector<16xi1>) -> (vector<16xi1>, vector<16xf32>, vector<16xi32>)
        %add3A_1049 = arith.addi %add3A_1031, %iota3A : vector<16xi32>
        %min3A_1050 = arith.constant 95 : i32
        %min3A_1051 = vector.broadcast %min3A_1050 : i32 to vector<16xi32>
        %min3A_1052 = arith.minsi %add3A_1049, %min3A_1051 : vector<16xi32>
        tpu.vector_store_idx %arg12[%min3A_1052], %masked_sort3A_1047 : memref<96xf32, #tpu.memory_space<vmem>>[vector<16xi32>], vector<16xf32>,
        tpu.vector_store_idx %arg13[%min3A_1052], %masked_sort3A_1048 : memref<96xi32, #tpu.memory_space<vmem>>[vector<16xi32>], vector<16xi32>,
        %add3A_1053 = arith.addi %add3A_1031, %all_reduce_population_count3A_1038 : vector<16xi32>
        %get3A_1054 = arith.constant 0 : i32
        %get3A_1055 = arith.index_cast %get3A_1054 : i32 to index
        %get3A_1056 = arith.index_cast %scan3A_965 : i32 to index
        %get3A_1057 = arith.constant 64 : index
        %get3A_1058 = tpu.vector_load %arg11[%get3A_1055, %get3A_1056, %get3A_1057] {strides = array<i32>} : memref<2x48x128xf32, #tpu.memory_space<vmem>>, vector<16xf32>,
        %le3A_1059 = arith.cmpf ole, %get3A_1058, %gather3A : vector<16xf32>
        %all_reduce_population_count3A_1060 = tpu.all_reduce %le3A_1059 {dim = 0 : i64, kind = #tpu.reduction_kind<sum>} : vector<16xi1> -> vector<16xi32>
        %mul3A_1061 = arith.constant 128 : i32
        %mul3A_1062 = arith.muli %scan3A_965, %mul3A_1061 : i32
        %add3A_1063 = arith.constant 64 : i32
        %add3A_1064 = arith.addi %mul3A_1062, %add3A_1063 : i32
        %broadcast_in_dim3A_1065 = vector.broadcast %add3A_1064 : i32 to vector<16xi32>
        %add3A_1066 = arith.addi %broadcast_in_dim3A_1065, %iota3A : vector<16xi32>
        %masked_sort3A_1067 = arith.constant dense<true> : vector<16xi1>
        %masked_sort3A_1068, %masked_sort3A_1069, %masked_sort3A_1070 = tpu.sort %get3A_1058, %add3A_1066 masked %masked_sort3A_1067 : (vector<16xf32>, vector<16xi32>, vector<16xi1>) -> (vector<16xi1>, vector<16xf32>, vector<16xi32>)
        %add3A_1071 = arith.addi %add3A_1053, %iota3A : vector<16xi32>
        %min3A_1072 = arith.constant 95 : i32
        %min3A_1073 = vector.broadcast %min3A_1072 : i32 to vector<16xi32>
        %min3A_1074 = arith.minsi %add3A_1071, %min3A_1073 : vector<16xi32>
        tpu.vector_store_idx %arg12[%min3A_1074], %masked_sort3A_1069 : memref<96xf32, #tpu.memory_space<vmem>>[vector<16xi32>], vector<16xf32>,
        tpu.vector_store_idx %arg13[%min3A_1074], %masked_sort3A_1070 : memref<96xi32, #tpu.memory_space<vmem>>[vector<16xi32>], vector<16xi32>,
        %add3A_1075 = arith.addi %add3A_1053, %all_reduce_population_count3A_1060 : vector<16xi32>
        %get3A_1076 = arith.constant 0 : i32
        %get3A_1077 = arith.index_cast %get3A_1076 : i32 to index
        %get3A_1078 = arith.index_cast %scan3A_965 : i32 to index
        %get3A_1079 = arith.constant 80 : index
        %get3A_1080 = tpu.vector_load %arg11[%get3A_1077, %get3A_1078, %get3A_1079] {strides = array<i32>} : memref<2x48x128xf32, #tpu.memory_space<vmem>>, vector<16xf32>,
        %le3A_1081 = arith.cmpf ole, %get3A_1080, %gather3A : vector<16xf32>
        %all_reduce_population_count3A_1082 = tpu.all_reduce %le3A_1081 {dim = 0 : i64, kind = #tpu.reduction_kind<sum>} : vector<16xi1> -> vector<16xi32>
        %mul3A_1083 = arith.constant 128 : i32
        %mul3A_1084 = arith.muli %scan3A_965, %mul3A_1083 : i32
        %add3A_1085 = arith.constant 80 : i32
        %add3A_1086 = arith.addi %mul3A_1084, %add3A_1085 : i32
        %broadcast_in_dim3A_1087 = vector.broadcast %add3A_1086 : i32 to vector<16xi32>
        %add3A_1088 = arith.addi %broadcast_in_dim3A_1087, %iota3A : vector<16xi32>
        %masked_sort3A_1089 = arith.constant dense<true> : vector<16xi1>
        %masked_sort3A_1090, %masked_sort3A_1091, %masked_sort3A_1092 = tpu.sort %get3A_1080, %add3A_1088 masked %masked_sort3A_1089 : (vector<16xf32>, vector<16xi32>, vector<16xi1>) -> (vector<16xi1>, vector<16xf32>, vector<16xi32>)
        %add3A_1093 = arith.addi %add3A_1075, %iota3A : vector<16xi32>
        %min3A_1094 = arith.constant 95 : i32
        %min3A_1095 = vector.broadcast %min3A_1094 : i32 to vector<16xi32>
        %min3A_1096 = arith.minsi %add3A_1093, %min3A_1095 : vector<16xi32>
        tpu.vector_store_idx %arg12[%min3A_1096], %masked_sort3A_1091 : memref<96xf32, #tpu.memory_space<vmem>>[vector<16xi32>], vector<16xf32>,
        tpu.vector_store_idx %arg13[%min3A_1096], %masked_sort3A_1092 : memref<96xi32, #tpu.memory_space<vmem>>[vector<16xi32>], vector<16xi32>,
        %add3A_1097 = arith.addi %add3A_1075, %all_reduce_population_count3A_1082 : vector<16xi32>
        %get3A_1098 = arith.constant 0 : i32
        %get3A_1099 = arith.index_cast %get3A_1098 : i32 to index
        %get3A_1100 = arith.index_cast %scan3A_965 : i32 to index
        %get3A_1101 = arith.constant 96 : index
        %get3A_1102 = tpu.vector_load %arg11[%get3A_1099, %get3A_1100, %get3A_1101] {strides = array<i32>} : memref<2x48x128xf32, #tpu.memory_space<vmem>>, vector<16xf32>,
        %le3A_1103 = arith.cmpf ole, %get3A_1102, %gather3A : vector<16xf32>
        %all_reduce_population_count3A_1104 = tpu.all_reduce %le3A_1103 {dim = 0 : i64, kind = #tpu.reduction_kind<sum>} : vector<16xi1> -> vector<16xi32>
        %mul3A_1105 = arith.constant 128 : i32
        %mul3A_1106 = arith.muli %scan3A_965, %mul3A_1105 : i32
        %add3A_1107 = arith.constant 96 : i32
        %add3A_1108 = arith.addi %mul3A_1106, %add3A_1107 : i32
        %broadcast_in_dim3A_1109 = vector.broadcast %add3A_1108 : i32 to vector<16xi32>
        %add3A_1110 = arith.addi %broadcast_in_dim3A_1109, %iota3A : vector<16xi32>
        %masked_sort3A_1111 = arith.constant dense<true> : vector<16xi1>
        %masked_sort3A_1112, %masked_sort3A_1113, %masked_sort3A_1114 = tpu.sort %get3A_1102, %add3A_1110 masked %masked_sort3A_1111 : (vector<16xf32>, vector<16xi32>, vector<16xi1>) -> (vector<16xi1>, vector<16xf32>, vector<16xi32>)
        %add3A_1115 = arith.addi %add3A_1097, %iota3A : vector<16xi32>
        %min3A_1116 = arith.constant 95 : i32
        %min3A_1117 = vector.broadcast %min3A_1116 : i32 to vector<16xi32>
        %min3A_1118 = arith.minsi %add3A_1115, %min3A_1117 : vector<16xi32>
        tpu.vector_store_idx %arg12[%min3A_1118], %masked_sort3A_1113 : memref<96xf32, #tpu.memory_space<vmem>>[vector<16xi32>], vector<16xf32>,
        tpu.vector_store_idx %arg13[%min3A_1118], %masked_sort3A_1114 : memref<96xi32, #tpu.memory_space<vmem>>[vector<16xi32>], vector<16xi32>,
        %add3A_1119 = arith.addi %add3A_1097, %all_reduce_population_count3A_1104 : vector<16xi32>
        %get3A_1120 = arith.constant 0 : i32
        %get3A_1121 = arith.index_cast %get3A_1120 : i32 to index
        %get3A_1122 = arith.index_cast %scan3A_965 : i32 to index
        %get3A_1123 = arith.constant 112 : index
        %get3A_1124 = tpu.vector_load %arg11[%get3A_1121, %get3A_1122, %get3A_1123] {strides = array<i32>} : memref<2x48x128xf32, #tpu.memory_space<vmem>>, vector<16xf32>,
        %le3A_1125 = arith.cmpf ole, %get3A_1124, %gather3A : vector<16xf32>
        %all_reduce_population_count3A_1126 = tpu.all_reduce %le3A_1125 {dim = 0 : i64, kind = #tpu.reduction_kind<sum>} : vector<16xi1> -> vector<16xi32>
        %mul3A_1127 = arith.constant 128 : i32
        %mul3A_1128 = arith.muli %scan3A_965, %mul3A_1127 : i32
        %add3A_1129 = arith.constant 112 : i32
        %add3A_1130 = arith.addi %mul3A_1128, %add3A_1129 : i32
        %broadcast_in_dim3A_1131 = vector.broadcast %add3A_1130 : i32 to vector<16xi32>
        %add3A_1132 = arith.addi %broadcast_in_dim3A_1131, %iota3A : vector<16xi32>
        %masked_sort3A_1133 = arith.constant dense<true> : vector<16xi1>
        %masked_sort3A_1134, %masked_sort3A_1135, %masked_sort3A_1136 = tpu.sort %get3A_1124, %add3A_1132 masked %masked_sort3A_1133 : (vector<16xf32>, vector<16xi32>, vector<16xi1>) -> (vector<16xi1>, vector<16xf32>, vector<16xi32>)
        %add3A_1137 = arith.addi %add3A_1119, %iota3A : vector<16xi32>
        %min3A_1138 = arith.constant 95 : i32
        %min3A_1139 = vector.broadcast %min3A_1138 : i32 to vector<16xi32>
        %min3A_1140 = arith.minsi %add3A_1137, %min3A_1139 : vector<16xi32>
        tpu.vector_store_idx %arg12[%min3A_1140], %masked_sort3A_1135 : memref<96xf32, #tpu.memory_space<vmem>>[vector<16xi32>], vector<16xf32>,
        tpu.vector_store_idx %arg13[%min3A_1140], %masked_sort3A_1136 : memref<96xi32, #tpu.memory_space<vmem>>[vector<16xi32>], vector<16xi32>,
        %add3A_1141 = arith.addi %add3A_1119, %all_reduce_population_count3A_1126 : vector<16xi32>
        scf.yield %add3A_1141 : vector<16xi32>
      }
      %scan3A_91 = arith.constant 48 : i32
      %get3A = arith.constant 0 : index
      %get3A_92 = tpu.vector_load %arg12[%get3A] {strides = array<i32>} : memref<96xf32, #tpu.memory_space<vmem>>, vector<16xf32>,
      %get3A_93 = arith.constant 16 : index
      %get3A_94 = tpu.vector_load %arg12[%get3A_93] {strides = array<i32>} : memref<96xf32, #tpu.memory_space<vmem>>, vector<16xf32>,
      %min3A = arith.minimumf %get3A_92, %get3A_94 : vector<16xf32>
      %get3A_95 = arith.constant 32 : index
      %get3A_96 = tpu.vector_load %arg12[%get3A_95] {strides = array<i32>} : memref<96xf32, #tpu.memory_space<vmem>>, vector<16xf32>,
      %min3A_97 = arith.minimumf %min3A, %get3A_96 : vector<16xf32>
      %get3A_98 = arith.constant 48 : index
      %get3A_99 = tpu.vector_load %arg12[%get3A_98] {strides = array<i32>} : memref<96xf32, #tpu.memory_space<vmem>>, vector<16xf32>,
      %min3A_100 = arith.minimumf %min3A_97, %get3A_99 : vector<16xf32>
      %get3A_101 = arith.constant 64 : index
      %get3A_102 = tpu.vector_load %arg12[%get3A_101] {strides = array<i32>} : memref<96xf32, #tpu.memory_space<vmem>>, vector<16xf32>,
      %min3A_103 = arith.minimumf %min3A_100, %get3A_102 : vector<16xf32>
      %get3A_104 = arith.constant 80 : index
      %get3A_105 = tpu.vector_load %arg12[%get3A_104] {strides = array<i32>} : memref<96xf32, #tpu.memory_space<vmem>>, vector<16xf32>,
      %min3A_106 = arith.minimumf %min3A_103, %get3A_105 : vector<16xf32>
      %neg3A = arith.constant 0.000000e+00 : f32
      %neg3A_107 = vector.broadcast %neg3A : f32 to vector<16xf32>
      %neg3A_108 = arith.subf %neg3A_107, %min3A_106 : vector<16xf32>
      %broadcast_in_dim3A_109 = arith.constant true
      %broadcast_in_dim3A_110 = vector.broadcast %broadcast_in_dim3A_109 : i1 to vector<16xi1>
      %masked_cummax3A = tpu.scan <max>, %neg3A_108 masked %broadcast_in_dim3A_110 : vector<16xf32>, vector<16xi1> -> vector<16xf32>
      %broadcast_in_dim3A_111 = arith.constant 15 : i32
      %broadcast_in_dim3A_112 = vector.broadcast %broadcast_in_dim3A_111 : i32 to vector<16xi32>
      %broadcast_in_dim3A_113 = vector.shape_cast %broadcast_in_dim3A_112 : vector<16xi32> to vector<16x1xi32>
      %gather3A_114 = vector.shape_cast %broadcast_in_dim3A_113 : vector<16x1xi32> to vector<16xi32>
      %gather3A_115 = tpu.dynamic_gather %masked_cummax3A[%gather3A_114] in [0] : vector<16xf32>, vector<16xi32> -> vector<16xf32>
      %neg3A_116 = arith.constant 0.000000e+00 : f32
      %neg3A_117 = vector.broadcast %neg3A_116 : f32 to vector<16xf32>
      %neg3A_118 = arith.subf %neg3A_117, %gather3A_115 : vector<16xf32>
      %sub3A = arith.constant 1.000000e+00 : f32
      %sub3A_119 = vector.broadcast %sub3A : f32 to vector<16xf32>
      %sub3A_120 = arith.subf %neg3A_118, %sub3A_119 : vector<16xf32>
      %scan3A_121 = arith.constant 0 : i32
      %scan3A_122 = arith.constant 40 : i32
      %scan3A_123 = arith.addi %scan3A_121, %scan3A_122 : i32
      %scan3A_124 = arith.constant 1 : i32
      %scan3A_125:2 = scf.for %scan3A_965 = %scan3A_121 to %scan3A_123 step %scan3A_124 iter_args(%scan3A_966 = %sub3A_120, %scan3A_967 = %gather3A) -> (vector<16xf32>, vector<16xf32>)  : i32 {
        %add3A_968 = arith.addf %scan3A_966, %scan3A_967 : vector<16xf32>
        %mul3A_969 = arith.constant 5.000000e-01 : f32
        %mul3A_970 = vector.broadcast %mul3A_969 : f32 to vector<16xf32>
        %mul3A_971 = arith.mulf %add3A_968, %mul3A_970 : vector<16xf32>
        %broadcast_in_dim3A_972 = arith.constant 0 : i32
        %broadcast_in_dim3A_973 = vector.broadcast %broadcast_in_dim3A_972 : i32 to vector<16xi32>
        %get3A_974 = arith.constant 0 : index
        %get3A_975 = tpu.vector_load %arg12[%get3A_974] {strides = array<i32>} : memref<96xf32, #tpu.memory_space<vmem>>, vector<16xf32>,
        %le3A_976 = arith.cmpf ole, %get3A_975, %mul3A_971 : vector<16xf32>
        %all_reduce_population_count3A_977 = tpu.all_reduce %le3A_976 {dim = 0 : i64, kind = #tpu.reduction_kind<sum>} : vector<16xi1> -> vector<16xi32>
        %add3A_978 = arith.addi %broadcast_in_dim3A_973, %all_reduce_population_count3A_977 : vector<16xi32>
        %get3A_979 = arith.constant 16 : index
        %get3A_980 = tpu.vector_load %arg12[%get3A_979] {strides = array<i32>} : memref<96xf32, #tpu.memory_space<vmem>>, vector<16xf32>,
        %le3A_981 = arith.cmpf ole, %get3A_980, %mul3A_971 : vector<16xf32>
        %all_reduce_population_count3A_982 = tpu.all_reduce %le3A_981 {dim = 0 : i64, kind = #tpu.reduction_kind<sum>} : vector<16xi1> -> vector<16xi32>
        %add3A_983 = arith.addi %add3A_978, %all_reduce_population_count3A_982 : vector<16xi32>
        %get3A_984 = arith.constant 32 : index
        %get3A_985 = tpu.vector_load %arg12[%get3A_984] {strides = array<i32>} : memref<96xf32, #tpu.memory_space<vmem>>, vector<16xf32>,
        %le3A_986 = arith.cmpf ole, %get3A_985, %mul3A_971 : vector<16xf32>
        %all_reduce_population_count3A_987 = tpu.all_reduce %le3A_986 {dim = 0 : i64, kind = #tpu.reduction_kind<sum>} : vector<16xi1> -> vector<16xi32>
        %add3A_988 = arith.addi %add3A_983, %all_reduce_population_count3A_987 : vector<16xi32>
        %get3A_989 = arith.constant 48 : index
        %get3A_990 = tpu.vector_load %arg12[%get3A_989] {strides = array<i32>} : memref<96xf32, #tpu.memory_space<vmem>>, vector<16xf32>,
        %le3A_991 = arith.cmpf ole, %get3A_990, %mul3A_971 : vector<16xf32>
        %all_reduce_population_count3A_992 = tpu.all_reduce %le3A_991 {dim = 0 : i64, kind = #tpu.reduction_kind<sum>} : vector<16xi1> -> vector<16xi32>
        %add3A_993 = arith.addi %add3A_988, %all_reduce_population_count3A_992 : vector<16xi32>
        %get3A_994 = arith.constant 64 : index
        %get3A_995 = tpu.vector_load %arg12[%get3A_994] {strides = array<i32>} : memref<96xf32, #tpu.memory_space<vmem>>, vector<16xf32>,
        %le3A_996 = arith.cmpf ole, %get3A_995, %mul3A_971 : vector<16xf32>
        %all_reduce_population_count3A_997 = tpu.all_reduce %le3A_996 {dim = 0 : i64, kind = #tpu.reduction_kind<sum>} : vector<16xi1> -> vector<16xi32>
        %add3A_998 = arith.addi %add3A_993, %all_reduce_population_count3A_997 : vector<16xi32>
        %get3A_999 = arith.constant 80 : index
        %get3A_1000 = tpu.vector_load %arg12[%get3A_999] {strides = array<i32>} : memref<96xf32, #tpu.memory_space<vmem>>, vector<16xf32>,
        %le3A_1001 = arith.cmpf ole, %get3A_1000, %mul3A_971 : vector<16xf32>
        %all_reduce_population_count3A_1002 = tpu.all_reduce %le3A_1001 {dim = 0 : i64, kind = #tpu.reduction_kind<sum>} : vector<16xi1> -> vector<16xi32>
        %add3A_1003 = arith.addi %add3A_998, %all_reduce_population_count3A_1002 : vector<16xi32>
        %ge3A = arith.constant 32 : i32
        %ge3A_1004 = vector.broadcast %ge3A : i32 to vector<16xi32>
        %ge3A_1005 = arith.cmpi sge, %add3A_1003, %ge3A_1004 : vector<16xi32>
        %select_n3A_1006 = arith.select %ge3A_1005, %scan3A_966, %mul3A_971 : vector<16xi1>, vector<16xf32>
        %select_n3A_1007 = arith.select %ge3A_1005, %mul3A_971, %scan3A_967 : vector<16xi1>, vector<16xf32>
        scf.yield %select_n3A_1006, %select_n3A_1007 : vector<16xf32>, vector<16xf32>
      }
      %scan3A_126 = arith.constant 40 : i32
      %broadcast_in_dim3A_127 = arith.constant 0 : i32
      %broadcast_in_dim3A_128 = vector.broadcast %broadcast_in_dim3A_127 : i32 to vector<16xi32>
      %get3A_129 = arith.constant 0 : index
      %get3A_130 = tpu.vector_load %arg12[%get3A_129] {strides = array<i32>} : memref<96xf32, #tpu.memory_space<vmem>>, vector<16xf32>,
      %le3A = arith.cmpf ole, %get3A_130, %scan3A_125#0 : vector<16xf32>
      %all_reduce_population_count3A = tpu.all_reduce %le3A {dim = 0 : i64, kind = #tpu.reduction_kind<sum>} : vector<16xi1> -> vector<16xi32>
      %add3A_131 = arith.addi %broadcast_in_dim3A_128, %all_reduce_population_count3A : vector<16xi32>
      %get3A_132 = arith.constant 16 : index
      %get3A_133 = tpu.vector_load %arg12[%get3A_132] {strides = array<i32>} : memref<96xf32, #tpu.memory_space<vmem>>, vector<16xf32>,
      %le3A_134 = arith.cmpf ole, %get3A_133, %scan3A_125#0 : vector<16xf32>
      %all_reduce_population_count3A_135 = tpu.all_reduce %le3A_134 {dim = 0 : i64, kind = #tpu.reduction_kind<sum>} : vector<16xi1> -> vector<16xi32>
      %add3A_136 = arith.addi %add3A_131, %all_reduce_population_count3A_135 : vector<16xi32>
      %get3A_137 = arith.constant 32 : index
      %get3A_138 = tpu.vector_load %arg12[%get3A_137] {strides = array<i32>} : memref<96xf32, #tpu.memory_space<vmem>>, vector<16xf32>,
      %le3A_139 = arith.cmpf ole, %get3A_138, %scan3A_125#0 : vector<16xf32>
      %all_reduce_population_count3A_140 = tpu.all_reduce %le3A_139 {dim = 0 : i64, kind = #tpu.reduction_kind<sum>} : vector<16xi1> -> vector<16xi32>
      %add3A_141 = arith.addi %add3A_136, %all_reduce_population_count3A_140 : vector<16xi32>
      %get3A_142 = arith.constant 48 : index
      %get3A_143 = tpu.vector_load %arg12[%get3A_142] {strides = array<i32>} : memref<96xf32, #tpu.memory_space<vmem>>, vector<16xf32>,
      %le3A_144 = arith.cmpf ole, %get3A_143, %scan3A_125#0 : vector<16xf32>
      %all_reduce_population_count3A_145 = tpu.all_reduce %le3A_144 {dim = 0 : i64, kind = #tpu.reduction_kind<sum>} : vector<16xi1> -> vector<16xi32>
      %add3A_146 = arith.addi %add3A_141, %all_reduce_population_count3A_145 : vector<16xi32>
      %get3A_147 = arith.constant 64 : index
      %get3A_148 = tpu.vector_load %arg12[%get3A_147] {strides = array<i32>} : memref<96xf32, #tpu.memory_space<vmem>>, vector<16xf32>,
      %le3A_149 = arith.cmpf ole, %get3A_148, %scan3A_125#0 : vector<16xf32>
      %all_reduce_population_count3A_150 = tpu.all_reduce %le3A_149 {dim = 0 : i64, kind = #tpu.reduction_kind<sum>} : vector<16xi1> -> vector<16xi32>
      %add3A_151 = arith.addi %add3A_146, %all_reduce_population_count3A_150 : vector<16xi32>
      %get3A_152 = arith.constant 80 : index
      %get3A_153 = tpu.vector_load %arg12[%get3A_152] {strides = array<i32>} : memref<96xf32, #tpu.memory_space<vmem>>, vector<16xf32>,
      %le3A_154 = arith.cmpf ole, %get3A_153, %scan3A_125#0 : vector<16xf32>
      %all_reduce_population_count3A_155 = tpu.all_reduce %le3A_154 {dim = 0 : i64, kind = #tpu.reduction_kind<sum>} : vector<16xi1> -> vector<16xi32>
      %add3A_156 = arith.addi %add3A_151, %all_reduce_population_count3A_155 : vector<16xi32>
      %broadcast_in_dim3A_157 = arith.constant 32 : i32
      %broadcast_in_dim3A_158 = vector.broadcast %broadcast_in_dim3A_157 : i32 to vector<16xi32>
      %sub3A_159 = arith.subi %broadcast_in_dim3A_158, %add3A_156 : vector<16xi32>
      %broadcast_in_dim3A_160 = arith.constant 0 : i32
      %broadcast_in_dim3A_161 = vector.broadcast %broadcast_in_dim3A_160 : i32 to vector<16xi32>
      %broadcast_in_dim3A_162 = arith.constant 0 : i32
      %broadcast_in_dim3A_163 = vector.broadcast %broadcast_in_dim3A_162 : i32 to vector<16xi32>
      %get3A_164 = arith.constant 0 : index
      %get3A_165 = tpu.vector_load %arg12[%get3A_164] {strides = array<i32>} : memref<96xf32, #tpu.memory_space<vmem>>, vector<16xf32>,
      %get3A_166 = arith.constant 0 : index
      %get3A_167 = tpu.vector_load %arg13[%get3A_166] {strides = array<i32>} : memref<96xi32, #tpu.memory_space<vmem>>, vector<16xi32>,
      %le3A_168 = arith.cmpf ole, %get3A_165, %scan3A_125#0 : vector<16xf32>
      %le3A_169 = arith.cmpf ole, %get3A_165, %scan3A_125#1 : vector<16xf32>
      %not3A = arith.constant dense<true> : vector<16xi1>
      %not3A_170 = arith.xori %le3A_168, %not3A : vector<16xi1>
      %and3A = arith.andi %le3A_169, %not3A_170 : vector<16xi1>
      %jit3A = arith.constant 1 : i32
      %jit3A_171 = arith.constant 0 : i32
      %broadcast_in_dim3A_172 = vector.broadcast %jit3A : i32 to vector<16xi32>
      %broadcast_in_dim3A_173 = vector.broadcast %jit3A_171 : i32 to vector<16xi32>
      %select_n3A = arith.select %and3A, %broadcast_in_dim3A_172, %broadcast_in_dim3A_173 : vector<16xi1>, vector<16xi32>
      %broadcast_in_dim3A_174 = arith.constant true
      %broadcast_in_dim3A_175 = vector.broadcast %broadcast_in_dim3A_174 : i1 to vector<16xi1>
      %masked_cumsum3A = tpu.scan <sum>, %select_n3A masked %broadcast_in_dim3A_175 : vector<16xi32>, vector<16xi1> -> vector<16xi32>
      %add3A_176 = arith.addi %masked_cumsum3A, %broadcast_in_dim3A_161 : vector<16xi32>
      %le3A_177 = arith.cmpi sle, %add3A_176, %sub3A_159 : vector<16xi32>
      %and3A_178 = arith.andi %and3A, %le3A_177 : vector<16xi1>
      %all_reduce_population_count3A_179 = tpu.all_reduce %and3A {dim = 0 : i64, kind = #tpu.reduction_kind<sum>} : vector<16xi1> -> vector<16xi32>
      %add3A_180 = arith.addi %broadcast_in_dim3A_161, %all_reduce_population_count3A_179 : vector<16xi32>
      %or3A = arith.ori %le3A_168, %and3A_178 : vector<16xi1>
      %shift_right_logical3A = arith.constant 7 : i32
      %shift_right_logical3A_181 = vector.broadcast %shift_right_logical3A : i32 to vector<16xi32>
      %shift_right_logical3A_182 = arith.shrui %get3A_167, %shift_right_logical3A_181 : vector<16xi32>
      %gather3A_183 = arith.constant 0 : i32
      %gather3A_184 = tpu.memref_slice %arg10[%mul3A_45, %gather3A_183] : memref<32x48xi32, #tpu.memory_space<vmem>> -> memref<1x48xi32, #tpu.memory_space<vmem>>
      %gather3A_185 = tpu.memref_squeeze %gather3A_184 : memref<1x48xi32, #tpu.memory_space<vmem>> -> memref<48xi32, #tpu.memory_space<vmem>>
      %gather3A_186 = tpu.vector_load_idx %gather3A_185[%shift_right_logical3A_182] masked %or3A : memref<48xi32, #tpu.memory_space<vmem>>[vector<16xi32>], vector<16xi32>, vector<16xi1>
      %mul3A_187 = arith.constant 784 : i32
      %mul3A_188 = arith.muli %add3A_46, %mul3A_187 : i32
      %sub3A_189 = vector.broadcast %mul3A_188 : i32 to vector<16xi32>
      %sub3A_190 = arith.subi %gather3A_186, %sub3A_189 : vector<16xi32>
      %mul3A_191 = arith.constant 128 : i32
      %mul3A_192 = vector.broadcast %mul3A_191 : i32 to vector<16xi32>
      %mul3A_193 = arith.muli %sub3A_190, %mul3A_192 : vector<16xi32>
      %and3A_194 = arith.constant 127 : i32
      %and3A_195 = vector.broadcast %and3A_194 : i32 to vector<16xi32>
      %and3A_196 = arith.andi %get3A_167, %and3A_195 : vector<16xi32>
      %add3A_197 = arith.addi %mul3A_193, %and3A_196 : vector<16xi32>
      %jit3A_198 = arith.constant 1 : i32
      %jit3A_199 = arith.constant 0 : i32
      %broadcast_in_dim3A_200 = vector.broadcast %jit3A_198 : i32 to vector<16xi32>
      %broadcast_in_dim3A_201 = vector.broadcast %jit3A_199 : i32 to vector<16xi32>
      %select_n3A_202 = arith.select %or3A, %broadcast_in_dim3A_200, %broadcast_in_dim3A_201 : vector<16xi1>, vector<16xi32>
      %broadcast_in_dim3A_203 = arith.constant true
      %broadcast_in_dim3A_204 = vector.broadcast %broadcast_in_dim3A_203 : i1 to vector<16xi1>
      %masked_cumsum3A_205 = tpu.scan <sum>, %select_n3A_202 masked %broadcast_in_dim3A_204 : vector<16xi32>, vector<16xi1> -> vector<16xi32>
      %broadcast_in_dim3A_206 = vector.broadcast %mul3A_45 : i32 to vector<16xi32>
      %add3A_207 = arith.addi %broadcast_in_dim3A_163, %masked_cumsum3A_205 : vector<16xi32>
      %sub3A_208 = arith.constant 1 : i32
      %sub3A_209 = vector.broadcast %sub3A_208 : i32 to vector<16xi32>
      %sub3A_210 = arith.subi %add3A_207, %sub3A_209 : vector<16xi32>
      tpu.vector_store_idx %arg14[%broadcast_in_dim3A_206, %sub3A_210], %add3A_197 masked %or3A : memref<32x32xi32, #tpu.memory_space<vmem>>[vector<16xi32>, vector<16xi32>], vector<16xi32>, vector<16xi1>
      %all_reduce_population_count3A_211 = tpu.all_reduce %or3A {dim = 0 : i64, kind = #tpu.reduction_kind<sum>} : vector<16xi1> -> vector<16xi32>
      %add3A_212 = arith.addi %broadcast_in_dim3A_163, %all_reduce_population_count3A_211 : vector<16xi32>
      %get3A_213 = arith.constant 16 : index
      %get3A_214 = tpu.vector_load %arg12[%get3A_213] {strides = array<i32>} : memref<96xf32, #tpu.memory_space<vmem>>, vector<16xf32>,
      %get3A_215 = arith.constant 16 : index
      %get3A_216 = tpu.vector_load %arg13[%get3A_215] {strides = array<i32>} : memref<96xi32, #tpu.memory_space<vmem>>, vector<16xi32>,
      %le3A_217 = arith.cmpf ole, %get3A_214, %scan3A_125#0 : vector<16xf32>
      %le3A_218 = arith.cmpf ole, %get3A_214, %scan3A_125#1 : vector<16xf32>
      %not3A_219 = arith.constant dense<true> : vector<16xi1>
      %not3A_220 = arith.xori %le3A_217, %not3A_219 : vector<16xi1>
      %and3A_221 = arith.andi %le3A_218, %not3A_220 : vector<16xi1>
      %jit3A_222 = arith.constant 1 : i32
      %jit3A_223 = arith.constant 0 : i32
      %broadcast_in_dim3A_224 = vector.broadcast %jit3A_222 : i32 to vector<16xi32>
      %broadcast_in_dim3A_225 = vector.broadcast %jit3A_223 : i32 to vector<16xi32>
      %select_n3A_226 = arith.select %and3A_221, %broadcast_in_dim3A_224, %broadcast_in_dim3A_225 : vector<16xi1>, vector<16xi32>
      %broadcast_in_dim3A_227 = arith.constant true
      %broadcast_in_dim3A_228 = vector.broadcast %broadcast_in_dim3A_227 : i1 to vector<16xi1>
      %masked_cumsum3A_229 = tpu.scan <sum>, %select_n3A_226 masked %broadcast_in_dim3A_228 : vector<16xi32>, vector<16xi1> -> vector<16xi32>
      %add3A_230 = arith.addi %masked_cumsum3A_229, %add3A_180 : vector<16xi32>
      %le3A_231 = arith.cmpi sle, %add3A_230, %sub3A_159 : vector<16xi32>
      %and3A_232 = arith.andi %and3A_221, %le3A_231 : vector<16xi1>
      %all_reduce_population_count3A_233 = tpu.all_reduce %and3A_221 {dim = 0 : i64, kind = #tpu.reduction_kind<sum>} : vector<16xi1> -> vector<16xi32>
      %add3A_234 = arith.addi %add3A_180, %all_reduce_population_count3A_233 : vector<16xi32>
      %or3A_235 = arith.ori %le3A_217, %and3A_232 : vector<16xi1>
      %shift_right_logical3A_236 = arith.constant 7 : i32
      %shift_right_logical3A_237 = vector.broadcast %shift_right_logical3A_236 : i32 to vector<16xi32>
      %shift_right_logical3A_238 = arith.shrui %get3A_216, %shift_right_logical3A_237 : vector<16xi32>
      %gather3A_239 = arith.constant 0 : i32
      %gather3A_240 = tpu.memref_slice %arg10[%mul3A_45, %gather3A_239] : memref<32x48xi32, #tpu.memory_space<vmem>> -> memref<1x48xi32, #tpu.memory_space<vmem>>
      %gather3A_241 = tpu.memref_squeeze %gather3A_240 : memref<1x48xi32, #tpu.memory_space<vmem>> -> memref<48xi32, #tpu.memory_space<vmem>>
      %gather3A_242 = tpu.vector_load_idx %gather3A_241[%shift_right_logical3A_238] masked %or3A_235 : memref<48xi32, #tpu.memory_space<vmem>>[vector<16xi32>], vector<16xi32>, vector<16xi1>
      %mul3A_243 = arith.constant 784 : i32
      %mul3A_244 = arith.muli %add3A_46, %mul3A_243 : i32
      %sub3A_245 = vector.broadcast %mul3A_244 : i32 to vector<16xi32>
      %sub3A_246 = arith.subi %gather3A_242, %sub3A_245 : vector<16xi32>
      %mul3A_247 = arith.constant 128 : i32
      %mul3A_248 = vector.broadcast %mul3A_247 : i32 to vector<16xi32>
      %mul3A_249 = arith.muli %sub3A_246, %mul3A_248 : vector<16xi32>
      %and3A_250 = arith.constant 127 : i32
      %and3A_251 = vector.broadcast %and3A_250 : i32 to vector<16xi32>
      %and3A_252 = arith.andi %get3A_216, %and3A_251 : vector<16xi32>
      %add3A_253 = arith.addi %mul3A_249, %and3A_252 : vector<16xi32>
      %jit3A_254 = arith.constant 1 : i32
      %jit3A_255 = arith.constant 0 : i32
      %broadcast_in_dim3A_256 = vector.broadcast %jit3A_254 : i32 to vector<16xi32>
      %broadcast_in_dim3A_257 = vector.broadcast %jit3A_255 : i32 to vector<16xi32>
      %select_n3A_258 = arith.select %or3A_235, %broadcast_in_dim3A_256, %broadcast_in_dim3A_257 : vector<16xi1>, vector<16xi32>
      %broadcast_in_dim3A_259 = arith.constant true
      %broadcast_in_dim3A_260 = vector.broadcast %broadcast_in_dim3A_259 : i1 to vector<16xi1>
      %masked_cumsum3A_261 = tpu.scan <sum>, %select_n3A_258 masked %broadcast_in_dim3A_260 : vector<16xi32>, vector<16xi1> -> vector<16xi32>
      %broadcast_in_dim3A_262 = vector.broadcast %mul3A_45 : i32 to vector<16xi32>
      %add3A_263 = arith.addi %add3A_212, %masked_cumsum3A_261 : vector<16xi32>
      %sub3A_264 = arith.constant 1 : i32
      %sub3A_265 = vector.broadcast %sub3A_264 : i32 to vector<16xi32>
      %sub3A_266 = arith.subi %add3A_263, %sub3A_265 : vector<16xi32>
      tpu.vector_store_idx %arg14[%broadcast_in_dim3A_262, %sub3A_266], %add3A_253 masked %or3A_235 : memref<32x32xi32, #tpu.memory_space<vmem>>[vector<16xi32>, vector<16xi32>], vector<16xi32>, vector<16xi1>
      %all_reduce_population_count3A_267 = tpu.all_reduce %or3A_235 {dim = 0 : i64, kind = #tpu.reduction_kind<sum>} : vector<16xi1> -> vector<16xi32>
      %add3A_268 = arith.addi %add3A_212, %all_reduce_population_count3A_267 : vector<16xi32>
      %get3A_269 = arith.constant 32 : index
      %get3A_270 = tpu.vector_load %arg12[%get3A_269] {strides = array<i32>} : memref<96xf32, #tpu.memory_space<vmem>>, vector<16xf32>,
      %get3A_271 = arith.constant 32 : index
      %get3A_272 = tpu.vector_load %arg13[%get3A_271] {strides = array<i32>} : memref<96xi32, #tpu.memory_space<vmem>>, vector<16xi32>,
      %le3A_273 = arith.cmpf ole, %get3A_270, %scan3A_125#0 : vector<16xf32>
      %le3A_274 = arith.cmpf ole, %get3A_270, %scan3A_125#1 : vector<16xf32>
      %not3A_275 = arith.constant dense<true> : vector<16xi1>
      %not3A_276 = arith.xori %le3A_273, %not3A_275 : vector<16xi1>
      %and3A_277 = arith.andi %le3A_274, %not3A_276 : vector<16xi1>
      %jit3A_278 = arith.constant 1 : i32
      %jit3A_279 = arith.constant 0 : i32
      %broadcast_in_dim3A_280 = vector.broadcast %jit3A_278 : i32 to vector<16xi32>
      %broadcast_in_dim3A_281 = vector.broadcast %jit3A_279 : i32 to vector<16xi32>
      %select_n3A_282 = arith.select %and3A_277, %broadcast_in_dim3A_280, %broadcast_in_dim3A_281 : vector<16xi1>, vector<16xi32>
      %broadcast_in_dim3A_283 = arith.constant true
      %broadcast_in_dim3A_284 = vector.broadcast %broadcast_in_dim3A_283 : i1 to vector<16xi1>
      %masked_cumsum3A_285 = tpu.scan <sum>, %select_n3A_282 masked %broadcast_in_dim3A_284 : vector<16xi32>, vector<16xi1> -> vector<16xi32>
      %add3A_286 = arith.addi %masked_cumsum3A_285, %add3A_234 : vector<16xi32>
      %le3A_287 = arith.cmpi sle, %add3A_286, %sub3A_159 : vector<16xi32>
      %and3A_288 = arith.andi %and3A_277, %le3A_287 : vector<16xi1>
      %all_reduce_population_count3A_289 = tpu.all_reduce %and3A_277 {dim = 0 : i64, kind = #tpu.reduction_kind<sum>} : vector<16xi1> -> vector<16xi32>
      %add3A_290 = arith.addi %add3A_234, %all_reduce_population_count3A_289 : vector<16xi32>
      %or3A_291 = arith.ori %le3A_273, %and3A_288 : vector<16xi1>
      %shift_right_logical3A_292 = arith.constant 7 : i32
      %shift_right_logical3A_293 = vector.broadcast %shift_right_logical3A_292 : i32 to vector<16xi32>
      %shift_right_logical3A_294 = arith.shrui %get3A_272, %shift_right_logical3A_293 : vector<16xi32>
      %gather3A_295 = arith.constant 0 : i32
      %gather3A_296 = tpu.memref_slice %arg10[%mul3A_45, %gather3A_295] : memref<32x48xi32, #tpu.memory_space<vmem>> -> memref<1x48xi32, #tpu.memory_space<vmem>>
      %gather3A_297 = tpu.memref_squeeze %gather3A_296 : memref<1x48xi32, #tpu.memory_space<vmem>> -> memref<48xi32, #tpu.memory_space<vmem>>
      %gather3A_298 = tpu.vector_load_idx %gather3A_297[%shift_right_logical3A_294] masked %or3A_291 : memref<48xi32, #tpu.memory_space<vmem>>[vector<16xi32>], vector<16xi32>, vector<16xi1>
      %mul3A_299 = arith.constant 784 : i32
      %mul3A_300 = arith.muli %add3A_46, %mul3A_299 : i32
      %sub3A_301 = vector.broadcast %mul3A_300 : i32 to vector<16xi32>
      %sub3A_302 = arith.subi %gather3A_298, %sub3A_301 : vector<16xi32>
      %mul3A_303 = arith.constant 128 : i32
      %mul3A_304 = vector.broadcast %mul3A_303 : i32 to vector<16xi32>
      %mul3A_305 = arith.muli %sub3A_302, %mul3A_304 : vector<16xi32>
      %and3A_306 = arith.constant 127 : i32
      %and3A_307 = vector.broadcast %and3A_306 : i32 to vector<16xi32>
      %and3A_308 = arith.andi %get3A_272, %and3A_307 : vector<16xi32>
      %add3A_309 = arith.addi %mul3A_305, %and3A_308 : vector<16xi32>
      %jit3A_310 = arith.constant 1 : i32
      %jit3A_311 = arith.constant 0 : i32
      %broadcast_in_dim3A_312 = vector.broadcast %jit3A_310 : i32 to vector<16xi32>
      %broadcast_in_dim3A_313 = vector.broadcast %jit3A_311 : i32 to vector<16xi32>
      %select_n3A_314 = arith.select %or3A_291, %broadcast_in_dim3A_312, %broadcast_in_dim3A_313 : vector<16xi1>, vector<16xi32>
      %broadcast_in_dim3A_315 = arith.constant true
      %broadcast_in_dim3A_316 = vector.broadcast %broadcast_in_dim3A_315 : i1 to vector<16xi1>
      %masked_cumsum3A_317 = tpu.scan <sum>, %select_n3A_314 masked %broadcast_in_dim3A_316 : vector<16xi32>, vector<16xi1> -> vector<16xi32>
      %broadcast_in_dim3A_318 = vector.broadcast %mul3A_45 : i32 to vector<16xi32>
      %add3A_319 = arith.addi %add3A_268, %masked_cumsum3A_317 : vector<16xi32>
      %sub3A_320 = arith.constant 1 : i32
      %sub3A_321 = vector.broadcast %sub3A_320 : i32 to vector<16xi32>
      %sub3A_322 = arith.subi %add3A_319, %sub3A_321 : vector<16xi32>
      tpu.vector_store_idx %arg14[%broadcast_in_dim3A_318, %sub3A_322], %add3A_309 masked %or3A_291 : memref<32x32xi32, #tpu.memory_space<vmem>>[vector<16xi32>, vector<16xi32>], vector<16xi32>, vector<16xi1>
      %all_reduce_population_count3A_323 = tpu.all_reduce %or3A_291 {dim = 0 : i64, kind = #tpu.reduction_kind<sum>} : vector<16xi1> -> vector<16xi32>
      %add3A_324 = arith.addi %add3A_268, %all_reduce_population_count3A_323 : vector<16xi32>
      %get3A_325 = arith.constant 48 : index
      %get3A_326 = tpu.vector_load %arg12[%get3A_325] {strides = array<i32>} : memref<96xf32, #tpu.memory_space<vmem>>, vector<16xf32>,
      %get3A_327 = arith.constant 48 : index
      %get3A_328 = tpu.vector_load %arg13[%get3A_327] {strides = array<i32>} : memref<96xi32, #tpu.memory_space<vmem>>, vector<16xi32>,
      %le3A_329 = arith.cmpf ole, %get3A_326, %scan3A_125#0 : vector<16xf32>
      %le3A_330 = arith.cmpf ole, %get3A_326, %scan3A_125#1 : vector<16xf32>
      %not3A_331 = arith.constant dense<true> : vector<16xi1>
      %not3A_332 = arith.xori %le3A_329, %not3A_331 : vector<16xi1>
      %and3A_333 = arith.andi %le3A_330, %not3A_332 : vector<16xi1>
      %jit3A_334 = arith.constant 1 : i32
      %jit3A_335 = arith.constant 0 : i32
      %broadcast_in_dim3A_336 = vector.broadcast %jit3A_334 : i32 to vector<16xi32>
      %broadcast_in_dim3A_337 = vector.broadcast %jit3A_335 : i32 to vector<16xi32>
      %select_n3A_338 = arith.select %and3A_333, %broadcast_in_dim3A_336, %broadcast_in_dim3A_337 : vector<16xi1>, vector<16xi32>
      %broadcast_in_dim3A_339 = arith.constant true
      %broadcast_in_dim3A_340 = vector.broadcast %broadcast_in_dim3A_339 : i1 to vector<16xi1>
      %masked_cumsum3A_341 = tpu.scan <sum>, %select_n3A_338 masked %broadcast_in_dim3A_340 : vector<16xi32>, vector<16xi1> -> vector<16xi32>
      %add3A_342 = arith.addi %masked_cumsum3A_341, %add3A_290 : vector<16xi32>
      %le3A_343 = arith.cmpi sle, %add3A_342, %sub3A_159 : vector<16xi32>
      %and3A_344 = arith.andi %and3A_333, %le3A_343 : vector<16xi1>
      %all_reduce_population_count3A_345 = tpu.all_reduce %and3A_333 {dim = 0 : i64, kind = #tpu.reduction_kind<sum>} : vector<16xi1> -> vector<16xi32>
      %add3A_346 = arith.addi %add3A_290, %all_reduce_population_count3A_345 : vector<16xi32>
      %or3A_347 = arith.ori %le3A_329, %and3A_344 : vector<16xi1>
      %shift_right_logical3A_348 = arith.constant 7 : i32
      %shift_right_logical3A_349 = vector.broadcast %shift_right_logical3A_348 : i32 to vector<16xi32>
      %shift_right_logical3A_350 = arith.shrui %get3A_328, %shift_right_logical3A_349 : vector<16xi32>
      %gather3A_351 = arith.constant 0 : i32
      %gather3A_352 = tpu.memref_slice %arg10[%mul3A_45, %gather3A_351] : memref<32x48xi32, #tpu.memory_space<vmem>> -> memref<1x48xi32, #tpu.memory_space<vmem>>
      %gather3A_353 = tpu.memref_squeeze %gather3A_352 : memref<1x48xi32, #tpu.memory_space<vmem>> -> memref<48xi32, #tpu.memory_space<vmem>>
      %gather3A_354 = tpu.vector_load_idx %gather3A_353[%shift_right_logical3A_350] masked %or3A_347 : memref<48xi32, #tpu.memory_space<vmem>>[vector<16xi32>], vector<16xi32>, vector<16xi1>
      %mul3A_355 = arith.constant 784 : i32
      %mul3A_356 = arith.muli %add3A_46, %mul3A_355 : i32
      %sub3A_357 = vector.broadcast %mul3A_356 : i32 to vector<16xi32>
      %sub3A_358 = arith.subi %gather3A_354, %sub3A_357 : vector<16xi32>
      %mul3A_359 = arith.constant 128 : i32
      %mul3A_360 = vector.broadcast %mul3A_359 : i32 to vector<16xi32>
      %mul3A_361 = arith.muli %sub3A_358, %mul3A_360 : vector<16xi32>
      %and3A_362 = arith.constant 127 : i32
      %and3A_363 = vector.broadcast %and3A_362 : i32 to vector<16xi32>
      %and3A_364 = arith.andi %get3A_328, %and3A_363 : vector<16xi32>
      %add3A_365 = arith.addi %mul3A_361, %and3A_364 : vector<16xi32>
      %jit3A_366 = arith.constant 1 : i32
      %jit3A_367 = arith.constant 0 : i32
      %broadcast_in_dim3A_368 = vector.broadcast %jit3A_366 : i32 to vector<16xi32>
      %broadcast_in_dim3A_369 = vector.broadcast %jit3A_367 : i32 to vector<16xi32>
      %select_n3A_370 = arith.select %or3A_347, %broadcast_in_dim3A_368, %broadcast_in_dim3A_369 : vector<16xi1>, vector<16xi32>
      %broadcast_in_dim3A_371 = arith.constant true
      %broadcast_in_dim3A_372 = vector.broadcast %broadcast_in_dim3A_371 : i1 to vector<16xi1>
      %masked_cumsum3A_373 = tpu.scan <sum>, %select_n3A_370 masked %broadcast_in_dim3A_372 : vector<16xi32>, vector<16xi1> -> vector<16xi32>
      %broadcast_in_dim3A_374 = vector.broadcast %mul3A_45 : i32 to vector<16xi32>
      %add3A_375 = arith.addi %add3A_324, %masked_cumsum3A_373 : vector<16xi32>
      %sub3A_376 = arith.constant 1 : i32
      %sub3A_377 = vector.broadcast %sub3A_376 : i32 to vector<16xi32>
      %sub3A_378 = arith.subi %add3A_375, %sub3A_377 : vector<16xi32>
      tpu.vector_store_idx %arg14[%broadcast_in_dim3A_374, %sub3A_378], %add3A_365 masked %or3A_347 : memref<32x32xi32, #tpu.memory_space<vmem>>[vector<16xi32>, vector<16xi32>], vector<16xi32>, vector<16xi1>
      %all_reduce_population_count3A_379 = tpu.all_reduce %or3A_347 {dim = 0 : i64, kind = #tpu.reduction_kind<sum>} : vector<16xi1> -> vector<16xi32>
      %add3A_380 = arith.addi %add3A_324, %all_reduce_population_count3A_379 : vector<16xi32>
      %get3A_381 = arith.constant 64 : index
      %get3A_382 = tpu.vector_load %arg12[%get3A_381] {strides = array<i32>} : memref<96xf32, #tpu.memory_space<vmem>>, vector<16xf32>,
      %get3A_383 = arith.constant 64 : index
      %get3A_384 = tpu.vector_load %arg13[%get3A_383] {strides = array<i32>} : memref<96xi32, #tpu.memory_space<vmem>>, vector<16xi32>,
      %le3A_385 = arith.cmpf ole, %get3A_382, %scan3A_125#0 : vector<16xf32>
      %le3A_386 = arith.cmpf ole, %get3A_382, %scan3A_125#1 : vector<16xf32>
      %not3A_387 = arith.constant dense<true> : vector<16xi1>
      %not3A_388 = arith.xori %le3A_385, %not3A_387 : vector<16xi1>
      %and3A_389 = arith.andi %le3A_386, %not3A_388 : vector<16xi1>
      %jit3A_390 = arith.constant 1 : i32
      %jit3A_391 = arith.constant 0 : i32
      %broadcast_in_dim3A_392 = vector.broadcast %jit3A_390 : i32 to vector<16xi32>
      %broadcast_in_dim3A_393 = vector.broadcast %jit3A_391 : i32 to vector<16xi32>
      %select_n3A_394 = arith.select %and3A_389, %broadcast_in_dim3A_392, %broadcast_in_dim3A_393 : vector<16xi1>, vector<16xi32>
      %broadcast_in_dim3A_395 = arith.constant true
      %broadcast_in_dim3A_396 = vector.broadcast %broadcast_in_dim3A_395 : i1 to vector<16xi1>
      %masked_cumsum3A_397 = tpu.scan <sum>, %select_n3A_394 masked %broadcast_in_dim3A_396 : vector<16xi32>, vector<16xi1> -> vector<16xi32>
      %add3A_398 = arith.addi %masked_cumsum3A_397, %add3A_346 : vector<16xi32>
      %le3A_399 = arith.cmpi sle, %add3A_398, %sub3A_159 : vector<16xi32>
      %and3A_400 = arith.andi %and3A_389, %le3A_399 : vector<16xi1>
      %all_reduce_population_count3A_401 = tpu.all_reduce %and3A_389 {dim = 0 : i64, kind = #tpu.reduction_kind<sum>} : vector<16xi1> -> vector<16xi32>
      %add3A_402 = arith.addi %add3A_346, %all_reduce_population_count3A_401 : vector<16xi32>
      %or3A_403 = arith.ori %le3A_385, %and3A_400 : vector<16xi1>
      %shift_right_logical3A_404 = arith.constant 7 : i32
      %shift_right_logical3A_405 = vector.broadcast %shift_right_logical3A_404 : i32 to vector<16xi32>
      %shift_right_logical3A_406 = arith.shrui %get3A_384, %shift_right_logical3A_405 : vector<16xi32>
      %gather3A_407 = arith.constant 0 : i32
      %gather3A_408 = tpu.memref_slice %arg10[%mul3A_45, %gather3A_407] : memref<32x48xi32, #tpu.memory_space<vmem>> -> memref<1x48xi32, #tpu.memory_space<vmem>>
      %gather3A_409 = tpu.memref_squeeze %gather3A_408 : memref<1x48xi32, #tpu.memory_space<vmem>> -> memref<48xi32, #tpu.memory_space<vmem>>
      %gather3A_410 = tpu.vector_load_idx %gather3A_409[%shift_right_logical3A_406] masked %or3A_403 : memref<48xi32, #tpu.memory_space<vmem>>[vector<16xi32>], vector<16xi32>, vector<16xi1>
      %mul3A_411 = arith.constant 784 : i32
      %mul3A_412 = arith.muli %add3A_46, %mul3A_411 : i32
      %sub3A_413 = vector.broadcast %mul3A_412 : i32 to vector<16xi32>
      %sub3A_414 = arith.subi %gather3A_410, %sub3A_413 : vector<16xi32>
      %mul3A_415 = arith.constant 128 : i32
      %mul3A_416 = vector.broadcast %mul3A_415 : i32 to vector<16xi32>
      %mul3A_417 = arith.muli %sub3A_414, %mul3A_416 : vector<16xi32>
      %and3A_418 = arith.constant 127 : i32
      %and3A_419 = vector.broadcast %and3A_418 : i32 to vector<16xi32>
      %and3A_420 = arith.andi %get3A_384, %and3A_419 : vector<16xi32>
      %add3A_421 = arith.addi %mul3A_417, %and3A_420 : vector<16xi32>
      %jit3A_422 = arith.constant 1 : i32
      %jit3A_423 = arith.constant 0 : i32
      %broadcast_in_dim3A_424 = vector.broadcast %jit3A_422 : i32 to vector<16xi32>
      %broadcast_in_dim3A_425 = vector.broadcast %jit3A_423 : i32 to vector<16xi32>
      %select_n3A_426 = arith.select %or3A_403, %broadcast_in_dim3A_424, %broadcast_in_dim3A_425 : vector<16xi1>, vector<16xi32>
      %broadcast_in_dim3A_427 = arith.constant true
      %broadcast_in_dim3A_428 = vector.broadcast %broadcast_in_dim3A_427 : i1 to vector<16xi1>
      %masked_cumsum3A_429 = tpu.scan <sum>, %select_n3A_426 masked %broadcast_in_dim3A_428 : vector<16xi32>, vector<16xi1> -> vector<16xi32>
      %broadcast_in_dim3A_430 = vector.broadcast %mul3A_45 : i32 to vector<16xi32>
      %add3A_431 = arith.addi %add3A_380, %masked_cumsum3A_429 : vector<16xi32>
      %sub3A_432 = arith.constant 1 : i32
      %sub3A_433 = vector.broadcast %sub3A_432 : i32 to vector<16xi32>
      %sub3A_434 = arith.subi %add3A_431, %sub3A_433 : vector<16xi32>
      tpu.vector_store_idx %arg14[%broadcast_in_dim3A_430, %sub3A_434], %add3A_421 masked %or3A_403 : memref<32x32xi32, #tpu.memory_space<vmem>>[vector<16xi32>, vector<16xi32>], vector<16xi32>, vector<16xi1>
      %all_reduce_population_count3A_435 = tpu.all_reduce %or3A_403 {dim = 0 : i64, kind = #tpu.reduction_kind<sum>} : vector<16xi1> -> vector<16xi32>
      %add3A_436 = arith.addi %add3A_380, %all_reduce_population_count3A_435 : vector<16xi32>
      %get3A_437 = arith.constant 80 : index
      %get3A_438 = tpu.vector_load %arg12[%get3A_437] {strides = array<i32>} : memref<96xf32, #tpu.memory_space<vmem>>, vector<16xf32>,
      %get3A_439 = arith.constant 80 : index
      %get3A_440 = tpu.vector_load %arg13[%get3A_439] {strides = array<i32>} : memref<96xi32, #tpu.memory_space<vmem>>, vector<16xi32>,
      %le3A_441 = arith.cmpf ole, %get3A_438, %scan3A_125#0 : vector<16xf32>
      %le3A_442 = arith.cmpf ole, %get3A_438, %scan3A_125#1 : vector<16xf32>
      %not3A_443 = arith.constant dense<true> : vector<16xi1>
      %not3A_444 = arith.xori %le3A_441, %not3A_443 : vector<16xi1>
      %and3A_445 = arith.andi %le3A_442, %not3A_444 : vector<16xi1>
      %jit3A_446 = arith.constant 1 : i32
      %jit3A_447 = arith.constant 0 : i32
      %broadcast_in_dim3A_448 = vector.broadcast %jit3A_446 : i32 to vector<16xi32>
      %broadcast_in_dim3A_449 = vector.broadcast %jit3A_447 : i32 to vector<16xi32>
      %select_n3A_450 = arith.select %and3A_445, %broadcast_in_dim3A_448, %broadcast_in_dim3A_449 : vector<16xi1>, vector<16xi32>
      %broadcast_in_dim3A_451 = arith.constant true
      %broadcast_in_dim3A_452 = vector.broadcast %broadcast_in_dim3A_451 : i1 to vector<16xi1>
      %masked_cumsum3A_453 = tpu.scan <sum>, %select_n3A_450 masked %broadcast_in_dim3A_452 : vector<16xi32>, vector<16xi1> -> vector<16xi32>
      %add3A_454 = arith.addi %masked_cumsum3A_453, %add3A_402 : vector<16xi32>
      %le3A_455 = arith.cmpi sle, %add3A_454, %sub3A_159 : vector<16xi32>
      %and3A_456 = arith.andi %and3A_445, %le3A_455 : vector<16xi1>
      %all_reduce_population_count3A_457 = tpu.all_reduce %and3A_445 {dim = 0 : i64, kind = #tpu.reduction_kind<sum>} : vector<16xi1> -> vector<16xi32>
      %add3A_458 = arith.addi %add3A_402, %all_reduce_population_count3A_457 : vector<16xi32>
      %or3A_459 = arith.ori %le3A_441, %and3A_456 : vector<16xi1>
      %shift_right_logical3A_460 = arith.constant 7 : i32
      %shift_right_logical3A_461 = vector.broadcast %shift_right_logical3A_460 : i32 to vector<16xi32>
      %shift_right_logical3A_462 = arith.shrui %get3A_440, %shift_right_logical3A_461 : vector<16xi32>
      %gather3A_463 = arith.constant 0 : i32
      %gather3A_464 = tpu.memref_slice %arg10[%mul3A_45, %gather3A_463] : memref<32x48xi32, #tpu.memory_space<vmem>> -> memref<1x48xi32, #tpu.memory_space<vmem>>
      %gather3A_465 = tpu.memref_squeeze %gather3A_464 : memref<1x48xi32, #tpu.memory_space<vmem>> -> memref<48xi32, #tpu.memory_space<vmem>>
      %gather3A_466 = tpu.vector_load_idx %gather3A_465[%shift_right_logical3A_462] masked %or3A_459 : memref<48xi32, #tpu.memory_space<vmem>>[vector<16xi32>], vector<16xi32>, vector<16xi1>
      %mul3A_467 = arith.constant 784 : i32
      %mul3A_468 = arith.muli %add3A_46, %mul3A_467 : i32
      %sub3A_469 = vector.broadcast %mul3A_468 : i32 to vector<16xi32>
      %sub3A_470 = arith.subi %gather3A_466, %sub3A_469 : vector<16xi32>
      %mul3A_471 = arith.constant 128 : i32
      %mul3A_472 = vector.broadcast %mul3A_471 : i32 to vector<16xi32>
      %mul3A_473 = arith.muli %sub3A_470, %mul3A_472 : vector<16xi32>
      %and3A_474 = arith.constant 127 : i32
      %and3A_475 = vector.broadcast %and3A_474 : i32 to vector<16xi32>
      %and3A_476 = arith.andi %get3A_440, %and3A_475 : vector<16xi32>
      %add3A_477 = arith.addi %mul3A_473, %and3A_476 : vector<16xi32>
      %jit3A_478 = arith.constant 1 : i32
      %jit3A_479 = arith.constant 0 : i32
      %broadcast_in_dim3A_480 = vector.broadcast %jit3A_478 : i32 to vector<16xi32>
      %broadcast_in_dim3A_481 = vector.broadcast %jit3A_479 : i32 to vector<16xi32>
      %select_n3A_482 = arith.select %or3A_459, %broadcast_in_dim3A_480, %broadcast_in_dim3A_481 : vector<16xi1>, vector<16xi32>
      %broadcast_in_dim3A_483 = arith.constant true
      %broadcast_in_dim3A_484 = vector.broadcast %broadcast_in_dim3A_483 : i1 to vector<16xi1>
      %masked_cumsum3A_485 = tpu.scan <sum>, %select_n3A_482 masked %broadcast_in_dim3A_484 : vector<16xi32>, vector<16xi1> -> vector<16xi32>
      %broadcast_in_dim3A_486 = vector.broadcast %mul3A_45 : i32 to vector<16xi32>
      %add3A_487 = arith.addi %add3A_436, %masked_cumsum3A_485 : vector<16xi32>
      %sub3A_488 = arith.constant 1 : i32
      %sub3A_489 = vector.broadcast %sub3A_488 : i32 to vector<16xi32>
      %sub3A_490 = arith.subi %add3A_487, %sub3A_489 : vector<16xi32>
      tpu.vector_store_idx %arg14[%broadcast_in_dim3A_486, %sub3A_490], %add3A_477 masked %or3A_459 : memref<32x32xi32, #tpu.memory_space<vmem>>[vector<16xi32>, vector<16xi32>], vector<16xi32>, vector<16xi1>
      %all_reduce_population_count3A_491 = tpu.all_reduce %or3A_459 {dim = 0 : i64, kind = #tpu.reduction_kind<sum>} : vector<16xi1> -> vector<16xi32>
      %add3A_492 = arith.addi %add3A_436, %all_reduce_population_count3A_491 : vector<16xi32>
      %mul3A_493 = arith.constant 2 : i32
      %mul3A_494 = arith.muli %mul3A_493, %scan3A_43 : i32
      %add3A_495 = arith.constant 1 : i32
      %add3A_496 = arith.addi %mul3A_494, %add3A_495 : i32
      %add3A_497 = arith.addi %mul3A_2, %add3A_496 : i32
      %add3A_498 = arith.constant 1 : i32
      %add3A_499 = arith.addi %add3A_496, %add3A_498 : i32
      %lt3A_500 = arith.constant 32 : i32
      %lt3A_501 = arith.cmpi slt, %add3A_499, %lt3A_500 : i32
      %convert_element_type3A_502 = arith.extui %lt3A_501 : i1 to i32
      %cond3A_503 = arith.constant 0 : i32
      %cond3A_504 = arith.cmpi ne, %convert_element_type3A_502, %cond3A_503 : i32
      scf.if %cond3A_504 {
        %add3A_965 = arith.constant 1 : i32
        %add3A_966 = arith.addi %add3A_496, %add3A_965 : i32
        %dma_start3A_967 = arith.constant 0 : i32
        %dma_start3A_968 = arith.constant 0 : i32
        %dma_start3A_969 = arith.constant 0 : i32
        %dma_start3A_970 = tpu.memref_slice %arg11[%dma_start3A_967, %dma_start3A_968, %dma_start3A_969] : memref<2x48x128xf32, #tpu.memory_space<vmem>> -> memref<1x48x128xf32, #tpu.memory_space<vmem>>
        %dma_start3A_971 = tpu.memref_squeeze %dma_start3A_970 : memref<1x48x128xf32, #tpu.memory_space<vmem>> -> memref<48x128xf32, #tpu.memory_space<vmem>>
        %dma_start3A_972 = arith.constant 0 : i32
        %dma_start3A_973 = tpu.memref_slice %arg10[%add3A_966, %dma_start3A_972] : memref<32x48xi32, #tpu.memory_space<vmem>> -> memref<1x48xi32, #tpu.memory_space<vmem>>
        %dma_start3A_974 = tpu.memref_squeeze %dma_start3A_973 : memref<1x48xi32, #tpu.memory_space<vmem>> -> memref<48xi32, #tpu.memory_space<vmem>>
        %dma_start3A_975 = arith.constant 0 : i32
        %dma_start3A_976 = arith.constant 0 : i32
        %dma_start3A_977 = tpu.memref_slice %arg2[%dma_start3A_975, %dma_start3A_976] : memref<802816x128xf32, #tpu.memory_space<hbm>> -> memref<802816x128xf32, #tpu.memory_space<hbm>>
        tpu.enqueue_indirect_dma source(%dma_start3A_977 : memref<802816x128xf32, #tpu.memory_space<hbm>>) target(%dma_start3A_971 : memref<48x128xf32, #tpu.memory_space<vmem>>) offsets(%dma_start3A_974 : memref<48xi32, #tpu.memory_space<vmem>>) semaphore(%arg17 : memref<!tpu.dma_semaphore, #tpu.memory_space<semaphore_mem>>)
      } else {
      }
      %dma_wait3A_505 = arith.constant 1 : i32
      %dma_wait3A_506 = arith.constant 0 : i32
      %dma_wait3A_507 = arith.constant 0 : i32
      %dma_wait3A_508 = tpu.memref_slice %arg11[%dma_wait3A_505, %dma_wait3A_506, %dma_wait3A_507] : memref<2x48x128xf32, #tpu.memory_space<vmem>> -> memref<1x48x128xf32, #tpu.memory_space<vmem>>
      %dma_wait3A_509 = tpu.memref_squeeze %dma_wait3A_508 : memref<1x48x128xf32, #tpu.memory_space<vmem>> -> memref<48x128xf32, #tpu.memory_space<vmem>>
      %dma_wait3A_510 = arith.constant 0 : i32
      %dma_wait3A_511 = tpu.memref_slice %arg10[%add3A_496, %dma_wait3A_510] : memref<32x48xi32, #tpu.memory_space<vmem>> -> memref<1x48xi32, #tpu.memory_space<vmem>>
      %dma_wait3A_512 = tpu.memref_squeeze %dma_wait3A_511 : memref<1x48xi32, #tpu.memory_space<vmem>> -> memref<48xi32, #tpu.memory_space<vmem>>
      %dma_wait3A_513 = arith.constant 0 : i32
      %dma_wait3A_514 = arith.constant 0 : i32
      %dma_wait3A_515 = tpu.memref_slice %arg2[%dma_wait3A_513, %dma_wait3A_514] : memref<802816x128xf32, #tpu.memory_space<hbm>> -> memref<802816x128xf32, #tpu.memory_space<hbm>>
      tpu.wait_indirect_dma semaphore(%arg18 : memref<!tpu.dma_semaphore, #tpu.memory_space<semaphore_mem>>) src(%dma_wait3A_515 : memref<802816x128xf32, #tpu.memory_space<hbm>>) dst(%dma_wait3A_509 : memref<48x128xf32, #tpu.memory_space<vmem>>)
      %broadcast_in_dim3A_516 = vector.broadcast %add3A_496 : i32 to vector<16xi32>
      %gather3A_517 = tpu.vector_load_idx %arg9[%broadcast_in_dim3A_516] : memref<32xf32, #tpu.memory_space<vmem>>[vector<16xi32>], vector<16xf32>,
      %broadcast_in_dim3A_518 = arith.constant 1.000000e+30 : f32
      %broadcast_in_dim3A_519 = vector.broadcast %broadcast_in_dim3A_518 : f32 to vector<16xf32>
      %swap3A_520 = arith.constant 0 : index
      %swap3A_521 = tpu.vector_load %arg12[%swap3A_520] {strides = array<i32>} : memref<96xf32, #tpu.memory_space<vmem>>, vector<16xf32>,
      tpu.vector_store %arg12[%swap3A_520], %broadcast_in_dim3A_519 {strides = array<i32>} : memref<96xf32, #tpu.memory_space<vmem>>, vector<16xf32>,
      %broadcast_in_dim3A_522 = arith.constant 1.000000e+30 : f32
      %broadcast_in_dim3A_523 = vector.broadcast %broadcast_in_dim3A_522 : f32 to vector<16xf32>
      %swap3A_524 = arith.constant 16 : index
      %swap3A_525 = tpu.vector_load %arg12[%swap3A_524] {strides = array<i32>} : memref<96xf32, #tpu.memory_space<vmem>>, vector<16xf32>,
      tpu.vector_store %arg12[%swap3A_524], %broadcast_in_dim3A_523 {strides = array<i32>} : memref<96xf32, #tpu.memory_space<vmem>>, vector<16xf32>,
      %broadcast_in_dim3A_526 = arith.constant 1.000000e+30 : f32
      %broadcast_in_dim3A_527 = vector.broadcast %broadcast_in_dim3A_526 : f32 to vector<16xf32>
      %swap3A_528 = arith.constant 32 : index
      %swap3A_529 = tpu.vector_load %arg12[%swap3A_528] {strides = array<i32>} : memref<96xf32, #tpu.memory_space<vmem>>, vector<16xf32>,
      tpu.vector_store %arg12[%swap3A_528], %broadcast_in_dim3A_527 {strides = array<i32>} : memref<96xf32, #tpu.memory_space<vmem>>, vector<16xf32>,
      %broadcast_in_dim3A_530 = arith.constant 1.000000e+30 : f32
      %broadcast_in_dim3A_531 = vector.broadcast %broadcast_in_dim3A_530 : f32 to vector<16xf32>
      %swap3A_532 = arith.constant 48 : index
      %swap3A_533 = tpu.vector_load %arg12[%swap3A_532] {strides = array<i32>} : memref<96xf32, #tpu.memory_space<vmem>>, vector<16xf32>,
      tpu.vector_store %arg12[%swap3A_532], %broadcast_in_dim3A_531 {strides = array<i32>} : memref<96xf32, #tpu.memory_space<vmem>>, vector<16xf32>,
      %broadcast_in_dim3A_534 = arith.constant 1.000000e+30 : f32
      %broadcast_in_dim3A_535 = vector.broadcast %broadcast_in_dim3A_534 : f32 to vector<16xf32>
      %swap3A_536 = arith.constant 64 : index
      %swap3A_537 = tpu.vector_load %arg12[%swap3A_536] {strides = array<i32>} : memref<96xf32, #tpu.memory_space<vmem>>, vector<16xf32>,
      tpu.vector_store %arg12[%swap3A_536], %broadcast_in_dim3A_535 {strides = array<i32>} : memref<96xf32, #tpu.memory_space<vmem>>, vector<16xf32>,
      %broadcast_in_dim3A_538 = arith.constant 1.000000e+30 : f32
      %broadcast_in_dim3A_539 = vector.broadcast %broadcast_in_dim3A_538 : f32 to vector<16xf32>
      %swap3A_540 = arith.constant 80 : index
      %swap3A_541 = tpu.vector_load %arg12[%swap3A_540] {strides = array<i32>} : memref<96xf32, #tpu.memory_space<vmem>>, vector<16xf32>,
      tpu.vector_store %arg12[%swap3A_540], %broadcast_in_dim3A_539 {strides = array<i32>} : memref<96xf32, #tpu.memory_space<vmem>>, vector<16xf32>,
      %broadcast_in_dim3A_542 = arith.constant 0 : i32
      %broadcast_in_dim3A_543 = vector.broadcast %broadcast_in_dim3A_542 : i32 to vector<16xi32>
      %scan3A_544 = arith.constant 0 : i32
      %scan3A_545 = arith.constant 48 : i32
      %scan3A_546 = arith.addi %scan3A_544, %scan3A_545 : i32
      %scan3A_547 = arith.constant 1 : i32
      %scan3A_548 = scf.for %scan3A_965 = %scan3A_544 to %scan3A_546 step %scan3A_547 iter_args(%scan3A_966 = %broadcast_in_dim3A_543) -> (vector<16xi32>)  : i32 {
        %get3A_967 = arith.constant 1 : i32
        %get3A_968 = arith.index_cast %get3A_967 : i32 to index
        %get3A_969 = arith.index_cast %scan3A_965 : i32 to index
        %get3A_970 = arith.constant 0 : index
        %get3A_971 = tpu.vector_load %arg11[%get3A_968, %get3A_969, %get3A_970] {strides = array<i32>} : memref<2x48x128xf32, #tpu.memory_space<vmem>>, vector<16xf32>,
        %le3A_972 = arith.cmpf ole, %get3A_971, %gather3A_517 : vector<16xf32>
        %all_reduce_population_count3A_973 = tpu.all_reduce %le3A_972 {dim = 0 : i64, kind = #tpu.reduction_kind<sum>} : vector<16xi1> -> vector<16xi32>
        %mul3A_974 = arith.constant 128 : i32
        %mul3A_975 = arith.muli %scan3A_965, %mul3A_974 : i32
        %add3A_976 = arith.constant 0 : i32
        %add3A_977 = arith.addi %mul3A_975, %add3A_976 : i32
        %broadcast_in_dim3A_978 = vector.broadcast %add3A_977 : i32 to vector<16xi32>
        %add3A_979 = arith.addi %broadcast_in_dim3A_978, %iota3A : vector<16xi32>
        %masked_sort3A = arith.constant dense<true> : vector<16xi1>
        %masked_sort3A_980, %masked_sort3A_981, %masked_sort3A_982 = tpu.sort %get3A_971, %add3A_979 masked %masked_sort3A : (vector<16xf32>, vector<16xi32>, vector<16xi1>) -> (vector<16xi1>, vector<16xf32>, vector<16xi32>)
        %add3A_983 = arith.addi %scan3A_966, %iota3A : vector<16xi32>
        %min3A_984 = arith.constant 95 : i32
        %min3A_985 = vector.broadcast %min3A_984 : i32 to vector<16xi32>
        %min3A_986 = arith.minsi %add3A_983, %min3A_985 : vector<16xi32>
        tpu.vector_store_idx %arg12[%min3A_986], %masked_sort3A_981 : memref<96xf32, #tpu.memory_space<vmem>>[vector<16xi32>], vector<16xf32>,
        tpu.vector_store_idx %arg13[%min3A_986], %masked_sort3A_982 : memref<96xi32, #tpu.memory_space<vmem>>[vector<16xi32>], vector<16xi32>,
        %add3A_987 = arith.addi %scan3A_966, %all_reduce_population_count3A_973 : vector<16xi32>
        %get3A_988 = arith.constant 1 : i32
        %get3A_989 = arith.index_cast %get3A_988 : i32 to index
        %get3A_990 = arith.index_cast %scan3A_965 : i32 to index
        %get3A_991 = arith.constant 16 : index
        %get3A_992 = tpu.vector_load %arg11[%get3A_989, %get3A_990, %get3A_991] {strides = array<i32>} : memref<2x48x128xf32, #tpu.memory_space<vmem>>, vector<16xf32>,
        %le3A_993 = arith.cmpf ole, %get3A_992, %gather3A_517 : vector<16xf32>
        %all_reduce_population_count3A_994 = tpu.all_reduce %le3A_993 {dim = 0 : i64, kind = #tpu.reduction_kind<sum>} : vector<16xi1> -> vector<16xi32>
        %mul3A_995 = arith.constant 128 : i32
        %mul3A_996 = arith.muli %scan3A_965, %mul3A_995 : i32
        %add3A_997 = arith.constant 16 : i32
        %add3A_998 = arith.addi %mul3A_996, %add3A_997 : i32
        %broadcast_in_dim3A_999 = vector.broadcast %add3A_998 : i32 to vector<16xi32>
        %add3A_1000 = arith.addi %broadcast_in_dim3A_999, %iota3A : vector<16xi32>
        %masked_sort3A_1001 = arith.constant dense<true> : vector<16xi1>
        %masked_sort3A_1002, %masked_sort3A_1003, %masked_sort3A_1004 = tpu.sort %get3A_992, %add3A_1000 masked %masked_sort3A_1001 : (vector<16xf32>, vector<16xi32>, vector<16xi1>) -> (vector<16xi1>, vector<16xf32>, vector<16xi32>)
        %add3A_1005 = arith.addi %add3A_987, %iota3A : vector<16xi32>
        %min3A_1006 = arith.constant 95 : i32
        %min3A_1007 = vector.broadcast %min3A_1006 : i32 to vector<16xi32>
        %min3A_1008 = arith.minsi %add3A_1005, %min3A_1007 : vector<16xi32>
        tpu.vector_store_idx %arg12[%min3A_1008], %masked_sort3A_1003 : memref<96xf32, #tpu.memory_space<vmem>>[vector<16xi32>], vector<16xf32>,
        tpu.vector_store_idx %arg13[%min3A_1008], %masked_sort3A_1004 : memref<96xi32, #tpu.memory_space<vmem>>[vector<16xi32>], vector<16xi32>,
        %add3A_1009 = arith.addi %add3A_987, %all_reduce_population_count3A_994 : vector<16xi32>
        %get3A_1010 = arith.constant 1 : i32
        %get3A_1011 = arith.index_cast %get3A_1010 : i32 to index
        %get3A_1012 = arith.index_cast %scan3A_965 : i32 to index
        %get3A_1013 = arith.constant 32 : index
        %get3A_1014 = tpu.vector_load %arg11[%get3A_1011, %get3A_1012, %get3A_1013] {strides = array<i32>} : memref<2x48x128xf32, #tpu.memory_space<vmem>>, vector<16xf32>,
        %le3A_1015 = arith.cmpf ole, %get3A_1014, %gather3A_517 : vector<16xf32>
        %all_reduce_population_count3A_1016 = tpu.all_reduce %le3A_1015 {dim = 0 : i64, kind = #tpu.reduction_kind<sum>} : vector<16xi1> -> vector<16xi32>
        %mul3A_1017 = arith.constant 128 : i32
        %mul3A_1018 = arith.muli %scan3A_965, %mul3A_1017 : i32
        %add3A_1019 = arith.constant 32 : i32
        %add3A_1020 = arith.addi %mul3A_1018, %add3A_1019 : i32
        %broadcast_in_dim3A_1021 = vector.broadcast %add3A_1020 : i32 to vector<16xi32>
        %add3A_1022 = arith.addi %broadcast_in_dim3A_1021, %iota3A : vector<16xi32>
        %masked_sort3A_1023 = arith.constant dense<true> : vector<16xi1>
        %masked_sort3A_1024, %masked_sort3A_1025, %masked_sort3A_1026 = tpu.sort %get3A_1014, %add3A_1022 masked %masked_sort3A_1023 : (vector<16xf32>, vector<16xi32>, vector<16xi1>) -> (vector<16xi1>, vector<16xf32>, vector<16xi32>)
        %add3A_1027 = arith.addi %add3A_1009, %iota3A : vector<16xi32>
        %min3A_1028 = arith.constant 95 : i32
        %min3A_1029 = vector.broadcast %min3A_1028 : i32 to vector<16xi32>
        %min3A_1030 = arith.minsi %add3A_1027, %min3A_1029 : vector<16xi32>
        tpu.vector_store_idx %arg12[%min3A_1030], %masked_sort3A_1025 : memref<96xf32, #tpu.memory_space<vmem>>[vector<16xi32>], vector<16xf32>,
        tpu.vector_store_idx %arg13[%min3A_1030], %masked_sort3A_1026 : memref<96xi32, #tpu.memory_space<vmem>>[vector<16xi32>], vector<16xi32>,
        %add3A_1031 = arith.addi %add3A_1009, %all_reduce_population_count3A_1016 : vector<16xi32>
        %get3A_1032 = arith.constant 1 : i32
        %get3A_1033 = arith.index_cast %get3A_1032 : i32 to index
        %get3A_1034 = arith.index_cast %scan3A_965 : i32 to index
        %get3A_1035 = arith.constant 48 : index
        %get3A_1036 = tpu.vector_load %arg11[%get3A_1033, %get3A_1034, %get3A_1035] {strides = array<i32>} : memref<2x48x128xf32, #tpu.memory_space<vmem>>, vector<16xf32>,
        %le3A_1037 = arith.cmpf ole, %get3A_1036, %gather3A_517 : vector<16xf32>
        %all_reduce_population_count3A_1038 = tpu.all_reduce %le3A_1037 {dim = 0 : i64, kind = #tpu.reduction_kind<sum>} : vector<16xi1> -> vector<16xi32>
        %mul3A_1039 = arith.constant 128 : i32
        %mul3A_1040 = arith.muli %scan3A_965, %mul3A_1039 : i32
        %add3A_1041 = arith.constant 48 : i32
        %add3A_1042 = arith.addi %mul3A_1040, %add3A_1041 : i32
        %broadcast_in_dim3A_1043 = vector.broadcast %add3A_1042 : i32 to vector<16xi32>
        %add3A_1044 = arith.addi %broadcast_in_dim3A_1043, %iota3A : vector<16xi32>
        %masked_sort3A_1045 = arith.constant dense<true> : vector<16xi1>
        %masked_sort3A_1046, %masked_sort3A_1047, %masked_sort3A_1048 = tpu.sort %get3A_1036, %add3A_1044 masked %masked_sort3A_1045 : (vector<16xf32>, vector<16xi32>, vector<16xi1>) -> (vector<16xi1>, vector<16xf32>, vector<16xi32>)
        %add3A_1049 = arith.addi %add3A_1031, %iota3A : vector<16xi32>
        %min3A_1050 = arith.constant 95 : i32
        %min3A_1051 = vector.broadcast %min3A_1050 : i32 to vector<16xi32>
        %min3A_1052 = arith.minsi %add3A_1049, %min3A_1051 : vector<16xi32>
        tpu.vector_store_idx %arg12[%min3A_1052], %masked_sort3A_1047 : memref<96xf32, #tpu.memory_space<vmem>>[vector<16xi32>], vector<16xf32>,
        tpu.vector_store_idx %arg13[%min3A_1052], %masked_sort3A_1048 : memref<96xi32, #tpu.memory_space<vmem>>[vector<16xi32>], vector<16xi32>,
        %add3A_1053 = arith.addi %add3A_1031, %all_reduce_population_count3A_1038 : vector<16xi32>
        %get3A_1054 = arith.constant 1 : i32
        %get3A_1055 = arith.index_cast %get3A_1054 : i32 to index
        %get3A_1056 = arith.index_cast %scan3A_965 : i32 to index
        %get3A_1057 = arith.constant 64 : index
        %get3A_1058 = tpu.vector_load %arg11[%get3A_1055, %get3A_1056, %get3A_1057] {strides = array<i32>} : memref<2x48x128xf32, #tpu.memory_space<vmem>>, vector<16xf32>,
        %le3A_1059 = arith.cmpf ole, %get3A_1058, %gather3A_517 : vector<16xf32>
        %all_reduce_population_count3A_1060 = tpu.all_reduce %le3A_1059 {dim = 0 : i64, kind = #tpu.reduction_kind<sum>} : vector<16xi1> -> vector<16xi32>
        %mul3A_1061 = arith.constant 128 : i32
        %mul3A_1062 = arith.muli %scan3A_965, %mul3A_1061 : i32
        %add3A_1063 = arith.constant 64 : i32
        %add3A_1064 = arith.addi %mul3A_1062, %add3A_1063 : i32
        %broadcast_in_dim3A_1065 = vector.broadcast %add3A_1064 : i32 to vector<16xi32>
        %add3A_1066 = arith.addi %broadcast_in_dim3A_1065, %iota3A : vector<16xi32>
        %masked_sort3A_1067 = arith.constant dense<true> : vector<16xi1>
        %masked_sort3A_1068, %masked_sort3A_1069, %masked_sort3A_1070 = tpu.sort %get3A_1058, %add3A_1066 masked %masked_sort3A_1067 : (vector<16xf32>, vector<16xi32>, vector<16xi1>) -> (vector<16xi1>, vector<16xf32>, vector<16xi32>)
        %add3A_1071 = arith.addi %add3A_1053, %iota3A : vector<16xi32>
        %min3A_1072 = arith.constant 95 : i32
        %min3A_1073 = vector.broadcast %min3A_1072 : i32 to vector<16xi32>
        %min3A_1074 = arith.minsi %add3A_1071, %min3A_1073 : vector<16xi32>
        tpu.vector_store_idx %arg12[%min3A_1074], %masked_sort3A_1069 : memref<96xf32, #tpu.memory_space<vmem>>[vector<16xi32>], vector<16xf32>,
        tpu.vector_store_idx %arg13[%min3A_1074], %masked_sort3A_1070 : memref<96xi32, #tpu.memory_space<vmem>>[vector<16xi32>], vector<16xi32>,
        %add3A_1075 = arith.addi %add3A_1053, %all_reduce_population_count3A_1060 : vector<16xi32>
        %get3A_1076 = arith.constant 1 : i32
        %get3A_1077 = arith.index_cast %get3A_1076 : i32 to index
        %get3A_1078 = arith.index_cast %scan3A_965 : i32 to index
        %get3A_1079 = arith.constant 80 : index
        %get3A_1080 = tpu.vector_load %arg11[%get3A_1077, %get3A_1078, %get3A_1079] {strides = array<i32>} : memref<2x48x128xf32, #tpu.memory_space<vmem>>, vector<16xf32>,
        %le3A_1081 = arith.cmpf ole, %get3A_1080, %gather3A_517 : vector<16xf32>
        %all_reduce_population_count3A_1082 = tpu.all_reduce %le3A_1081 {dim = 0 : i64, kind = #tpu.reduction_kind<sum>} : vector<16xi1> -> vector<16xi32>
        %mul3A_1083 = arith.constant 128 : i32
        %mul3A_1084 = arith.muli %scan3A_965, %mul3A_1083 : i32
        %add3A_1085 = arith.constant 80 : i32
        %add3A_1086 = arith.addi %mul3A_1084, %add3A_1085 : i32
        %broadcast_in_dim3A_1087 = vector.broadcast %add3A_1086 : i32 to vector<16xi32>
        %add3A_1088 = arith.addi %broadcast_in_dim3A_1087, %iota3A : vector<16xi32>
        %masked_sort3A_1089 = arith.constant dense<true> : vector<16xi1>
        %masked_sort3A_1090, %masked_sort3A_1091, %masked_sort3A_1092 = tpu.sort %get3A_1080, %add3A_1088 masked %masked_sort3A_1089 : (vector<16xf32>, vector<16xi32>, vector<16xi1>) -> (vector<16xi1>, vector<16xf32>, vector<16xi32>)
        %add3A_1093 = arith.addi %add3A_1075, %iota3A : vector<16xi32>
        %min3A_1094 = arith.constant 95 : i32
        %min3A_1095 = vector.broadcast %min3A_1094 : i32 to vector<16xi32>
        %min3A_1096 = arith.minsi %add3A_1093, %min3A_1095 : vector<16xi32>
        tpu.vector_store_idx %arg12[%min3A_1096], %masked_sort3A_1091 : memref<96xf32, #tpu.memory_space<vmem>>[vector<16xi32>], vector<16xf32>,
        tpu.vector_store_idx %arg13[%min3A_1096], %masked_sort3A_1092 : memref<96xi32, #tpu.memory_space<vmem>>[vector<16xi32>], vector<16xi32>,
        %add3A_1097 = arith.addi %add3A_1075, %all_reduce_population_count3A_1082 : vector<16xi32>
        %get3A_1098 = arith.constant 1 : i32
        %get3A_1099 = arith.index_cast %get3A_1098 : i32 to index
        %get3A_1100 = arith.index_cast %scan3A_965 : i32 to index
        %get3A_1101 = arith.constant 96 : index
        %get3A_1102 = tpu.vector_load %arg11[%get3A_1099, %get3A_1100, %get3A_1101] {strides = array<i32>} : memref<2x48x128xf32, #tpu.memory_space<vmem>>, vector<16xf32>,
        %le3A_1103 = arith.cmpf ole, %get3A_1102, %gather3A_517 : vector<16xf32>
        %all_reduce_population_count3A_1104 = tpu.all_reduce %le3A_1103 {dim = 0 : i64, kind = #tpu.reduction_kind<sum>} : vector<16xi1> -> vector<16xi32>
        %mul3A_1105 = arith.constant 128 : i32
        %mul3A_1106 = arith.muli %scan3A_965, %mul3A_1105 : i32
        %add3A_1107 = arith.constant 96 : i32
        %add3A_1108 = arith.addi %mul3A_1106, %add3A_1107 : i32
        %broadcast_in_dim3A_1109 = vector.broadcast %add3A_1108 : i32 to vector<16xi32>
        %add3A_1110 = arith.addi %broadcast_in_dim3A_1109, %iota3A : vector<16xi32>
        %masked_sort3A_1111 = arith.constant dense<true> : vector<16xi1>
        %masked_sort3A_1112, %masked_sort3A_1113, %masked_sort3A_1114 = tpu.sort %get3A_1102, %add3A_1110 masked %masked_sort3A_1111 : (vector<16xf32>, vector<16xi32>, vector<16xi1>) -> (vector<16xi1>, vector<16xf32>, vector<16xi32>)
        %add3A_1115 = arith.addi %add3A_1097, %iota3A : vector<16xi32>
        %min3A_1116 = arith.constant 95 : i32
        %min3A_1117 = vector.broadcast %min3A_1116 : i32 to vector<16xi32>
        %min3A_1118 = arith.minsi %add3A_1115, %min3A_1117 : vector<16xi32>
        tpu.vector_store_idx %arg12[%min3A_1118], %masked_sort3A_1113 : memref<96xf32, #tpu.memory_space<vmem>>[vector<16xi32>], vector<16xf32>,
        tpu.vector_store_idx %arg13[%min3A_1118], %masked_sort3A_1114 : memref<96xi32, #tpu.memory_space<vmem>>[vector<16xi32>], vector<16xi32>,
        %add3A_1119 = arith.addi %add3A_1097, %all_reduce_population_count3A_1104 : vector<16xi32>
        %get3A_1120 = arith.constant 1 : i32
        %get3A_1121 = arith.index_cast %get3A_1120 : i32 to index
        %get3A_1122 = arith.index_cast %scan3A_965 : i32 to index
        %get3A_1123 = arith.constant 112 : index
        %get3A_1124 = tpu.vector_load %arg11[%get3A_1121, %get3A_1122, %get3A_1123] {strides = array<i32>} : memref<2x48x128xf32, #tpu.memory_space<vmem>>, vector<16xf32>,
        %le3A_1125 = arith.cmpf ole, %get3A_1124, %gather3A_517 : vector<16xf32>
        %all_reduce_population_count3A_1126 = tpu.all_reduce %le3A_1125 {dim = 0 : i64, kind = #tpu.reduction_kind<sum>} : vector<16xi1> -> vector<16xi32>
        %mul3A_1127 = arith.constant 128 : i32
        %mul3A_1128 = arith.muli %scan3A_965, %mul3A_1127 : i32
        %add3A_1129 = arith.constant 112 : i32
        %add3A_1130 = arith.addi %mul3A_1128, %add3A_1129 : i32
        %broadcast_in_dim3A_1131 = vector.broadcast %add3A_1130 : i32 to vector<16xi32>
        %add3A_1132 = arith.addi %broadcast_in_dim3A_1131, %iota3A : vector<16xi32>
        %masked_sort3A_1133 = arith.constant dense<true> : vector<16xi1>
        %masked_sort3A_1134, %masked_sort3A_1135, %masked_sort3A_1136 = tpu.sort %get3A_1124, %add3A_1132 masked %masked_sort3A_1133 : (vector<16xf32>, vector<16xi32>, vector<16xi1>) -> (vector<16xi1>, vector<16xf32>, vector<16xi32>)
        %add3A_1137 = arith.addi %add3A_1119, %iota3A : vector<16xi32>
        %min3A_1138 = arith.constant 95 : i32
        %min3A_1139 = vector.broadcast %min3A_1138 : i32 to vector<16xi32>
        %min3A_1140 = arith.minsi %add3A_1137, %min3A_1139 : vector<16xi32>
        tpu.vector_store_idx %arg12[%min3A_1140], %masked_sort3A_1135 : memref<96xf32, #tpu.memory_space<vmem>>[vector<16xi32>], vector<16xf32>,
        tpu.vector_store_idx %arg13[%min3A_1140], %masked_sort3A_1136 : memref<96xi32, #tpu.memory_space<vmem>>[vector<16xi32>], vector<16xi32>,
        %add3A_1141 = arith.addi %add3A_1119, %all_reduce_population_count3A_1126 : vector<16xi32>
        scf.yield %add3A_1141 : vector<16xi32>
      }
      %scan3A_549 = arith.constant 48 : i32
      %get3A_550 = arith.constant 0 : index
      %get3A_551 = tpu.vector_load %arg12[%get3A_550] {strides = array<i32>} : memref<96xf32, #tpu.memory_space<vmem>>, vector<16xf32>,
      %get3A_552 = arith.constant 16 : index
      %get3A_553 = tpu.vector_load %arg12[%get3A_552] {strides = array<i32>} : memref<96xf32, #tpu.memory_space<vmem>>, vector<16xf32>,
      %min3A_554 = arith.minimumf %get3A_551, %get3A_553 : vector<16xf32>
      %get3A_555 = arith.constant 32 : index
      %get3A_556 = tpu.vector_load %arg12[%get3A_555] {strides = array<i32>} : memref<96xf32, #tpu.memory_space<vmem>>, vector<16xf32>,
      %min3A_557 = arith.minimumf %min3A_554, %get3A_556 : vector<16xf32>
      %get3A_558 = arith.constant 48 : index
      %get3A_559 = tpu.vector_load %arg12[%get3A_558] {strides = array<i32>} : memref<96xf32, #tpu.memory_space<vmem>>, vector<16xf32>,
      %min3A_560 = arith.minimumf %min3A_557, %get3A_559 : vector<16xf32>
      %get3A_561 = arith.constant 64 : index
      %get3A_562 = tpu.vector_load %arg12[%get3A_561] {strides = array<i32>} : memref<96xf32, #tpu.memory_space<vmem>>, vector<16xf32>,
      %min3A_563 = arith.minimumf %min3A_560, %get3A_562 : vector<16xf32>
      %get3A_564 = arith.constant 80 : index
      %get3A_565 = tpu.vector_load %arg12[%get3A_564] {strides = array<i32>} : memref<96xf32, #tpu.memory_space<vmem>>, vector<16xf32>,
      %min3A_566 = arith.minimumf %min3A_563, %get3A_565 : vector<16xf32>
      %neg3A_567 = arith.constant 0.000000e+00 : f32
      %neg3A_568 = vector.broadcast %neg3A_567 : f32 to vector<16xf32>
      %neg3A_569 = arith.subf %neg3A_568, %min3A_566 : vector<16xf32>
      %broadcast_in_dim3A_570 = arith.constant true
      %broadcast_in_dim3A_571 = vector.broadcast %broadcast_in_dim3A_570 : i1 to vector<16xi1>
      %masked_cummax3A_572 = tpu.scan <max>, %neg3A_569 masked %broadcast_in_dim3A_571 : vector<16xf32>, vector<16xi1> -> vector<16xf32>
      %broadcast_in_dim3A_573 = arith.constant 15 : i32
      %broadcast_in_dim3A_574 = vector.broadcast %broadcast_in_dim3A_573 : i32 to vector<16xi32>
      %broadcast_in_dim3A_575 = vector.shape_cast %broadcast_in_dim3A_574 : vector<16xi32> to vector<16x1xi32>
      %gather3A_576 = vector.shape_cast %broadcast_in_dim3A_575 : vector<16x1xi32> to vector<16xi32>
      %gather3A_577 = tpu.dynamic_gather %masked_cummax3A_572[%gather3A_576] in [0] : vector<16xf32>, vector<16xi32> -> vector<16xf32>
      %neg3A_578 = arith.constant 0.000000e+00 : f32
      %neg3A_579 = vector.broadcast %neg3A_578 : f32 to vector<16xf32>
      %neg3A_580 = arith.subf %neg3A_579, %gather3A_577 : vector<16xf32>
      %sub3A_581 = arith.constant 1.000000e+00 : f32
      %sub3A_582 = vector.broadcast %sub3A_581 : f32 to vector<16xf32>
      %sub3A_583 = arith.subf %neg3A_580, %sub3A_582 : vector<16xf32>
      %scan3A_584 = arith.constant 0 : i32
      %scan3A_585 = arith.constant 40 : i32
      %scan3A_586 = arith.addi %scan3A_584, %scan3A_585 : i32
      %scan3A_587 = arith.constant 1 : i32
      %scan3A_588:2 = scf.for %scan3A_965 = %scan3A_584 to %scan3A_586 step %scan3A_587 iter_args(%scan3A_966 = %sub3A_583, %scan3A_967 = %gather3A_517) -> (vector<16xf32>, vector<16xf32>)  : i32 {
        %add3A_968 = arith.addf %scan3A_966, %scan3A_967 : vector<16xf32>
        %mul3A_969 = arith.constant 5.000000e-01 : f32
        %mul3A_970 = vector.broadcast %mul3A_969 : f32 to vector<16xf32>
        %mul3A_971 = arith.mulf %add3A_968, %mul3A_970 : vector<16xf32>
        %broadcast_in_dim3A_972 = arith.constant 0 : i32
        %broadcast_in_dim3A_973 = vector.broadcast %broadcast_in_dim3A_972 : i32 to vector<16xi32>
        %get3A_974 = arith.constant 0 : index
        %get3A_975 = tpu.vector_load %arg12[%get3A_974] {strides = array<i32>} : memref<96xf32, #tpu.memory_space<vmem>>, vector<16xf32>,
        %le3A_976 = arith.cmpf ole, %get3A_975, %mul3A_971 : vector<16xf32>
        %all_reduce_population_count3A_977 = tpu.all_reduce %le3A_976 {dim = 0 : i64, kind = #tpu.reduction_kind<sum>} : vector<16xi1> -> vector<16xi32>
        %add3A_978 = arith.addi %broadcast_in_dim3A_973, %all_reduce_population_count3A_977 : vector<16xi32>
        %get3A_979 = arith.constant 16 : index
        %get3A_980 = tpu.vector_load %arg12[%get3A_979] {strides = array<i32>} : memref<96xf32, #tpu.memory_space<vmem>>, vector<16xf32>,
        %le3A_981 = arith.cmpf ole, %get3A_980, %mul3A_971 : vector<16xf32>
        %all_reduce_population_count3A_982 = tpu.all_reduce %le3A_981 {dim = 0 : i64, kind = #tpu.reduction_kind<sum>} : vector<16xi1> -> vector<16xi32>
        %add3A_983 = arith.addi %add3A_978, %all_reduce_population_count3A_982 : vector<16xi32>
        %get3A_984 = arith.constant 32 : index
        %get3A_985 = tpu.vector_load %arg12[%get3A_984] {strides = array<i32>} : memref<96xf32, #tpu.memory_space<vmem>>, vector<16xf32>,
        %le3A_986 = arith.cmpf ole, %get3A_985, %mul3A_971 : vector<16xf32>
        %all_reduce_population_count3A_987 = tpu.all_reduce %le3A_986 {dim = 0 : i64, kind = #tpu.reduction_kind<sum>} : vector<16xi1> -> vector<16xi32>
        %add3A_988 = arith.addi %add3A_983, %all_reduce_population_count3A_987 : vector<16xi32>
        %get3A_989 = arith.constant 48 : index
        %get3A_990 = tpu.vector_load %arg12[%get3A_989] {strides = array<i32>} : memref<96xf32, #tpu.memory_space<vmem>>, vector<16xf32>,
        %le3A_991 = arith.cmpf ole, %get3A_990, %mul3A_971 : vector<16xf32>
        %all_reduce_population_count3A_992 = tpu.all_reduce %le3A_991 {dim = 0 : i64, kind = #tpu.reduction_kind<sum>} : vector<16xi1> -> vector<16xi32>
        %add3A_993 = arith.addi %add3A_988, %all_reduce_population_count3A_992 : vector<16xi32>
        %get3A_994 = arith.constant 64 : index
        %get3A_995 = tpu.vector_load %arg12[%get3A_994] {strides = array<i32>} : memref<96xf32, #tpu.memory_space<vmem>>, vector<16xf32>,
        %le3A_996 = arith.cmpf ole, %get3A_995, %mul3A_971 : vector<16xf32>
        %all_reduce_population_count3A_997 = tpu.all_reduce %le3A_996 {dim = 0 : i64, kind = #tpu.reduction_kind<sum>} : vector<16xi1> -> vector<16xi32>
        %add3A_998 = arith.addi %add3A_993, %all_reduce_population_count3A_997 : vector<16xi32>
        %get3A_999 = arith.constant 80 : index
        %get3A_1000 = tpu.vector_load %arg12[%get3A_999] {strides = array<i32>} : memref<96xf32, #tpu.memory_space<vmem>>, vector<16xf32>,
        %le3A_1001 = arith.cmpf ole, %get3A_1000, %mul3A_971 : vector<16xf32>
        %all_reduce_population_count3A_1002 = tpu.all_reduce %le3A_1001 {dim = 0 : i64, kind = #tpu.reduction_kind<sum>} : vector<16xi1> -> vector<16xi32>
        %add3A_1003 = arith.addi %add3A_998, %all_reduce_population_count3A_1002 : vector<16xi32>
        %ge3A = arith.constant 32 : i32
        %ge3A_1004 = vector.broadcast %ge3A : i32 to vector<16xi32>
        %ge3A_1005 = arith.cmpi sge, %add3A_1003, %ge3A_1004 : vector<16xi32>
        %select_n3A_1006 = arith.select %ge3A_1005, %scan3A_966, %mul3A_971 : vector<16xi1>, vector<16xf32>
        %select_n3A_1007 = arith.select %ge3A_1005, %mul3A_971, %scan3A_967 : vector<16xi1>, vector<16xf32>
        scf.yield %select_n3A_1006, %select_n3A_1007 : vector<16xf32>, vector<16xf32>
      }
      %scan3A_589 = arith.constant 40 : i32
      %broadcast_in_dim3A_590 = arith.constant 0 : i32
      %broadcast_in_dim3A_591 = vector.broadcast %broadcast_in_dim3A_590 : i32 to vector<16xi32>
      %get3A_592 = arith.constant 0 : index
      %get3A_593 = tpu.vector_load %arg12[%get3A_592] {strides = array<i32>} : memref<96xf32, #tpu.memory_space<vmem>>, vector<16xf32>,
      %le3A_594 = arith.cmpf ole, %get3A_593, %scan3A_588#0 : vector<16xf32>
      %all_reduce_population_count3A_595 = tpu.all_reduce %le3A_594 {dim = 0 : i64, kind = #tpu.reduction_kind<sum>} : vector<16xi1> -> vector<16xi32>
      %add3A_596 = arith.addi %broadcast_in_dim3A_591, %all_reduce_population_count3A_595 : vector<16xi32>
      %get3A_597 = arith.constant 16 : index
      %get3A_598 = tpu.vector_load %arg12[%get3A_597] {strides = array<i32>} : memref<96xf32, #tpu.memory_space<vmem>>, vector<16xf32>,
      %le3A_599 = arith.cmpf ole, %get3A_598, %scan3A_588#0 : vector<16xf32>
      %all_reduce_population_count3A_600 = tpu.all_reduce %le3A_599 {dim = 0 : i64, kind = #tpu.reduction_kind<sum>} : vector<16xi1> -> vector<16xi32>
      %add3A_601 = arith.addi %add3A_596, %all_reduce_population_count3A_600 : vector<16xi32>
      %get3A_602 = arith.constant 32 : index
      %get3A_603 = tpu.vector_load %arg12[%get3A_602] {strides = array<i32>} : memref<96xf32, #tpu.memory_space<vmem>>, vector<16xf32>,
      %le3A_604 = arith.cmpf ole, %get3A_603, %scan3A_588#0 : vector<16xf32>
      %all_reduce_population_count3A_605 = tpu.all_reduce %le3A_604 {dim = 0 : i64, kind = #tpu.reduction_kind<sum>} : vector<16xi1> -> vector<16xi32>
      %add3A_606 = arith.addi %add3A_601, %all_reduce_population_count3A_605 : vector<16xi32>
      %get3A_607 = arith.constant 48 : index
      %get3A_608 = tpu.vector_load %arg12[%get3A_607] {strides = array<i32>} : memref<96xf32, #tpu.memory_space<vmem>>, vector<16xf32>,
      %le3A_609 = arith.cmpf ole, %get3A_608, %scan3A_588#0 : vector<16xf32>
      %all_reduce_population_count3A_610 = tpu.all_reduce %le3A_609 {dim = 0 : i64, kind = #tpu.reduction_kind<sum>} : vector<16xi1> -> vector<16xi32>
      %add3A_611 = arith.addi %add3A_606, %all_reduce_population_count3A_610 : vector<16xi32>
      %get3A_612 = arith.constant 64 : index
      %get3A_613 = tpu.vector_load %arg12[%get3A_612] {strides = array<i32>} : memref<96xf32, #tpu.memory_space<vmem>>, vector<16xf32>,
      %le3A_614 = arith.cmpf ole, %get3A_613, %scan3A_588#0 : vector<16xf32>
      %all_reduce_population_count3A_615 = tpu.all_reduce %le3A_614 {dim = 0 : i64, kind = #tpu.reduction_kind<sum>} : vector<16xi1> -> vector<16xi32>
      %add3A_616 = arith.addi %add3A_611, %all_reduce_population_count3A_615 : vector<16xi32>
      %get3A_617 = arith.constant 80 : index
      %get3A_618 = tpu.vector_load %arg12[%get3A_617] {strides = array<i32>} : memref<96xf32, #tpu.memory_space<vmem>>, vector<16xf32>,
      %le3A_619 = arith.cmpf ole, %get3A_618, %scan3A_588#0 : vector<16xf32>
      %all_reduce_population_count3A_620 = tpu.all_reduce %le3A_619 {dim = 0 : i64, kind = #tpu.reduction_kind<sum>} : vector<16xi1> -> vector<16xi32>
      %add3A_621 = arith.addi %add3A_616, %all_reduce_population_count3A_620 : vector<16xi32>
      %broadcast_in_dim3A_622 = arith.constant 32 : i32
      %broadcast_in_dim3A_623 = vector.broadcast %broadcast_in_dim3A_622 : i32 to vector<16xi32>
      %sub3A_624 = arith.subi %broadcast_in_dim3A_623, %add3A_621 : vector<16xi32>
      %broadcast_in_dim3A_625 = arith.constant 0 : i32
      %broadcast_in_dim3A_626 = vector.broadcast %broadcast_in_dim3A_625 : i32 to vector<16xi32>
      %broadcast_in_dim3A_627 = arith.constant 0 : i32
      %broadcast_in_dim3A_628 = vector.broadcast %broadcast_in_dim3A_627 : i32 to vector<16xi32>
      %get3A_629 = arith.constant 0 : index
      %get3A_630 = tpu.vector_load %arg12[%get3A_629] {strides = array<i32>} : memref<96xf32, #tpu.memory_space<vmem>>, vector<16xf32>,
      %get3A_631 = arith.constant 0 : index
      %get3A_632 = tpu.vector_load %arg13[%get3A_631] {strides = array<i32>} : memref<96xi32, #tpu.memory_space<vmem>>, vector<16xi32>,
      %le3A_633 = arith.cmpf ole, %get3A_630, %scan3A_588#0 : vector<16xf32>
      %le3A_634 = arith.cmpf ole, %get3A_630, %scan3A_588#1 : vector<16xf32>
      %not3A_635 = arith.constant dense<true> : vector<16xi1>
      %not3A_636 = arith.xori %le3A_633, %not3A_635 : vector<16xi1>
      %and3A_637 = arith.andi %le3A_634, %not3A_636 : vector<16xi1>
      %jit3A_638 = arith.constant 1 : i32
      %jit3A_639 = arith.constant 0 : i32
      %broadcast_in_dim3A_640 = vector.broadcast %jit3A_638 : i32 to vector<16xi32>
      %broadcast_in_dim3A_641 = vector.broadcast %jit3A_639 : i32 to vector<16xi32>
      %select_n3A_642 = arith.select %and3A_637, %broadcast_in_dim3A_640, %broadcast_in_dim3A_641 : vector<16xi1>, vector<16xi32>
      %broadcast_in_dim3A_643 = arith.constant true
      %broadcast_in_dim3A_644 = vector.broadcast %broadcast_in_dim3A_643 : i1 to vector<16xi1>
      %masked_cumsum3A_645 = tpu.scan <sum>, %select_n3A_642 masked %broadcast_in_dim3A_644 : vector<16xi32>, vector<16xi1> -> vector<16xi32>
      %add3A_646 = arith.addi %masked_cumsum3A_645, %broadcast_in_dim3A_626 : vector<16xi32>
      %le3A_647 = arith.cmpi sle, %add3A_646, %sub3A_624 : vector<16xi32>
      %and3A_648 = arith.andi %and3A_637, %le3A_647 : vector<16xi1>
      %all_reduce_population_count3A_649 = tpu.all_reduce %and3A_637 {dim = 0 : i64, kind = #tpu.reduction_kind<sum>} : vector<16xi1> -> vector<16xi32>
      %add3A_650 = arith.addi %broadcast_in_dim3A_626, %all_reduce_population_count3A_649 : vector<16xi32>
      %or3A_651 = arith.ori %le3A_633, %and3A_648 : vector<16xi1>
      %shift_right_logical3A_652 = arith.constant 7 : i32
      %shift_right_logical3A_653 = vector.broadcast %shift_right_logical3A_652 : i32 to vector<16xi32>
      %shift_right_logical3A_654 = arith.shrui %get3A_632, %shift_right_logical3A_653 : vector<16xi32>
      %gather3A_655 = arith.constant 0 : i32
      %gather3A_656 = tpu.memref_slice %arg10[%add3A_496, %gather3A_655] : memref<32x48xi32, #tpu.memory_space<vmem>> -> memref<1x48xi32, #tpu.memory_space<vmem>>
      %gather3A_657 = tpu.memref_squeeze %gather3A_656 : memref<1x48xi32, #tpu.memory_space<vmem>> -> memref<48xi32, #tpu.memory_space<vmem>>
      %gather3A_658 = tpu.vector_load_idx %gather3A_657[%shift_right_logical3A_654] masked %or3A_651 : memref<48xi32, #tpu.memory_space<vmem>>[vector<16xi32>], vector<16xi32>, vector<16xi1>
      %mul3A_659 = arith.constant 784 : i32
      %mul3A_660 = arith.muli %add3A_497, %mul3A_659 : i32
      %sub3A_661 = vector.broadcast %mul3A_660 : i32 to vector<16xi32>
      %sub3A_662 = arith.subi %gather3A_658, %sub3A_661 : vector<16xi32>
      %mul3A_663 = arith.constant 128 : i32
      %mul3A_664 = vector.broadcast %mul3A_663 : i32 to vector<16xi32>
      %mul3A_665 = arith.muli %sub3A_662, %mul3A_664 : vector<16xi32>
      %and3A_666 = arith.constant 127 : i32
      %and3A_667 = vector.broadcast %and3A_666 : i32 to vector<16xi32>
      %and3A_668 = arith.andi %get3A_632, %and3A_667 : vector<16xi32>
      %add3A_669 = arith.addi %mul3A_665, %and3A_668 : vector<16xi32>
      %jit3A_670 = arith.constant 1 : i32
      %jit3A_671 = arith.constant 0 : i32
      %broadcast_in_dim3A_672 = vector.broadcast %jit3A_670 : i32 to vector<16xi32>
      %broadcast_in_dim3A_673 = vector.broadcast %jit3A_671 : i32 to vector<16xi32>
      %select_n3A_674 = arith.select %or3A_651, %broadcast_in_dim3A_672, %broadcast_in_dim3A_673 : vector<16xi1>, vector<16xi32>
      %broadcast_in_dim3A_675 = arith.constant true
      %broadcast_in_dim3A_676 = vector.broadcast %broadcast_in_dim3A_675 : i1 to vector<16xi1>
      %masked_cumsum3A_677 = tpu.scan <sum>, %select_n3A_674 masked %broadcast_in_dim3A_676 : vector<16xi32>, vector<16xi1> -> vector<16xi32>
      %broadcast_in_dim3A_678 = vector.broadcast %add3A_496 : i32 to vector<16xi32>
      %add3A_679 = arith.addi %broadcast_in_dim3A_628, %masked_cumsum3A_677 : vector<16xi32>
      %sub3A_680 = arith.constant 1 : i32
      %sub3A_681 = vector.broadcast %sub3A_680 : i32 to vector<16xi32>
      %sub3A_682 = arith.subi %add3A_679, %sub3A_681 : vector<16xi32>
      tpu.vector_store_idx %arg14[%broadcast_in_dim3A_678, %sub3A_682], %add3A_669 masked %or3A_651 : memref<32x32xi32, #tpu.memory_space<vmem>>[vector<16xi32>, vector<16xi32>], vector<16xi32>, vector<16xi1>
      %all_reduce_population_count3A_683 = tpu.all_reduce %or3A_651 {dim = 0 : i64, kind = #tpu.reduction_kind<sum>} : vector<16xi1> -> vector<16xi32>
      %add3A_684 = arith.addi %broadcast_in_dim3A_628, %all_reduce_population_count3A_683 : vector<16xi32>
      %get3A_685 = arith.constant 16 : index
      %get3A_686 = tpu.vector_load %arg12[%get3A_685] {strides = array<i32>} : memref<96xf32, #tpu.memory_space<vmem>>, vector<16xf32>,
      %get3A_687 = arith.constant 16 : index
      %get3A_688 = tpu.vector_load %arg13[%get3A_687] {strides = array<i32>} : memref<96xi32, #tpu.memory_space<vmem>>, vector<16xi32>,
      %le3A_689 = arith.cmpf ole, %get3A_686, %scan3A_588#0 : vector<16xf32>
      %le3A_690 = arith.cmpf ole, %get3A_686, %scan3A_588#1 : vector<16xf32>
      %not3A_691 = arith.constant dense<true> : vector<16xi1>
      %not3A_692 = arith.xori %le3A_689, %not3A_691 : vector<16xi1>
      %and3A_693 = arith.andi %le3A_690, %not3A_692 : vector<16xi1>
      %jit3A_694 = arith.constant 1 : i32
      %jit3A_695 = arith.constant 0 : i32
      %broadcast_in_dim3A_696 = vector.broadcast %jit3A_694 : i32 to vector<16xi32>
      %broadcast_in_dim3A_697 = vector.broadcast %jit3A_695 : i32 to vector<16xi32>
      %select_n3A_698 = arith.select %and3A_693, %broadcast_in_dim3A_696, %broadcast_in_dim3A_697 : vector<16xi1>, vector<16xi32>
      %broadcast_in_dim3A_699 = arith.constant true
      %broadcast_in_dim3A_700 = vector.broadcast %broadcast_in_dim3A_699 : i1 to vector<16xi1>
      %masked_cumsum3A_701 = tpu.scan <sum>, %select_n3A_698 masked %broadcast_in_dim3A_700 : vector<16xi32>, vector<16xi1> -> vector<16xi32>
      %add3A_702 = arith.addi %masked_cumsum3A_701, %add3A_650 : vector<16xi32>
      %le3A_703 = arith.cmpi sle, %add3A_702, %sub3A_624 : vector<16xi32>
      %and3A_704 = arith.andi %and3A_693, %le3A_703 : vector<16xi1>
      %all_reduce_population_count3A_705 = tpu.all_reduce %and3A_693 {dim = 0 : i64, kind = #tpu.reduction_kind<sum>} : vector<16xi1> -> vector<16xi32>
      %add3A_706 = arith.addi %add3A_650, %all_reduce_population_count3A_705 : vector<16xi32>
      %or3A_707 = arith.ori %le3A_689, %and3A_704 : vector<16xi1>
      %shift_right_logical3A_708 = arith.constant 7 : i32
      %shift_right_logical3A_709 = vector.broadcast %shift_right_logical3A_708 : i32 to vector<16xi32>
      %shift_right_logical3A_710 = arith.shrui %get3A_688, %shift_right_logical3A_709 : vector<16xi32>
      %gather3A_711 = arith.constant 0 : i32
      %gather3A_712 = tpu.memref_slice %arg10[%add3A_496, %gather3A_711] : memref<32x48xi32, #tpu.memory_space<vmem>> -> memref<1x48xi32, #tpu.memory_space<vmem>>
      %gather3A_713 = tpu.memref_squeeze %gather3A_712 : memref<1x48xi32, #tpu.memory_space<vmem>> -> memref<48xi32, #tpu.memory_space<vmem>>
      %gather3A_714 = tpu.vector_load_idx %gather3A_713[%shift_right_logical3A_710] masked %or3A_707 : memref<48xi32, #tpu.memory_space<vmem>>[vector<16xi32>], vector<16xi32>, vector<16xi1>
      %mul3A_715 = arith.constant 784 : i32
      %mul3A_716 = arith.muli %add3A_497, %mul3A_715 : i32
      %sub3A_717 = vector.broadcast %mul3A_716 : i32 to vector<16xi32>
      %sub3A_718 = arith.subi %gather3A_714, %sub3A_717 : vector<16xi32>
      %mul3A_719 = arith.constant 128 : i32
      %mul3A_720 = vector.broadcast %mul3A_719 : i32 to vector<16xi32>
      %mul3A_721 = arith.muli %sub3A_718, %mul3A_720 : vector<16xi32>
      %and3A_722 = arith.constant 127 : i32
      %and3A_723 = vector.broadcast %and3A_722 : i32 to vector<16xi32>
      %and3A_724 = arith.andi %get3A_688, %and3A_723 : vector<16xi32>
      %add3A_725 = arith.addi %mul3A_721, %and3A_724 : vector<16xi32>
      %jit3A_726 = arith.constant 1 : i32
      %jit3A_727 = arith.constant 0 : i32
      %broadcast_in_dim3A_728 = vector.broadcast %jit3A_726 : i32 to vector<16xi32>
      %broadcast_in_dim3A_729 = vector.broadcast %jit3A_727 : i32 to vector<16xi32>
      %select_n3A_730 = arith.select %or3A_707, %broadcast_in_dim3A_728, %broadcast_in_dim3A_729 : vector<16xi1>, vector<16xi32>
      %broadcast_in_dim3A_731 = arith.constant true
      %broadcast_in_dim3A_732 = vector.broadcast %broadcast_in_dim3A_731 : i1 to vector<16xi1>
      %masked_cumsum3A_733 = tpu.scan <sum>, %select_n3A_730 masked %broadcast_in_dim3A_732 : vector<16xi32>, vector<16xi1> -> vector<16xi32>
      %broadcast_in_dim3A_734 = vector.broadcast %add3A_496 : i32 to vector<16xi32>
      %add3A_735 = arith.addi %add3A_684, %masked_cumsum3A_733 : vector<16xi32>
      %sub3A_736 = arith.constant 1 : i32
      %sub3A_737 = vector.broadcast %sub3A_736 : i32 to vector<16xi32>
      %sub3A_738 = arith.subi %add3A_735, %sub3A_737 : vector<16xi32>
      tpu.vector_store_idx %arg14[%broadcast_in_dim3A_734, %sub3A_738], %add3A_725 masked %or3A_707 : memref<32x32xi32, #tpu.memory_space<vmem>>[vector<16xi32>, vector<16xi32>], vector<16xi32>, vector<16xi1>
      %all_reduce_population_count3A_739 = tpu.all_reduce %or3A_707 {dim = 0 : i64, kind = #tpu.reduction_kind<sum>} : vector<16xi1> -> vector<16xi32>
      %add3A_740 = arith.addi %add3A_684, %all_reduce_population_count3A_739 : vector<16xi32>
      %get3A_741 = arith.constant 32 : index
      %get3A_742 = tpu.vector_load %arg12[%get3A_741] {strides = array<i32>} : memref<96xf32, #tpu.memory_space<vmem>>, vector<16xf32>,
      %get3A_743 = arith.constant 32 : index
      %get3A_744 = tpu.vector_load %arg13[%get3A_743] {strides = array<i32>} : memref<96xi32, #tpu.memory_space<vmem>>, vector<16xi32>,
      %le3A_745 = arith.cmpf ole, %get3A_742, %scan3A_588#0 : vector<16xf32>
      %le3A_746 = arith.cmpf ole, %get3A_742, %scan3A_588#1 : vector<16xf32>
      %not3A_747 = arith.constant dense<true> : vector<16xi1>
      %not3A_748 = arith.xori %le3A_745, %not3A_747 : vector<16xi1>
      %and3A_749 = arith.andi %le3A_746, %not3A_748 : vector<16xi1>
      %jit3A_750 = arith.constant 1 : i32
      %jit3A_751 = arith.constant 0 : i32
      %broadcast_in_dim3A_752 = vector.broadcast %jit3A_750 : i32 to vector<16xi32>
      %broadcast_in_dim3A_753 = vector.broadcast %jit3A_751 : i32 to vector<16xi32>
      %select_n3A_754 = arith.select %and3A_749, %broadcast_in_dim3A_752, %broadcast_in_dim3A_753 : vector<16xi1>, vector<16xi32>
      %broadcast_in_dim3A_755 = arith.constant true
      %broadcast_in_dim3A_756 = vector.broadcast %broadcast_in_dim3A_755 : i1 to vector<16xi1>
      %masked_cumsum3A_757 = tpu.scan <sum>, %select_n3A_754 masked %broadcast_in_dim3A_756 : vector<16xi32>, vector<16xi1> -> vector<16xi32>
      %add3A_758 = arith.addi %masked_cumsum3A_757, %add3A_706 : vector<16xi32>
      %le3A_759 = arith.cmpi sle, %add3A_758, %sub3A_624 : vector<16xi32>
      %and3A_760 = arith.andi %and3A_749, %le3A_759 : vector<16xi1>
      %all_reduce_population_count3A_761 = tpu.all_reduce %and3A_749 {dim = 0 : i64, kind = #tpu.reduction_kind<sum>} : vector<16xi1> -> vector<16xi32>
      %add3A_762 = arith.addi %add3A_706, %all_reduce_population_count3A_761 : vector<16xi32>
      %or3A_763 = arith.ori %le3A_745, %and3A_760 : vector<16xi1>
      %shift_right_logical3A_764 = arith.constant 7 : i32
      %shift_right_logical3A_765 = vector.broadcast %shift_right_logical3A_764 : i32 to vector<16xi32>
      %shift_right_logical3A_766 = arith.shrui %get3A_744, %shift_right_logical3A_765 : vector<16xi32>
      %gather3A_767 = arith.constant 0 : i32
      %gather3A_768 = tpu.memref_slice %arg10[%add3A_496, %gather3A_767] : memref<32x48xi32, #tpu.memory_space<vmem>> -> memref<1x48xi32, #tpu.memory_space<vmem>>
      %gather3A_769 = tpu.memref_squeeze %gather3A_768 : memref<1x48xi32, #tpu.memory_space<vmem>> -> memref<48xi32, #tpu.memory_space<vmem>>
      %gather3A_770 = tpu.vector_load_idx %gather3A_769[%shift_right_logical3A_766] masked %or3A_763 : memref<48xi32, #tpu.memory_space<vmem>>[vector<16xi32>], vector<16xi32>, vector<16xi1>
      %mul3A_771 = arith.constant 784 : i32
      %mul3A_772 = arith.muli %add3A_497, %mul3A_771 : i32
      %sub3A_773 = vector.broadcast %mul3A_772 : i32 to vector<16xi32>
      %sub3A_774 = arith.subi %gather3A_770, %sub3A_773 : vector<16xi32>
      %mul3A_775 = arith.constant 128 : i32
      %mul3A_776 = vector.broadcast %mul3A_775 : i32 to vector<16xi32>
      %mul3A_777 = arith.muli %sub3A_774, %mul3A_776 : vector<16xi32>
      %and3A_778 = arith.constant 127 : i32
      %and3A_779 = vector.broadcast %and3A_778 : i32 to vector<16xi32>
      %and3A_780 = arith.andi %get3A_744, %and3A_779 : vector<16xi32>
      %add3A_781 = arith.addi %mul3A_777, %and3A_780 : vector<16xi32>
      %jit3A_782 = arith.constant 1 : i32
      %jit3A_783 = arith.constant 0 : i32
      %broadcast_in_dim3A_784 = vector.broadcast %jit3A_782 : i32 to vector<16xi32>
      %broadcast_in_dim3A_785 = vector.broadcast %jit3A_783 : i32 to vector<16xi32>
      %select_n3A_786 = arith.select %or3A_763, %broadcast_in_dim3A_784, %broadcast_in_dim3A_785 : vector<16xi1>, vector<16xi32>
      %broadcast_in_dim3A_787 = arith.constant true
      %broadcast_in_dim3A_788 = vector.broadcast %broadcast_in_dim3A_787 : i1 to vector<16xi1>
      %masked_cumsum3A_789 = tpu.scan <sum>, %select_n3A_786 masked %broadcast_in_dim3A_788 : vector<16xi32>, vector<16xi1> -> vector<16xi32>
      %broadcast_in_dim3A_790 = vector.broadcast %add3A_496 : i32 to vector<16xi32>
      %add3A_791 = arith.addi %add3A_740, %masked_cumsum3A_789 : vector<16xi32>
      %sub3A_792 = arith.constant 1 : i32
      %sub3A_793 = vector.broadcast %sub3A_792 : i32 to vector<16xi32>
      %sub3A_794 = arith.subi %add3A_791, %sub3A_793 : vector<16xi32>
      tpu.vector_store_idx %arg14[%broadcast_in_dim3A_790, %sub3A_794], %add3A_781 masked %or3A_763 : memref<32x32xi32, #tpu.memory_space<vmem>>[vector<16xi32>, vector<16xi32>], vector<16xi32>, vector<16xi1>
      %all_reduce_population_count3A_795 = tpu.all_reduce %or3A_763 {dim = 0 : i64, kind = #tpu.reduction_kind<sum>} : vector<16xi1> -> vector<16xi32>
      %add3A_796 = arith.addi %add3A_740, %all_reduce_population_count3A_795 : vector<16xi32>
      %get3A_797 = arith.constant 48 : index
      %get3A_798 = tpu.vector_load %arg12[%get3A_797] {strides = array<i32>} : memref<96xf32, #tpu.memory_space<vmem>>, vector<16xf32>,
      %get3A_799 = arith.constant 48 : index
      %get3A_800 = tpu.vector_load %arg13[%get3A_799] {strides = array<i32>} : memref<96xi32, #tpu.memory_space<vmem>>, vector<16xi32>,
      %le3A_801 = arith.cmpf ole, %get3A_798, %scan3A_588#0 : vector<16xf32>
      %le3A_802 = arith.cmpf ole, %get3A_798, %scan3A_588#1 : vector<16xf32>
      %not3A_803 = arith.constant dense<true> : vector<16xi1>
      %not3A_804 = arith.xori %le3A_801, %not3A_803 : vector<16xi1>
      %and3A_805 = arith.andi %le3A_802, %not3A_804 : vector<16xi1>
      %jit3A_806 = arith.constant 1 : i32
      %jit3A_807 = arith.constant 0 : i32
      %broadcast_in_dim3A_808 = vector.broadcast %jit3A_806 : i32 to vector<16xi32>
      %broadcast_in_dim3A_809 = vector.broadcast %jit3A_807 : i32 to vector<16xi32>
      %select_n3A_810 = arith.select %and3A_805, %broadcast_in_dim3A_808, %broadcast_in_dim3A_809 : vector<16xi1>, vector<16xi32>
      %broadcast_in_dim3A_811 = arith.constant true
      %broadcast_in_dim3A_812 = vector.broadcast %broadcast_in_dim3A_811 : i1 to vector<16xi1>
      %masked_cumsum3A_813 = tpu.scan <sum>, %select_n3A_810 masked %broadcast_in_dim3A_812 : vector<16xi32>, vector<16xi1> -> vector<16xi32>
      %add3A_814 = arith.addi %masked_cumsum3A_813, %add3A_762 : vector<16xi32>
      %le3A_815 = arith.cmpi sle, %add3A_814, %sub3A_624 : vector<16xi32>
      %and3A_816 = arith.andi %and3A_805, %le3A_815 : vector<16xi1>
      %all_reduce_population_count3A_817 = tpu.all_reduce %and3A_805 {dim = 0 : i64, kind = #tpu.reduction_kind<sum>} : vector<16xi1> -> vector<16xi32>
      %add3A_818 = arith.addi %add3A_762, %all_reduce_population_count3A_817 : vector<16xi32>
      %or3A_819 = arith.ori %le3A_801, %and3A_816 : vector<16xi1>
      %shift_right_logical3A_820 = arith.constant 7 : i32
      %shift_right_logical3A_821 = vector.broadcast %shift_right_logical3A_820 : i32 to vector<16xi32>
      %shift_right_logical3A_822 = arith.shrui %get3A_800, %shift_right_logical3A_821 : vector<16xi32>
      %gather3A_823 = arith.constant 0 : i32
      %gather3A_824 = tpu.memref_slice %arg10[%add3A_496, %gather3A_823] : memref<32x48xi32, #tpu.memory_space<vmem>> -> memref<1x48xi32, #tpu.memory_space<vmem>>
      %gather3A_825 = tpu.memref_squeeze %gather3A_824 : memref<1x48xi32, #tpu.memory_space<vmem>> -> memref<48xi32, #tpu.memory_space<vmem>>
      %gather3A_826 = tpu.vector_load_idx %gather3A_825[%shift_right_logical3A_822] masked %or3A_819 : memref<48xi32, #tpu.memory_space<vmem>>[vector<16xi32>], vector<16xi32>, vector<16xi1>
      %mul3A_827 = arith.constant 784 : i32
      %mul3A_828 = arith.muli %add3A_497, %mul3A_827 : i32
      %sub3A_829 = vector.broadcast %mul3A_828 : i32 to vector<16xi32>
      %sub3A_830 = arith.subi %gather3A_826, %sub3A_829 : vector<16xi32>
      %mul3A_831 = arith.constant 128 : i32
      %mul3A_832 = vector.broadcast %mul3A_831 : i32 to vector<16xi32>
      %mul3A_833 = arith.muli %sub3A_830, %mul3A_832 : vector<16xi32>
      %and3A_834 = arith.constant 127 : i32
      %and3A_835 = vector.broadcast %and3A_834 : i32 to vector<16xi32>
      %and3A_836 = arith.andi %get3A_800, %and3A_835 : vector<16xi32>
      %add3A_837 = arith.addi %mul3A_833, %and3A_836 : vector<16xi32>
      %jit3A_838 = arith.constant 1 : i32
      %jit3A_839 = arith.constant 0 : i32
      %broadcast_in_dim3A_840 = vector.broadcast %jit3A_838 : i32 to vector<16xi32>
      %broadcast_in_dim3A_841 = vector.broadcast %jit3A_839 : i32 to vector<16xi32>
      %select_n3A_842 = arith.select %or3A_819, %broadcast_in_dim3A_840, %broadcast_in_dim3A_841 : vector<16xi1>, vector<16xi32>
      %broadcast_in_dim3A_843 = arith.constant true
      %broadcast_in_dim3A_844 = vector.broadcast %broadcast_in_dim3A_843 : i1 to vector<16xi1>
      %masked_cumsum3A_845 = tpu.scan <sum>, %select_n3A_842 masked %broadcast_in_dim3A_844 : vector<16xi32>, vector<16xi1> -> vector<16xi32>
      %broadcast_in_dim3A_846 = vector.broadcast %add3A_496 : i32 to vector<16xi32>
      %add3A_847 = arith.addi %add3A_796, %masked_cumsum3A_845 : vector<16xi32>
      %sub3A_848 = arith.constant 1 : i32
      %sub3A_849 = vector.broadcast %sub3A_848 : i32 to vector<16xi32>
      %sub3A_850 = arith.subi %add3A_847, %sub3A_849 : vector<16xi32>
      tpu.vector_store_idx %arg14[%broadcast_in_dim3A_846, %sub3A_850], %add3A_837 masked %or3A_819 : memref<32x32xi32, #tpu.memory_space<vmem>>[vector<16xi32>, vector<16xi32>], vector<16xi32>, vector<16xi1>
      %all_reduce_population_count3A_851 = tpu.all_reduce %or3A_819 {dim = 0 : i64, kind = #tpu.reduction_kind<sum>} : vector<16xi1> -> vector<16xi32>
      %add3A_852 = arith.addi %add3A_796, %all_reduce_population_count3A_851 : vector<16xi32>
      %get3A_853 = arith.constant 64 : index
      %get3A_854 = tpu.vector_load %arg12[%get3A_853] {strides = array<i32>} : memref<96xf32, #tpu.memory_space<vmem>>, vector<16xf32>,
      %get3A_855 = arith.constant 64 : index
      %get3A_856 = tpu.vector_load %arg13[%get3A_855] {strides = array<i32>} : memref<96xi32, #tpu.memory_space<vmem>>, vector<16xi32>,
      %le3A_857 = arith.cmpf ole, %get3A_854, %scan3A_588#0 : vector<16xf32>
      %le3A_858 = arith.cmpf ole, %get3A_854, %scan3A_588#1 : vector<16xf32>
      %not3A_859 = arith.constant dense<true> : vector<16xi1>
      %not3A_860 = arith.xori %le3A_857, %not3A_859 : vector<16xi1>
      %and3A_861 = arith.andi %le3A_858, %not3A_860 : vector<16xi1>
      %jit3A_862 = arith.constant 1 : i32
      %jit3A_863 = arith.constant 0 : i32
      %broadcast_in_dim3A_864 = vector.broadcast %jit3A_862 : i32 to vector<16xi32>
      %broadcast_in_dim3A_865 = vector.broadcast %jit3A_863 : i32 to vector<16xi32>
      %select_n3A_866 = arith.select %and3A_861, %broadcast_in_dim3A_864, %broadcast_in_dim3A_865 : vector<16xi1>, vector<16xi32>
      %broadcast_in_dim3A_867 = arith.constant true
      %broadcast_in_dim3A_868 = vector.broadcast %broadcast_in_dim3A_867 : i1 to vector<16xi1>
      %masked_cumsum3A_869 = tpu.scan <sum>, %select_n3A_866 masked %broadcast_in_dim3A_868 : vector<16xi32>, vector<16xi1> -> vector<16xi32>
      %add3A_870 = arith.addi %masked_cumsum3A_869, %add3A_818 : vector<16xi32>
      %le3A_871 = arith.cmpi sle, %add3A_870, %sub3A_624 : vector<16xi32>
      %and3A_872 = arith.andi %and3A_861, %le3A_871 : vector<16xi1>
      %all_reduce_population_count3A_873 = tpu.all_reduce %and3A_861 {dim = 0 : i64, kind = #tpu.reduction_kind<sum>} : vector<16xi1> -> vector<16xi32>
      %add3A_874 = arith.addi %add3A_818, %all_reduce_population_count3A_873 : vector<16xi32>
      %or3A_875 = arith.ori %le3A_857, %and3A_872 : vector<16xi1>
      %shift_right_logical3A_876 = arith.constant 7 : i32
      %shift_right_logical3A_877 = vector.broadcast %shift_right_logical3A_876 : i32 to vector<16xi32>
      %shift_right_logical3A_878 = arith.shrui %get3A_856, %shift_right_logical3A_877 : vector<16xi32>
      %gather3A_879 = arith.constant 0 : i32
      %gather3A_880 = tpu.memref_slice %arg10[%add3A_496, %gather3A_879] : memref<32x48xi32, #tpu.memory_space<vmem>> -> memref<1x48xi32, #tpu.memory_space<vmem>>
      %gather3A_881 = tpu.memref_squeeze %gather3A_880 : memref<1x48xi32, #tpu.memory_space<vmem>> -> memref<48xi32, #tpu.memory_space<vmem>>
      %gather3A_882 = tpu.vector_load_idx %gather3A_881[%shift_right_logical3A_878] masked %or3A_875 : memref<48xi32, #tpu.memory_space<vmem>>[vector<16xi32>], vector<16xi32>, vector<16xi1>
      %mul3A_883 = arith.constant 784 : i32
      %mul3A_884 = arith.muli %add3A_497, %mul3A_883 : i32
      %sub3A_885 = vector.broadcast %mul3A_884 : i32 to vector<16xi32>
      %sub3A_886 = arith.subi %gather3A_882, %sub3A_885 : vector<16xi32>
      %mul3A_887 = arith.constant 128 : i32
      %mul3A_888 = vector.broadcast %mul3A_887 : i32 to vector<16xi32>
      %mul3A_889 = arith.muli %sub3A_886, %mul3A_888 : vector<16xi32>
      %and3A_890 = arith.constant 127 : i32
      %and3A_891 = vector.broadcast %and3A_890 : i32 to vector<16xi32>
      %and3A_892 = arith.andi %get3A_856, %and3A_891 : vector<16xi32>
      %add3A_893 = arith.addi %mul3A_889, %and3A_892 : vector<16xi32>
      %jit3A_894 = arith.constant 1 : i32
      %jit3A_895 = arith.constant 0 : i32
      %broadcast_in_dim3A_896 = vector.broadcast %jit3A_894 : i32 to vector<16xi32>
      %broadcast_in_dim3A_897 = vector.broadcast %jit3A_895 : i32 to vector<16xi32>
      %select_n3A_898 = arith.select %or3A_875, %broadcast_in_dim3A_896, %broadcast_in_dim3A_897 : vector<16xi1>, vector<16xi32>
      %broadcast_in_dim3A_899 = arith.constant true
      %broadcast_in_dim3A_900 = vector.broadcast %broadcast_in_dim3A_899 : i1 to vector<16xi1>
      %masked_cumsum3A_901 = tpu.scan <sum>, %select_n3A_898 masked %broadcast_in_dim3A_900 : vector<16xi32>, vector<16xi1> -> vector<16xi32>
      %broadcast_in_dim3A_902 = vector.broadcast %add3A_496 : i32 to vector<16xi32>
      %add3A_903 = arith.addi %add3A_852, %masked_cumsum3A_901 : vector<16xi32>
      %sub3A_904 = arith.constant 1 : i32
      %sub3A_905 = vector.broadcast %sub3A_904 : i32 to vector<16xi32>
      %sub3A_906 = arith.subi %add3A_903, %sub3A_905 : vector<16xi32>
      tpu.vector_store_idx %arg14[%broadcast_in_dim3A_902, %sub3A_906], %add3A_893 masked %or3A_875 : memref<32x32xi32, #tpu.memory_space<vmem>>[vector<16xi32>, vector<16xi32>], vector<16xi32>, vector<16xi1>
      %all_reduce_population_count3A_907 = tpu.all_reduce %or3A_875 {dim = 0 : i64, kind = #tpu.reduction_kind<sum>} : vector<16xi1> -> vector<16xi32>
      %add3A_908 = arith.addi %add3A_852, %all_reduce_population_count3A_907 : vector<16xi32>
      %get3A_909 = arith.constant 80 : index
      %get3A_910 = tpu.vector_load %arg12[%get3A_909] {strides = array<i32>} : memref<96xf32, #tpu.memory_space<vmem>>, vector<16xf32>,
      %get3A_911 = arith.constant 80 : index
      %get3A_912 = tpu.vector_load %arg13[%get3A_911] {strides = array<i32>} : memref<96xi32, #tpu.memory_space<vmem>>, vector<16xi32>,
      %le3A_913 = arith.cmpf ole, %get3A_910, %scan3A_588#0 : vector<16xf32>
      %le3A_914 = arith.cmpf ole, %get3A_910, %scan3A_588#1 : vector<16xf32>
      %not3A_915 = arith.constant dense<true> : vector<16xi1>
      %not3A_916 = arith.xori %le3A_913, %not3A_915 : vector<16xi1>
      %and3A_917 = arith.andi %le3A_914, %not3A_916 : vector<16xi1>
      %jit3A_918 = arith.constant 1 : i32
      %jit3A_919 = arith.constant 0 : i32
      %broadcast_in_dim3A_920 = vector.broadcast %jit3A_918 : i32 to vector<16xi32>
      %broadcast_in_dim3A_921 = vector.broadcast %jit3A_919 : i32 to vector<16xi32>
      %select_n3A_922 = arith.select %and3A_917, %broadcast_in_dim3A_920, %broadcast_in_dim3A_921 : vector<16xi1>, vector<16xi32>
      %broadcast_in_dim3A_923 = arith.constant true
      %broadcast_in_dim3A_924 = vector.broadcast %broadcast_in_dim3A_923 : i1 to vector<16xi1>
      %masked_cumsum3A_925 = tpu.scan <sum>, %select_n3A_922 masked %broadcast_in_dim3A_924 : vector<16xi32>, vector<16xi1> -> vector<16xi32>
      %add3A_926 = arith.addi %masked_cumsum3A_925, %add3A_874 : vector<16xi32>
      %le3A_927 = arith.cmpi sle, %add3A_926, %sub3A_624 : vector<16xi32>
      %and3A_928 = arith.andi %and3A_917, %le3A_927 : vector<16xi1>
      %all_reduce_population_count3A_929 = tpu.all_reduce %and3A_917 {dim = 0 : i64, kind = #tpu.reduction_kind<sum>} : vector<16xi1> -> vector<16xi32>
      %add3A_930 = arith.addi %add3A_874, %all_reduce_population_count3A_929 : vector<16xi32>
      %or3A_931 = arith.ori %le3A_913, %and3A_928 : vector<16xi1>
      %shift_right_logical3A_932 = arith.constant 7 : i32
      %shift_right_logical3A_933 = vector.broadcast %shift_right_logical3A_932 : i32 to vector<16xi32>
      %shift_right_logical3A_934 = arith.shrui %get3A_912, %shift_right_logical3A_933 : vector<16xi32>
      %gather3A_935 = arith.constant 0 : i32
      %gather3A_936 = tpu.memref_slice %arg10[%add3A_496, %gather3A_935] : memref<32x48xi32, #tpu.memory_space<vmem>> -> memref<1x48xi32, #tpu.memory_space<vmem>>
      %gather3A_937 = tpu.memref_squeeze %gather3A_936 : memref<1x48xi32, #tpu.memory_space<vmem>> -> memref<48xi32, #tpu.memory_space<vmem>>
      %gather3A_938 = tpu.vector_load_idx %gather3A_937[%shift_right_logical3A_934] masked %or3A_931 : memref<48xi32, #tpu.memory_space<vmem>>[vector<16xi32>], vector<16xi32>, vector<16xi1>
      %mul3A_939 = arith.constant 784 : i32
      %mul3A_940 = arith.muli %add3A_497, %mul3A_939 : i32
      %sub3A_941 = vector.broadcast %mul3A_940 : i32 to vector<16xi32>
      %sub3A_942 = arith.subi %gather3A_938, %sub3A_941 : vector<16xi32>
      %mul3A_943 = arith.constant 128 : i32
      %mul3A_944 = vector.broadcast %mul3A_943 : i32 to vector<16xi32>
      %mul3A_945 = arith.muli %sub3A_942, %mul3A_944 : vector<16xi32>
      %and3A_946 = arith.constant 127 : i32
      %and3A_947 = vector.broadcast %and3A_946 : i32 to vector<16xi32>
      %and3A_948 = arith.andi %get3A_912, %and3A_947 : vector<16xi32>
      %add3A_949 = arith.addi %mul3A_945, %and3A_948 : vector<16xi32>
      %jit3A_950 = arith.constant 1 : i32
      %jit3A_951 = arith.constant 0 : i32
      %broadcast_in_dim3A_952 = vector.broadcast %jit3A_950 : i32 to vector<16xi32>
      %broadcast_in_dim3A_953 = vector.broadcast %jit3A_951 : i32 to vector<16xi32>
      %select_n3A_954 = arith.select %or3A_931, %broadcast_in_dim3A_952, %broadcast_in_dim3A_953 : vector<16xi1>, vector<16xi32>
      %broadcast_in_dim3A_955 = arith.constant true
      %broadcast_in_dim3A_956 = vector.broadcast %broadcast_in_dim3A_955 : i1 to vector<16xi1>
      %masked_cumsum3A_957 = tpu.scan <sum>, %select_n3A_954 masked %broadcast_in_dim3A_956 : vector<16xi32>, vector<16xi1> -> vector<16xi32>
      %broadcast_in_dim3A_958 = vector.broadcast %add3A_496 : i32 to vector<16xi32>
      %add3A_959 = arith.addi %add3A_908, %masked_cumsum3A_957 : vector<16xi32>
      %sub3A_960 = arith.constant 1 : i32
      %sub3A_961 = vector.broadcast %sub3A_960 : i32 to vector<16xi32>
      %sub3A_962 = arith.subi %add3A_959, %sub3A_961 : vector<16xi32>
      tpu.vector_store_idx %arg14[%broadcast_in_dim3A_958, %sub3A_962], %add3A_949 masked %or3A_931 : memref<32x32xi32, #tpu.memory_space<vmem>>[vector<16xi32>, vector<16xi32>], vector<16xi32>, vector<16xi1>
      %all_reduce_population_count3A_963 = tpu.all_reduce %or3A_931 {dim = 0 : i64, kind = #tpu.reduction_kind<sum>} : vector<16xi1> -> vector<16xi32>
      %add3A_964 = arith.addi %add3A_908, %all_reduce_population_count3A_963 : vector<16xi32>
    }
    %scan3A_24 = arith.constant 16 : i32
    %dma_start3A_25 = arith.constant 0 : i32
    %dma_start3A_26 = arith.constant 0 : i32
    %dma_start3A_27 = arith.constant 0 : i32
    %dma_start3A_28 = arith.constant 0 : i32
    %dma_start3A_29 = tpu.memref_slice %arg15[%dma_start3A_26, %dma_start3A_27, %dma_start3A_28] : memref<2x32x128xf32, #tpu.memory_space<vmem>> -> memref<1x32x128xf32, #tpu.memory_space<vmem>>
    %dma_start3A_30 = tpu.memref_squeeze %dma_start3A_29 : memref<1x32x128xf32, #tpu.memory_space<vmem>> -> memref<32x128xf32, #tpu.memory_space<vmem>>
    %dma_start3A_31 = arith.constant 0 : i32
    %dma_start3A_32 = tpu.memref_slice %arg14[%dma_start3A_25, %dma_start3A_31] : memref<32x32xi32, #tpu.memory_space<vmem>> -> memref<1x32xi32, #tpu.memory_space<vmem>>
    %dma_start3A_33 = tpu.memref_squeeze %dma_start3A_32 : memref<1x32xi32, #tpu.memory_space<vmem>> -> memref<32xi32, #tpu.memory_space<vmem>>
    %dma_start3A_34 = arith.constant 0 : i32
    %dma_start3A_35 = arith.constant 0 : i32
    %dma_start3A_36 = tpu.memref_slice %arg5[%dma_start3A_34, %dma_start3A_35] : memref<100000x128xf32, #tpu.memory_space<hbm>> -> memref<100000x128xf32, #tpu.memory_space<hbm>>
    tpu.enqueue_indirect_dma source(%dma_start3A_36 : memref<100000x128xf32, #tpu.memory_space<hbm>>) target(%dma_start3A_30 : memref<32x128xf32, #tpu.memory_space<vmem>>) offsets(%dma_start3A_33 : memref<32xi32, #tpu.memory_space<vmem>>) semaphore(%arg19 : memref<!tpu.dma_semaphore, #tpu.memory_space<semaphore_mem>>)
    %scan3A_37 = arith.constant 0 : i32
    %scan3A_38 = arith.constant 0 : i32
    %scan3A_39 = arith.constant 16 : i32
    %scan3A_40 = arith.addi %scan3A_38, %scan3A_39 : i32
    %scan3A_41 = arith.constant 1 : i32
    scf.for %scan3A_43 = %scan3A_38 to %scan3A_40 step %scan3A_41  : i32 {
      %mul3A_44 = arith.constant 2 : i32
      %mul3A_45 = arith.muli %mul3A_44, %scan3A_43 : i32
      %add3A_46 = arith.constant 1 : i32
      %add3A_47 = arith.addi %mul3A_45, %add3A_46 : i32
      %lt3A = arith.constant 32 : i32
      %lt3A_48 = arith.cmpi slt, %add3A_47, %lt3A : i32
      %convert_element_type3A = arith.extui %lt3A_48 : i1 to i32
      %cond3A = arith.constant 0 : i32
      %cond3A_49 = arith.cmpi ne, %convert_element_type3A, %cond3A : i32
      scf.if %cond3A_49 {
        %add3A_602 = arith.constant 1 : i32
        %add3A_603 = arith.addi %mul3A_45, %add3A_602 : i32
        %dma_start3A_604 = arith.constant 1 : i32
        %dma_start3A_605 = arith.constant 0 : i32
        %dma_start3A_606 = arith.constant 0 : i32
        %dma_start3A_607 = tpu.memref_slice %arg15[%dma_start3A_604, %dma_start3A_605, %dma_start3A_606] : memref<2x32x128xf32, #tpu.memory_space<vmem>> -> memref<1x32x128xf32, #tpu.memory_space<vmem>>
        %dma_start3A_608 = tpu.memref_squeeze %dma_start3A_607 : memref<1x32x128xf32, #tpu.memory_space<vmem>> -> memref<32x128xf32, #tpu.memory_space<vmem>>
        %dma_start3A_609 = arith.constant 0 : i32
        %dma_start3A_610 = tpu.memref_slice %arg14[%add3A_603, %dma_start3A_609] : memref<32x32xi32, #tpu.memory_space<vmem>> -> memref<1x32xi32, #tpu.memory_space<vmem>>
        %dma_start3A_611 = tpu.memref_squeeze %dma_start3A_610 : memref<1x32xi32, #tpu.memory_space<vmem>> -> memref<32xi32, #tpu.memory_space<vmem>>
        %dma_start3A_612 = arith.constant 0 : i32
        %dma_start3A_613 = arith.constant 0 : i32
        %dma_start3A_614 = tpu.memref_slice %arg5[%dma_start3A_612, %dma_start3A_613] : memref<100000x128xf32, #tpu.memory_space<hbm>> -> memref<100000x128xf32, #tpu.memory_space<hbm>>
        tpu.enqueue_indirect_dma source(%dma_start3A_614 : memref<100000x128xf32, #tpu.memory_space<hbm>>) target(%dma_start3A_608 : memref<32x128xf32, #tpu.memory_space<vmem>>) offsets(%dma_start3A_611 : memref<32xi32, #tpu.memory_space<vmem>>) semaphore(%arg20 : memref<!tpu.dma_semaphore, #tpu.memory_space<semaphore_mem>>)
      } else {
      }
      %dma_wait3A = arith.constant 0 : i32
      %dma_wait3A_50 = arith.constant 0 : i32
      %dma_wait3A_51 = arith.constant 0 : i32
      %dma_wait3A_52 = tpu.memref_slice %arg15[%dma_wait3A, %dma_wait3A_50, %dma_wait3A_51] : memref<2x32x128xf32, #tpu.memory_space<vmem>> -> memref<1x32x128xf32, #tpu.memory_space<vmem>>
      %dma_wait3A_53 = tpu.memref_squeeze %dma_wait3A_52 : memref<1x32x128xf32, #tpu.memory_space<vmem>> -> memref<32x128xf32, #tpu.memory_space<vmem>>
      %dma_wait3A_54 = arith.constant 0 : i32
      %dma_wait3A_55 = tpu.memref_slice %arg14[%mul3A_45, %dma_wait3A_54] : memref<32x32xi32, #tpu.memory_space<vmem>> -> memref<1x32xi32, #tpu.memory_space<vmem>>
      %dma_wait3A_56 = tpu.memref_squeeze %dma_wait3A_55 : memref<1x32xi32, #tpu.memory_space<vmem>> -> memref<32xi32, #tpu.memory_space<vmem>>
      %dma_wait3A_57 = arith.constant 0 : i32
      %dma_wait3A_58 = arith.constant 0 : i32
      %dma_wait3A_59 = tpu.memref_slice %arg5[%dma_wait3A_57, %dma_wait3A_58] : memref<100000x128xf32, #tpu.memory_space<hbm>> -> memref<100000x128xf32, #tpu.memory_space<hbm>>
      tpu.wait_indirect_dma semaphore(%arg19 : memref<!tpu.dma_semaphore, #tpu.memory_space<semaphore_mem>>) src(%dma_wait3A_59 : memref<100000x128xf32, #tpu.memory_space<hbm>>) dst(%dma_wait3A_53 : memref<32x128xf32, #tpu.memory_space<vmem>>)
      %get3A = arith.constant 0 : i32
      %get3A_60 = arith.constant 0 : i32
      %get3A_61 = arith.index_cast %get3A : i32 to index
      %get3A_62 = arith.index_cast %get3A_60 : i32 to index
      %get3A_63 = arith.constant 0 : index
      %get3A_64 = tpu.vector_load %arg15[%get3A_61, %get3A_62, %get3A_63] {strides = array<i32>} : memref<2x32x128xf32, #tpu.memory_space<vmem>>, vector<16xf32>,
      %get3A_65 = arith.constant 0 : i32
      %get3A_66 = arith.constant 1 : i32
      %get3A_67 = arith.index_cast %get3A_65 : i32 to index
      %get3A_68 = arith.index_cast %get3A_66 : i32 to index
      %get3A_69 = arith.constant 0 : index
      %get3A_70 = tpu.vector_load %arg15[%get3A_67, %get3A_68, %get3A_69] {strides = array<i32>} : memref<2x32x128xf32, #tpu.memory_space<vmem>>, vector<16xf32>,
      %add3A_71 = arith.addf %get3A_64, %get3A_70 : vector<16xf32>
      %get3A_72 = arith.constant 0 : i32
      %get3A_73 = arith.constant 2 : i32
      %get3A_74 = arith.index_cast %get3A_72 : i32 to index
      %get3A_75 = arith.index_cast %get3A_73 : i32 to index
      %get3A_76 = arith.constant 0 : index
      %get3A_77 = tpu.vector_load %arg15[%get3A_74, %get3A_75, %get3A_76] {strides = array<i32>} : memref<2x32x128xf32, #tpu.memory_space<vmem>>, vector<16xf32>,
      %add3A_78 = arith.addf %add3A_71, %get3A_77 : vector<16xf32>
      %get3A_79 = arith.constant 0 : i32
      %get3A_80 = arith.constant 3 : i32
      %get3A_81 = arith.index_cast %get3A_79 : i32 to index
      %get3A_82 = arith.index_cast %get3A_80 : i32 to index
      %get3A_83 = arith.constant 0 : index
      %get3A_84 = tpu.vector_load %arg15[%get3A_81, %get3A_82, %get3A_83] {strides = array<i32>} : memref<2x32x128xf32, #tpu.memory_space<vmem>>, vector<16xf32>,
      %add3A_85 = arith.addf %add3A_78, %get3A_84 : vector<16xf32>
      %get3A_86 = arith.constant 0 : i32
      %get3A_87 = arith.constant 4 : i32
      %get3A_88 = arith.index_cast %get3A_86 : i32 to index
      %get3A_89 = arith.index_cast %get3A_87 : i32 to index
      %get3A_90 = arith.constant 0 : index
      %get3A_91 = tpu.vector_load %arg15[%get3A_88, %get3A_89, %get3A_90] {strides = array<i32>} : memref<2x32x128xf32, #tpu.memory_space<vmem>>, vector<16xf32>,
      %add3A_92 = arith.addf %add3A_85, %get3A_91 : vector<16xf32>
      %get3A_93 = arith.constant 0 : i32
      %get3A_94 = arith.constant 5 : i32
      %get3A_95 = arith.index_cast %get3A_93 : i32 to index
      %get3A_96 = arith.index_cast %get3A_94 : i32 to index
      %get3A_97 = arith.constant 0 : index
      %get3A_98 = tpu.vector_load %arg15[%get3A_95, %get3A_96, %get3A_97] {strides = array<i32>} : memref<2x32x128xf32, #tpu.memory_space<vmem>>, vector<16xf32>,
      %add3A_99 = arith.addf %add3A_92, %get3A_98 : vector<16xf32>
      %get3A_100 = arith.constant 0 : i32
      %get3A_101 = arith.constant 6 : i32
      %get3A_102 = arith.index_cast %get3A_100 : i32 to index
      %get3A_103 = arith.index_cast %get3A_101 : i32 to index
      %get3A_104 = arith.constant 0 : index
      %get3A_105 = tpu.vector_load %arg15[%get3A_102, %get3A_103, %get3A_104] {strides = array<i32>} : memref<2x32x128xf32, #tpu.memory_space<vmem>>, vector<16xf32>,
      %add3A_106 = arith.addf %add3A_99, %get3A_105 : vector<16xf32>
      %get3A_107 = arith.constant 0 : i32
      %get3A_108 = arith.constant 7 : i32
      %get3A_109 = arith.index_cast %get3A_107 : i32 to index
      %get3A_110 = arith.index_cast %get3A_108 : i32 to index
      %get3A_111 = arith.constant 0 : index
      %get3A_112 = tpu.vector_load %arg15[%get3A_109, %get3A_110, %get3A_111] {strides = array<i32>} : memref<2x32x128xf32, #tpu.memory_space<vmem>>, vector<16xf32>,
      %add3A_113 = arith.addf %add3A_106, %get3A_112 : vector<16xf32>
      %get3A_114 = arith.constant 0 : i32
      %get3A_115 = arith.constant 8 : i32
      %get3A_116 = arith.index_cast %get3A_114 : i32 to index
      %get3A_117 = arith.index_cast %get3A_115 : i32 to index
      %get3A_118 = arith.constant 0 : index
      %get3A_119 = tpu.vector_load %arg15[%get3A_116, %get3A_117, %get3A_118] {strides = array<i32>} : memref<2x32x128xf32, #tpu.memory_space<vmem>>, vector<16xf32>,
      %add3A_120 = arith.addf %add3A_113, %get3A_119 : vector<16xf32>
      %get3A_121 = arith.constant 0 : i32
      %get3A_122 = arith.constant 9 : i32
      %get3A_123 = arith.index_cast %get3A_121 : i32 to index
      %get3A_124 = arith.index_cast %get3A_122 : i32 to index
      %get3A_125 = arith.constant 0 : index
      %get3A_126 = tpu.vector_load %arg15[%get3A_123, %get3A_124, %get3A_125] {strides = array<i32>} : memref<2x32x128xf32, #tpu.memory_space<vmem>>, vector<16xf32>,
      %add3A_127 = arith.addf %add3A_120, %get3A_126 : vector<16xf32>
      %get3A_128 = arith.constant 0 : i32
      %get3A_129 = arith.constant 10 : i32
      %get3A_130 = arith.index_cast %get3A_128 : i32 to index
      %get3A_131 = arith.index_cast %get3A_129 : i32 to index
      %get3A_132 = arith.constant 0 : index
      %get3A_133 = tpu.vector_load %arg15[%get3A_130, %get3A_131, %get3A_132] {strides = array<i32>} : memref<2x32x128xf32, #tpu.memory_space<vmem>>, vector<16xf32>,
      %add3A_134 = arith.addf %add3A_127, %get3A_133 : vector<16xf32>
      %get3A_135 = arith.constant 0 : i32
      %get3A_136 = arith.constant 11 : i32
      %get3A_137 = arith.index_cast %get3A_135 : i32 to index
      %get3A_138 = arith.index_cast %get3A_136 : i32 to index
      %get3A_139 = arith.constant 0 : index
      %get3A_140 = tpu.vector_load %arg15[%get3A_137, %get3A_138, %get3A_139] {strides = array<i32>} : memref<2x32x128xf32, #tpu.memory_space<vmem>>, vector<16xf32>,
      %add3A_141 = arith.addf %add3A_134, %get3A_140 : vector<16xf32>
      %get3A_142 = arith.constant 0 : i32
      %get3A_143 = arith.constant 12 : i32
      %get3A_144 = arith.index_cast %get3A_142 : i32 to index
      %get3A_145 = arith.index_cast %get3A_143 : i32 to index
      %get3A_146 = arith.constant 0 : index
      %get3A_147 = tpu.vector_load %arg15[%get3A_144, %get3A_145, %get3A_146] {strides = array<i32>} : memref<2x32x128xf32, #tpu.memory_space<vmem>>, vector<16xf32>,
      %add3A_148 = arith.addf %add3A_141, %get3A_147 : vector<16xf32>
      %get3A_149 = arith.constant 0 : i32
      %get3A_150 = arith.constant 13 : i32
      %get3A_151 = arith.index_cast %get3A_149 : i32 to index
      %get3A_152 = arith.index_cast %get3A_150 : i32 to index
      %get3A_153 = arith.constant 0 : index
      %get3A_154 = tpu.vector_load %arg15[%get3A_151, %get3A_152, %get3A_153] {strides = array<i32>} : memref<2x32x128xf32, #tpu.memory_space<vmem>>, vector<16xf32>,
      %add3A_155 = arith.addf %add3A_148, %get3A_154 : vector<16xf32>
      %get3A_156 = arith.constant 0 : i32
      %get3A_157 = arith.constant 14 : i32
      %get3A_158 = arith.index_cast %get3A_156 : i32 to index
      %get3A_159 = arith.index_cast %get3A_157 : i32 to index
      %get3A_160 = arith.constant 0 : index
      %get3A_161 = tpu.vector_load %arg15[%get3A_158, %get3A_159, %get3A_160] {strides = array<i32>} : memref<2x32x128xf32, #tpu.memory_space<vmem>>, vector<16xf32>,
      %add3A_162 = arith.addf %add3A_155, %get3A_161 : vector<16xf32>
      %get3A_163 = arith.constant 0 : i32
      %get3A_164 = arith.constant 15 : i32
      %get3A_165 = arith.index_cast %get3A_163 : i32 to index
      %get3A_166 = arith.index_cast %get3A_164 : i32 to index
      %get3A_167 = arith.constant 0 : index
      %get3A_168 = tpu.vector_load %arg15[%get3A_165, %get3A_166, %get3A_167] {strides = array<i32>} : memref<2x32x128xf32, #tpu.memory_space<vmem>>, vector<16xf32>,
      %add3A_169 = arith.addf %add3A_162, %get3A_168 : vector<16xf32>
      %get3A_170 = arith.constant 0 : i32
      %get3A_171 = arith.constant 16 : i32
      %get3A_172 = arith.index_cast %get3A_170 : i32 to index
      %get3A_173 = arith.index_cast %get3A_171 : i32 to index
      %get3A_174 = arith.constant 0 : index
      %get3A_175 = tpu.vector_load %arg15[%get3A_172, %get3A_173, %get3A_174] {strides = array<i32>} : memref<2x32x128xf32, #tpu.memory_space<vmem>>, vector<16xf32>,
      %add3A_176 = arith.addf %add3A_169, %get3A_175 : vector<16xf32>
      %get3A_177 = arith.constant 0 : i32
      %get3A_178 = arith.constant 17 : i32
      %get3A_179 = arith.index_cast %get3A_177 : i32 to index
      %get3A_180 = arith.index_cast %get3A_178 : i32 to index
      %get3A_181 = arith.constant 0 : index
      %get3A_182 = tpu.vector_load %arg15[%get3A_179, %get3A_180, %get3A_181] {strides = array<i32>} : memref<2x32x128xf32, #tpu.memory_space<vmem>>, vector<16xf32>,
      %add3A_183 = arith.addf %add3A_176, %get3A_182 : vector<16xf32>
      %get3A_184 = arith.constant 0 : i32
      %get3A_185 = arith.constant 18 : i32
      %get3A_186 = arith.index_cast %get3A_184 : i32 to index
      %get3A_187 = arith.index_cast %get3A_185 : i32 to index
      %get3A_188 = arith.constant 0 : index
      %get3A_189 = tpu.vector_load %arg15[%get3A_186, %get3A_187, %get3A_188] {strides = array<i32>} : memref<2x32x128xf32, #tpu.memory_space<vmem>>, vector<16xf32>,
      %add3A_190 = arith.addf %add3A_183, %get3A_189 : vector<16xf32>
      %get3A_191 = arith.constant 0 : i32
      %get3A_192 = arith.constant 19 : i32
      %get3A_193 = arith.index_cast %get3A_191 : i32 to index
      %get3A_194 = arith.index_cast %get3A_192 : i32 to index
      %get3A_195 = arith.constant 0 : index
      %get3A_196 = tpu.vector_load %arg15[%get3A_193, %get3A_194, %get3A_195] {strides = array<i32>} : memref<2x32x128xf32, #tpu.memory_space<vmem>>, vector<16xf32>,
      %add3A_197 = arith.addf %add3A_190, %get3A_196 : vector<16xf32>
      %get3A_198 = arith.constant 0 : i32
      %get3A_199 = arith.constant 20 : i32
      %get3A_200 = arith.index_cast %get3A_198 : i32 to index
      %get3A_201 = arith.index_cast %get3A_199 : i32 to index
      %get3A_202 = arith.constant 0 : index
      %get3A_203 = tpu.vector_load %arg15[%get3A_200, %get3A_201, %get3A_202] {strides = array<i32>} : memref<2x32x128xf32, #tpu.memory_space<vmem>>, vector<16xf32>,
      %add3A_204 = arith.addf %add3A_197, %get3A_203 : vector<16xf32>
      %get3A_205 = arith.constant 0 : i32
      %get3A_206 = arith.constant 21 : i32
      %get3A_207 = arith.index_cast %get3A_205 : i32 to index
      %get3A_208 = arith.index_cast %get3A_206 : i32 to index
      %get3A_209 = arith.constant 0 : index
      %get3A_210 = tpu.vector_load %arg15[%get3A_207, %get3A_208, %get3A_209] {strides = array<i32>} : memref<2x32x128xf32, #tpu.memory_space<vmem>>, vector<16xf32>,
      %add3A_211 = arith.addf %add3A_204, %get3A_210 : vector<16xf32>
      %get3A_212 = arith.constant 0 : i32
      %get3A_213 = arith.constant 22 : i32
      %get3A_214 = arith.index_cast %get3A_212 : i32 to index
      %get3A_215 = arith.index_cast %get3A_213 : i32 to index
      %get3A_216 = arith.constant 0 : index
      %get3A_217 = tpu.vector_load %arg15[%get3A_214, %get3A_215, %get3A_216] {strides = array<i32>} : memref<2x32x128xf32, #tpu.memory_space<vmem>>, vector<16xf32>,
      %add3A_218 = arith.addf %add3A_211, %get3A_217 : vector<16xf32>
      %get3A_219 = arith.constant 0 : i32
      %get3A_220 = arith.constant 23 : i32
      %get3A_221 = arith.index_cast %get3A_219 : i32 to index
      %get3A_222 = arith.index_cast %get3A_220 : i32 to index
      %get3A_223 = arith.constant 0 : index
      %get3A_224 = tpu.vector_load %arg15[%get3A_221, %get3A_222, %get3A_223] {strides = array<i32>} : memref<2x32x128xf32, #tpu.memory_space<vmem>>, vector<16xf32>,
      %add3A_225 = arith.addf %add3A_218, %get3A_224 : vector<16xf32>
      %get3A_226 = arith.constant 0 : i32
      %get3A_227 = arith.constant 24 : i32
      %get3A_228 = arith.index_cast %get3A_226 : i32 to index
      %get3A_229 = arith.index_cast %get3A_227 : i32 to index
      %get3A_230 = arith.constant 0 : index
      %get3A_231 = tpu.vector_load %arg15[%get3A_228, %get3A_229, %get3A_230] {strides = array<i32>} : memref<2x32x128xf32, #tpu.memory_space<vmem>>, vector<16xf32>,
      %add3A_232 = arith.addf %add3A_225, %get3A_231 : vector<16xf32>
      %get3A_233 = arith.constant 0 : i32
      %get3A_234 = arith.constant 25 : i32
      %get3A_235 = arith.index_cast %get3A_233 : i32 to index
      %get3A_236 = arith.index_cast %get3A_234 : i32 to index
      %get3A_237 = arith.constant 0 : index
      %get3A_238 = tpu.vector_load %arg15[%get3A_235, %get3A_236, %get3A_237] {strides = array<i32>} : memref<2x32x128xf32, #tpu.memory_space<vmem>>, vector<16xf32>,
      %add3A_239 = arith.addf %add3A_232, %get3A_238 : vector<16xf32>
      %get3A_240 = arith.constant 0 : i32
      %get3A_241 = arith.constant 26 : i32
      %get3A_242 = arith.index_cast %get3A_240 : i32 to index
      %get3A_243 = arith.index_cast %get3A_241 : i32 to index
      %get3A_244 = arith.constant 0 : index
      %get3A_245 = tpu.vector_load %arg15[%get3A_242, %get3A_243, %get3A_244] {strides = array<i32>} : memref<2x32x128xf32, #tpu.memory_space<vmem>>, vector<16xf32>,
      %add3A_246 = arith.addf %add3A_239, %get3A_245 : vector<16xf32>
      %get3A_247 = arith.constant 0 : i32
      %get3A_248 = arith.constant 27 : i32
      %get3A_249 = arith.index_cast %get3A_247 : i32 to index
      %get3A_250 = arith.index_cast %get3A_248 : i32 to index
      %get3A_251 = arith.constant 0 : index
      %get3A_252 = tpu.vector_load %arg15[%get3A_249, %get3A_250, %get3A_251] {strides = array<i32>} : memref<2x32x128xf32, #tpu.memory_space<vmem>>, vector<16xf32>,
      %add3A_253 = arith.addf %add3A_246, %get3A_252 : vector<16xf32>
      %get3A_254 = arith.constant 0 : i32
      %get3A_255 = arith.constant 28 : i32
      %get3A_256 = arith.index_cast %get3A_254 : i32 to index
      %get3A_257 = arith.index_cast %get3A_255 : i32 to index
      %get3A_258 = arith.constant 0 : index
      %get3A_259 = tpu.vector_load %arg15[%get3A_256, %get3A_257, %get3A_258] {strides = array<i32>} : memref<2x32x128xf32, #tpu.memory_space<vmem>>, vector<16xf32>,
      %add3A_260 = arith.addf %add3A_253, %get3A_259 : vector<16xf32>
      %get3A_261 = arith.constant 0 : i32
      %get3A_262 = arith.constant 29 : i32
      %get3A_263 = arith.index_cast %get3A_261 : i32 to index
      %get3A_264 = arith.index_cast %get3A_262 : i32 to index
      %get3A_265 = arith.constant 0 : index
      %get3A_266 = tpu.vector_load %arg15[%get3A_263, %get3A_264, %get3A_265] {strides = array<i32>} : memref<2x32x128xf32, #tpu.memory_space<vmem>>, vector<16xf32>,
      %add3A_267 = arith.addf %add3A_260, %get3A_266 : vector<16xf32>
      %get3A_268 = arith.constant 0 : i32
      %get3A_269 = arith.constant 30 : i32
      %get3A_270 = arith.index_cast %get3A_268 : i32 to index
      %get3A_271 = arith.index_cast %get3A_269 : i32 to index
      %get3A_272 = arith.constant 0 : index
      %get3A_273 = tpu.vector_load %arg15[%get3A_270, %get3A_271, %get3A_272] {strides = array<i32>} : memref<2x32x128xf32, #tpu.memory_space<vmem>>, vector<16xf32>,
      %add3A_274 = arith.addf %add3A_267, %get3A_273 : vector<16xf32>
      %get3A_275 = arith.constant 0 : i32
      %get3A_276 = arith.constant 31 : i32
      %get3A_277 = arith.index_cast %get3A_275 : i32 to index
      %get3A_278 = arith.index_cast %get3A_276 : i32 to index
      %get3A_279 = arith.constant 0 : index
      %get3A_280 = tpu.vector_load %arg15[%get3A_277, %get3A_278, %get3A_279] {strides = array<i32>} : memref<2x32x128xf32, #tpu.memory_space<vmem>>, vector<16xf32>,
      %add3A_281 = arith.addf %add3A_274, %get3A_280 : vector<16xf32>
      %mul3A_282 = arith.constant 3.125000e-02 : f32
      %mul3A_283 = vector.broadcast %mul3A_282 : f32 to vector<16xf32>
      %mul3A_284 = arith.mulf %add3A_281, %mul3A_283 : vector<16xf32>
      %get3A_285 = arith.index_cast %mul3A_45 : i32 to index
      %get3A_286 = arith.constant 0 : index
      %get3A_287 = tpu.vector_load %arg8[%get3A_285, %get3A_286] {strides = array<i32>} : memref<32x128xf32, #tpu.memory_space<vmem>>, vector<16xf32>,
      %add3A_288 = arith.addf %mul3A_284, %get3A_287 : vector<16xf32>
      %broadcast_in_dim3A = arith.constant true
      %broadcast_in_dim3A_289 = vector.broadcast %broadcast_in_dim3A : i1 to vector<16xi1>
      %masked_cummax3A = tpu.scan <max>, %add3A_288 masked %broadcast_in_dim3A_289 : vector<16xf32>, vector<16xi1> -> vector<16xf32>
      %broadcast_in_dim3A_290 = arith.constant 15 : i32
      %broadcast_in_dim3A_291 = vector.broadcast %broadcast_in_dim3A_290 : i32 to vector<16xi32>
      %broadcast_in_dim3A_292 = vector.shape_cast %broadcast_in_dim3A_291 : vector<16xi32> to vector<16x1xi32>
      %gather3A = vector.shape_cast %broadcast_in_dim3A_292 : vector<16x1xi32> to vector<16xi32>
      %gather3A_293 = tpu.dynamic_gather %masked_cummax3A[%gather3A] in [0] : vector<16xf32>, vector<16xi32> -> vector<16xf32>
      %eq3A = arith.cmpf oeq, %add3A_288, %gather3A_293 : vector<16xf32>
      %jit3A = arith.constant 16 : i32
      %broadcast_in_dim3A_294 = vector.broadcast %jit3A : i32 to vector<16xi32>
      %select_n3A = arith.select %eq3A, %iota3A, %broadcast_in_dim3A_294 : vector<16xi1>, vector<16xi32>
      %neg3A = arith.constant 0 : i32
      %neg3A_295 = vector.broadcast %neg3A : i32 to vector<16xi32>
      %neg3A_296 = arith.subi %neg3A_295, %select_n3A : vector<16xi32>
      %broadcast_in_dim3A_297 = arith.constant true
      %broadcast_in_dim3A_298 = vector.broadcast %broadcast_in_dim3A_297 : i1 to vector<16xi1>
      %masked_cummax3A_299 = arith.constant -2147483648 : i32
      %masked_cummax3A_300 = vector.broadcast %masked_cummax3A_299 : i32 to vector<16xi32>
      %masked_cummax3A_301 = arith.xori %neg3A_296, %masked_cummax3A_300 : vector<16xi32>
      %masked_cummax3A_302 = tpu.scan <max>, %masked_cummax3A_301 masked %broadcast_in_dim3A_298 : vector<16xi32>, vector<16xi1> -> vector<16xi32>
      %masked_cummax3A_303 = arith.xori %masked_cummax3A_302, %masked_cummax3A_300 : vector<16xi32>
      %broadcast_in_dim3A_304 = arith.constant 15 : i32
      %broadcast_in_dim3A_305 = vector.broadcast %broadcast_in_dim3A_304 : i32 to vector<16xi32>
      %broadcast_in_dim3A_306 = vector.shape_cast %broadcast_in_dim3A_305 : vector<16xi32> to vector<16x1xi32>
      %gather3A_307 = vector.shape_cast %broadcast_in_dim3A_306 : vector<16x1xi32> to vector<16xi32>
      %gather3A_308 = tpu.dynamic_gather %masked_cummax3A_303[%gather3A_307] in [0] : vector<16xi32>, vector<16xi32> -> vector<16xi32>
      %neg3A_309 = arith.constant 0 : i32
      %neg3A_310 = vector.broadcast %neg3A_309 : i32 to vector<16xi32>
      %neg3A_311 = arith.subi %neg3A_310, %gather3A_308 : vector<16xi32>
      %broadcast_in_dim3A_312 = vector.broadcast %mul3A_45 : i32 to vector<16xi32>
      %eq3A_313 = arith.constant 0 : i32
      %eq3A_314 = vector.broadcast %eq3A_313 : i32 to vector<16xi32>
      %eq3A_315 = arith.cmpi eq, %iota3A, %eq3A_314 : vector<16xi32>
      tpu.vector_store_idx %arg16[%broadcast_in_dim3A_312], %neg3A_311 masked %eq3A_315 : memref<32xi32, #tpu.memory_space<vmem>>[vector<16xi32>], vector<16xi32>, vector<16xi1>
      %mul3A_316 = arith.constant 2 : i32
      %mul3A_317 = arith.muli %mul3A_316, %scan3A_43 : i32
      %add3A_318 = arith.constant 1 : i32
      %add3A_319 = arith.addi %mul3A_317, %add3A_318 : i32
      %add3A_320 = arith.constant 1 : i32
      %add3A_321 = arith.addi %add3A_319, %add3A_320 : i32
      %lt3A_322 = arith.constant 32 : i32
      %lt3A_323 = arith.cmpi slt, %add3A_321, %lt3A_322 : i32
      %convert_element_type3A_324 = arith.extui %lt3A_323 : i1 to i32
      %cond3A_325 = arith.constant 0 : i32
      %cond3A_326 = arith.cmpi ne, %convert_element_type3A_324, %cond3A_325 : i32
      scf.if %cond3A_326 {
        %add3A_602 = arith.constant 1 : i32
        %add3A_603 = arith.addi %add3A_319, %add3A_602 : i32
        %dma_start3A_604 = arith.constant 0 : i32
        %dma_start3A_605 = arith.constant 0 : i32
        %dma_start3A_606 = arith.constant 0 : i32
        %dma_start3A_607 = tpu.memref_slice %arg15[%dma_start3A_604, %dma_start3A_605, %dma_start3A_606] : memref<2x32x128xf32, #tpu.memory_space<vmem>> -> memref<1x32x128xf32, #tpu.memory_space<vmem>>
        %dma_start3A_608 = tpu.memref_squeeze %dma_start3A_607 : memref<1x32x128xf32, #tpu.memory_space<vmem>> -> memref<32x128xf32, #tpu.memory_space<vmem>>
        %dma_start3A_609 = arith.constant 0 : i32
        %dma_start3A_610 = tpu.memref_slice %arg14[%add3A_603, %dma_start3A_609] : memref<32x32xi32, #tpu.memory_space<vmem>> -> memref<1x32xi32, #tpu.memory_space<vmem>>
        %dma_start3A_611 = tpu.memref_squeeze %dma_start3A_610 : memref<1x32xi32, #tpu.memory_space<vmem>> -> memref<32xi32, #tpu.memory_space<vmem>>
        %dma_start3A_612 = arith.constant 0 : i32
        %dma_start3A_613 = arith.constant 0 : i32
        %dma_start3A_614 = tpu.memref_slice %arg5[%dma_start3A_612, %dma_start3A_613] : memref<100000x128xf32, #tpu.memory_space<hbm>> -> memref<100000x128xf32, #tpu.memory_space<hbm>>
        tpu.enqueue_indirect_dma source(%dma_start3A_614 : memref<100000x128xf32, #tpu.memory_space<hbm>>) target(%dma_start3A_608 : memref<32x128xf32, #tpu.memory_space<vmem>>) offsets(%dma_start3A_611 : memref<32xi32, #tpu.memory_space<vmem>>) semaphore(%arg19 : memref<!tpu.dma_semaphore, #tpu.memory_space<semaphore_mem>>)
      } else {
      }
      %dma_wait3A_327 = arith.constant 1 : i32
      %dma_wait3A_328 = arith.constant 0 : i32
      %dma_wait3A_329 = arith.constant 0 : i32
      %dma_wait3A_330 = tpu.memref_slice %arg15[%dma_wait3A_327, %dma_wait3A_328, %dma_wait3A_329] : memref<2x32x128xf32, #tpu.memory_space<vmem>> -> memref<1x32x128xf32, #tpu.memory_space<vmem>>
      %dma_wait3A_331 = tpu.memref_squeeze %dma_wait3A_330 : memref<1x32x128xf32, #tpu.memory_space<vmem>> -> memref<32x128xf32, #tpu.memory_space<vmem>>
      %dma_wait3A_332 = arith.constant 0 : i32
      %dma_wait3A_333 = tpu.memref_slice %arg14[%add3A_319, %dma_wait3A_332] : memref<32x32xi32, #tpu.memory_space<vmem>> -> memref<1x32xi32, #tpu.memory_space<vmem>>
      %dma_wait3A_334 = tpu.memref_squeeze %dma_wait3A_333 : memref<1x32xi32, #tpu.memory_space<vmem>> -> memref<32xi32, #tpu.memory_space<vmem>>
      %dma_wait3A_335 = arith.constant 0 : i32
      %dma_wait3A_336 = arith.constant 0 : i32
      %dma_wait3A_337 = tpu.memref_slice %arg5[%dma_wait3A_335, %dma_wait3A_336] : memref<100000x128xf32, #tpu.memory_space<hbm>> -> memref<100000x128xf32, #tpu.memory_space<hbm>>
      tpu.wait_indirect_dma semaphore(%arg20 : memref<!tpu.dma_semaphore, #tpu.memory_space<semaphore_mem>>) src(%dma_wait3A_337 : memref<100000x128xf32, #tpu.memory_space<hbm>>) dst(%dma_wait3A_331 : memref<32x128xf32, #tpu.memory_space<vmem>>)
      %get3A_338 = arith.constant 1 : i32
      %get3A_339 = arith.constant 0 : i32
      %get3A_340 = arith.index_cast %get3A_338 : i32 to index
      %get3A_341 = arith.index_cast %get3A_339 : i32 to index
      %get3A_342 = arith.constant 0 : index
      %get3A_343 = tpu.vector_load %arg15[%get3A_340, %get3A_341, %get3A_342] {strides = array<i32>} : memref<2x32x128xf32, #tpu.memory_space<vmem>>, vector<16xf32>,
      %get3A_344 = arith.constant 1 : i32
      %get3A_345 = arith.constant 1 : i32
      %get3A_346 = arith.index_cast %get3A_344 : i32 to index
      %get3A_347 = arith.index_cast %get3A_345 : i32 to index
      %get3A_348 = arith.constant 0 : index
      %get3A_349 = tpu.vector_load %arg15[%get3A_346, %get3A_347, %get3A_348] {strides = array<i32>} : memref<2x32x128xf32, #tpu.memory_space<vmem>>, vector<16xf32>,
      %add3A_350 = arith.addf %get3A_343, %get3A_349 : vector<16xf32>
      %get3A_351 = arith.constant 1 : i32
      %get3A_352 = arith.constant 2 : i32
      %get3A_353 = arith.index_cast %get3A_351 : i32 to index
      %get3A_354 = arith.index_cast %get3A_352 : i32 to index
      %get3A_355 = arith.constant 0 : index
      %get3A_356 = tpu.vector_load %arg15[%get3A_353, %get3A_354, %get3A_355] {strides = array<i32>} : memref<2x32x128xf32, #tpu.memory_space<vmem>>, vector<16xf32>,
      %add3A_357 = arith.addf %add3A_350, %get3A_356 : vector<16xf32>
      %get3A_358 = arith.constant 1 : i32
      %get3A_359 = arith.constant 3 : i32
      %get3A_360 = arith.index_cast %get3A_358 : i32 to index
      %get3A_361 = arith.index_cast %get3A_359 : i32 to index
      %get3A_362 = arith.constant 0 : index
      %get3A_363 = tpu.vector_load %arg15[%get3A_360, %get3A_361, %get3A_362] {strides = array<i32>} : memref<2x32x128xf32, #tpu.memory_space<vmem>>, vector<16xf32>,
      %add3A_364 = arith.addf %add3A_357, %get3A_363 : vector<16xf32>
      %get3A_365 = arith.constant 1 : i32
      %get3A_366 = arith.constant 4 : i32
      %get3A_367 = arith.index_cast %get3A_365 : i32 to index
      %get3A_368 = arith.index_cast %get3A_366 : i32 to index
      %get3A_369 = arith.constant 0 : index
      %get3A_370 = tpu.vector_load %arg15[%get3A_367, %get3A_368, %get3A_369] {strides = array<i32>} : memref<2x32x128xf32, #tpu.memory_space<vmem>>, vector<16xf32>,
      %add3A_371 = arith.addf %add3A_364, %get3A_370 : vector<16xf32>
      %get3A_372 = arith.constant 1 : i32
      %get3A_373 = arith.constant 5 : i32
      %get3A_374 = arith.index_cast %get3A_372 : i32 to index
      %get3A_375 = arith.index_cast %get3A_373 : i32 to index
      %get3A_376 = arith.constant 0 : index
      %get3A_377 = tpu.vector_load %arg15[%get3A_374, %get3A_375, %get3A_376] {strides = array<i32>} : memref<2x32x128xf32, #tpu.memory_space<vmem>>, vector<16xf32>,
      %add3A_378 = arith.addf %add3A_371, %get3A_377 : vector<16xf32>
      %get3A_379 = arith.constant 1 : i32
      %get3A_380 = arith.constant 6 : i32
      %get3A_381 = arith.index_cast %get3A_379 : i32 to index
      %get3A_382 = arith.index_cast %get3A_380 : i32 to index
      %get3A_383 = arith.constant 0 : index
      %get3A_384 = tpu.vector_load %arg15[%get3A_381, %get3A_382, %get3A_383] {strides = array<i32>} : memref<2x32x128xf32, #tpu.memory_space<vmem>>, vector<16xf32>,
      %add3A_385 = arith.addf %add3A_378, %get3A_384 : vector<16xf32>
      %get3A_386 = arith.constant 1 : i32
      %get3A_387 = arith.constant 7 : i32
      %get3A_388 = arith.index_cast %get3A_386 : i32 to index
      %get3A_389 = arith.index_cast %get3A_387 : i32 to index
      %get3A_390 = arith.constant 0 : index
      %get3A_391 = tpu.vector_load %arg15[%get3A_388, %get3A_389, %get3A_390] {strides = array<i32>} : memref<2x32x128xf32, #tpu.memory_space<vmem>>, vector<16xf32>,
      %add3A_392 = arith.addf %add3A_385, %get3A_391 : vector<16xf32>
      %get3A_393 = arith.constant 1 : i32
      %get3A_394 = arith.constant 8 : i32
      %get3A_395 = arith.index_cast %get3A_393 : i32 to index
      %get3A_396 = arith.index_cast %get3A_394 : i32 to index
      %get3A_397 = arith.constant 0 : index
      %get3A_398 = tpu.vector_load %arg15[%get3A_395, %get3A_396, %get3A_397] {strides = array<i32>} : memref<2x32x128xf32, #tpu.memory_space<vmem>>, vector<16xf32>,
      %add3A_399 = arith.addf %add3A_392, %get3A_398 : vector<16xf32>
      %get3A_400 = arith.constant 1 : i32
      %get3A_401 = arith.constant 9 : i32
      %get3A_402 = arith.index_cast %get3A_400 : i32 to index
      %get3A_403 = arith.index_cast %get3A_401 : i32 to index
      %get3A_404 = arith.constant 0 : index
      %get3A_405 = tpu.vector_load %arg15[%get3A_402, %get3A_403, %get3A_404] {strides = array<i32>} : memref<2x32x128xf32, #tpu.memory_space<vmem>>, vector<16xf32>,
      %add3A_406 = arith.addf %add3A_399, %get3A_405 : vector<16xf32>
      %get3A_407 = arith.constant 1 : i32
      %get3A_408 = arith.constant 10 : i32
      %get3A_409 = arith.index_cast %get3A_407 : i32 to index
      %get3A_410 = arith.index_cast %get3A_408 : i32 to index
      %get3A_411 = arith.constant 0 : index
      %get3A_412 = tpu.vector_load %arg15[%get3A_409, %get3A_410, %get3A_411] {strides = array<i32>} : memref<2x32x128xf32, #tpu.memory_space<vmem>>, vector<16xf32>,
      %add3A_413 = arith.addf %add3A_406, %get3A_412 : vector<16xf32>
      %get3A_414 = arith.constant 1 : i32
      %get3A_415 = arith.constant 11 : i32
      %get3A_416 = arith.index_cast %get3A_414 : i32 to index
      %get3A_417 = arith.index_cast %get3A_415 : i32 to index
      %get3A_418 = arith.constant 0 : index
      %get3A_419 = tpu.vector_load %arg15[%get3A_416, %get3A_417, %get3A_418] {strides = array<i32>} : memref<2x32x128xf32, #tpu.memory_space<vmem>>, vector<16xf32>,
      %add3A_420 = arith.addf %add3A_413, %get3A_419 : vector<16xf32>
      %get3A_421 = arith.constant 1 : i32
      %get3A_422 = arith.constant 12 : i32
      %get3A_423 = arith.index_cast %get3A_421 : i32 to index
      %get3A_424 = arith.index_cast %get3A_422 : i32 to index
      %get3A_425 = arith.constant 0 : index
      %get3A_426 = tpu.vector_load %arg15[%get3A_423, %get3A_424, %get3A_425] {strides = array<i32>} : memref<2x32x128xf32, #tpu.memory_space<vmem>>, vector<16xf32>,
      %add3A_427 = arith.addf %add3A_420, %get3A_426 : vector<16xf32>
      %get3A_428 = arith.constant 1 : i32
      %get3A_429 = arith.constant 13 : i32
      %get3A_430 = arith.index_cast %get3A_428 : i32 to index
      %get3A_431 = arith.index_cast %get3A_429 : i32 to index
      %get3A_432 = arith.constant 0 : index
      %get3A_433 = tpu.vector_load %arg15[%get3A_430, %get3A_431, %get3A_432] {strides = array<i32>} : memref<2x32x128xf32, #tpu.memory_space<vmem>>, vector<16xf32>,
      %add3A_434 = arith.addf %add3A_427, %get3A_433 : vector<16xf32>
      %get3A_435 = arith.constant 1 : i32
      %get3A_436 = arith.constant 14 : i32
      %get3A_437 = arith.index_cast %get3A_435 : i32 to index
      %get3A_438 = arith.index_cast %get3A_436 : i32 to index
      %get3A_439 = arith.constant 0 : index
      %get3A_440 = tpu.vector_load %arg15[%get3A_437, %get3A_438, %get3A_439] {strides = array<i32>} : memref<2x32x128xf32, #tpu.memory_space<vmem>>, vector<16xf32>,
      %add3A_441 = arith.addf %add3A_434, %get3A_440 : vector<16xf32>
      %get3A_442 = arith.constant 1 : i32
      %get3A_443 = arith.constant 15 : i32
      %get3A_444 = arith.index_cast %get3A_442 : i32 to index
      %get3A_445 = arith.index_cast %get3A_443 : i32 to index
      %get3A_446 = arith.constant 0 : index
      %get3A_447 = tpu.vector_load %arg15[%get3A_444, %get3A_445, %get3A_446] {strides = array<i32>} : memref<2x32x128xf32, #tpu.memory_space<vmem>>, vector<16xf32>,
      %add3A_448 = arith.addf %add3A_441, %get3A_447 : vector<16xf32>
      %get3A_449 = arith.constant 1 : i32
      %get3A_450 = arith.constant 16 : i32
      %get3A_451 = arith.index_cast %get3A_449 : i32 to index
      %get3A_452 = arith.index_cast %get3A_450 : i32 to index
      %get3A_453 = arith.constant 0 : index
      %get3A_454 = tpu.vector_load %arg15[%get3A_451, %get3A_452, %get3A_453] {strides = array<i32>} : memref<2x32x128xf32, #tpu.memory_space<vmem>>, vector<16xf32>,
      %add3A_455 = arith.addf %add3A_448, %get3A_454 : vector<16xf32>
      %get3A_456 = arith.constant 1 : i32
      %get3A_457 = arith.constant 17 : i32
      %get3A_458 = arith.index_cast %get3A_456 : i32 to index
      %get3A_459 = arith.index_cast %get3A_457 : i32 to index
      %get3A_460 = arith.constant 0 : index
      %get3A_461 = tpu.vector_load %arg15[%get3A_458, %get3A_459, %get3A_460] {strides = array<i32>} : memref<2x32x128xf32, #tpu.memory_space<vmem>>, vector<16xf32>,
      %add3A_462 = arith.addf %add3A_455, %get3A_461 : vector<16xf32>
      %get3A_463 = arith.constant 1 : i32
      %get3A_464 = arith.constant 18 : i32
      %get3A_465 = arith.index_cast %get3A_463 : i32 to index
      %get3A_466 = arith.index_cast %get3A_464 : i32 to index
      %get3A_467 = arith.constant 0 : index
      %get3A_468 = tpu.vector_load %arg15[%get3A_465, %get3A_466, %get3A_467] {strides = array<i32>} : memref<2x32x128xf32, #tpu.memory_space<vmem>>, vector<16xf32>,
      %add3A_469 = arith.addf %add3A_462, %get3A_468 : vector<16xf32>
      %get3A_470 = arith.constant 1 : i32
      %get3A_471 = arith.constant 19 : i32
      %get3A_472 = arith.index_cast %get3A_470 : i32 to index
      %get3A_473 = arith.index_cast %get3A_471 : i32 to index
      %get3A_474 = arith.constant 0 : index
      %get3A_475 = tpu.vector_load %arg15[%get3A_472, %get3A_473, %get3A_474] {strides = array<i32>} : memref<2x32x128xf32, #tpu.memory_space<vmem>>, vector<16xf32>,
      %add3A_476 = arith.addf %add3A_469, %get3A_475 : vector<16xf32>
      %get3A_477 = arith.constant 1 : i32
      %get3A_478 = arith.constant 20 : i32
      %get3A_479 = arith.index_cast %get3A_477 : i32 to index
      %get3A_480 = arith.index_cast %get3A_478 : i32 to index
      %get3A_481 = arith.constant 0 : index
      %get3A_482 = tpu.vector_load %arg15[%get3A_479, %get3A_480, %get3A_481] {strides = array<i32>} : memref<2x32x128xf32, #tpu.memory_space<vmem>>, vector<16xf32>,
      %add3A_483 = arith.addf %add3A_476, %get3A_482 : vector<16xf32>
      %get3A_484 = arith.constant 1 : i32
      %get3A_485 = arith.constant 21 : i32
      %get3A_486 = arith.index_cast %get3A_484 : i32 to index
      %get3A_487 = arith.index_cast %get3A_485 : i32 to index
      %get3A_488 = arith.constant 0 : index
      %get3A_489 = tpu.vector_load %arg15[%get3A_486, %get3A_487, %get3A_488] {strides = array<i32>} : memref<2x32x128xf32, #tpu.memory_space<vmem>>, vector<16xf32>,
      %add3A_490 = arith.addf %add3A_483, %get3A_489 : vector<16xf32>
      %get3A_491 = arith.constant 1 : i32
      %get3A_492 = arith.constant 22 : i32
      %get3A_493 = arith.index_cast %get3A_491 : i32 to index
      %get3A_494 = arith.index_cast %get3A_492 : i32 to index
      %get3A_495 = arith.constant 0 : index
      %get3A_496 = tpu.vector_load %arg15[%get3A_493, %get3A_494, %get3A_495] {strides = array<i32>} : memref<2x32x128xf32, #tpu.memory_space<vmem>>, vector<16xf32>,
      %add3A_497 = arith.addf %add3A_490, %get3A_496 : vector<16xf32>
      %get3A_498 = arith.constant 1 : i32
      %get3A_499 = arith.constant 23 : i32
      %get3A_500 = arith.index_cast %get3A_498 : i32 to index
      %get3A_501 = arith.index_cast %get3A_499 : i32 to index
      %get3A_502 = arith.constant 0 : index
      %get3A_503 = tpu.vector_load %arg15[%get3A_500, %get3A_501, %get3A_502] {strides = array<i32>} : memref<2x32x128xf32, #tpu.memory_space<vmem>>, vector<16xf32>,
      %add3A_504 = arith.addf %add3A_497, %get3A_503 : vector<16xf32>
      %get3A_505 = arith.constant 1 : i32
      %get3A_506 = arith.constant 24 : i32
      %get3A_507 = arith.index_cast %get3A_505 : i32 to index
      %get3A_508 = arith.index_cast %get3A_506 : i32 to index
      %get3A_509 = arith.constant 0 : index
      %get3A_510 = tpu.vector_load %arg15[%get3A_507, %get3A_508, %get3A_509] {strides = array<i32>} : memref<2x32x128xf32, #tpu.memory_space<vmem>>, vector<16xf32>,
      %add3A_511 = arith.addf %add3A_504, %get3A_510 : vector<16xf32>
      %get3A_512 = arith.constant 1 : i32
      %get3A_513 = arith.constant 25 : i32
      %get3A_514 = arith.index_cast %get3A_512 : i32 to index
      %get3A_515 = arith.index_cast %get3A_513 : i32 to index
      %get3A_516 = arith.constant 0 : index
      %get3A_517 = tpu.vector_load %arg15[%get3A_514, %get3A_515, %get3A_516] {strides = array<i32>} : memref<2x32x128xf32, #tpu.memory_space<vmem>>, vector<16xf32>,
      %add3A_518 = arith.addf %add3A_511, %get3A_517 : vector<16xf32>
      %get3A_519 = arith.constant 1 : i32
      %get3A_520 = arith.constant 26 : i32
      %get3A_521 = arith.index_cast %get3A_519 : i32 to index
      %get3A_522 = arith.index_cast %get3A_520 : i32 to index
      %get3A_523 = arith.constant 0 : index
      %get3A_524 = tpu.vector_load %arg15[%get3A_521, %get3A_522, %get3A_523] {strides = array<i32>} : memref<2x32x128xf32, #tpu.memory_space<vmem>>, vector<16xf32>,
      %add3A_525 = arith.addf %add3A_518, %get3A_524 : vector<16xf32>
      %get3A_526 = arith.constant 1 : i32
      %get3A_527 = arith.constant 27 : i32
      %get3A_528 = arith.index_cast %get3A_526 : i32 to index
      %get3A_529 = arith.index_cast %get3A_527 : i32 to index
      %get3A_530 = arith.constant 0 : index
      %get3A_531 = tpu.vector_load %arg15[%get3A_528, %get3A_529, %get3A_530] {strides = array<i32>} : memref<2x32x128xf32, #tpu.memory_space<vmem>>, vector<16xf32>,
      %add3A_532 = arith.addf %add3A_525, %get3A_531 : vector<16xf32>
      %get3A_533 = arith.constant 1 : i32
      %get3A_534 = arith.constant 28 : i32
      %get3A_535 = arith.index_cast %get3A_533 : i32 to index
      %get3A_536 = arith.index_cast %get3A_534 : i32 to index
      %get3A_537 = arith.constant 0 : index
      %get3A_538 = tpu.vector_load %arg15[%get3A_535, %get3A_536, %get3A_537] {strides = array<i32>} : memref<2x32x128xf32, #tpu.memory_space<vmem>>, vector<16xf32>,
      %add3A_539 = arith.addf %add3A_532, %get3A_538 : vector<16xf32>
      %get3A_540 = arith.constant 1 : i32
      %get3A_541 = arith.constant 29 : i32
      %get3A_542 = arith.index_cast %get3A_540 : i32 to index
      %get3A_543 = arith.index_cast %get3A_541 : i32 to index
      %get3A_544 = arith.constant 0 : index
      %get3A_545 = tpu.vector_load %arg15[%get3A_542, %get3A_543, %get3A_544] {strides = array<i32>} : memref<2x32x128xf32, #tpu.memory_space<vmem>>, vector<16xf32>,
      %add3A_546 = arith.addf %add3A_539, %get3A_545 : vector<16xf32>
      %get3A_547 = arith.constant 1 : i32
      %get3A_548 = arith.constant 30 : i32
      %get3A_549 = arith.index_cast %get3A_547 : i32 to index
      %get3A_550 = arith.index_cast %get3A_548 : i32 to index
      %get3A_551 = arith.constant 0 : index
      %get3A_552 = tpu.vector_load %arg15[%get3A_549, %get3A_550, %get3A_551] {strides = array<i32>} : memref<2x32x128xf32, #tpu.memory_space<vmem>>, vector<16xf32>,
      %add3A_553 = arith.addf %add3A_546, %get3A_552 : vector<16xf32>
      %get3A_554 = arith.constant 1 : i32
      %get3A_555 = arith.constant 31 : i32
      %get3A_556 = arith.index_cast %get3A_554 : i32 to index
      %get3A_557 = arith.index_cast %get3A_555 : i32 to index
      %get3A_558 = arith.constant 0 : index
      %get3A_559 = tpu.vector_load %arg15[%get3A_556, %get3A_557, %get3A_558] {strides = array<i32>} : memref<2x32x128xf32, #tpu.memory_space<vmem>>, vector<16xf32>,
      %add3A_560 = arith.addf %add3A_553, %get3A_559 : vector<16xf32>
      %mul3A_561 = arith.constant 3.125000e-02 : f32
      %mul3A_562 = vector.broadcast %mul3A_561 : f32 to vector<16xf32>
      %mul3A_563 = arith.mulf %add3A_560, %mul3A_562 : vector<16xf32>
      %get3A_564 = arith.index_cast %add3A_319 : i32 to index
      %get3A_565 = arith.constant 0 : index
      %get3A_566 = tpu.vector_load %arg8[%get3A_564, %get3A_565] {strides = array<i32>} : memref<32x128xf32, #tpu.memory_space<vmem>>, vector<16xf32>,
      %add3A_567 = arith.addf %mul3A_563, %get3A_566 : vector<16xf32>
      %broadcast_in_dim3A_568 = arith.constant true
      %broadcast_in_dim3A_569 = vector.broadcast %broadcast_in_dim3A_568 : i1 to vector<16xi1>
      %masked_cummax3A_570 = tpu.scan <max>, %add3A_567 masked %broadcast_in_dim3A_569 : vector<16xf32>, vector<16xi1> -> vector<16xf32>
      %broadcast_in_dim3A_571 = arith.constant 15 : i32
      %broadcast_in_dim3A_572 = vector.broadcast %broadcast_in_dim3A_571 : i32 to vector<16xi32>
      %broadcast_in_dim3A_573 = vector.shape_cast %broadcast_in_dim3A_572 : vector<16xi32> to vector<16x1xi32>
      %gather3A_574 = vector.shape_cast %broadcast_in_dim3A_573 : vector<16x1xi32> to vector<16xi32>
      %gather3A_575 = tpu.dynamic_gather %masked_cummax3A_570[%gather3A_574] in [0] : vector<16xf32>, vector<16xi32> -> vector<16xf32>
      %eq3A_576 = arith.cmpf oeq, %add3A_567, %gather3A_575 : vector<16xf32>
      %jit3A_577 = arith.constant 16 : i32
      %broadcast_in_dim3A_578 = vector.broadcast %jit3A_577 : i32 to vector<16xi32>
      %select_n3A_579 = arith.select %eq3A_576, %iota3A, %broadcast_in_dim3A_578 : vector<16xi1>, vector<16xi32>
      %neg3A_580 = arith.constant 0 : i32
      %neg3A_581 = vector.broadcast %neg3A_580 : i32 to vector<16xi32>
      %neg3A_582 = arith.subi %neg3A_581, %select_n3A_579 : vector<16xi32>
      %broadcast_in_dim3A_583 = arith.constant true
      %broadcast_in_dim3A_584 = vector.broadcast %broadcast_in_dim3A_583 : i1 to vector<16xi1>
      %masked_cummax3A_585 = arith.constant -2147483648 : i32
      %masked_cummax3A_586 = vector.broadcast %masked_cummax3A_585 : i32 to vector<16xi32>
      %masked_cummax3A_587 = arith.xori %neg3A_582, %masked_cummax3A_586 : vector<16xi32>
      %masked_cummax3A_588 = tpu.scan <max>, %masked_cummax3A_587 masked %broadcast_in_dim3A_584 : vector<16xi32>, vector<16xi1> -> vector<16xi32>
      %masked_cummax3A_589 = arith.xori %masked_cummax3A_588, %masked_cummax3A_586 : vector<16xi32>
      %broadcast_in_dim3A_590 = arith.constant 15 : i32
      %broadcast_in_dim3A_591 = vector.broadcast %broadcast_in_dim3A_590 : i32 to vector<16xi32>
      %broadcast_in_dim3A_592 = vector.shape_cast %broadcast_in_dim3A_591 : vector<16xi32> to vector<16x1xi32>
      %gather3A_593 = vector.shape_cast %broadcast_in_dim3A_592 : vector<16x1xi32> to vector<16xi32>
      %gather3A_594 = tpu.dynamic_gather %masked_cummax3A_589[%gather3A_593] in [0] : vector<16xi32>, vector<16xi32> -> vector<16xi32>
      %neg3A_595 = arith.constant 0 : i32
      %neg3A_596 = vector.broadcast %neg3A_595 : i32 to vector<16xi32>
      %neg3A_597 = arith.subi %neg3A_596, %gather3A_594 : vector<16xi32>
      %broadcast_in_dim3A_598 = vector.broadcast %add3A_319 : i32 to vector<16xi32>
      %eq3A_599 = arith.constant 0 : i32
      %eq3A_600 = vector.broadcast %eq3A_599 : i32 to vector<16xi32>
      %eq3A_601 = arith.cmpi eq, %iota3A, %eq3A_600 : vector<16xi32>
      tpu.vector_store_idx %arg16[%broadcast_in_dim3A_598], %neg3A_597 masked %eq3A_601 : memref<32xi32, #tpu.memory_space<vmem>>[vector<16xi32>], vector<16xi32>, vector<16xi1>
    }
    %scan3A_42 = arith.constant 16 : i32
    "tpu.region"() ({
      %run_scoped3A = tpu.sem_alloc : memref<!tpu.dma_semaphore, #tpu.memory_space<semaphore_mem>>
      %dma_start3A_43 = tpu.memref_slice %arg6[%mul3A_2] : memref<1024xi32, #tpu.memory_space<hbm>> -> memref<32xi32, #tpu.memory_space<hbm>>
      %dma_start3A_44 = tpu.memref_slice %arg6[%mul3A_2] : memref<1024xi32, #tpu.memory_space<hbm>> -> memref<32xi32, #tpu.memory_space<hbm>>
      tpu.enqueue_dma source(%arg16 : memref<32xi32, #tpu.memory_space<vmem>>) target(%dma_start3A_44 : memref<32xi32, #tpu.memory_space<hbm>>) target_semaphore(%run_scoped3A : memref<!tpu.dma_semaphore, #tpu.memory_space<semaphore_mem>>)
      %dma_wait3A = tpu.memref_slice %arg6[%mul3A_2] : memref<1024xi32, #tpu.memory_space<hbm>> -> memref<32xi32, #tpu.memory_space<hbm>>
      %dma_wait3A_45 = tpu.memref_slice %arg6[%mul3A_2] : memref<1024xi32, #tpu.memory_space<hbm>> -> memref<32xi32, #tpu.memory_space<hbm>>
      tpu.wait_dma2 semaphore(%run_scoped3A : memref<!tpu.dma_semaphore, #tpu.memory_space<semaphore_mem>>) src(%arg16 : memref<32xi32, #tpu.memory_space<vmem>>) dst(%dma_wait3A_45 : memref<32xi32, #tpu.memory_space<hbm>>)
      tpu.yield
    }) : () -> ()
    return
  }
}

module attributes {stable_mosaic.version = 14 : i64} {
  func.func @_stage_a(%arg0: i32, %arg1: memref<1024x128xf32, #tpu.memory_space<vmem>>, %arg2: memref<1024x1xf32, #tpu.memory_space<vmem>>, %arg3: memref<2048x128xf32, #tpu.memory_space<vmem>>, %arg4: memref<1x2048xf32, #tpu.memory_space<vmem>>, %arg5: memref<64x128xf32, #tpu.memory_space<vmem>>, %arg6: memref<1x64xf32, #tpu.memory_space<vmem>>, %arg7: memref<64x64xf32, #tpu.memory_space<vmem>>, %arg8: memref<1x64xf32, #tpu.memory_space<vmem>>, %arg9: memref<128x64xf32, #tpu.memory_space<vmem>>, %arg10: memref<1x128xf32, #tpu.memory_space<vmem>>, %arg11: memref<1024x16x128xf32, #tpu.memory_space<vmem>>, %arg12: memref<1x1024x16xf32, #tpu.memory_space<vmem>>, %arg13: memref<1024x128xf32, #tpu.memory_space<vmem>>) attributes {dimension_semantics = [#tpu.dimension_semantics<arbitrary>], iteration_bounds = array<i64: 49>, scalar_prefetch = 0 : i64, scratch_operands = 0 : i64, tpu.core_type = #tpu.core_type<tc>, window_params = [{pipeline_mode = #tpu.pipeline_mode<synchronous>, transform_indices = @transform_0, window_bounds = array<i64: 1024, 128>}, {pipeline_mode = #tpu.pipeline_mode<synchronous>, transform_indices = @transform_1, window_bounds = array<i64: 1024, 1>}, {transform_indices = @transform_2, window_bounds = array<i64: 2048, 128>}, {transform_indices = @transform_3, window_bounds = array<i64: 1, 2048>}, {pipeline_mode = #tpu.pipeline_mode<synchronous>, transform_indices = @transform_4, window_bounds = array<i64: 64, 128>}, {pipeline_mode = #tpu.pipeline_mode<synchronous>, transform_indices = @transform_5, window_bounds = array<i64: 1, 64>}, {pipeline_mode = #tpu.pipeline_mode<synchronous>, transform_indices = @transform_6, window_bounds = array<i64: 64, 64>}, {pipeline_mode = #tpu.pipeline_mode<synchronous>, transform_indices = @transform_7, window_bounds = array<i64: 1, 64>}, {pipeline_mode = #tpu.pipeline_mode<synchronous>, transform_indices = @transform_8, window_bounds = array<i64: 128, 64>}, {pipeline_mode = #tpu.pipeline_mode<synchronous>, transform_indices = @transform_9, window_bounds = array<i64: 1, 128>}, {transform_indices = @transform_10, window_bounds = array<i64: 1024, 16, 128>}, {transform_indices = @transform_11, window_bounds = array<i64: 1, 1024, 16>}, {pipeline_mode = #tpu.pipeline_mode<synchronous>, transform_indices = @transform_12, window_bounds = array<i64: 1024, 128>}]} {
    %get3A = arith.constant 0 : index
    %get3A_0 = arith.constant 0 : index
    %get3A_1 = vector.load %arg1[%get3A, %get3A_0] : memref<1024x128xf32, #tpu.memory_space<vmem>>, vector<1024x128xf32>
    %get3A_2 = arith.constant 0 : index
    %get3A_3 = arith.constant 0 : index
    %get3A_4 = vector.load %arg3[%get3A_2, %get3A_3] : memref<2048x128xf32, #tpu.memory_space<vmem>>, vector<2048x128xf32>
    %dot_general3A = arith.constant dense<0.000000e+00> : vector<1024x2048xf32>
    %dot_general3A_5 = tpu.matmul %get3A_1, %get3A_4, %dot_general3A {dimension_numbers = #tpu.dot_dimension_numbers<[1], [1], [0], [0], [0, 0, 1, 0], [], []>, transpose_lhs_hint = false} : vector<1024x128xf32>, vector<2048x128xf32>, vector<1024x2048xf32> -> vector<1024x2048xf32>
    %get3A_6 = arith.constant 0 : index
    %get3A_7 = arith.constant 0 : index
    %get3A_8 = vector.load %arg2[%get3A_6, %get3A_7] : memref<1024x1xf32, #tpu.memory_space<vmem>>, vector<1024x1xf32>
    %mul3A = arith.constant 2.000000e+00 : f32
    %mul3A_9 = vector.broadcast %mul3A : f32 to vector<1024x2048xf32>
    %mul3A_10 = arith.mulf %mul3A_9, %dot_general3A_5 : vector<1024x2048xf32>
    %sub3A = vector.broadcast %get3A_8 : vector<1024x1xf32> to vector<1024x2048xf32>
    %sub3A_11 = arith.subf %sub3A, %mul3A_10 : vector<1024x2048xf32>
    %get3A_12 = arith.constant 0 : index
    %get3A_13 = arith.constant 0 : index
    %get3A_14 = vector.load %arg4[%get3A_12, %get3A_13] : memref<1x2048xf32, #tpu.memory_space<vmem>>, vector<1x2048xf32>
    %add3A = vector.broadcast %get3A_14 : vector<1x2048xf32> to vector<1024x2048xf32>
    %add3A_15 = arith.addf %sub3A_11, %add3A : vector<1024x2048xf32>
    %reshape3A = vector.shape_cast %add3A_15 : vector<1024x2048xf32> to vector<1024x16x128xf32>
    %swap3A = arith.constant 0 : index
    %swap3A_16 = arith.constant 0 : index
    %swap3A_17 = arith.constant 0 : index
    %swap3A_18 = vector.load %arg11[%swap3A, %swap3A_16, %swap3A_17] : memref<1024x16x128xf32, #tpu.memory_space<vmem>>, vector<1024x16x128xf32>
    tpu.vector_store %arg11[%swap3A, %swap3A_16, %swap3A_17], %reshape3A {strides = array<i32>} : memref<1024x16x128xf32, #tpu.memory_space<vmem>>, vector<1024x16x128xf32>,
    %reshape3A_19 = vector.shape_cast %add3A_15 : vector<1024x2048xf32> to vector<1024x16x128xf32>
    %reduce_min3A = arith.constant dense<0x7F800000> : vector<1024x16xf32>
    %reduce_min3A_20 = vector.multi_reduction <minimumf>, %reshape3A_19, %reduce_min3A [2] : vector<1024x16x128xf32> to vector<1024x16xf32>
    %reshape3A_21 = vector.shape_cast %reduce_min3A_20 : vector<1024x16xf32> to vector<1x1024x16xf32>
    %swap3A_22 = arith.constant 0 : index
    %swap3A_23 = arith.constant 0 : index
    %swap3A_24 = arith.constant 0 : index
    %swap3A_25 = vector.load %arg12[%swap3A_22, %swap3A_23, %swap3A_24] : memref<1x1024x16xf32, #tpu.memory_space<vmem>>, vector<1x1024x16xf32>
    tpu.vector_store %arg12[%swap3A_22, %swap3A_23, %swap3A_24], %reshape3A_21 {strides = array<i32>} : memref<1x1024x16xf32, #tpu.memory_space<vmem>>, vector<1x1024x16xf32>,
    %eq3A = arith.constant 0 : i32
    %eq3A_26 = arith.cmpi eq, %arg0, %eq3A : i32
    %convert_element_type3A = arith.extui %eq3A_26 : i1 to i32
    %cond3A = arith.constant 0 : i32
    %cond3A_27 = arith.cmpi ne, %convert_element_type3A, %cond3A : i32
    scf.if %cond3A_27 {
      %get3A_28 = arith.constant 0 : index
      %get3A_29 = arith.constant 0 : index
      %get3A_30 = vector.load %arg1[%get3A_28, %get3A_29] : memref<1024x128xf32, #tpu.memory_space<vmem>>, vector<1024x128xf32>
      %get3A_31 = arith.constant 0 : index
      %get3A_32 = arith.constant 0 : index
      %get3A_33 = vector.load %arg5[%get3A_31, %get3A_32] : memref<64x128xf32, #tpu.memory_space<vmem>>, vector<64x128xf32>
      %dot_general3A_34 = arith.constant dense<0.000000e+00> : vector<1024x64xf32>
      %dot_general3A_35 = tpu.matmul %get3A_30, %get3A_33, %dot_general3A_34 {dimension_numbers = #tpu.dot_dimension_numbers<[1], [1], [0], [0], [0, 0, 1, 0], [], []>, transpose_lhs_hint = false} : vector<1024x128xf32>, vector<64x128xf32>, vector<1024x64xf32> -> vector<1024x64xf32>
      %get3A_36 = arith.constant 0 : index
      %get3A_37 = arith.constant 0 : index
      %get3A_38 = vector.load %arg6[%get3A_36, %get3A_37] : memref<1x64xf32, #tpu.memory_space<vmem>>, vector<1x64xf32>
      %add3A_39 = vector.broadcast %get3A_38 : vector<1x64xf32> to vector<1024x64xf32>
      %add3A_40 = arith.addf %dot_general3A_35, %add3A_39 : vector<1024x64xf32>
      %max3A = arith.constant 0.000000e+00 : f32
      %max3A_41 = vector.broadcast %max3A : f32 to vector<1024x64xf32>
      %max3A_42 = arith.maximumf %add3A_40, %max3A_41 : vector<1024x64xf32>
      %get3A_43 = arith.constant 0 : index
      %get3A_44 = arith.constant 0 : index
      %get3A_45 = vector.load %arg7[%get3A_43, %get3A_44] : memref<64x64xf32, #tpu.memory_space<vmem>>, vector<64x64xf32>
      %dot_general3A_46 = arith.constant dense<0.000000e+00> : vector<1024x64xf32>
      %dot_general3A_47 = tpu.matmul %max3A_42, %get3A_45, %dot_general3A_46 {dimension_numbers = #tpu.dot_dimension_numbers<[1], [1], [0], [0], [0, 0, 1, 0], [], []>, transpose_lhs_hint = false} : vector<1024x64xf32>, vector<64x64xf32>, vector<1024x64xf32> -> vector<1024x64xf32>
      %get3A_48 = arith.constant 0 : index
      %get3A_49 = arith.constant 0 : index
      %get3A_50 = vector.load %arg8[%get3A_48, %get3A_49] : memref<1x64xf32, #tpu.memory_space<vmem>>, vector<1x64xf32>
      %add3A_51 = vector.broadcast %get3A_50 : vector<1x64xf32> to vector<1024x64xf32>
      %add3A_52 = arith.addf %dot_general3A_47, %add3A_51 : vector<1024x64xf32>
      %max3A_53 = arith.constant 0.000000e+00 : f32
      %max3A_54 = vector.broadcast %max3A_53 : f32 to vector<1024x64xf32>
      %max3A_55 = arith.maximumf %add3A_52, %max3A_54 : vector<1024x64xf32>
      %get3A_56 = arith.constant 0 : index
      %get3A_57 = arith.constant 0 : index
      %get3A_58 = vector.load %arg9[%get3A_56, %get3A_57] : memref<128x64xf32, #tpu.memory_space<vmem>>, vector<128x64xf32>
      %dot_general3A_59 = arith.constant dense<0.000000e+00> : vector<1024x128xf32>
      %dot_general3A_60 = tpu.matmul %max3A_55, %get3A_58, %dot_general3A_59 {dimension_numbers = #tpu.dot_dimension_numbers<[1], [1], [0], [0], [0, 0, 1, 0], [], []>, transpose_lhs_hint = false} : vector<1024x64xf32>, vector<128x64xf32>, vector<1024x128xf32> -> vector<1024x128xf32>
      %get3A_61 = arith.constant 0 : index
      %get3A_62 = arith.constant 0 : index
      %get3A_63 = vector.load %arg10[%get3A_61, %get3A_62] : memref<1x128xf32, #tpu.memory_space<vmem>>, vector<1x128xf32>
      %add3A_64 = vector.broadcast %get3A_63 : vector<1x128xf32> to vector<1024x128xf32>
      %add3A_65 = arith.addf %dot_general3A_60, %add3A_64 : vector<1024x128xf32>
      %swap3A_66 = arith.constant 0 : index
      %swap3A_67 = arith.constant 0 : index
      %swap3A_68 = vector.load %arg13[%swap3A_66, %swap3A_67] : memref<1024x128xf32, #tpu.memory_space<vmem>>, vector<1024x128xf32>
      tpu.vector_store %arg13[%swap3A_66, %swap3A_67], %add3A_65 {strides = array<i32>} : memref<1024x128xf32, #tpu.memory_space<vmem>>, vector<1024x128xf32>,
    } else {
    }
    return
  }
  func.func @transform_0(%arg0: i32) -> (i32, i32) {
    %c0_i32 = arith.constant 0 : i32
    %c0_i32_0 = arith.constant 0 : i32
    %c0_i32_1 = arith.constant 0 : i32
    return %c0_i32, %c0_i32_0 : i32, i32
  }
  func.func @transform_1(%arg0: i32) -> (i32, i32) {
    %c0_i32 = arith.constant 0 : i32
    %c0_i32_0 = arith.constant 0 : i32
    %c0_i32_1 = arith.constant 0 : i32
    return %c0_i32, %c0_i32_0 : i32, i32
  }
  func.func @transform_2(%arg0: i32) -> (i32, i32) {
    %c0_i32 = arith.constant 0 : i32
    %c0_i32_0 = arith.constant 0 : i32
    return %arg0, %c0_i32 : i32, i32
  }
  func.func @transform_3(%arg0: i32) -> (i32, i32) {
    %c0_i32 = arith.constant 0 : i32
    %c0_i32_0 = arith.constant 0 : i32
    return %c0_i32, %arg0 : i32, i32
  }
  func.func @transform_4(%arg0: i32) -> (i32, i32) {
    %c0_i32 = arith.constant 0 : i32
    %c0_i32_0 = arith.constant 0 : i32
    %c0_i32_1 = arith.constant 0 : i32
    return %c0_i32, %c0_i32_0 : i32, i32
  }
  func.func @transform_5(%arg0: i32) -> (i32, i32) {
    %c0_i32 = arith.constant 0 : i32
    %c0_i32_0 = arith.constant 0 : i32
    %c0_i32_1 = arith.constant 0 : i32
    return %c0_i32, %c0_i32_0 : i32, i32
  }
  func.func @transform_6(%arg0: i32) -> (i32, i32) {
    %c0_i32 = arith.constant 0 : i32
    %c0_i32_0 = arith.constant 0 : i32
    %c0_i32_1 = arith.constant 0 : i32
    return %c0_i32, %c0_i32_0 : i32, i32
  }
  func.func @transform_7(%arg0: i32) -> (i32, i32) {
    %c0_i32 = arith.constant 0 : i32
    %c0_i32_0 = arith.constant 0 : i32
    %c0_i32_1 = arith.constant 0 : i32
    return %c0_i32, %c0_i32_0 : i32, i32
  }
  func.func @transform_8(%arg0: i32) -> (i32, i32) {
    %c0_i32 = arith.constant 0 : i32
    %c0_i32_0 = arith.constant 0 : i32
    %c0_i32_1 = arith.constant 0 : i32
    return %c0_i32, %c0_i32_0 : i32, i32
  }
  func.func @transform_9(%arg0: i32) -> (i32, i32) {
    %c0_i32 = arith.constant 0 : i32
    %c0_i32_0 = arith.constant 0 : i32
    %c0_i32_1 = arith.constant 0 : i32
    return %c0_i32, %c0_i32_0 : i32, i32
  }
  func.func @transform_10(%arg0: i32) -> (i32, i32, i32) {
    %c0_i32 = arith.constant 0 : i32
    %c0_i32_0 = arith.constant 0 : i32
    %c0_i32_1 = arith.constant 0 : i32
    return %c0_i32, %arg0, %c0_i32_0 : i32, i32, i32
  }
  func.func @transform_11(%arg0: i32) -> (i32, i32, i32) {
    %c0_i32 = arith.constant 0 : i32
    %c0_i32_0 = arith.constant 0 : i32
    %c0_i32_1 = arith.constant 0 : i32
    return %arg0, %c0_i32, %c0_i32_0 : i32, i32, i32
  }
  func.func @transform_12(%arg0: i32) -> (i32, i32) {
    %c0_i32 = arith.constant 0 : i32
    %c0_i32_0 = arith.constant 0 : i32
    %c0_i32_1 = arith.constant 0 : i32
    return %c0_i32, %c0_i32_0 : i32, i32
  }
}

</mosaic_0001>

<sc_bundles>
// kernel: kernel.4.cloned.1.call-start
scs
__scs_entry_jumppad:
0x0: {  	(pc) =	sbr.rel $0x88, $3  }
0x1: {  	(tag) =	ssettag $0x0;
	lr =	simm.s32 $0x1  }
0x2: {  	[smem:$0x3F98] =	sst lr;
	_ =	strace $0xD0000000  }
0x3: {  	_ = 	snop  }
0x4: {  	_ = 	snop  }
0x5: {  	_ = 	snop  }
0x6: {  	_ = 	snop  }
0x7: {  	_ = 	snop  }
__scs_overlays_trampoline_lowered:
0x8: {  	[smem:$0x3FA7] =	sst s0  }
0x9: {  	[smem:$0x3FA8] =	sst s1  }
0xa: {  	[smem:$0x3FA9] =	sst s2  }
0xb: {  	[smem:$0x3FAA] =	sst s3  }
0xc: {  	[smem:$0x3FAB] =	sst s4  }
0xd: {  	[smem:$0x3FAC] =	sst s5  }
0xe: {  	[smem:$0x3FAD] =	sst s6  }
0xf: {  	[smem:$0x3FAE] =	sst s7  }
0x10: {  	[smem:$0x3FAF] =	sst s8  }
0x11: {  	[smem:$0x3FB0] =	sst s9;
	s0 =	simm.s32 @!p0 $0x0  }
0x12: {  	s1 =	sld [smem:$0x3F96];
	s0 =	simm.s32 @p0 $0x1  }
0x13: {  	[smem:$0x3FB1] =	sst s0;
	s0 =	simm.s32 @!p1 $0x0  }
0x14: {  	s2 =	sld [smem:$0x3F95];
	s0 =	simm.s32 @p1 $0x1  }
0x15: {  	[smem:$0x3FB2] =	sst s0;
	s0 =	simm.s32 @!p2 $0x0  }
0x16: {  	s3 =	sld [smem:$0x3FDB];
	s0 =	simm.s32 @p2 $0x1  }
0x17: {  	s4 =	simm.s32 $0x1BF5;
	[smem:$0x3FB4] =	sst s0  }
0x18: {  	s0 =	sld [smem:$0x3F97];
	_ =	swait.ge [sflag:s4], $0x0  }
0x19: {  	s7 =	sld [smem:$0x3F98]  }
0x1a: {  	s8 =	sadd.s32 $0xFFFFE003, lr  }
0x1b: {  	s9 =	sadd.s32 $0xFFFFFEF7, lr;
	s5 =	simm.s32 $0xFFFFFFFF;
	p2 =	slt.u32 s8, $0xFFFFF086  }
0x1c: {  	p1 =	slt.u32 s9, $0xF7A;
	s5 =	simm.s32 @!p2 $0x0  }
0x1d: {  	s5 =	simm.s32 @p1 $0x1;
	p0 =	seq.s32 s7, s2  }
0x1e: {  	s7 =	smul.u32 @!p0 $0xF7A, s2;
	p2 =	seq.s32 @!p0 s5, $0x0  }
0x1f: {  	s9 =	smul.u32 $0xF7A, s1;
	s8 =	simm.s32 @!p0 $0x1BF5;
	p2 =	por !p2, p0  }
0x20: {  	[sflag:s8] =	ssyncset.s32 @!p0 $0xFFFFF086;
	s6 =	sadd.s32 @!p0 s3, s7;
	s7 =	simm.s32 @!p0 $0x108  }
0x21: {  	s3 =	sadd.s32 s3, s9;
	s6 =	sadd.s32 @!p0 $0x88, s6;
	s7 =	simm.s32 @p2 $0x1082  }
0x22: {  	[simem:s7], [sflag:s8] =	dma.local @!p0 [hbm:s6], $0xF7A  }
0x23: {  	s9 =	sor.u32 $0xD0000000, s2;
	s6 =	simm.s32 $0x108;
	_ =	swait.ge @!p0 [sflag:s8], $0x0  }
0x24: {  	s3 =	sadd.s32 $0x88, s3;
	s6 =	simm.s32 @!p1 $0x1082;
	[sflag:s4] =	ssyncset.s32 $0xFFFFF086  }
0x25: {  	[simem:s6], [sflag:s4] =	dma.local [hbm:s3], $0xF7A  }
0x26: {  	[smem:$0x3F98] =	sst s1;
	(tag) =	ssettag s2;
	_ =	strace s9  }
0x27: {  	s1 =	sld [smem:$0x3FA8]  }
0x28: {  	s2 =	sld [smem:$0x3FA9]  }
0x29: {  	s4 =	sld [smem:$0x3FAB]  }
0x2a: {  	p0 =	seq.s32 s5, $0x0;
	s5 =	sld [smem:$0x3FAC]  }
0x2b: {  	s6 =	sld [smem:$0x3FAD]  }
0x2c: {  	s7 =	sld [smem:$0x3FAE]  }
0x2d: {  	s3 =	simm.s32 $0x108;
	s8 =	sld [smem:$0x3FAF]  }
0x2e: {  	s3 =	simm.s32 @!p0 $0x1082;
	s9 =	sld [smem:$0x3FB0]  }
0x2f: {  	lr =	sadd.s32 s0, s3;
	s0 =	sld [smem:$0x3FA7]  }
0x30: {  	s3 =	sld [smem:$0x3FAA]  }
0x31: {  	[smem:$0x3FB3] =	sst s10  }
0x32: {  	s10 =	sld [smem:$0x3FB1];
	_ =	sdelay $0x3  }
0x33: {  	p0 =	seq.s32 s10, $0x1;
	s10 =	sld [smem:$0x3FB3];
	_ =	sdelay $0x3  }
0x34: {  	[smem:$0x3FB3] =	sst s10  }
0x35: {  	s10 =	sld [smem:$0x3FB2];
	_ =	sdelay $0x3  }
0x36: {  	p1 =	seq.s32 s10, $0x1;
	s10 =	sld [smem:$0x3FB3];
	_ =	sdelay $0x3  }
0x37: {  	[smem:$0x3FB3] =	sst s10  }
0x38: {  	s10 =	sld [smem:$0x3FB4]  }
0x39: {  	_ = 	snop;
	(pc) =	sbr.ind lr, $3  }
0x3a: {  	_ = 	snop  }
0x3b: {  	_ = 	snop  }
0x3c: {  	p2 =	seq.s32 s10, $0x1;
	s10 =	sld [smem:$0x3FB3]  }
0x3d: {  	_ =	shalt  }
0x3e: {  	_ =	shalt  }
0x3f: {  	_ =	shalt  }
0x40: {  	_ =	shalt  }
0x41: {  	_ =	shalt  }
0x42: {  	_ =	shalt  }
0x43: {  	_ =	shalt  }
0x44: {  	_ =	shalt  }
0x45: {  	_ =	shalt  }
0x46: {  	_ =	shalt  }
0x47: {  	_ =	shalt  }
0x48: {  	_ =	shalt  }
0x49: {  	_ =	shalt  }
0x4a: {  	_ =	shalt  }
0x4b: {  	_ =	shalt  }
0x4c: {  	_ =	shalt  }
0x4d: {  	_ =	shalt  }
0x4e: {  	_ =	shalt  }
0x4f: {  	_ =	shalt  }
0x50: {  	_ =	shalt  }
0x51: {  	_ =	shalt  }
0x52: {  	_ =	shalt  }
0x53: {  	_ =	shalt  }
0x54: {  	_ =	shalt  }
0x55: {  	_ =	shalt  }
0x56: {  	_ =	shalt  }
0x57: {  	_ =	shalt  }
0x58: {  	_ =	shalt  }
0x59: {  	_ =	shalt  }
0x5a: {  	_ =	shalt  }
0x5b: {  	_ =	shalt  }
0x5c: {  	_ =	shalt  }
0x5d: {  	_ =	shalt  }
0x5e: {  	_ =	shalt  }
0x5f: {  	_ =	shalt  }
0x60: {  	_ =	shalt  }
0x61: {  	_ =	shalt  }
0x62: {  	_ =	shalt  }
0x63: {  	_ =	shalt  }
0x64: {  	_ =	shalt  }
0x65: {  	_ =	shalt  }
0x66: {  	_ =	shalt  }
0x67: {  	_ =	shalt  }
0x68: {  	_ =	shalt  }
0x69: {  	_ =	shalt  }
0x6a: {  	_ =	shalt  }
0x6b: {  	_ =	shalt  }
0x6c: {  	_ =	shalt  }
0x6d: {  	_ =	shalt  }
0x6e: {  	_ =	shalt  }
0x6f: {  	_ =	shalt  }
0x70: {  	_ =	shalt  }
0x71: {  	_ =	shalt  }
0x72: {  	_ =	shalt  }
0x73: {  	_ =	shalt  }
0x74: {  	_ =	shalt  }
0x75: {  	_ =	shalt  }
0x76: {  	_ =	shalt  }
0x77: {  	_ =	shalt  }
0x78: {  	_ =	shalt  }
0x79: {  	_ =	shalt  }
0x7a: {  	_ =	shalt  }
0x7b: {  	_ =	shalt  }
0x7c: {  	_ =	shalt  }
0x7d: {  	_ =	shalt  }
0x7e: {  	_ =	shalt  }
0x7f: {  	_ =	shalt  }
0x80: {  	_ =	shalt  }
0x81: {  	_ =	shalt  }
0x82: {  	_ =	shalt  }
0x83: {  	_ =	shalt  }
0x84: {  	_ =	shalt  }
0x85: {  	_ =	shalt  }
0x86: {  	_ =	shalt  }
0x87: {  	_ =	shalt  }
.Lfunc_end0:
.L_simem_size_0:
called_computation_lowered:
.L_overlay_start_0:
0x88: {  	s2 =	sld [smem:$0x3FD9]  }
0x89: {  	s3 =	sld [smem:$0x3FFE];
	_ =	sdelay $0x1  }
0x8a: {  	s1 =	srdreg.scid  }
0x8b: {  	s0 =	sand.u32 $0x1, s1  }
0x8c: {  	s17 =	sshll.u32 s0, $0xA;
	s2 =	sadd.s32 s3, s2  }
0x8d: {  	s2 =	sadd.s32 s2, s17  }
0x8e: {  	[smem:$0x3FBF] =	sst s2  }
0x8f: {  	_ = 	snop  }
0x90: {  	s2 =	sld [smem:$0x3FD0];
	(tm) =	ssettm $0x1  }
0x91: {  	s18 =	sld [smem:$0x3FFB];
	_ =	sdelay $0x3  }
0x92: {  	_ =	strace s18  }
0x93: {  	s3 =	sld [smem:$0x3FFC];
	_ =	sdelay $0x3  }
0x94: {  	_ =	strace s3  }
0x95: {  	s3 =	sld [smem:$0x3FFD];
	_ =	sdelay $0x3  }
0x96: {  	_ =	strace s3  }
0x97: {  	_ =	strace $0x8FFFFFFF  }
0x98: {  	s19 =	sld [smem:$0x3FDB];
	_ =	sdelay $0x1  }
0x99: {  	s4 =	simm.s32 $_scs_section_size  }
0x9a: {  	s5 =	simm.s32 $_size__tile_overlayer_lowered;
	s6 =	simm.s32 $_tile_overlayer_lowered  }
0x9b: {  	s22 =	simm.s32 $0x1BFF;
	s21 =	sshll.u32 s6, $0x1;
	s3 =	sadd.s32 s4, s19  }
0x9c: {  	s7 =	simm.s32 $0x0;
	s20 =	sshll.u32 s5, $0x1;
	s5 =	sadd.s32 s21, s3  }
0x9d: {  	[timem:s7], [sflag:s22] =	dma.local [hbm:s5], s20  }
0x9e: {  	_ =	swait.ge [sflag:s22], s20  }
0x9f: {  	s4 =	ssub.s32 $0x0, s20;
	[sflag:s22] =	ssyncset.done $0x0  }
0xa0: {  	[sflag:s22] =	ssyncadd.s32 s4;
	_ =	sdelay $0x1  }
0xa1: {  	s23 =	simm.s32 $0x1B8B  }
0xa2: {  	_ =	swait.ge [sflag:s23], $0x1  }
0xa3: {  	[sflag:s23] =	ssyncset.done $0x0  }
0xa4: {  	s25 =	simm.s32 $0x1B8E;
	s24 =	sld [smem:$0x3FFE];
	[sflag:s23] =	ssyncadd.s32 $0xFFFFFFFF  }
0xa5: {  	s26 =	simm.s32 $execute0_lowered;
	[smem:$0x3FD2] =	sst s25  }
0xa6: {  	s5 =	sshll.u32 s26, $0x1;
	_ =	strace $0x80000046;
	[dreg:$0x1] =	wrdreg $0xFFFFFFFF  }
0xa7: {  	s28 =	simm.s32 $_size_execute0_lowered;
	s3 =	sadd.s32 s3, s5;
	[dreg:$0x0] =	wrdreg $0x0  }
0xa8: {  	s5 =	sshll.u32 s28, $0x1;
	[dreg:$0x2] =	wrdreg s3  }
0xa9: {  	[dreg:$0x3] =	wrdreg s5  }
0xaa: {  	[dreg:$0x4] =	wrdreg $0xC0  }
0xab: {  	_ =	task [dreg:s7], $0x5FFFF  }
0xac: {  	[dreg:$0x1] =	wrdreg $0xFFFFFFFF  }
0xad: {  	[dreg:$0x0] =	wrdreg $0x60  }
0xae: {  	[dreg:$0x2] =	wrdreg s24  }
0xaf: {  	[dreg:$0x3] =	wrdreg s2  }
0xb0: {  	[dreg:$0x4] =	wrdreg $0x9  }
0xb1: {  	_ =	task.clear_ibuf [dreg:s7], $0x5FFFF;
	_ =	strace $0x90000046  }
0xb2: {  	s29 =	simm.s32 $0x9;
	_ =	strace $0x80000048  }
0xb3: {  	_ =	swait.ge [sflag:s29], $0x1  }
0xb4: {  	[sflag:s29] =	ssyncadd.s32 $0xFFFFFFFF  }
0xb5: {  	_ =	strace $0x90000048  }
0xb6: {  	_ =	sfence  }
0xb7: {  	s30 =	sld [smem:$0x0];
	_ =	sdelay $0x2  }
0xb8: {  	s31 =	sshll.u32 s1, $0xD;
	s1 =	sshrl.u32 s1, $0x2  }
0xb9: {  	s3 =	sand.u32 $0x4000, s31;
	s1 =	sadd.s32 s1, s30  }
0xba: {  	s0 =	sor.u32 s3, s0;
	s1 =	sshll.u32 s1, $0x11  }
0xbb: {  	s0 =	sor.u32 s1, s0  }
0xbc: {  	s0 =	sadd.s32 $0x8F2B, s0  }
0xbd: {  	[sflag:s0] =	ssyncadd.remote.s32 $0x1  }
0xbe: {  	_ =	sfence.sel $0xFFFF  }
0xbf: {  	[dreg:$0x0] =	wrdreg $0xFFFFFFFF;
	(pc) =	sbr.abs _section_cstart, $3  }
0xc0: {  	[dreg:$0x1] =	wrdreg $0xFFFFFFFF  }
0xc1: {  	_ =	task.clear_ibuf [dreg:s7], $0x2FFFF;
	_ =	strace $0x9FFFFFFF  }
0xc2: {  	(tm) =	ssettm $0x7FFFFFFF  }
0xc3: {  	_ =	shalt  }
tec
execute0_lowered:
.L_overlay_start_1:
0x0: {  	(tag) =	ssettag $0x1  }
0x1: {  	s0 =	srdreg.scid;
	s1 =	rddreg [dreg:$0x0]  }
0x2: {  	s2 =	stileid.u32;
	s6 =	rddreg [dreg:$0x1];
	s10 =	simm.s32 $0x5  }
0x3: {  	s12 =	simm.s32 $0x8000;
	s13 =	simm.s32 $0x8080;
	s14 =	simm.s32 $0x30  }
0x4: {  	s16 =	simm.s32 $0xA880;
	s17 =	simm.s32 $0x1;
	s18 =	simm.s32 $0xC080  }
0x5: {  	s19 =	simm.s32 $0xC100;
	s20 =	simm.s32 $0xC180;
	s21 =	simm.s32 $0x2  }
0x6: {  	s22 =	simm.s32 $0x20;
	s28 =	simm.s32 $0x4;
	s0 =	sand.u32 $0x1, s0  }
0x7: {  	s29 =	simm.s32 $0x0;
	s2 =	sshll.u32 s2, $0x6;
	s3 =	sshll.u32 s0, $0x5  }
0x8: {  	s4 =	sadd.s32 $0x24CE00, s1;
	s0 =	ssub.s32 $0x2, s0;
	s2 =	sor.u32 s3, s2  }
0x9: {  	s3 =	simm.s32 $0x0;
	s25 =	sshrl.u32 s0, $0x1;
	s7 =	sshrl.u32 s2, $0x3  }
0xa: {  	[smem:$0x7FF] =	sst s3;
	s24 =	sshll.u32 s2, $0x4;
	s0 =	ssub.s32 s0, s25  }
0xb: {  	s25 =	simm.s32 $0x3;
	s5 =	smul.u32 $0x380, s7;
	_ =	strace $0x80000047  }
0xc: {  	s9 =	sadd.s32 s24, s1;
	s31 =	sadd.s32 s6, s7;
	s24 =	simm.s32 $0xE180  }
0xd: {  	s30 =	sadd.s32 $0xE00, s9;
	[dreg:$0x5] =	wrdreg s31;
	s8 =	sadd.s32 s5, s1  }
0xe: {  	s9 =	smax.u32 s0, $0x1;
	[dreg:$0x4] =	wrdreg s30;
	s26 =	sadd.s32 $0x4E00, s8  }
0xf: {  	v0 =	vimm.s32 $0xF;
	v2 =	vlaneseq.u32;
	s5 =	sadd.s32 $0xE8CE00, s1;
	[dreg:$0x3] =	wrdreg s26;
	s26 =	simm.s32 $0xF180  }
.LBB2_1:
0x10: {  	s0 =	rddreg [dreg:$0x3]  }
0x11: {  	[tilespmem:s3], [sflag:$0x5] =	stream.linear.gather [hbm4b:s0+s3], $0x7000, $0x38;
	[tilespmem:$0xF200] =	vst v63  }
0x12: {  	_ =	swait.ge [sflag:s10], $0x7000  }
0x13: {  	[sflag:s10] =	ssyncset.done $0x0  }
0x14: {  	s1 =	simm.s32 $0x7000;
	s31 =	rddreg [dreg:$0x4];
	[sflag:s10] =	ssyncadd.s32 $0xFFFF9000  }
0x15: {  	[tilespmem:s1], [sflag:$0x5] =	stream.linear.gather [hbm4b:s31+s3], $0x1000, $0x38;
	[tilespmem:$0xF200] =	vst v63  }
0x16: {  	_ =	swait.ge [sflag:s10], $0x1000  }
0x17: {  	[sflag:s10] =	ssyncset.done $0x0  }
0x18: {  	s30 =	simm.s32 $0x0;
	[sflag:s10] =	ssyncadd.s32 $0xFFFFF000  }
.LBB2_2:
0x19: {  	s0 =	sshrl.u32 s30, $0x3  }
0x1a: {  	s0 =	smul.u32 $0x7000, s0  }
0x1b: {  	s7 =	sshll.u32 s30, $0x7  }
0x1c: {  	s1 =	sand.u32 $0x380, s7;
	s0 =	sshra.s32 s0, $0x2  }
0x1d: {  	s31 =	sor.u32 s1, s0  }
0x1e: {  	v59 =	vld [tilespmem:s31+$0x0]  }
0x1f: {  	v60 =	vld [tilespmem:s31+$0x10]  }
0x20: {  	v58 =	vld [tilespmem:s31+$0x20]  }
0x21: {  	v57 =	vld [tilespmem:s31+$0x30]  }
0x22: {  	v56 =	vld [tilespmem:s31+$0x40]  }
0x23: {  	v55 =	vld [tilespmem:s31+$0x50]  }
0x24: {  	v54 =	vld [tilespmem:s31+$0x60]  }
0x25: {  	v53 =	vld [tilespmem:s31+$0x70]  }
0x26: {  	v52 =	vld [tilespmem:s31+$0x400]  }
0x27: {  	v51 =	vld [tilespmem:s31+$0x410]  }
0x28: {  	v50 =	vld [tilespmem:s31+$0x420]  }
0x29: {  	v49 =	vld [tilespmem:s31+$0x430]  }
0x2a: {  	v48 =	vld [tilespmem:s31+$0x440]  }
0x2b: {  	v47 =	vld [tilespmem:s31+$0x450]  }
0x2c: {  	v46 =	vld [tilespmem:s31+$0x460]  }
0x2d: {  	v45 =	vld [tilespmem:s31+$0x470]  }
0x2e: {  	v44 =	vld [tilespmem:s31+$0x800]  }
0x2f: {  	v43 =	vld [tilespmem:s31+$0x810]  }
0x30: {  	v42 =	vld [tilespmem:s31+$0x820]  }
0x31: {  	v41 =	vld [tilespmem:s31+$0x830]  }
0x32: {  	v40 =	vld [tilespmem:s31+$0x840]  }
0x33: {  	v39 =	vld [tilespmem:s31+$0x850]  }
0x34: {  	v38 =	vld [tilespmem:s31+$0x860]  }
0x35: {  	v37 =	vld [tilespmem:s31+$0x870]  }
0x36: {  	v36 =	vld [tilespmem:s31+$0xC00]  }
0x37: {  	v35 =	vld [tilespmem:s31+$0xC10]  }
0x38: {  	v34 =	vld [tilespmem:s31+$0xC20]  }
0x39: {  	v32 =	vld [tilespmem:s31+$0xC30]  }
0x3a: {  	v31 =	vld [tilespmem:s31+$0xC40]  }
0x3b: {  	v30 =	vld [tilespmem:s31+$0xC50]  }
0x3c: {  	v29 =	vld [tilespmem:s31+$0xC60]  }
0x3d: {  	v28 =	vld [tilespmem:s31+$0xC70]  }
0x3e: {  	v27 =	vld [tilespmem:s31+$0x1000]  }
0x3f: {  	v4 =	vld [tilespmem:s31+$0x1010]  }
0x40: {  	v5 =	vld [tilespmem:s31+$0x1020];
	v6 =	vmin.f32 v59, v60;
	v7 =	vmin.f32 v31, v30  }
0x41: {  	v8 =	vmin.f32 v6, v58;
	v7 =	vmin.f32 v7, v29;
	v6 =	vld [tilespmem:s31+$0x1030]  }
0x42: {  	v8 =	vmin.f32 v8, v57;
	v9 =	vmin.f32 v7, v28;
	v7 =	vld [tilespmem:s31+$0x1040]  }
0x43: {  	v10 =	vmin.f32 v8, v56;
	v9 =	vmin.f32 v9, v27;
	v8 =	vld [tilespmem:s31+$0x1050]  }
0x44: {  	v10 =	vmin.f32 v10, v55;
	v11 =	vmin.f32 v9, v4;
	v9 =	vld [tilespmem:s31+$0x1060]  }
0x45: {  	v12 =	vmin.f32 v10, v54;
	v11 =	vmin.f32 v11, v5;
	v10 =	vld [tilespmem:s31+$0x1070]  }
0x46: {  	v12 =	vmin.f32 v12, v53;
	v13 =	vmin.f32 v11, v6;
	v11 =	vld [tilespmem:s31+$0x1400]  }
0x47: {  	v14 =	vmin.f32 v12, v52;
	v13 =	vmin.f32 v13, v7;
	v12 =	vld [tilespmem:s31+$0x1410]  }
0x48: {  	v14 =	vmin.f32 v14, v51;
	v15 =	vmin.f32 v13, v8;
	v13 =	vld [tilespmem:s31+$0x1420]  }
0x49: {  	v16 =	vmin.f32 v14, v50;
	v15 =	vmin.f32 v15, v9;
	v14 =	vld [tilespmem:s31+$0x1430]  }
0x4a: {  	v16 =	vmin.f32 v16, v49;
	v17 =	vmin.f32 v15, v10;
	v15 =	vld [tilespmem:s31+$0x1440]  }
0x4b: {  	v18 =	vmin.f32 v16, v48;
	v17 =	vmin.f32 v17, v11;
	v16 =	vld [tilespmem:s31+$0x1450]  }
0x4c: {  	v18 =	vmin.f32 v18, v47;
	v19 =	vmin.f32 v17, v12;
	v17 =	vld [tilespmem:s31+$0x1460]  }
0x4d: {  	v20 =	vmin.f32 v18, v46;
	v19 =	vmin.f32 v19, v13;
	v18 =	vld [tilespmem:s31+$0x1470]  }
0x4e: {  	v20 =	vmin.f32 v20, v45;
	v21 =	vmin.f32 v19, v14;
	v19 =	vld [tilespmem:s31+$0x1800]  }
0x4f: {  	v22 =	vmin.f32 v20, v44;
	v21 =	vmin.f32 v21, v15;
	v20 =	vld [tilespmem:s31+$0x1810]  }
0x50: {  	v22 =	vmin.f32 v22, v43;
	v23 =	vmin.f32 v21, v16;
	v21 =	vld [tilespmem:s31+$0x1820]  }
0x51: {  	v24 =	vmin.f32 v22, v42;
	v23 =	vmin.f32 v23, v17;
	v22 =	vld [tilespmem:s31+$0x1830]  }
0x52: {  	v24 =	vmin.f32 v24, v41;
	v25 =	vmin.f32 v23, v18;
	v23 =	vld [tilespmem:s31+$0x1840]  }
0x53: {  	v26 =	vmin.f32 v24, v40;
	v25 =	vmin.f32 v25, v19;
	v24 =	vld [tilespmem:s31+$0x1850]  }
0x54: {  	v26 =	vmin.f32 v26, v39;
	v33 =	vmin.f32 v25, v20;
	v25 =	vld [tilespmem:s31+$0x1860]  }
0x55: {  	v61 =	vmin.f32 v26, v38;
	v33 =	vmin.f32 v33, v21;
	v26 =	vld [tilespmem:s31+$0x1870]  }
0x56: {  	v61 =	vmin.f32 v61, v37;
	v33 =	vmin.f32 v33, v22  }
0x57: {  	v61 =	vmin.f32 v61, v36;
	v33 =	vmin.f32 v33, v23  }
0x58: {  	v61 =	vmin.f32 v61, v35;
	v33 =	vmin.f32 v33, v24  }
0x59: {  	v61 =	vmin.f32 v61, v34;
	v33 =	vmin.f32 v33, v25  }
0x5a: {  	v61 =	vmin.f32 v61, v32;
	v33 =	vmin.f32 v33, v26  }
0x5b: {  	v62 =	vmin.f32 v61, v33  }
0x5c: {  	v62 =	vsub.f32 $0.0e+00, v62;
	_ =	sdelay $0x1  }
0x5d: {  	(xrf0) =	vmax.scan.msk.f32 $0xffff, v62;
	_ =	sdelay $0x2  }
0x5e: {  	v33 =	vmax.f32 v61, v33  }
0x5f: {  	(xrf0) =	vmax.scan.msk.f32 $0xffff, v33;
	_ =	sdelay $0x1  }
0x60: {  	v63, _, _ =	vpop (xrf0)  }
0x61: {  	v33 =	vperm.xlane v63, v0;
	_ =	sdelay $0x1  }
0x62: {  	v33 =	vsub.f32 $0.0e+00, v33  }
0x63: {  	v62, _, _ =	vpop (xrf0)  }
0x64: {  	v61 =	vadd.f32 $-1.000000000e+00, v33;
	v33 =	vperm.xlane v62, v0  }
0x65: {  	s15 =	simm.s32 $0xB;
	s6 =	sadd.s32 $0x400, s31;
	s23 =	sadd.s32 $0x800, s31  }
0x66: {  	s11 =	sadd.s32 $0xC00, s31;
	s0 =	sadd.s32 $0x1000, s31;
	s1 =	sadd.s32 $0x1400, s31;
	v62 =	vadd.f32 v33, v61  }
.LBB2_3:
0x67: {  	p0 =	sne.s32 s15, $0x1  }
0x68: {  	v62 =	vmul.f32 $5.000000000e-01, v62;
	_ =	sdelay $0x1  }
0x69: {  	vm0 =	vle.f32 v59, v62;
	vm1 =	vle.f32 v60, v62  }
0x6a: {  	v63 =	vmpcnt.ones.xlane vm0;
	v3 =	vmpcnt.ones.xlane vm1;
	vm0 =	vle.f32 v58, v62  }
0x6b: {  	v1 =	vmpcnt.ones.xlane vm0;
	vm0 =	vle.f32 v57, v62  }
0x6c: {  	v3 =	vadd.s32 v63, v3;
	v63 =	vmpcnt.ones.xlane vm0;
	vm0 =	vle.f32 v56, v62  }
0x6d: {  	v1 =	vadd.s32 v1, v3;
	v3 =	vmpcnt.ones.xlane vm0;
	vm0 =	vle.f32 v55, v62  }
0x6e: {  	v1 =	vadd.s32 v63, v1;
	v63 =	vmpcnt.ones.xlane vm0;
	vm0 =	vle.f32 v54, v62  }
0x6f: {  	v1 =	vadd.s32 v3, v1;
	v3 =	vmpcnt.ones.xlane vm0;
	vm0 =	vle.f32 v53, v62  }
0x70: {  	v1 =	vadd.s32 v63, v1;
	v63 =	vmpcnt.ones.xlane vm0;
	vm0 =	vle.f32 v52, v62  }
0x71: {  	v1 =	vadd.s32 v3, v1;
	v3 =	vmpcnt.ones.xlane vm0;
	vm0 =	vle.f32 v51, v62  }
0x72: {  	v1 =	vadd.s32 v63, v1;
	v63 =	vmpcnt.ones.xlane vm0;
	vm0 =	vle.f32 v50, v62  }
0x73: {  	v1 =	vadd.s32 v3, v1;
	v3 =	vmpcnt.ones.xlane vm0;
	vm0 =	vle.f32 v49, v62  }
0x74: {  	v1 =	vadd.s32 v63, v1;
	v63 =	vmpcnt.ones.xlane vm0;
	vm0 =	vle.f32 v48, v62  }
0x75: {  	v1 =	vadd.s32 v3, v1;
	v3 =	vmpcnt.ones.xlane vm0;
	vm0 =	vle.f32 v47, v62  }
0x76: {  	v1 =	vadd.s32 v63, v1;
	v63 =	vmpcnt.ones.xlane vm0;
	vm0 =	vle.f32 v46, v62  }
0x77: {  	v1 =	vadd.s32 v3, v1;
	v3 =	vmpcnt.ones.xlane vm0;
	vm0 =	vle.f32 v45, v62  }
0x78: {  	v1 =	vadd.s32 v63, v1;
	v63 =	vmpcnt.ones.xlane vm0;
	vm0 =	vle.f32 v44, v62  }
0x79: {  	v1 =	vadd.s32 v3, v1;
	v3 =	vmpcnt.ones.xlane vm0;
	vm0 =	vle.f32 v43, v62  }
0x7a: {  	v1 =	vadd.s32 v63, v1;
	v63 =	vmpcnt.ones.xlane vm0;
	vm0 =	vle.f32 v42, v62  }
0x7b: {  	v1 =	vadd.s32 v3, v1;
	v3 =	vmpcnt.ones.xlane vm0;
	vm0 =	vle.f32 v41, v62  }
0x7c: {  	v1 =	vadd.s32 v63, v1;
	v63 =	vmpcnt.ones.xlane vm0;
	vm0 =	vle.f32 v40, v62  }
0x7d: {  	v1 =	vadd.s32 v3, v1;
	v3 =	vmpcnt.ones.xlane vm0;
	vm0 =	vle.f32 v39, v62  }
0x7e: {  	v1 =	vadd.s32 v63, v1;
	v63 =	vmpcnt.ones.xlane vm0;
	vm0 =	vle.f32 v38, v62  }
0x7f: {  	v1 =	vadd.s32 v3, v1;
	v3 =	vmpcnt.ones.xlane vm0;
	vm0 =	vle.f32 v37, v62  }
0x80: {  	v1 =	vadd.s32 v63, v1;
	v63 =	vmpcnt.ones.xlane vm0;
	vm0 =	vle.f32 v36, v62  }
0x81: {  	v1 =	vadd.s32 v3, v1;
	v3 =	vmpcnt.ones.xlane vm0;
	vm0 =	vle.f32 v35, v62  }
0x82: {  	v1 =	vadd.s32 v63, v1;
	v63 =	vmpcnt.ones.xlane vm0;
	vm0 =	vle.f32 v34, v62  }
0x83: {  	v1 =	vadd.s32 v3, v1;
	v3 =	vmpcnt.ones.xlane vm0;
	vm0 =	vle.f32 v32, v62  }
0x84: {  	v1 =	vadd.s32 v63, v1;
	v63 =	vmpcnt.ones.xlane vm0;
	vm0 =	vle.f32 v31, v62  }
0x85: {  	v1 =	vadd.s32 v3, v1;
	v3 =	vmpcnt.ones.xlane vm0;
	vm0 =	vle.f32 v30, v62  }
0x86: {  	v1 =	vadd.s32 v63, v1;
	v63 =	vmpcnt.ones.xlane vm0;
	vm0 =	vle.f32 v29, v62  }
0x87: {  	v1 =	vadd.s32 v3, v1;
	v3 =	vmpcnt.ones.xlane vm0;
	vm0 =	vle.f32 v28, v62  }
0x88: {  	v1 =	vadd.s32 v63, v1;
	v63 =	vmpcnt.ones.xlane vm0;
	vm0 =	vle.f32 v27, v62  }
0x89: {  	v1 =	vadd.s32 v3, v1;
	v3 =	vmpcnt.ones.xlane vm0;
	vm0 =	vle.f32 v4, v62  }
0x8a: {  	v1 =	vadd.s32 v63, v1;
	v63 =	vmpcnt.ones.xlane vm0;
	vm0 =	vle.f32 v5, v62  }
0x8b: {  	v1 =	vadd.s32 v3, v1;
	v3 =	vmpcnt.ones.xlane vm0;
	vm0 =	vle.f32 v6, v62  }
0x8c: {  	v1 =	vadd.s32 v63, v1;
	v63 =	vmpcnt.ones.xlane vm0;
	vm0 =	vle.f32 v7, v62  }
0x8d: {  	v1 =	vadd.s32 v3, v1;
	v3 =	vmpcnt.ones.xlane vm0;
	vm0 =	vle.f32 v8, v62  }
0x8e: {  	v1 =	vadd.s32 v63, v1;
	v63 =	vmpcnt.ones.xlane vm0;
	vm0 =	vle.f32 v9, v62  }
0x8f: {  	v1 =	vadd.s32 v3, v1;
	v3 =	vmpcnt.ones.xlane vm0;
	vm0 =	vle.f32 v10, v62  }
0x90: {  	v1 =	vadd.s32 v63, v1;
	v63 =	vmpcnt.ones.xlane vm0;
	vm0 =	vle.f32 v11, v62  }
0x91: {  	v1 =	vadd.s32 v3, v1;
	v3 =	vmpcnt.ones.xlane vm0;
	vm0 =	vle.f32 v12, v62  }
0x92: {  	v1 =	vadd.s32 v63, v1;
	v63 =	vmpcnt.ones.xlane vm0;
	vm0 =	vle.f32 v13, v62  }
0x93: {  	v1 =	vadd.s32 v3, v1;
	v3 =	vmpcnt.ones.xlane vm0;
	vm0 =	vle.f32 v14, v62  }
0x94: {  	v1 =	vadd.s32 v63, v1;
	v63 =	vmpcnt.ones.xlane vm0;
	vm0 =	vle.f32 v15, v62  }
0x95: {  	v1 =	vadd.s32 v3, v1;
	v3 =	vmpcnt.ones.xlane vm0;
	vm0 =	vle.f32 v16, v62  }
0x96: {  	v1 =	vadd.s32 v63, v1;
	v63 =	vmpcnt.ones.xlane vm0;
	vm0 =	vle.f32 v17, v62  }
0x97: {  	v1 =	vadd.s32 v3, v1;
	v3 =	vmpcnt.ones.xlane vm0;
	vm0 =	vle.f32 v18, v62  }
0x98: {  	v1 =	vadd.s32 v63, v1;
	v63 =	vmpcnt.ones.xlane vm0;
	vm0 =	vle.f32 v19, v62  }
0x99: {  	v1 =	vadd.s32 v3, v1;
	v3 =	vmpcnt.ones.xlane vm0;
	vm0 =	vle.f32 v20, v62  }
0x9a: {  	v1 =	vadd.s32 v63, v1;
	v63 =	vmpcnt.ones.xlane vm0;
	vm0 =	vle.f32 v21, v62  }
0x9b: {  	v1 =	vadd.s32 v3, v1;
	v3 =	vmpcnt.ones.xlane vm0;
	vm0 =	vle.f32 v22, v62  }
0x9c: {  	v1 =	vadd.s32 v63, v1;
	v63 =	vmpcnt.ones.xlane vm0;
	vm0 =	vle.f32 v23, v62  }
0x9d: {  	v1 =	vadd.s32 v3, v1;
	v3 =	vmpcnt.ones.xlane vm0;
	vm0 =	vle.f32 v24, v62  }
0x9e: {  	v1 =	vadd.s32 v63, v1;
	v63 =	vmpcnt.ones.xlane vm0;
	vm0 =	vle.f32 v25, v62  }
0x9f: {  	v1 =	vadd.s32 v3, v1;
	v3 =	vmpcnt.ones.xlane vm0;
	vm0 =	vle.f32 v26, v62  }
0xa0: {  	v1 =	vadd.s32 v63, v1;
	v63 =	vmpcnt.ones.xlane vm0  }
.Ltmp0:
0xa1: {  	v1 =	vadd.s32 v3, v1;
	(pc) =	sbr.rel @p0 .LBB2_3-.Ltmp0, $4  }
0xa2: {  	v1 =	vadd.s32 v63, v1  }
0xa3: {  	vm0 =	vgt.s32 v1, $0x1F  }
0xa4: {  	v61 =	vsel vm0, v61, v62;
	v33 =	vsel vm0, v62, v33  }
0xa5: {  	s15 =	sadd.s32 $0xFFFFFFFF, s15;
	v62 =	vadd.f32 v33, v61  }
0xa6: {  	_ = 	snop  }
0xa7: {  	v61 =	vmul.f32 $5.000000000e-01, v62;
	_ =	sdelay $0x1  }
0xa8: {  	vm0 =	vle.f32 v59, v61;
	vm1 =	vle.f32 v60, v61  }
0xa9: {  	vm8 =	vle.f32 v58, v61;
	v1 =	vmpcnt.ones.xlane vm0;
	v3 =	vmpcnt.ones.xlane vm1  }
0xaa: {  	vm9 =	vle.f32 v57, v61;
	v58 =	vmpcnt.ones.xlane vm8  }
0xab: {  	vm10 =	vle.f32 v56, v61;
	v1 =	vadd.s32 v1, v3;
	v3 =	vmpcnt.ones.xlane vm9  }
0xac: {  	vm11 =	vle.f32 v55, v61;
	v56 =	vmpcnt.ones.xlane vm10;
	v1 =	vadd.s32 v58, v1  }
0xad: {  	vm12 =	vle.f32 v54, v61;
	v1 =	vadd.s32 v3, v1;
	v3 =	vmpcnt.ones.xlane vm11  }
0xae: {  	vm13 =	vle.f32 v53, v61;
	v54 =	vmpcnt.ones.xlane vm12;
	v1 =	vadd.s32 v56, v1  }
0xaf: {  	vm14 =	vle.f32 v52, v61;
	v1 =	vadd.s32 v3, v1;
	v3 =	vmpcnt.ones.xlane vm13  }
0xb0: {  	vm15 =	vle.f32 v51, v61;
	v52 =	vmpcnt.ones.xlane vm14;
	v1 =	vadd.s32 v54, v1  }
0xb1: {  	vm4 =	vle.f32 v50, v61;
	v1 =	vadd.s32 v3, v1;
	v3 =	vmpcnt.ones.xlane vm15  }
0xb2: {  	vm5 =	vle.f32 v49, v61;
	v50 =	vmpcnt.ones.xlane vm4;
	v1 =	vadd.s32 v52, v1  }
0xb3: {  	vm6 =	vle.f32 v48, v61;
	v1 =	vadd.s32 v3, v1;
	v3 =	vmpcnt.ones.xlane vm5  }
0xb4: {  	vm7 =	vle.f32 v47, v61;
	v48 =	vmpcnt.ones.xlane vm6;
	v1 =	vadd.s32 v50, v1  }
0xb5: {  	vm8 =	vle.f32 v46, v61;
	v1 =	vadd.s32 v3, v1;
	v3 =	vmpcnt.ones.xlane vm7  }
0xb6: {  	v46 =	vmpcnt.ones.xlane vm8;
	vm9 =	vle.f32 v45, v61;
	v1 =	vadd.s32 v48, v1  }
0xb7: {  	vm10 =	vle.f32 v44, v61;
	v1 =	vadd.s32 v3, v1;
	v3 =	vmpcnt.ones.xlane vm9  }
0xb8: {  	v44 =	vmpcnt.ones.xlane vm10;
	vm11 =	vle.f32 v43, v61;
	v1 =	vadd.s32 v46, v1  }
0xb9: {  	vm12 =	vle.f32 v42, v61;
	v1 =	vadd.s32 v3, v1;
	v3 =	vmpcnt.ones.xlane vm11  }
0xba: {  	v42 =	vmpcnt.ones.xlane vm12;
	vm13 =	vle.f32 v41, v61;
	v1 =	vadd.s32 v44, v1  }
0xbb: {  	vm14 =	vle.f32 v40, v61;
	v1 =	vadd.s32 v3, v1;
	v3 =	vmpcnt.ones.xlane vm13  }
0xbc: {  	v40 =	vmpcnt.ones.xlane vm14;
	vm15 =	vle.f32 v39, v61;
	v1 =	vadd.s32 v42, v1  }
0xbd: {  	vm4 =	vle.f32 v38, v61;
	v1 =	vadd.s32 v3, v1;
	v3 =	vmpcnt.ones.xlane vm15  }
0xbe: {  	v38 =	vmpcnt.ones.xlane vm4;
	vm5 =	vle.f32 v37, v61;
	v1 =	vadd.s32 v40, v1  }
0xbf: {  	vm6 =	vle.f32 v36, v61;
	v1 =	vadd.s32 v3, v1;
	v3 =	vmpcnt.ones.xlane vm5  }
0xc0: {  	v36 =	vmpcnt.ones.xlane vm6;
	vm7 =	vle.f32 v35, v61;
	v1 =	vadd.s32 v38, v1  }
0xc1: {  	vm8 =	vle.f32 v34, v61;
	v1 =	vadd.s32 v3, v1;
	v3 =	vmpcnt.ones.xlane vm7  }
0xc2: {  	v34 =	vmpcnt.ones.xlane vm8;
	vm9 =	vle.f32 v32, v61;
	v1 =	vadd.s32 v36, v1  }
0xc3: {  	vm10 =	vle.f32 v31, v61;
	v1 =	vadd.s32 v3, v1;
	v3 =	vmpcnt.ones.xlane vm9  }
0xc4: {  	v31 =	vmpcnt.ones.xlane vm10;
	vm11 =	vle.f32 v30, v61;
	v1 =	vadd.s32 v34, v1  }
0xc5: {  	vm12 =	vle.f32 v29, v61;
	v1 =	vadd.s32 v3, v1;
	v3 =	vmpcnt.ones.xlane vm11  }
0xc6: {  	v29 =	vmpcnt.ones.xlane vm12;
	vm13 =	vle.f32 v28, v61;
	v1 =	vadd.s32 v31, v1  }
0xc7: {  	vm14 =	vle.f32 v27, v61;
	v1 =	vadd.s32 v3, v1;
	v3 =	vmpcnt.ones.xlane vm13  }
0xc8: {  	v27 =	vmpcnt.ones.xlane vm14;
	vm15 =	vle.f32 v4, v61;
	v1 =	vadd.s32 v29, v1  }
0xc9: {  	vm4 =	vle.f32 v5, v61;
	v1 =	vadd.s32 v3, v1;
	v3 =	vmpcnt.ones.xlane vm15  }
0xca: {  	v55 =	vmpcnt.ones.xlane vm4;
	vm5 =	vle.f32 v6, v61;
	v1 =	vadd.s32 v27, v1  }
0xcb: {  	vm6 =	vle.f32 v7, v61;
	v1 =	vadd.s32 v3, v1;
	v3 =	vmpcnt.ones.xlane vm5  }
0xcc: {  	v56 =	vmpcnt.ones.xlane vm6;
	vm7 =	vle.f32 v8, v61;
	v1 =	vadd.s32 v55, v1  }
0xcd: {  	vm8 =	vle.f32 v9, v61;
	v1 =	vadd.s32 v3, v1;
	v3 =	vmpcnt.ones.xlane vm7  }
0xce: {  	v57 =	vmpcnt.ones.xlane vm8;
	vm9 =	vle.f32 v10, v61;
	v1 =	vadd.s32 v56, v1  }
0xcf: {  	vm10 =	vle.f32 v11, v61;
	v1 =	vadd.s32 v3, v1;
	v3 =	vmpcnt.ones.xlane vm9  }
0xd0: {  	v58 =	vmpcnt.ones.xlane vm10;
	vm11 =	vle.f32 v12, v61;
	v1 =	vadd.s32 v57, v1  }
0xd1: {  	vm12 =	vle.f32 v13, v61;
	v1 =	vadd.s32 v3, v1;
	v3 =	vmpcnt.ones.xlane vm11  }
0xd2: {  	v59 =	vmpcnt.ones.xlane vm12;
	vm13 =	vle.f32 v14, v61;
	v1 =	vadd.s32 v58, v1  }
0xd3: {  	vm14 =	vle.f32 v15, v61;
	v1 =	vadd.s32 v3, v1;
	v3 =	vmpcnt.ones.xlane vm13  }
0xd4: {  	v60 =	vmpcnt.ones.xlane vm14;
	vm15 =	vle.f32 v16, v61;
	v1 =	vadd.s32 v59, v1  }
0xd5: {  	vm4 =	vle.f32 v17, v61;
	v1 =	vadd.s32 v3, v1;
	v3 =	vmpcnt.ones.xlane vm15  }
0xd6: {  	v62 =	vmpcnt.ones.xlane vm4;
	vm5 =	vle.f32 v18, v61;
	v1 =	vadd.s32 v60, v1  }
0xd7: {  	vm6 =	vle.f32 v19, v61;
	v1 =	vadd.s32 v3, v1;
	v3 =	vmpcnt.ones.xlane vm5  }
0xd8: {  	v63 =	vmpcnt.ones.xlane vm6;
	vm7 =	vle.f32 v20, v61;
	v1 =	vadd.s32 v62, v1  }
0xd9: {  	vm8 =	vle.f32 v21, v61;
	v1 =	vadd.s32 v3, v1;
	v3 =	vmpcnt.ones.xlane vm7  }
0xda: {  	v8 =	vmpcnt.ones.xlane vm8;
	vm9 =	vle.f32 v22, v61;
	v1 =	vadd.s32 v63, v1  }
0xdb: {  	vm10 =	vle.f32 v23, v61;
	v1 =	vadd.s32 v3, v1;
	v3 =	vmpcnt.ones.xlane vm9  }
0xdc: {  	v9 =	vmpcnt.ones.xlane vm10;
	vm11 =	vle.f32 v24, v61;
	v1 =	vadd.s32 v8, v1  }
0xdd: {  	vm12 =	vle.f32 v25, v61;
	v1 =	vadd.s32 v3, v1;
	v3 =	vmpcnt.ones.xlane vm11  }
0xde: {  	v10 =	vmpcnt.ones.xlane vm12;
	vm13 =	vle.f32 v26, v61;
	v1 =	vadd.s32 v9, v1  }
0xdf: {  	v11 =	vmov s30;
	v1 =	vadd.s32 v3, v1;
	v3 =	vmpcnt.ones.xlane vm13  }
0xe0: {  	s15 =	sor.u32 s2, s30;
	v1 =	vadd.s32 v10, v1  }
0xe1: {  	s15 =	smul.u32 $0x310, s15;
	v1 =	vadd.s32 v3, v1  }
0xe2: {  	vm14 =	vgt.s32 v1, $0x1F  }
0xe3: {  	s8 =	sadd.s32 $0x30F, s15;
	v4 =	vsel vm14, v61, v33  }
0xe4: {  	v1 =	vmov s8;
	[tilespmem:v11+s12+$0x0] =	vst.idx.msk $0x1, v4  }
0xe5: {  	[tilespmem:s7+$0x8080] =	vst v1  }
0xe6: {  	[tilespmem:s7+$0x8090] =	vst v1  }
0xe7: {  	[tilespmem:s7+$0x80A0] =	vst v1  }
0xe8: {  	v1 =	vld [tilespmem:s31+$0x0];
	_ =	sdelay $0x4  }
0xe9: {  	v15 =	vimm.s32 $0x0;
	vm0 =	vle.f32 v1, v4  }
0xea: {  	v1 =	vsel vm0, $0x1, v15  }
0xeb: {  	(xrf0) =	vadd.scan.msk.s32 $0xffff, v1;
	_ =	sdelay $0x5  }
0xec: {  	v1, _, _ =	vpop (xrf0)  }
0xed: {  	v1 =	vadd.s32 $0xFFFFFFFF, v1  }
0xee: {  	v5 =	vshll.u32 v11, $0x7;
	vm15 =	vlt.s32 v1, $0x30;
	v3 =	vand.u32 $0xFFFFFF80, v1  }
0xef: {  	v1 =	vand.u32 $0x7F, v1;
	vm0 =	vmand vm0, vm15;
	v3 =	vadd.s32 v5, v3  }
0xf0: {  	v1 =	vor.u32 v1, v3;
	_ =	sdelay $0x3  }
0xf1: {  	v3 =	vor.u32 s15, v2  }
0xf2: {  	[tilespmem:v1+s13+$0x0] =	vst.idx.msk vm0, v3  }
0xf3: {  	v1 =	vld [tilespmem:s31+$0x10];
	_ =	sdelay $0x4  }
0xf4: {  	vm4 =	vle.f32 v1, v4  }
0xf5: {  	v1 =	vsel vm4, $0x1, v15  }
0xf6: {  	(xrf0) =	vadd.scan.msk.s32 $0xffff, v1;
	_ =	sdelay $0x3  }
0xf7: {  	v1 =	vmpcnt.ones.xlane vm0;
	_ =	sdelay $0x1  }
0xf8: {  	v1 =	vadd.s32 $0xFFFFFFFF, v1;
	v3, _, _ =	vpop (xrf0)  }
0xf9: {  	v3 =	vadd.s32 v3, v1  }
0xfa: {  	vm5 =	vlt.s32 v3, $0x30;
	v18 =	vand.u32 $0xFFFFFF80, v3  }
0xfb: {  	v3 =	vand.u32 $0x7F, v3;
	vm0 =	vmand vm4, vm5;
	v6 =	vadd.s32 v5, v18  }
0xfc: {  	v3 =	vor.u32 v3, v6;
	_ =	sdelay $0x2  }
0xfd: {  	s8 =	sadd.s32 $0x10, s15  }
0xfe: {  	v19 =	vor.u32 s8, v2  }
0xff: {  	[tilespmem:v3+s13+$0x0] =	vst.idx.msk vm0, v19  }
0x100: {  	v3 =	vld [tilespmem:s31+$0x20];
	_ =	sdelay $0x4  }
0x101: {  	vm6 =	vle.f32 v3, v4  }
0x102: {  	v3 =	vsel vm6, $0x1, v15  }
0x103: {  	(xrf0) =	vadd.scan.msk.s32 $0xffff, v3;
	_ =	sdelay $0x3  }
0x104: {  	v3 =	vmpcnt.ones.xlane vm0;
	_ =	sdelay $0x1  }
0x105: {  	v1 =	vadd.s32 v3, v1;
	v20, _, _ =	vpop (xrf0)  }
0x106: {  	v3 =	vadd.s32 v20, v1  }
0x107: {  	vm7 =	vlt.s32 v3, $0x30;
	v6 =	vand.u32 $0xFFFFFF80, v3  }
0x108: {  	v3 =	vand.u32 $0x7F, v3;
	vm0 =	vmand vm6, vm7;
	v6 =	vadd.s32 v5, v6  }
0x109: {  	v3 =	vor.u32 v3, v6;
	_ =	sdelay $0x2  }
0x10a: {  	s8 =	sadd.s32 $0x20, s15  }
0x10b: {  	v21 =	vor.u32 s8, v2  }
0x10c: {  	[tilespmem:v3+s13+$0x0] =	vst.idx.msk vm0, v21  }
0x10d: {  	v3 =	vld [tilespmem:s31+$0x30];
	_ =	sdelay $0x4  }
0x10e: {  	vm8 =	vle.f32 v3, v4  }
0x10f: {  	v3 =	vsel vm8, $0x1, v15  }
0x110: {  	(xrf0) =	vadd.scan.msk.s32 $0xffff, v3;
	_ =	sdelay $0x3  }
0x111: {  	v3 =	vmpcnt.ones.xlane vm0;
	_ =	sdelay $0x1  }
0x112: {  	v1 =	vadd.s32 v3, v1;
	v22, _, _ =	vpop (xrf0)  }
0x113: {  	v3 =	vadd.s32 v22, v1  }
0x114: {  	vm9 =	vlt.s32 v3, $0x30;
	v6 =	vand.u32 $0xFFFFFF80, v3  }
0x115: {  	v3 =	vand.u32 $0x7F, v3;
	vm0 =	vmand vm8, vm9;
	v6 =	vadd.s32 v5, v6  }
0x116: {  	v3 =	vor.u32 v3, v6;
	_ =	sdelay $0x2  }
0x117: {  	s8 =	sadd.s32 $0x30, s15  }
0x118: {  	v23 =	vor.u32 s8, v2  }
0x119: {  	[tilespmem:v3+s13+$0x0] =	vst.idx.msk vm0, v23  }
0x11a: {  	v3 =	vld [tilespmem:s31+$0x40];
	_ =	sdelay $0x4  }
0x11b: {  	vm10 =	vle.f32 v3, v4  }
0x11c: {  	v3 =	vsel vm10, $0x1, v15  }
0x11d: {  	(xrf0) =	vadd.scan.msk.s32 $0xffff, v3;
	_ =	sdelay $0x3  }
0x11e: {  	v3 =	vmpcnt.ones.xlane vm0;
	_ =	sdelay $0x1  }
0x11f: {  	v1 =	vadd.s32 v3, v1;
	v24, _, _ =	vpop (xrf0)  }
0x120: {  	v3 =	vadd.s32 v24, v1  }
0x121: {  	vm11 =	vlt.s32 v3, $0x30;
	v6 =	vand.u32 $0xFFFFFF80, v3  }
0x122: {  	v3 =	vand.u32 $0x7F, v3;
	vm0 =	vmand vm10, vm11;
	v6 =	vadd.s32 v5, v6  }
0x123: {  	v3 =	vor.u32 v3, v6;
	_ =	sdelay $0x2  }
0x124: {  	s8 =	sadd.s32 $0x40, s15  }
0x125: {  	v25 =	vor.u32 s8, v2  }
0x126: {  	[tilespmem:v3+s13+$0x0] =	vst.idx.msk vm0, v25  }
0x127: {  	v3 =	vld [tilespmem:s31+$0x50];
	_ =	sdelay $0x4  }
0x128: {  	vm12 =	vle.f32 v3, v4  }
0x129: {  	v3 =	vsel vm12, $0x1, v15  }
0x12a: {  	(xrf0) =	vadd.scan.msk.s32 $0xffff, v3;
	_ =	sdelay $0x3  }
0x12b: {  	v3 =	vmpcnt.ones.xlane vm0;
	_ =	sdelay $0x1  }
0x12c: {  	v1 =	vadd.s32 v3, v1;
	v26, _, _ =	vpop (xrf0)  }
0x12d: {  	v3 =	vadd.s32 v26, v1  }
0x12e: {  	vm13 =	vlt.s32 v3, $0x30;
	v6 =	vand.u32 $0xFFFFFF80, v3  }
0x12f: {  	v3 =	vand.u32 $0x7F, v3;
	vm0 =	vmand vm12, vm13;
	v6 =	vadd.s32 v5, v6  }
0x130: {  	v3 =	vor.u32 v3, v6;
	_ =	sdelay $0x2  }
0x131: {  	s8 =	sadd.s32 $0x50, s15  }
0x132: {  	v27 =	vor.u32 s8, v2  }
0x133: {  	[tilespmem:v3+s13+$0x0] =	vst.idx.msk vm0, v27  }
0x134: {  	v3 =	vld [tilespmem:s31+$0x60];
	_ =	sdelay $0x4  }
0x135: {  	vm14 =	vle.f32 v3, v4  }
0x136: {  	v3 =	vsel vm14, $0x1, v15  }
0x137: {  	(xrf0) =	vadd.scan.msk.s32 $0xffff, v3;
	_ =	sdelay $0x3  }
0x138: {  	v3 =	vmpcnt.ones.xlane vm0;
	_ =	sdelay $0x1  }
0x139: {  	v1 =	vadd.s32 v3, v1;
	v28, _, _ =	vpop (xrf0)  }
0x13a: {  	v3 =	vadd.s32 v28, v1  }
0x13b: {  	vm15 =	vlt.s32 v3, $0x30;
	v6 =	vand.u32 $0xFFFFFF80, v3  }
0x13c: {  	v3 =	vand.u32 $0x7F, v3;
	vm0 =	vmand vm14, vm15;
	v6 =	vadd.s32 v5, v6  }
0x13d: {  	v3 =	vor.u32 v3, v6;
	_ =	sdelay $0x2  }
0x13e: {  	s8 =	sadd.s32 $0x60, s15  }
0x13f: {  	v29 =	vor.u32 s8, v2  }
0x140: {  	[tilespmem:v3+s13+$0x0] =	vst.idx.msk vm0, v29  }
0x141: {  	v3 =	vld [tilespmem:s31+$0x70];
	_ =	sdelay $0x4  }
0x142: {  	vm4 =	vle.f32 v3, v4  }
0x143: {  	v3 =	vsel vm4, $0x1, v15  }
0x144: {  	(xrf0) =	vadd.scan.msk.s32 $0xffff, v3;
	_ =	sdelay $0x3  }
0x145: {  	v3 =	vmpcnt.ones.xlane vm0;
	_ =	sdelay $0x1  }
0x146: {  	v1 =	vadd.s32 v3, v1;
	v30, _, _ =	vpop (xrf0)  }
0x147: {  	v3 =	vadd.s32 v30, v1  }
0x148: {  	vm5 =	vlt.s32 v3, $0x30;
	v6 =	vand.u32 $0xFFFFFF80, v3  }
0x149: {  	v3 =	vand.u32 $0x7F, v3;
	vm0 =	vmand vm4, vm5;
	v6 =	vadd.s32 v5, v6  }
0x14a: {  	v3 =	vor.u32 v3, v6;
	_ =	sdelay $0x2  }
0x14b: {  	s8 =	sadd.s32 $0x70, s15  }
0x14c: {  	v31 =	vor.u32 s8, v2  }
0x14d: {  	[tilespmem:v3+s13+$0x0] =	vst.idx.msk vm0, v31  }
0x14e: {  	v3 =	vld [tilespmem:s31+$0x400];
	_ =	sdelay $0x4  }
0x14f: {  	vm6 =	vle.f32 v3, v4  }
0x150: {  	v3 =	vsel vm6, $0x1, v15  }
0x151: {  	(xrf0) =	vadd.scan.msk.s32 $0xffff, v3;
	_ =	sdelay $0x3  }
0x152: {  	v3 =	vmpcnt.ones.xlane vm0;
	_ =	sdelay $0x1  }
0x153: {  	v1 =	vadd.s32 v3, v1;
	v32, _, _ =	vpop (xrf0)  }
0x154: {  	v3 =	vadd.s32 v32, v1  }
0x155: {  	vm7 =	vlt.s32 v3, $0x30;
	v6 =	vand.u32 $0xFFFFFF80, v3  }
0x156: {  	v3 =	vand.u32 $0x7F, v3;
	vm0 =	vmand vm6, vm7;
	v6 =	vadd.s32 v5, v6  }
0x157: {  	v3 =	vor.u32 v3, v6;
	_ =	sdelay $0x2  }
0x158: {  	s8 =	sadd.s32 $0x80, s15  }
0x159: {  	v33 =	vor.u32 s8, v2  }
0x15a: {  	[tilespmem:v3+s13+$0x0] =	vst.idx.msk vm0, v33  }
0x15b: {  	v3 =	vld [tilespmem:s6+$0x10];
	_ =	sdelay $0x4  }
0x15c: {  	vm8 =	vle.f32 v3, v4  }
0x15d: {  	v3 =	vsel vm8, $0x1, v15  }
0x15e: {  	(xrf0) =	vadd.scan.msk.s32 $0xffff, v3;
	_ =	sdelay $0x3  }
0x15f: {  	v3 =	vmpcnt.ones.xlane vm0;
	_ =	sdelay $0x1  }
0x160: {  	v1 =	vadd.s32 v3, v1;
	v34, _, _ =	vpop (xrf0)  }
0x161: {  	v3 =	vadd.s32 v34, v1  }
0x162: {  	vm9 =	vlt.s32 v3, $0x30;
	v6 =	vand.u32 $0xFFFFFF80, v3  }
0x163: {  	v3 =	vand.u32 $0x7F, v3;
	vm0 =	vmand vm8, vm9;
	v6 =	vadd.s32 v5, v6  }
0x164: {  	v3 =	vor.u32 v3, v6;
	_ =	sdelay $0x2  }
0x165: {  	s8 =	sadd.s32 $0x90, s15  }
0x166: {  	v35 =	vor.u32 s8, v2  }
0x167: {  	[tilespmem:v3+s13+$0x0] =	vst.idx.msk vm0, v35  }
0x168: {  	v3 =	vld [tilespmem:s6+$0x20];
	_ =	sdelay $0x4  }
0x169: {  	vm10 =	vle.f32 v3, v4  }
0x16a: {  	v3 =	vsel vm10, $0x1, v15  }
0x16b: {  	(xrf0) =	vadd.scan.msk.s32 $0xffff, v3;
	_ =	sdelay $0x3  }
0x16c: {  	v3 =	vmpcnt.ones.xlane vm0;
	_ =	sdelay $0x1  }
0x16d: {  	v1 =	vadd.s32 v3, v1;
	v36, _, _ =	vpop (xrf0)  }
0x16e: {  	v3 =	vadd.s32 v36, v1  }
0x16f: {  	vm11 =	vlt.s32 v3, $0x30;
	v6 =	vand.u32 $0xFFFFFF80, v3  }
0x170: {  	v3 =	vand.u32 $0x7F, v3;
	vm0 =	vmand vm10, vm11;
	v6 =	vadd.s32 v5, v6  }
0x171: {  	v3 =	vor.u32 v3, v6;
	_ =	sdelay $0x2  }
0x172: {  	s8 =	sadd.s32 $0xA0, s15  }
0x173: {  	v37 =	vor.u32 s8, v2  }
0x174: {  	[tilespmem:v3+s13+$0x0] =	vst.idx.msk vm0, v37  }
0x175: {  	v3 =	vld [tilespmem:s6+$0x30];
	_ =	sdelay $0x4  }
0x176: {  	vm12 =	vle.f32 v3, v4  }
0x177: {  	v3 =	vsel vm12, $0x1, v15  }
0x178: {  	(xrf0) =	vadd.scan.msk.s32 $0xffff, v3;
	_ =	sdelay $0x3  }
0x179: {  	v3 =	vmpcnt.ones.xlane vm0;
	_ =	sdelay $0x1  }
0x17a: {  	v1 =	vadd.s32 v3, v1;
	v38, _, _ =	vpop (xrf0)  }
0x17b: {  	v3 =	vadd.s32 v38, v1  }
0x17c: {  	vm13 =	vlt.s32 v3, $0x30;
	v6 =	vand.u32 $0xFFFFFF80, v3  }
0x17d: {  	v3 =	vand.u32 $0x7F, v3;
	vm0 =	vmand vm12, vm13;
	v6 =	vadd.s32 v5, v6  }
0x17e: {  	v3 =	vor.u32 v3, v6;
	_ =	sdelay $0x2  }
0x17f: {  	s8 =	sadd.s32 $0xB0, s15  }
0x180: {  	v39 =	vor.u32 s8, v2  }
0x181: {  	[tilespmem:v3+s13+$0x0] =	vst.idx.msk vm0, v39  }
0x182: {  	v3 =	vld [tilespmem:s6+$0x40];
	_ =	sdelay $0x4  }
0x183: {  	vm14 =	vle.f32 v3, v4  }
0x184: {  	v3 =	vsel vm14, $0x1, v15  }
0x185: {  	(xrf0) =	vadd.scan.msk.s32 $0xffff, v3;
	_ =	sdelay $0x3  }
0x186: {  	v3 =	vmpcnt.ones.xlane vm0;
	_ =	sdelay $0x1  }
0x187: {  	v1 =	vadd.s32 v3, v1;
	v40, _, _ =	vpop (xrf0)  }
0x188: {  	v3 =	vadd.s32 v40, v1  }
0x189: {  	vm15 =	vlt.s32 v3, $0x30;
	v6 =	vand.u32 $0xFFFFFF80, v3  }
0x18a: {  	v3 =	vand.u32 $0x7F, v3;
	vm0 =	vmand vm14, vm15;
	v6 =	vadd.s32 v5, v6  }
0x18b: {  	v3 =	vor.u32 v3, v6;
	_ =	sdelay $0x2  }
0x18c: {  	s8 =	sadd.s32 $0xC0, s15  }
0x18d: {  	v41 =	vor.u32 s8, v2  }
0x18e: {  	[tilespmem:v3+s13+$0x0] =	vst.idx.msk vm0, v41  }
0x18f: {  	v3 =	vld [tilespmem:s6+$0x50];
	_ =	sdelay $0x4  }
0x190: {  	vm4 =	vle.f32 v3, v4  }
0x191: {  	v3 =	vsel vm4, $0x1, v15  }
0x192: {  	(xrf0) =	vadd.scan.msk.s32 $0xffff, v3;
	_ =	sdelay $0x3  }
0x193: {  	v3 =	vmpcnt.ones.xlane vm0;
	_ =	sdelay $0x1  }
0x194: {  	v1 =	vadd.s32 v3, v1;
	v42, _, _ =	vpop (xrf0)  }
0x195: {  	v3 =	vadd.s32 v42, v1  }
0x196: {  	vm5 =	vlt.s32 v3, $0x30;
	v6 =	vand.u32 $0xFFFFFF80, v3  }
0x197: {  	v3 =	vand.u32 $0x7F, v3;
	vm0 =	vmand vm4, vm5;
	v6 =	vadd.s32 v5, v6  }
0x198: {  	v3 =	vor.u32 v3, v6;
	_ =	sdelay $0x2  }
0x199: {  	s8 =	sadd.s32 $0xD0, s15  }
0x19a: {  	v43 =	vor.u32 s8, v2  }
0x19b: {  	[tilespmem:v3+s13+$0x0] =	vst.idx.msk vm0, v43  }
0x19c: {  	v3 =	vld [tilespmem:s6+$0x60];
	_ =	sdelay $0x4  }
0x19d: {  	vm6 =	vle.f32 v3, v4  }
0x19e: {  	v3 =	vsel vm6, $0x1, v15  }
0x19f: {  	(xrf0) =	vadd.scan.msk.s32 $0xffff, v3;
	_ =	sdelay $0x3  }
0x1a0: {  	v3 =	vmpcnt.ones.xlane vm0;
	_ =	sdelay $0x1  }
0x1a1: {  	v1 =	vadd.s32 v3, v1;
	v44, _, _ =	vpop (xrf0)  }
0x1a2: {  	v3 =	vadd.s32 v44, v1  }
0x1a3: {  	vm7 =	vlt.s32 v3, $0x30;
	v6 =	vand.u32 $0xFFFFFF80, v3  }
0x1a4: {  	v3 =	vand.u32 $0x7F, v3;
	vm0 =	vmand vm6, vm7;
	v6 =	vadd.s32 v5, v6  }
0x1a5: {  	v3 =	vor.u32 v3, v6;
	_ =	sdelay $0x2  }
0x1a6: {  	s8 =	sadd.s32 $0xE0, s15  }
0x1a7: {  	v45 =	vor.u32 s8, v2  }
0x1a8: {  	[tilespmem:v3+s13+$0x0] =	vst.idx.msk vm0, v45  }
0x1a9: {  	v3 =	vld [tilespmem:s6+$0x70];
	_ =	sdelay $0x4  }
0x1aa: {  	vm8 =	vle.f32 v3, v4  }
0x1ab: {  	v3 =	vsel vm8, $0x1, v15  }
0x1ac: {  	(xrf0) =	vadd.scan.msk.s32 $0xffff, v3;
	_ =	sdelay $0x3  }
0x1ad: {  	v3 =	vmpcnt.ones.xlane vm0;
	_ =	sdelay $0x1  }
0x1ae: {  	v1 =	vadd.s32 v3, v1;
	v46, _, _ =	vpop (xrf0)  }
0x1af: {  	v3 =	vadd.s32 v46, v1  }
0x1b0: {  	vm9 =	vlt.s32 v3, $0x30;
	v6 =	vand.u32 $0xFFFFFF80, v3  }
0x1b1: {  	v3 =	vand.u32 $0x7F, v3;
	vm0 =	vmand vm8, vm9;
	v6 =	vadd.s32 v5, v6  }
0x1b2: {  	v3 =	vor.u32 v3, v6;
	_ =	sdelay $0x2  }
0x1b3: {  	s8 =	sadd.s32 $0xF0, s15  }
0x1b4: {  	v47 =	vor.u32 s8, v2  }
0x1b5: {  	[tilespmem:v3+s13+$0x0] =	vst.idx.msk vm0, v47  }
0x1b6: {  	v3 =	vld [tilespmem:s31+$0x800];
	_ =	sdelay $0x4  }
0x1b7: {  	vm10 =	vle.f32 v3, v4  }
0x1b8: {  	v3 =	vsel vm10, $0x1, v15  }
0x1b9: {  	(xrf0) =	vadd.scan.msk.s32 $0xffff, v3;
	_ =	sdelay $0x3  }
0x1ba: {  	v3 =	vmpcnt.ones.xlane vm0;
	_ =	sdelay $0x1  }
0x1bb: {  	v1 =	vadd.s32 v3, v1;
	v48, _, _ =	vpop (xrf0)  }
0x1bc: {  	v3 =	vadd.s32 v48, v1  }
0x1bd: {  	vm11 =	vlt.s32 v3, $0x30;
	v6 =	vand.u32 $0xFFFFFF80, v3  }
0x1be: {  	v3 =	vand.u32 $0x7F, v3;
	vm0 =	vmand vm10, vm11;
	v6 =	vadd.s32 v5, v6  }
0x1bf: {  	v3 =	vor.u32 v3, v6;
	_ =	sdelay $0x2  }
0x1c0: {  	s7 =	sadd.s32 $0x100, s15  }
0x1c1: {  	v49 =	vor.u32 s7, v2  }
0x1c2: {  	[tilespmem:v3+s13+$0x0] =	vst.idx.msk vm0, v49  }
0x1c3: {  	v3 =	vld [tilespmem:s23+$0x10];
	_ =	sdelay $0x4  }
0x1c4: {  	vm12 =	vle.f32 v3, v4  }
0x1c5: {  	v3 =	vsel vm12, $0x1, v15  }
0x1c6: {  	(xrf0) =	vadd.scan.msk.s32 $0xffff, v3;
	_ =	sdelay $0x3  }
0x1c7: {  	v3 =	vmpcnt.ones.xlane vm0;
	_ =	sdelay $0x1  }
0x1c8: {  	v1 =	vadd.s32 v3, v1;
	v50, _, _ =	vpop (xrf0)  }
0x1c9: {  	v3 =	vadd.s32 v50, v1  }
0x1ca: {  	vm13 =	vlt.s32 v3, $0x30;
	v6 =	vand.u32 $0xFFFFFF80, v3  }
0x1cb: {  	v3 =	vand.u32 $0x7F, v3;
	vm0 =	vmand vm12, vm13;
	v6 =	vadd.s32 v5, v6  }
0x1cc: {  	v3 =	vor.u32 v3, v6;
	_ =	sdelay $0x2  }
0x1cd: {  	s8 =	sadd.s32 $0x110, s15  }
0x1ce: {  	v51 =	vor.u32 s8, v2  }
0x1cf: {  	[tilespmem:v3+s13+$0x0] =	vst.idx.msk vm0, v51  }
0x1d0: {  	v3 =	vld [tilespmem:s23+$0x20];
	_ =	sdelay $0x4  }
0x1d1: {  	vm14 =	vle.f32 v3, v4  }
0x1d2: {  	v3 =	vsel vm14, $0x1, v15  }
0x1d3: {  	(xrf0) =	vadd.scan.msk.s32 $0xffff, v3;
	_ =	sdelay $0x3  }
0x1d4: {  	v3 =	vmpcnt.ones.xlane vm0;
	_ =	sdelay $0x1  }
0x1d5: {  	v1 =	vadd.s32 v3, v1;
	v52, _, _ =	vpop (xrf0)  }
0x1d6: {  	v3 =	vadd.s32 v52, v1  }
0x1d7: {  	vm15 =	vlt.s32 v3, $0x30;
	v6 =	vand.u32 $0xFFFFFF80, v3  }
0x1d8: {  	v3 =	vand.u32 $0x7F, v3;
	vm0 =	vmand vm14, vm15;
	v6 =	vadd.s32 v5, v6  }
0x1d9: {  	v3 =	vor.u32 v3, v6;
	_ =	sdelay $0x2  }
0x1da: {  	s7 =	sadd.s32 $0x120, s15  }
0x1db: {  	v53 =	vor.u32 s7, v2  }
0x1dc: {  	[tilespmem:v3+s13+$0x0] =	vst.idx.msk vm0, v53  }
0x1dd: {  	v3 =	vld [tilespmem:s23+$0x30];
	_ =	sdelay $0x4  }
0x1de: {  	vm4 =	vle.f32 v3, v4  }
0x1df: {  	v3 =	vsel vm4, $0x1, v15  }
0x1e0: {  	(xrf0) =	vadd.scan.msk.s32 $0xffff, v3;
	_ =	sdelay $0x3  }
0x1e1: {  	v3 =	vmpcnt.ones.xlane vm0;
	_ =	sdelay $0x1  }
0x1e2: {  	v1 =	vadd.s32 v3, v1;
	v54, _, _ =	vpop (xrf0)  }
0x1e3: {  	v3 =	vadd.s32 v54, v1  }
0x1e4: {  	vm5 =	vlt.s32 v3, $0x30;
	v6 =	vand.u32 $0xFFFFFF80, v3  }
0x1e5: {  	v3 =	vand.u32 $0x7F, v3;
	vm0 =	vmand vm4, vm5;
	v6 =	vadd.s32 v5, v6  }
0x1e6: {  	v3 =	vor.u32 v3, v6;
	_ =	sdelay $0x2  }
0x1e7: {  	s8 =	sadd.s32 $0x130, s15  }
0x1e8: {  	v55 =	vor.u32 s8, v2  }
0x1e9: {  	[tilespmem:v3+s13+$0x0] =	vst.idx.msk vm0, v55  }
0x1ea: {  	v3 =	vld [tilespmem:s23+$0x40];
	_ =	sdelay $0x4  }
0x1eb: {  	vm6 =	vle.f32 v3, v4  }
0x1ec: {  	v3 =	vsel vm6, $0x1, v15  }
0x1ed: {  	(xrf0) =	vadd.scan.msk.s32 $0xffff, v3;
	_ =	sdelay $0x3  }
0x1ee: {  	v3 =	vmpcnt.ones.xlane vm0;
	_ =	sdelay $0x1  }
0x1ef: {  	v1 =	vadd.s32 v3, v1;
	v56, _, _ =	vpop (xrf0)  }
0x1f0: {  	v3 =	vadd.s32 v56, v1  }
0x1f1: {  	vm7 =	vlt.s32 v3, $0x30;
	v6 =	vand.u32 $0xFFFFFF80, v3  }
0x1f2: {  	v3 =	vand.u32 $0x7F, v3;
	vm0 =	vmand vm6, vm7;
	v6 =	vadd.s32 v5, v6  }
0x1f3: {  	v3 =	vor.u32 v3, v6;
	_ =	sdelay $0x2  }
0x1f4: {  	s7 =	sadd.s32 $0x140, s15  }
0x1f5: {  	v57 =	vor.u32 s7, v2  }
0x1f6: {  	[tilespmem:v3+s13+$0x0] =	vst.idx.msk vm0, v57  }
0x1f7: {  	v3 =	vld [tilespmem:s23+$0x50];
	_ =	sdelay $0x4  }
0x1f8: {  	vm8 =	vle.f32 v3, v4  }
0x1f9: {  	v3 =	vsel vm8, $0x1, v15  }
0x1fa: {  	(xrf0) =	vadd.scan.msk.s32 $0xffff, v3;
	_ =	sdelay $0x3  }
0x1fb: {  	v3 =	vmpcnt.ones.xlane vm0;
	_ =	sdelay $0x1  }
0x1fc: {  	v1 =	vadd.s32 v3, v1;
	v58, _, _ =	vpop (xrf0)  }
0x1fd: {  	v3 =	vadd.s32 v58, v1  }
0x1fe: {  	vm9 =	vlt.s32 v3, $0x30;
	v6 =	vand.u32 $0xFFFFFF80, v3  }
0x1ff: {  	v3 =	vand.u32 $0x7F, v3;
	vm0 =	vmand vm8, vm9;
	v6 =	vadd.s32 v5, v6  }
0x200: {  	v3 =	vor.u32 v3, v6;
	_ =	sdelay $0x2  }
0x201: {  	s8 =	sadd.s32 $0x150, s15  }
0x202: {  	v59 =	vor.u32 s8, v2  }
0x203: {  	[tilespmem:v3+s13+$0x0] =	vst.idx.msk vm0, v59  }
0x204: {  	v3 =	vld [tilespmem:s23+$0x60];
	_ =	sdelay $0x4  }
0x205: {  	vm10 =	vle.f32 v3, v4  }
0x206: {  	v3 =	vsel vm10, $0x1, v15  }
0x207: {  	(xrf0) =	vadd.scan.msk.s32 $0xffff, v3;
	_ =	sdelay $0x3  }
0x208: {  	v3 =	vmpcnt.ones.xlane vm0;
	_ =	sdelay $0x1  }
0x209: {  	v1 =	vadd.s32 v3, v1;
	v60, _, _ =	vpop (xrf0)  }
0x20a: {  	v3 =	vadd.s32 v60, v1  }
0x20b: {  	vm11 =	vlt.s32 v3, $0x30;
	v6 =	vand.u32 $0xFFFFFF80, v3  }
0x20c: {  	v3 =	vand.u32 $0x7F, v3;
	vm0 =	vmand vm10, vm11;
	v6 =	vadd.s32 v5, v6  }
0x20d: {  	v3 =	vor.u32 v3, v6;
	_ =	sdelay $0x2  }
0x20e: {  	s7 =	sadd.s32 $0x160, s15  }
0x20f: {  	v61 =	vor.u32 s7, v2  }
0x210: {  	[tilespmem:v3+s13+$0x0] =	vst.idx.msk vm0, v61  }
0x211: {  	v3 =	vld [tilespmem:s23+$0x70];
	_ =	sdelay $0x4  }
0x212: {  	vm12 =	vle.f32 v3, v4  }
0x213: {  	v3 =	vsel vm12, $0x1, v15  }
0x214: {  	(xrf0) =	vadd.scan.msk.s32 $0xffff, v3;
	_ =	sdelay $0x3  }
0x215: {  	v3 =	vmpcnt.ones.xlane vm0;
	_ =	sdelay $0x1  }
0x216: {  	v1 =	vadd.s32 v3, v1;
	v62, _, _ =	vpop (xrf0)  }
0x217: {  	v3 =	vadd.s32 v62, v1  }
0x218: {  	vm13 =	vlt.s32 v3, $0x30;
	v6 =	vand.u32 $0xFFFFFF80, v3  }
0x219: {  	v3 =	vand.u32 $0x7F, v3;
	vm0 =	vmand vm12, vm13;
	v6 =	vadd.s32 v5, v6  }
0x21a: {  	v3 =	vor.u32 v3, v6;
	_ =	sdelay $0x2  }
0x21b: {  	s8 =	sadd.s32 $0x170, s15  }
0x21c: {  	v63 =	vor.u32 s8, v2  }
0x21d: {  	[tilespmem:v3+s13+$0x0] =	vst.idx.msk vm0, v63  }
0x21e: {  	v3 =	vld [tilespmem:s31+$0xC00];
	_ =	sdelay $0x4  }
0x21f: {  	vm14 =	vle.f32 v3, v4  }
0x220: {  	v3 =	vsel vm14, $0x1, v15  }
0x221: {  	(xrf0) =	vadd.scan.msk.s32 $0xffff, v3;
	_ =	sdelay $0x3  }
0x222: {  	v3 =	vmpcnt.ones.xlane vm0;
	_ =	sdelay $0x1  }
0x223: {  	v1 =	vadd.s32 v3, v1;
	v9, _, _ =	vpop (xrf0)  }
0x224: {  	v3 =	vadd.s32 v9, v1  }
0x225: {  	vm15 =	vlt.s32 v3, $0x30;
	v6 =	vand.u32 $0xFFFFFF80, v3  }
0x226: {  	v3 =	vand.u32 $0x7F, v3;
	vm0 =	vmand vm14, vm15;
	v6 =	vadd.s32 v5, v6  }
0x227: {  	v3 =	vor.u32 v3, v6;
	_ =	sdelay $0x2  }
0x228: {  	s23 =	sadd.s32 $0x180, s15  }
0x229: {  	v10 =	vor.u32 s23, v2  }
0x22a: {  	[tilespmem:v3+s13+$0x0] =	vst.idx.msk vm0, v10  }
0x22b: {  	v3 =	vld [tilespmem:s11+$0x10];
	_ =	sdelay $0x4  }
0x22c: {  	vm4 =	vle.f32 v3, v4  }
0x22d: {  	v3 =	vsel vm4, $0x1, v15  }
0x22e: {  	(xrf0) =	vadd.scan.msk.s32 $0xffff, v3;
	_ =	sdelay $0x3  }
0x22f: {  	v3 =	vmpcnt.ones.xlane vm0;
	_ =	sdelay $0x1  }
0x230: {  	v1 =	vadd.s32 v3, v1;
	v11, _, _ =	vpop (xrf0)  }
0x231: {  	v3 =	vadd.s32 v11, v1  }
0x232: {  	vm5 =	vlt.s32 v3, $0x30;
	v6 =	vand.u32 $0xFFFFFF80, v3  }
0x233: {  	v3 =	vand.u32 $0x7F, v3;
	vm0 =	vmand vm4, vm5;
	v6 =	vadd.s32 v5, v6  }
0x234: {  	v3 =	vor.u32 v3, v6;
	_ =	sdelay $0x2  }
0x235: {  	s7 =	sadd.s32 $0x190, s15  }
0x236: {  	v18 =	vor.u32 s7, v2  }
0x237: {  	[tilespmem:v3+s13+$0x0] =	vst.idx.msk vm0, v18  }
0x238: {  	v3 =	vld [tilespmem:s11+$0x20];
	_ =	sdelay $0x4  }
0x239: {  	vm6 =	vle.f32 v3, v4  }
0x23a: {  	v3 =	vsel vm6, $0x1, v15  }
0x23b: {  	(xrf0) =	vadd.scan.msk.s32 $0xffff, v3;
	_ =	sdelay $0x3  }
0x23c: {  	v3 =	vmpcnt.ones.xlane vm0;
	_ =	sdelay $0x1  }
0x23d: {  	v1 =	vadd.s32 v3, v1;
	v19, _, _ =	vpop (xrf0)  }
0x23e: {  	v3 =	vadd.s32 v19, v1  }
0x23f: {  	vm7 =	vlt.s32 v3, $0x30;
	v6 =	vand.u32 $0xFFFFFF80, v3  }
0x240: {  	v3 =	vand.u32 $0x7F, v3;
	vm0 =	vmand vm6, vm7;
	v6 =	vadd.s32 v5, v6  }
0x241: {  	v3 =	vor.u32 v3, v6;
	_ =	sdelay $0x2  }
0x242: {  	s8 =	sadd.s32 $0x1A0, s15  }
0x243: {  	v20 =	vor.u32 s8, v2  }
0x244: {  	[tilespmem:v3+s13+$0x0] =	vst.idx.msk vm0, v20  }
0x245: {  	v3 =	vld [tilespmem:s11+$0x30];
	_ =	sdelay $0x4  }
0x246: {  	vm8 =	vle.f32 v3, v4  }
0x247: {  	v3 =	vsel vm8, $0x1, v15  }
0x248: {  	(xrf0) =	vadd.scan.msk.s32 $0xffff, v3;
	_ =	sdelay $0x3  }
0x249: {  	v3 =	vmpcnt.ones.xlane vm0;
	_ =	sdelay $0x1  }
0x24a: {  	v1 =	vadd.s32 v3, v1;
	v21, _, _ =	vpop (xrf0)  }
0x24b: {  	v3 =	vadd.s32 v21, v1  }
0x24c: {  	vm9 =	vlt.s32 v3, $0x30;
	v6 =	vand.u32 $0xFFFFFF80, v3  }
0x24d: {  	v3 =	vand.u32 $0x7F, v3;
	vm0 =	vmand vm8, vm9;
	v6 =	vadd.s32 v5, v6  }
0x24e: {  	v3 =	vor.u32 v3, v6;
	_ =	sdelay $0x2  }
0x24f: {  	s23 =	sadd.s32 $0x1B0, s15  }
0x250: {  	v22 =	vor.u32 s23, v2  }
0x251: {  	[tilespmem:v3+s13+$0x0] =	vst.idx.msk vm0, v22  }
0x252: {  	v3 =	vld [tilespmem:s11+$0x40];
	_ =	sdelay $0x4  }
0x253: {  	vm10 =	vle.f32 v3, v4  }
0x254: {  	v3 =	vsel vm10, $0x1, v15  }
0x255: {  	(xrf0) =	vadd.scan.msk.s32 $0xffff, v3;
	_ =	sdelay $0x3  }
0x256: {  	v3 =	vmpcnt.ones.xlane vm0;
	_ =	sdelay $0x1  }
0x257: {  	v1 =	vadd.s32 v3, v1;
	v23, _, _ =	vpop (xrf0)  }
0x258: {  	v3 =	vadd.s32 v23, v1  }
0x259: {  	vm11 =	vlt.s32 v3, $0x30;
	v6 =	vand.u32 $0xFFFFFF80, v3  }
0x25a: {  	v3 =	vand.u32 $0x7F, v3;
	vm0 =	vmand vm10, vm11;
	v6 =	vadd.s32 v5, v6  }
0x25b: {  	v3 =	vor.u32 v3, v6;
	_ =	sdelay $0x2  }
0x25c: {  	s7 =	sadd.s32 $0x1C0, s15  }
0x25d: {  	v24 =	vor.u32 s7, v2  }
0x25e: {  	[tilespmem:v3+s13+$0x0] =	vst.idx.msk vm0, v24  }
0x25f: {  	v3 =	vld [tilespmem:s11+$0x50];
	_ =	sdelay $0x4  }
0x260: {  	vm12 =	vle.f32 v3, v4  }
0x261: {  	v3 =	vsel vm12, $0x1, v15  }
0x262: {  	(xrf0) =	vadd.scan.msk.s32 $0xffff, v3;
	_ =	sdelay $0x3  }
0x263: {  	v3 =	vmpcnt.ones.xlane vm0;
	_ =	sdelay $0x1  }
0x264: {  	v1 =	vadd.s32 v3, v1;
	v25, _, _ =	vpop (xrf0)  }
0x265: {  	v3 =	vadd.s32 v25, v1  }
0x266: {  	vm13 =	vlt.s32 v3, $0x30;
	v6 =	vand.u32 $0xFFFFFF80, v3  }
0x267: {  	v3 =	vand.u32 $0x7F, v3;
	vm0 =	vmand vm12, vm13;
	v6 =	vadd.s32 v5, v6  }
0x268: {  	v3 =	vor.u32 v3, v6;
	_ =	sdelay $0x2  }
0x269: {  	s8 =	sadd.s32 $0x1D0, s15  }
0x26a: {  	v26 =	vor.u32 s8, v2  }
0x26b: {  	[tilespmem:v3+s13+$0x0] =	vst.idx.msk vm0, v26  }
0x26c: {  	v3 =	vld [tilespmem:s11+$0x60];
	_ =	sdelay $0x4  }
0x26d: {  	vm14 =	vle.f32 v3, v4  }
0x26e: {  	v3 =	vsel vm14, $0x1, v15  }
0x26f: {  	(xrf0) =	vadd.scan.msk.s32 $0xffff, v3;
	_ =	sdelay $0x3  }
0x270: {  	v3 =	vmpcnt.ones.xlane vm0;
	_ =	sdelay $0x1  }
0x271: {  	v1 =	vadd.s32 v3, v1;
	v27, _, _ =	vpop (xrf0)  }
0x272: {  	v3 =	vadd.s32 v27, v1  }
0x273: {  	vm15 =	vlt.s32 v3, $0x30;
	v6 =	vand.u32 $0xFFFFFF80, v3  }
0x274: {  	v3 =	vand.u32 $0x7F, v3;
	vm0 =	vmand vm14, vm15;
	v6 =	vadd.s32 v5, v6  }
0x275: {  	v3 =	vor.u32 v3, v6;
	_ =	sdelay $0x2  }
0x276: {  	s23 =	sadd.s32 $0x1E0, s15  }
0x277: {  	v28 =	vor.u32 s23, v2  }
0x278: {  	[tilespmem:v3+s13+$0x0] =	vst.idx.msk vm0, v28  }
0x279: {  	v3 =	vld [tilespmem:s11+$0x70];
	_ =	sdelay $0x4  }
0x27a: {  	vm4 =	vle.f32 v3, v4  }
0x27b: {  	v3 =	vsel vm4, $0x1, v15  }
0x27c: {  	(xrf0) =	vadd.scan.msk.s32 $0xffff, v3;
	_ =	sdelay $0x3  }
0x27d: {  	v3 =	vmpcnt.ones.xlane vm0;
	_ =	sdelay $0x1  }
0x27e: {  	v1 =	vadd.s32 v3, v1;
	v29, _, _ =	vpop (xrf0)  }
0x27f: {  	v3 =	vadd.s32 v29, v1  }
0x280: {  	vm5 =	vlt.s32 v3, $0x30;
	v6 =	vand.u32 $0xFFFFFF80, v3  }
0x281: {  	v3 =	vand.u32 $0x7F, v3;
	vm0 =	vmand vm4, vm5;
	v6 =	vadd.s32 v5, v6  }
0x282: {  	v3 =	vor.u32 v3, v6;
	_ =	sdelay $0x2  }
0x283: {  	s7 =	sadd.s32 $0x1F0, s15  }
0x284: {  	v30 =	vor.u32 s7, v2  }
0x285: {  	[tilespmem:v3+s13+$0x0] =	vst.idx.msk vm0, v30  }
0x286: {  	v3 =	vld [tilespmem:s31+$0x1000];
	_ =	sdelay $0x4  }
0x287: {  	vm6 =	vle.f32 v3, v4  }
0x288: {  	v3 =	vsel vm6, $0x1, v15  }
0x289: {  	(xrf0) =	vadd.scan.msk.s32 $0xffff, v3;
	_ =	sdelay $0x3  }
0x28a: {  	v3 =	vmpcnt.ones.xlane vm0;
	_ =	sdelay $0x1  }
0x28b: {  	v1 =	vadd.s32 v3, v1;
	v31, _, _ =	vpop (xrf0)  }
0x28c: {  	v3 =	vadd.s32 v31, v1  }
0x28d: {  	vm7 =	vlt.s32 v3, $0x30;
	v6 =	vand.u32 $0xFFFFFF80, v3  }
0x28e: {  	v3 =	vand.u32 $0x7F, v3;
	vm0 =	vmand vm6, vm7;
	v6 =	vadd.s32 v5, v6  }
0x28f: {  	v3 =	vor.u32 v3, v6;
	_ =	sdelay $0x2  }
0x290: {  	s8 =	sadd.s32 $0x200, s15  }
0x291: {  	v32 =	vor.u32 s8, v2  }
0x292: {  	[tilespmem:v3+s13+$0x0] =	vst.idx.msk vm0, v32  }
0x293: {  	v3 =	vld [tilespmem:s0+$0x10];
	_ =	sdelay $0x4  }
0x294: {  	vm8 =	vle.f32 v3, v4  }
0x295: {  	v3 =	vsel vm8, $0x1, v15  }
0x296: {  	(xrf0) =	vadd.scan.msk.s32 $0xffff, v3;
	_ =	sdelay $0x3  }
0x297: {  	v3 =	vmpcnt.ones.xlane vm0;
	_ =	sdelay $0x1  }
0x298: {  	v1 =	vadd.s32 v3, v1;
	v33, _, _ =	vpop (xrf0)  }
0x299: {  	v3 =	vadd.s32 v33, v1  }
0x29a: {  	vm9 =	vlt.s32 v3, $0x30;
	v6 =	vand.u32 $0xFFFFFF80, v3  }
0x29b: {  	v3 =	vand.u32 $0x7F, v3;
	vm0 =	vmand vm8, vm9;
	v6 =	vadd.s32 v5, v6  }
0x29c: {  	v3 =	vor.u32 v3, v6;
	_ =	sdelay $0x2  }
0x29d: {  	s11 =	sadd.s32 $0x210, s15  }
0x29e: {  	v34 =	vor.u32 s11, v2  }
0x29f: {  	[tilespmem:v3+s13+$0x0] =	vst.idx.msk vm0, v34  }
0x2a0: {  	v3 =	vld [tilespmem:s0+$0x20];
	_ =	sdelay $0x4  }
0x2a1: {  	vm10 =	vle.f32 v3, v4  }
0x2a2: {  	v3 =	vsel vm10, $0x1, v15  }
0x2a3: {  	(xrf0) =	vadd.scan.msk.s32 $0xffff, v3;
	_ =	sdelay $0x3  }
0x2a4: {  	v3 =	vmpcnt.ones.xlane vm0;
	_ =	sdelay $0x1  }
0x2a5: {  	v1 =	vadd.s32 v3, v1;
	v35, _, _ =	vpop (xrf0)  }
0x2a6: {  	v3 =	vadd.s32 v35, v1  }
0x2a7: {  	vm11 =	vlt.s32 v3, $0x30;
	v6 =	vand.u32 $0xFFFFFF80, v3  }
0x2a8: {  	v3 =	vand.u32 $0x7F, v3;
	vm0 =	vmand vm10, vm11;
	v6 =	vadd.s32 v5, v6  }
0x2a9: {  	v3 =	vor.u32 v3, v6;
	_ =	sdelay $0x2  }
0x2aa: {  	s23 =	sadd.s32 $0x220, s15  }
0x2ab: {  	v36 =	vor.u32 s23, v2  }
0x2ac: {  	[tilespmem:v3+s13+$0x0] =	vst.idx.msk vm0, v36  }
0x2ad: {  	v3 =	vld [tilespmem:s0+$0x30];
	_ =	sdelay $0x4  }
0x2ae: {  	vm12 =	vle.f32 v3, v4  }
0x2af: {  	v3 =	vsel vm12, $0x1, v15  }
0x2b0: {  	(xrf0) =	vadd.scan.msk.s32 $0xffff, v3;
	_ =	sdelay $0x3  }
0x2b1: {  	v3 =	vmpcnt.ones.xlane vm0;
	_ =	sdelay $0x1  }
0x2b2: {  	v1 =	vadd.s32 v3, v1;
	v37, _, _ =	vpop (xrf0)  }
0x2b3: {  	v3 =	vadd.s32 v37, v1  }
0x2b4: {  	vm13 =	vlt.s32 v3, $0x30;
	v6 =	vand.u32 $0xFFFFFF80, v3  }
0x2b5: {  	v3 =	vand.u32 $0x7F, v3;
	vm0 =	vmand vm12, vm13;
	v6 =	vadd.s32 v5, v6  }
0x2b6: {  	v3 =	vor.u32 v3, v6;
	_ =	sdelay $0x2  }
0x2b7: {  	s7 =	sadd.s32 $0x230, s15  }
0x2b8: {  	v38 =	vor.u32 s7, v2  }
0x2b9: {  	[tilespmem:v3+s13+$0x0] =	vst.idx.msk vm0, v38  }
0x2ba: {  	v3 =	vld [tilespmem:s0+$0x40];
	_ =	sdelay $0x4  }
0x2bb: {  	vm14 =	vle.f32 v3, v4  }
0x2bc: {  	v3 =	vsel vm14, $0x1, v15  }
0x2bd: {  	(xrf0) =	vadd.scan.msk.s32 $0xffff, v3;
	_ =	sdelay $0x3  }
0x2be: {  	v3 =	vmpcnt.ones.xlane vm0;
	_ =	sdelay $0x1  }
0x2bf: {  	v1 =	vadd.s32 v3, v1;
	v39, _, _ =	vpop (xrf0)  }
0x2c0: {  	v3 =	vadd.s32 v39, v1  }
0x2c1: {  	vm15 =	vlt.s32 v3, $0x30;
	v6 =	vand.u32 $0xFFFFFF80, v3  }
0x2c2: {  	v3 =	vand.u32 $0x7F, v3;
	vm0 =	vmand vm14, vm15;
	v6 =	vadd.s32 v5, v6  }
0x2c3: {  	v3 =	vor.u32 v3, v6;
	_ =	sdelay $0x2  }
0x2c4: {  	s8 =	sadd.s32 $0x240, s15  }
0x2c5: {  	v40 =	vor.u32 s8, v2  }
0x2c6: {  	[tilespmem:v3+s13+$0x0] =	vst.idx.msk vm0, v40  }
0x2c7: {  	v3 =	vld [tilespmem:s0+$0x50];
	_ =	sdelay $0x4  }
0x2c8: {  	vm4 =	vle.f32 v3, v4  }
0x2c9: {  	v3 =	vsel vm4, $0x1, v15  }
0x2ca: {  	(xrf0) =	vadd.scan.msk.s32 $0xffff, v3;
	_ =	sdelay $0x3  }
0x2cb: {  	v3 =	vmpcnt.ones.xlane vm0;
	_ =	sdelay $0x1  }
0x2cc: {  	v1 =	vadd.s32 v3, v1;
	v41, _, _ =	vpop (xrf0)  }
0x2cd: {  	v3 =	vadd.s32 v41, v1  }
0x2ce: {  	vm5 =	vlt.s32 v3, $0x30;
	v6 =	vand.u32 $0xFFFFFF80, v3  }
0x2cf: {  	v3 =	vand.u32 $0x7F, v3;
	vm0 =	vmand vm4, vm5;
	v6 =	vadd.s32 v5, v6  }
0x2d0: {  	v3 =	vor.u32 v3, v6;
	_ =	sdelay $0x2  }
0x2d1: {  	s11 =	sadd.s32 $0x250, s15  }
0x2d2: {  	v42 =	vor.u32 s11, v2  }
0x2d3: {  	[tilespmem:v3+s13+$0x0] =	vst.idx.msk vm0, v42  }
0x2d4: {  	v3 =	vld [tilespmem:s0+$0x60];
	_ =	sdelay $0x4  }
0x2d5: {  	vm6 =	vle.f32 v3, v4  }
0x2d6: {  	v3 =	vsel vm6, $0x1, v15  }
0x2d7: {  	(xrf0) =	vadd.scan.msk.s32 $0xffff, v3;
	_ =	sdelay $0x3  }
0x2d8: {  	v3 =	vmpcnt.ones.xlane vm0;
	_ =	sdelay $0x1  }
0x2d9: {  	v1 =	vadd.s32 v3, v1;
	v43, _, _ =	vpop (xrf0)  }
0x2da: {  	v3 =	vadd.s32 v43, v1  }
0x2db: {  	vm7 =	vlt.s32 v3, $0x30;
	v6 =	vand.u32 $0xFFFFFF80, v3  }
0x2dc: {  	v3 =	vand.u32 $0x7F, v3;
	vm0 =	vmand vm6, vm7;
	v6 =	vadd.s32 v5, v6  }
0x2dd: {  	v3 =	vor.u32 v3, v6;
	_ =	sdelay $0x2  }
0x2de: {  	s23 =	sadd.s32 $0x260, s15  }
0x2df: {  	v44 =	vor.u32 s23, v2  }
0x2e0: {  	[tilespmem:v3+s13+$0x0] =	vst.idx.msk vm0, v44  }
0x2e1: {  	v3 =	vld [tilespmem:s0+$0x70];
	_ =	sdelay $0x4  }
0x2e2: {  	vm8 =	vle.f32 v3, v4  }
0x2e3: {  	v3 =	vsel vm8, $0x1, v15  }
0x2e4: {  	(xrf0) =	vadd.scan.msk.s32 $0xffff, v3;
	_ =	sdelay $0x3  }
0x2e5: {  	v3 =	vmpcnt.ones.xlane vm0;
	_ =	sdelay $0x1  }
0x2e6: {  	v1 =	vadd.s32 v3, v1;
	v45, _, _ =	vpop (xrf0)  }
0x2e7: {  	v3 =	vadd.s32 v45, v1  }
0x2e8: {  	vm9 =	vlt.s32 v3, $0x30;
	v6 =	vand.u32 $0xFFFFFF80, v3  }
0x2e9: {  	v3 =	vand.u32 $0x7F, v3;
	vm0 =	vmand vm8, vm9;
	v6 =	vadd.s32 v5, v6  }
0x2ea: {  	v3 =	vor.u32 v3, v6;
	_ =	sdelay $0x2  }
0x2eb: {  	s7 =	sadd.s32 $0x270, s15  }
0x2ec: {  	v46 =	vor.u32 s7, v2  }
0x2ed: {  	[tilespmem:v3+s13+$0x0] =	vst.idx.msk vm0, v46  }
0x2ee: {  	v3 =	vld [tilespmem:s31+$0x1400];
	_ =	sdelay $0x4  }
0x2ef: {  	vm10 =	vle.f32 v3, v4  }
0x2f0: {  	v3 =	vsel vm10, $0x1, v15  }
0x2f1: {  	(xrf0) =	vadd.scan.msk.s32 $0xffff, v3;
	_ =	sdelay $0x3  }
0x2f2: {  	v3 =	vmpcnt.ones.xlane vm0;
	_ =	sdelay $0x1  }
0x2f3: {  	v1 =	vadd.s32 v3, v1;
	v47, _, _ =	vpop (xrf0)  }
0x2f4: {  	v3 =	vadd.s32 v47, v1  }
0x2f5: {  	vm11 =	vlt.s32 v3, $0x30;
	v6 =	vand.u32 $0xFFFFFF80, v3  }
0x2f6: {  	v3 =	vand.u32 $0x7F, v3;
	vm0 =	vmand vm10, vm11;
	v6 =	vadd.s32 v5, v6  }
0x2f7: {  	v3 =	vor.u32 v3, v6;
	_ =	sdelay $0x2  }
0x2f8: {  	s8 =	sadd.s32 $0x280, s15  }
0x2f9: {  	v48 =	vor.u32 s8, v2  }
0x2fa: {  	[tilespmem:v3+s13+$0x0] =	vst.idx.msk vm0, v48  }
0x2fb: {  	v3 =	vld [tilespmem:s1+$0x10];
	_ =	sdelay $0x4  }
0x2fc: {  	vm12 =	vle.f32 v3, v4  }
0x2fd: {  	v3 =	vsel vm12, $0x1, v15  }
0x2fe: {  	(xrf0) =	vadd.scan.msk.s32 $0xffff, v3;
	_ =	sdelay $0x3  }
0x2ff: {  	v3 =	vmpcnt.ones.xlane vm0;
	_ =	sdelay $0x1  }
0x300: {  	v1 =	vadd.s32 v3, v1;
	v49, _, _ =	vpop (xrf0)  }
0x301: {  	v3 =	vadd.s32 v49, v1  }
0x302: {  	vm13 =	vlt.s32 v3, $0x30;
	v6 =	vand.u32 $0xFFFFFF80, v3  }
0x303: {  	v3 =	vand.u32 $0x7F, v3;
	vm0 =	vmand vm12, vm13;
	v6 =	vadd.s32 v5, v6  }
0x304: {  	v3 =	vor.u32 v3, v6;
	_ =	sdelay $0x2  }
0x305: {  	s11 =	sadd.s32 $0x290, s15  }
0x306: {  	v50 =	vor.u32 s11, v2  }
0x307: {  	[tilespmem:v3+s13+$0x0] =	vst.idx.msk vm0, v50  }
0x308: {  	v3 =	vld [tilespmem:s1+$0x20];
	_ =	sdelay $0x4  }
0x309: {  	vm14 =	vle.f32 v3, v4  }
0x30a: {  	v3 =	vsel vm14, $0x1, v15  }
0x30b: {  	(xrf0) =	vadd.scan.msk.s32 $0xffff, v3;
	_ =	sdelay $0x3  }
0x30c: {  	v3 =	vmpcnt.ones.xlane vm0;
	_ =	sdelay $0x1  }
0x30d: {  	v1 =	vadd.s32 v3, v1;
	v51, _, _ =	vpop (xrf0)  }
0x30e: {  	v3 =	vadd.s32 v51, v1  }
0x30f: {  	vm15 =	vlt.s32 v3, $0x30;
	v6 =	vand.u32 $0xFFFFFF80, v3  }
0x310: {  	v3 =	vand.u32 $0x7F, v3;
	vm0 =	vmand vm14, vm15;
	v6 =	vadd.s32 v5, v6  }
0x311: {  	v3 =	vor.u32 v3, v6;
	_ =	sdelay $0x2  }
0x312: {  	s23 =	sadd.s32 $0x2A0, s15  }
0x313: {  	v52 =	vor.u32 s23, v2  }
0x314: {  	[tilespmem:v3+s13+$0x0] =	vst.idx.msk vm0, v52  }
0x315: {  	v3 =	vld [tilespmem:s1+$0x30];
	_ =	sdelay $0x4  }
0x316: {  	vm4 =	vle.f32 v3, v4  }
0x317: {  	v3 =	vsel vm4, $0x1, v15  }
0x318: {  	(xrf0) =	vadd.scan.msk.s32 $0xffff, v3;
	_ =	sdelay $0x3  }
0x319: {  	v3 =	vmpcnt.ones.xlane vm0;
	_ =	sdelay $0x1  }
0x31a: {  	v1 =	vadd.s32 v3, v1;
	v53, _, _ =	vpop (xrf0)  }
0x31b: {  	v3 =	vadd.s32 v53, v1  }
0x31c: {  	vm5 =	vlt.s32 v3, $0x30;
	v6 =	vand.u32 $0xFFFFFF80, v3  }
0x31d: {  	v3 =	vand.u32 $0x7F, v3;
	vm0 =	vmand vm4, vm5;
	v6 =	vadd.s32 v5, v6  }
0x31e: {  	v3 =	vor.u32 v3, v6;
	_ =	sdelay $0x2  }
0x31f: {  	s6 =	sadd.s32 $0x2B0, s15  }
0x320: {  	v54 =	vor.u32 s6, v2  }
0x321: {  	[tilespmem:v3+s13+$0x0] =	vst.idx.msk vm0, v54  }
0x322: {  	v3 =	vld [tilespmem:s1+$0x40];
	_ =	sdelay $0x4  }
0x323: {  	vm6 =	vle.f32 v3, v4  }
0x324: {  	v3 =	vsel vm6, $0x1, v15  }
0x325: {  	(xrf0) =	vadd.scan.msk.s32 $0xffff, v3;
	_ =	sdelay $0x3  }
0x326: {  	v3 =	vmpcnt.ones.xlane vm0;
	_ =	sdelay $0x1  }
0x327: {  	v1 =	vadd.s32 v3, v1;
	v55, _, _ =	vpop (xrf0)  }
0x328: {  	v3 =	vadd.s32 v55, v1  }
0x329: {  	vm7 =	vlt.s32 v3, $0x30;
	v6 =	vand.u32 $0xFFFFFF80, v3  }
0x32a: {  	v3 =	vand.u32 $0x7F, v3;
	vm0 =	vmand vm6, vm7;
	v6 =	vadd.s32 v5, v6  }
0x32b: {  	v3 =	vor.u32 v3, v6;
	_ =	sdelay $0x2  }
0x32c: {  	s7 =	sadd.s32 $0x2C0, s15  }
0x32d: {  	v56 =	vor.u32 s7, v2  }
0x32e: {  	[tilespmem:v3+s13+$0x0] =	vst.idx.msk vm0, v56  }
0x32f: {  	v3 =	vld [tilespmem:s1+$0x50];
	_ =	sdelay $0x4  }
0x330: {  	vm8 =	vle.f32 v3, v4  }
0x331: {  	v3 =	vsel vm8, $0x1, v15  }
0x332: {  	(xrf0) =	vadd.scan.msk.s32 $0xffff, v3;
	_ =	sdelay $0x3  }
0x333: {  	v3 =	vmpcnt.ones.xlane vm0;
	_ =	sdelay $0x1  }
0x334: {  	v1 =	vadd.s32 v3, v1;
	v57, _, _ =	vpop (xrf0)  }
0x335: {  	v3 =	vadd.s32 v57, v1  }
0x336: {  	vm9 =	vlt.s32 v3, $0x30;
	v6 =	vand.u32 $0xFFFFFF80, v3  }
0x337: {  	v3 =	vand.u32 $0x7F, v3;
	vm0 =	vmand vm8, vm9;
	v6 =	vadd.s32 v5, v6  }
0x338: {  	v3 =	vor.u32 v3, v6;
	_ =	sdelay $0x2  }
0x339: {  	s8 =	sadd.s32 $0x2D0, s15  }
0x33a: {  	v58 =	vor.u32 s8, v2  }
0x33b: {  	[tilespmem:v3+s13+$0x0] =	vst.idx.msk vm0, v58  }
0x33c: {  	v3 =	vld [tilespmem:s1+$0x60];
	_ =	sdelay $0x4  }
0x33d: {  	vm10 =	vle.f32 v3, v4  }
0x33e: {  	v3 =	vsel vm10, $0x1, v15  }
0x33f: {  	(xrf0) =	vadd.scan.msk.s32 $0xffff, v3;
	_ =	sdelay $0x3  }
0x340: {  	v3 =	vmpcnt.ones.xlane vm0;
	_ =	sdelay $0x1  }
0x341: {  	v1 =	vadd.s32 v3, v1;
	v59, _, _ =	vpop (xrf0)  }
0x342: {  	v3 =	vadd.s32 v59, v1  }
0x343: {  	vm11 =	vlt.s32 v3, $0x30;
	v6 =	vand.u32 $0xFFFFFF80, v3  }
0x344: {  	v3 =	vand.u32 $0x7F, v3;
	vm0 =	vmand vm10, vm11;
	v6 =	vadd.s32 v5, v6  }
0x345: {  	v3 =	vor.u32 v3, v6;
	_ =	sdelay $0x2  }
0x346: {  	s11 =	sadd.s32 $0x2E0, s15  }
0x347: {  	v60 =	vor.u32 s11, v2  }
0x348: {  	[tilespmem:v3+s13+$0x0] =	vst.idx.msk vm0, v60  }
0x349: {  	v3 =	vld [tilespmem:s1+$0x70];
	_ =	sdelay $0x4  }
0x34a: {  	vm12 =	vle.f32 v3, v4  }
0x34b: {  	v3 =	vsel vm12, $0x1, v15  }
0x34c: {  	(xrf0) =	vadd.scan.msk.s32 $0xffff, v3;
	_ =	sdelay $0x3  }
0x34d: {  	v3 =	vmpcnt.ones.xlane vm0;
	_ =	sdelay $0x1  }
0x34e: {  	v1 =	vadd.s32 v3, v1;
	v61, _, _ =	vpop (xrf0)  }
0x34f: {  	v3 =	vadd.s32 v61, v1  }
0x350: {  	vm13 =	vlt.s32 v3, $0x30;
	v6 =	vand.u32 $0xFFFFFF80, v3  }
0x351: {  	v3 =	vand.u32 $0x7F, v3;
	vm0 =	vmand vm12, vm13;
	v6 =	vadd.s32 v5, v6  }
0x352: {  	v3 =	vor.u32 v3, v6;
	_ =	sdelay $0x2  }
0x353: {  	s23 =	sadd.s32 $0x2F0, s15  }
0x354: {  	v62 =	vor.u32 s23, v2  }
0x355: {  	[tilespmem:v3+s13+$0x0] =	vst.idx.msk vm0, v62  }
0x356: {  	v3 =	vld [tilespmem:s31+$0x1800];
	_ =	sdelay $0x4  }
0x357: {  	vm14 =	vle.f32 v3, v4  }
0x358: {  	v3 =	vsel vm14, $0x1, v15  }
0x359: {  	(xrf0) =	vadd.scan.msk.s32 $0xffff, v3;
	_ =	sdelay $0x3  }
0x35a: {  	v3 =	vmpcnt.ones.xlane vm0;
	_ =	sdelay $0x1  }
0x35b: {  	v1 =	vadd.s32 v3, v1;
	v63, _, _ =	vpop (xrf0)  }
0x35c: {  	v1 =	vadd.s32 v63, v1  }
0x35d: {  	vm15 =	vlt.s32 v1, $0x30;
	v3 =	vand.u32 $0xFFFFFF80, v1  }
0x35e: {  	s30 =	sadd.s32 $0x1, s30;
	v1 =	vand.u32 $0x7F, v1;
	vm0 =	vmand vm14, vm15;
	v3 =	vadd.s32 v5, v3  }
0x35f: {  	p0 =	sne.s32 s30, $0x20;
	v1 =	vor.u32 v1, v3  }
.Ltmp1:
0x360: {  	_ = 	snop;
	(pc) =	sbr.rel @p0 .LBB2_2-.Ltmp1, $4  }
0x361: {  	_ = 	snop  }
0x362: {  	s31 =	sadd.s32 $0x300, s15  }
0x363: {  	v3 =	vor.u32 s31, v2  }
0x364: {  	[tilespmem:v1+s13+$0x0] =	vst.idx.msk vm0, v3  }
0x365: {  	s0 =	simm.s32 $0x9080;
	s30 =	simm.s32 $0x0  }
0x366: {  	v16 =	vimm.f32 $1.000000020e+30;
	[tilespmem:s0], [sflag:$0x1] =	stream.indirect.gather [hbm4b:s4+s14], $0x80, s13, s14, $0xb8;
	[tilespmem:$0xF200] =	vst v63  }
.LBB2_6:
0x367: {  	s0 =	sshllo.u32 s30, $0x1  }
0x368: {  	s6 =	sshll.u32 s0, $0x7  }
0x369: {  	s1 =	sshll.u32 s30, $0x1;
	s6 =	sand.u32 $0x3FFFFF80, s6  }
0x36a: {  	v4 =	vmov s1;
	s31 =	sadd.s32 $0x8080, s6  }
0x36b: {  	[tilespmem:s16], [sflag:$0x2] =	stream.indirect.gather [hbm4b:s4+s14], $0x80, s31, s14, $0xb8;
	[tilespmem:$0xF200] =	vst v63  }
0x36c: {  	_ =	swait.ge [sflag:s17], $0x1800  }
0x36d: {  	[sflag:s17] =	ssyncset.done $0x0  }
0x36e: {  	[sflag:s17] =	ssyncadd.s32 $0xFFFFE800  }
0x36f: {  	v5 =	vld.idx.msk [tilespmem:v4+s12+$0x0], $0xffff;
	[tilespmem:$0xC080] =	vst v16  }
0x370: {  	[tilespmem:$0xC090] =	vst v16  }
0x371: {  	[tilespmem:$0xC0A0] =	vst v16  }
0x372: {  	[tilespmem:$0xC0B0] =	vst v16  }
0x373: {  	[tilespmem:$0xC0C0] =	vst v16  }
0x374: {  	s6 =	simm.s32 $0x90C0;
	[tilespmem:$0xC0D0] =	vst v16  }
0x375: {  	v1 =	vld [tilespmem:s6+$0xFFFFFFC0];
	_ =	sdelay $0x2  }
0x376: {  	s7 =	simm.s32 $0x0  }
0x377: {  	v3 =	vor.u32 s7, v2  }
0x378: {  	(xrf1) =	vsort.ascd.msk.f32 $0xffff, v1, v3;
	_ =	sdelay $0x6  }
0x379: {  	v3 =	vimm.s32 $0x0  }
0x37a: {  	v6 =	vadd.s32 v2, v3  }
0x37b: {  	vm0 =	vlt.s32 v6, $0x5F  }
0x37c: {  	v6 =	vnsel vm0, $0x5F, v6;
	_ =	sdelay $0x3  }
0x37d: {  	v7, v8, _ =	vpop (xrf1)  }
0x37e: {  	[tilespmem:v6+s18+$0x0] =	vst.idx.msk $0xffff, v7  }
0x37f: {  	[tilespmem:v6+s19+$0x0] =	vst.idx.msk $0xffff, v8  }
0x380: {  	v6 =	vld [tilespmem:s6+$0xFFFFFFD0];
	_ =	sdelay $0x2  }
0x381: {  	s11 =	simm.s32 $0x10  }
0x382: {  	v7 =	vor.u32 s11, v2  }
0x383: {  	(xrf1) =	vsort.ascd.msk.f32 $0xffff, v6, v7;
	_ =	sdelay $0x3  }
0x384: {  	vm13 =	vle.f32 v1, v5  }
0x385: {  	v1 =	vmpcnt.ones.xlane vm13;
	_ =	sdelay $0x1  }
0x386: {  	v1 =	vadd.s32 v3, v1  }
0x387: {  	v3 =	vadd.s32 v2, v1  }
0x388: {  	vm14 =	vlt.s32 v3, $0x5F  }
0x389: {  	v3 =	vnsel vm14, $0x5F, v3;
	_ =	sdelay $0x3  }
0x38a: {  	v7, v8, _ =	vpop (xrf1)  }
0x38b: {  	[tilespmem:v3+s18+$0x0] =	vst.idx.msk $0xffff, v7  }
0x38c: {  	[tilespmem:v3+s19+$0x0] =	vst.idx.msk $0xffff, v8  }
0x38d: {  	v3 =	vld [tilespmem:s6+$0xFFFFFFE0];
	_ =	sdelay $0x2  }
0x38e: {  	s15 =	simm.s32 $0x20  }
0x38f: {  	v7 =	vor.u32 s15, v2  }
0x390: {  	(xrf1) =	vsort.ascd.msk.f32 $0xffff, v3, v7;
	_ =	sdelay $0x3  }
0x391: {  	vm15 =	vle.f32 v6, v5  }
0x392: {  	v6 =	vmpcnt.ones.xlane vm15;
	_ =	sdelay $0x1  }
0x393: {  	v1 =	vadd.s32 v1, v6  }
0x394: {  	v6 =	vadd.s32 v2, v1  }
0x395: {  	vm4 =	vlt.s32 v6, $0x5F  }
0x396: {  	v6 =	vnsel vm4, $0x5F, v6;
	_ =	sdelay $0x3  }
0x397: {  	v7, v8, _ =	vpop (xrf1)  }
0x398: {  	[tilespmem:v6+s18+$0x0] =	vst.idx.msk $0xffff, v7  }
0x399: {  	[tilespmem:v6+s19+$0x0] =	vst.idx.msk $0xffff, v8  }
0x39a: {  	v6 =	vld [tilespmem:s6+$0xFFFFFFF0];
	_ =	sdelay $0x2  }
0x39b: {  	s23 =	simm.s32 $0x30  }
0x39c: {  	v7 =	vor.u32 s23, v2  }
0x39d: {  	(xrf1) =	vsort.ascd.msk.f32 $0xffff, v6, v7;
	_ =	sdelay $0x3  }
0x39e: {  	vm5 =	vle.f32 v3, v5  }
0x39f: {  	v3 =	vmpcnt.ones.xlane vm5;
	_ =	sdelay $0x1  }
0x3a0: {  	v1 =	vadd.s32 v1, v3  }
0x3a1: {  	v3 =	vadd.s32 v2, v1  }
0x3a2: {  	vm6 =	vlt.s32 v3, $0x5F  }
0x3a3: {  	v3 =	vnsel vm6, $0x5F, v3;
	_ =	sdelay $0x3  }
0x3a4: {  	v7, v8, _ =	vpop (xrf1)  }
0x3a5: {  	[tilespmem:v3+s18+$0x0] =	vst.idx.msk $0xffff, v7  }
0x3a6: {  	[tilespmem:v3+s19+$0x0] =	vst.idx.msk $0xffff, v8  }
0x3a7: {  	v3 =	vld [tilespmem:s6+$0x0];
	_ =	sdelay $0x2  }
0x3a8: {  	s8 =	simm.s32 $0x40  }
0x3a9: {  	v7 =	vor.u32 s8, v2  }
0x3aa: {  	(xrf1) =	vsort.ascd.msk.f32 $0xffff, v3, v7;
	_ =	sdelay $0x3  }
0x3ab: {  	vm7 =	vle.f32 v6, v5  }
0x3ac: {  	v6 =	vmpcnt.ones.xlane vm7;
	_ =	sdelay $0x1  }
0x3ad: {  	v1 =	vadd.s32 v1, v6  }
0x3ae: {  	v6 =	vadd.s32 v2, v1  }
0x3af: {  	vm8 =	vlt.s32 v6, $0x5F  }
0x3b0: {  	v6 =	vnsel vm8, $0x5F, v6;
	_ =	sdelay $0x3  }
0x3b1: {  	v7, v8, _ =	vpop (xrf1)  }
0x3b2: {  	[tilespmem:v6+s18+$0x0] =	vst.idx.msk $0xffff, v7  }
0x3b3: {  	[tilespmem:v6+s19+$0x0] =	vst.idx.msk $0xffff, v8  }
0x3b4: {  	v6 =	vld [tilespmem:s6+$0x10];
	_ =	sdelay $0x2  }
0x3b5: {  	s11 =	simm.s32 $0x50  }
0x3b6: {  	v7 =	vor.u32 s11, v2  }
0x3b7: {  	(xrf1) =	vsort.ascd.msk.f32 $0xffff, v6, v7;
	_ =	sdelay $0x3  }
0x3b8: {  	vm9 =	vle.f32 v3, v5  }
0x3b9: {  	v3 =	vmpcnt.ones.xlane vm9;
	_ =	sdelay $0x1  }
0x3ba: {  	v1 =	vadd.s32 v1, v3  }
0x3bb: {  	v3 =	vadd.s32 v2, v1  }
0x3bc: {  	vm10 =	vlt.s32 v3, $0x5F  }
0x3bd: {  	v3 =	vnsel vm10, $0x5F, v3;
	_ =	sdelay $0x3  }
0x3be: {  	v7, v8, _ =	vpop (xrf1)  }
0x3bf: {  	[tilespmem:v3+s18+$0x0] =	vst.idx.msk $0xffff, v7  }
0x3c0: {  	[tilespmem:v3+s19+$0x0] =	vst.idx.msk $0xffff, v8  }
0x3c1: {  	v3 =	vld [tilespmem:s6+$0x20];
	_ =	sdelay $0x2  }
0x3c2: {  	s15 =	simm.s32 $0x60  }
0x3c3: {  	v7 =	vor.u32 s15, v2  }
0x3c4: {  	(xrf1) =	vsort.ascd.msk.f32 $0xffff, v3, v7;
	_ =	sdelay $0x3  }
0x3c5: {  	vm11 =	vle.f32 v6, v5  }
0x3c6: {  	v6 =	vmpcnt.ones.xlane vm11;
	_ =	sdelay $0x1  }
0x3c7: {  	v1 =	vadd.s32 v1, v6  }
0x3c8: {  	v6 =	vadd.s32 v2, v1  }
0x3c9: {  	vm12 =	vlt.s32 v6, $0x5F  }
0x3ca: {  	v6 =	vnsel vm12, $0x5F, v6;
	_ =	sdelay $0x3  }
0x3cb: {  	v7, v8, _ =	vpop (xrf1)  }
0x3cc: {  	[tilespmem:v6+s18+$0x0] =	vst.idx.msk $0xffff, v7  }
0x3cd: {  	[tilespmem:v6+s19+$0x0] =	vst.idx.msk $0xffff, v8  }
0x3ce: {  	v6 =	vld [tilespmem:s6+$0x30];
	_ =	sdelay $0x2  }
0x3cf: {  	s23 =	simm.s32 $0x70  }
0x3d0: {  	v7 =	vor.u32 s23, v2  }
0x3d1: {  	(xrf1) =	vsort.ascd.msk.f32 $0xffff, v6, v7;
	_ =	sdelay $0x3  }
0x3d2: {  	vm13 =	vle.f32 v3, v5  }
0x3d3: {  	v3 =	vmpcnt.ones.xlane vm13;
	_ =	sdelay $0x1  }
0x3d4: {  	v1 =	vadd.s32 v1, v3  }
0x3d5: {  	v3 =	vadd.s32 v2, v1  }
0x3d6: {  	vm14 =	vlt.s32 v3, $0x5F  }
0x3d7: {  	v7 =	vnsel vm14, $0x5F, v3;
	_ =	sdelay $0x1  }
0x3d8: {  	vm15 =	vle.f32 v6, v5  }
0x3d9: {  	v3 =	vmpcnt.ones.xlane vm15  }
0x3da: {  	v9, v8, _ =	vpop (xrf1)  }
0x3db: {  	s7 =	simm.s32 $0xF0;
	v6 =	vadd.s32 v1, v3;
	[tilespmem:v7+s18+$0x0] =	vst.idx.msk $0xffff, v9  }
.LBB2_7:
0x3dc: {  	p0 =	sne.s32 s7, $0x17F0  }
0x3dd: {  	[tilespmem:v7+s19+$0x0] =	vst.idx.msk $0xffff, v8;
	s6 =	sadd.s32 $0x80, s6;
	s11 =	smov.u32 s7;
	s7 =	sadd.s32 $0x80, s7  }
0x3de: {  	v1 =	vld [tilespmem:s6+$0xFFFFFFC0];
	_ =	sdelay $0x2  }
0x3df: {  	s8 =	sadd.s32 $0xFFFFFF90, s11  }
0x3e0: {  	v3 =	vor.u32 s8, v2  }
0x3e1: {  	vm0 =	vle.f32 v1, v5;
	(xrf1) =	vsort.ascd.msk.f32 $0xffff, v1, v3  }
0x3e2: {  	v1 =	vmpcnt.ones.xlane vm0;
	_ =	sdelay $0x1  }
0x3e3: {  	v1 =	vadd.s32 v6, v1  }
0x3e4: {  	v3 =	vadd.s32 v2, v1  }
0x3e5: {  	vm0 =	vlt.s32 v3, $0x5F;
	_ =	sdelay $0x2  }
0x3e6: {  	v6 =	vadd.s32 v2, v6  }
0x3e7: {  	vm1 =	vlt.s32 v6, $0x5F  }
0x3e8: {  	v6 =	vnsel vm1, $0x5F, v6;
	_ =	sdelay $0x3  }
0x3e9: {  	v7, v8, _ =	vpop (xrf1)  }
0x3ea: {  	[tilespmem:v6+s18+$0x0] =	vst.idx.msk $0xffff, v7  }
0x3eb: {  	[tilespmem:v6+s19+$0x0] =	vst.idx.msk $0xffff, v8  }
0x3ec: {  	v6 =	vld [tilespmem:s6+$0xFFFFFFD0];
	_ =	sdelay $0x2  }
0x3ed: {  	s8 =	sadd.s32 $0xFFFFFFA0, s11  }
0x3ee: {  	v7 =	vor.u32 s8, v2  }
0x3ef: {  	vm1 =	vle.f32 v6, v5;
	(xrf1) =	vsort.ascd.msk.f32 $0xffff, v6, v7  }
0x3f0: {  	v6 =	vmpcnt.ones.xlane vm1;
	_ =	sdelay $0x1  }
0x3f1: {  	v1 =	vadd.s32 v1, v6  }
0x3f2: {  	v6 =	vadd.s32 v2, v1  }
0x3f3: {  	vm1 =	vlt.s32 v6, $0x5F;
	_ =	sdelay $0x4  }
0x3f4: {  	v3 =	vnsel vm0, $0x5F, v3;
	_ =	sdelay $0x3  }
0x3f5: {  	v7, v8, _ =	vpop (xrf1)  }
0x3f6: {  	[tilespmem:v3+s18+$0x0] =	vst.idx.msk $0xffff, v7  }
0x3f7: {  	[tilespmem:v3+s19+$0x0] =	vst.idx.msk $0xffff, v8  }
0x3f8: {  	v3 =	vld [tilespmem:s6+$0xFFFFFFE0];
	_ =	sdelay $0x2  }
0x3f9: {  	s8 =	sadd.s32 $0xFFFFFFB0, s11  }
0x3fa: {  	v7 =	vor.u32 s8, v2  }
0x3fb: {  	vm0 =	vle.f32 v3, v5;
	(xrf1) =	vsort.ascd.msk.f32 $0xffff, v3, v7  }
0x3fc: {  	v3 =	vmpcnt.ones.xlane vm0;
	_ =	sdelay $0x1  }
0x3fd: {  	v1 =	vadd.s32 v1, v3  }
0x3fe: {  	v3 =	vadd.s32 v2, v1  }
0x3ff: {  	vm0 =	vlt.s32 v3, $0x5F;
	_ =	sdelay $0x4  }
0x400: {  	v6 =	vnsel vm1, $0x5F, v6;
	_ =	sdelay $0x3  }
0x401: {  	v7, v8, _ =	vpop (xrf1)  }
0x402: {  	[tilespmem:v6+s18+$0x0] =	vst.idx.msk $0xffff, v7  }
0x403: {  	[tilespmem:v6+s19+$0x0] =	vst.idx.msk $0xffff, v8  }
0x404: {  	v6 =	vld [tilespmem:s6+$0xFFFFFFF0];
	_ =	sdelay $0x2  }
0x405: {  	s8 =	sadd.s32 $0xFFFFFFC0, s11  }
0x406: {  	v7 =	vor.u32 s8, v2  }
0x407: {  	vm1 =	vle.f32 v6, v5;
	(xrf1) =	vsort.ascd.msk.f32 $0xffff, v6, v7  }
0x408: {  	v6 =	vmpcnt.ones.xlane vm1;
	_ =	sdelay $0x1  }
0x409: {  	v1 =	vadd.s32 v1, v6  }
0x40a: {  	v6 =	vadd.s32 v2, v1  }
0x40b: {  	vm1 =	vlt.s32 v6, $0x5F;
	_ =	sdelay $0x4  }
0x40c: {  	v3 =	vnsel vm0, $0x5F, v3;
	_ =	sdelay $0x3  }
0x40d: {  	v7, v8, _ =	vpop (xrf1)  }
0x40e: {  	[tilespmem:v3+s18+$0x0] =	vst.idx.msk $0xffff, v7  }
0x40f: {  	[tilespmem:v3+s19+$0x0] =	vst.idx.msk $0xffff, v8  }
0x410: {  	v3 =	vld [tilespmem:s6+$0x0];
	_ =	sdelay $0x2  }
0x411: {  	s8 =	sadd.s32 $0xFFFFFFD0, s11  }
0x412: {  	v7 =	vor.u32 s8, v2  }
0x413: {  	vm0 =	vle.f32 v3, v5;
	(xrf1) =	vsort.ascd.msk.f32 $0xffff, v3, v7  }
0x414: {  	v3 =	vmpcnt.ones.xlane vm0;
	_ =	sdelay $0x1  }
0x415: {  	v1 =	vadd.s32 v1, v3  }
0x416: {  	v3 =	vadd.s32 v2, v1  }
0x417: {  	vm0 =	vlt.s32 v3, $0x5F;
	_ =	sdelay $0x4  }
0x418: {  	v6 =	vnsel vm1, $0x5F, v6;
	_ =	sdelay $0x3  }
0x419: {  	v7, v8, _ =	vpop (xrf1)  }
0x41a: {  	[tilespmem:v6+s18+$0x0] =	vst.idx.msk $0xffff, v7  }
0x41b: {  	[tilespmem:v6+s19+$0x0] =	vst.idx.msk $0xffff, v8  }
0x41c: {  	v6 =	vld [tilespmem:s6+$0x10];
	_ =	sdelay $0x2  }
0x41d: {  	s8 =	sadd.s32 $0xFFFFFFE0, s11  }
0x41e: {  	v7 =	vor.u32 s8, v2  }
0x41f: {  	vm1 =	vle.f32 v6, v5;
	(xrf1) =	vsort.ascd.msk.f32 $0xffff, v6, v7  }
0x420: {  	v6 =	vmpcnt.ones.xlane vm1;
	_ =	sdelay $0x1  }
0x421: {  	v1 =	vadd.s32 v1, v6  }
0x422: {  	v6 =	vadd.s32 v2, v1  }
0x423: {  	vm1 =	vlt.s32 v6, $0x5F;
	_ =	sdelay $0x4  }
0x424: {  	v3 =	vnsel vm0, $0x5F, v3;
	_ =	sdelay $0x3  }
0x425: {  	v7, v8, _ =	vpop (xrf1)  }
0x426: {  	[tilespmem:v3+s18+$0x0] =	vst.idx.msk $0xffff, v7  }
0x427: {  	[tilespmem:v3+s19+$0x0] =	vst.idx.msk $0xffff, v8  }
0x428: {  	v3 =	vld [tilespmem:s6+$0x20];
	_ =	sdelay $0x2  }
0x429: {  	s8 =	sadd.s32 $0xFFFFFFF0, s11  }
0x42a: {  	v7 =	vor.u32 s8, v2  }
0x42b: {  	vm0 =	vle.f32 v3, v5;
	(xrf1) =	vsort.ascd.msk.f32 $0xffff, v3, v7;
	_ =	sdelay $0x9  }
0x42c: {  	v3 =	vnsel vm1, $0x5F, v6;
	_ =	sdelay $0x3  }
0x42d: {  	v6, v7, _ =	vpop (xrf1)  }
0x42e: {  	[tilespmem:v3+s18+$0x0] =	vst.idx.msk $0xffff, v6  }
0x42f: {  	[tilespmem:v3+s19+$0x0] =	vst.idx.msk $0xffff, v7  }
0x430: {  	v3 =	vld [tilespmem:s6+$0x30];
	_ =	sdelay $0x3  }
0x431: {  	v6 =	vor.u32 s11, v2  }
0x432: {  	v7 =	vmpcnt.ones.xlane vm0;
	vm0 =	vle.f32 v3, v5;
	(xrf1) =	vsort.ascd.msk.f32 $0xffff, v3, v6  }
0x433: {  	v3 =	vmpcnt.ones.xlane vm0  }
0x434: {  	v1 =	vadd.s32 v1, v7  }
0x435: {  	v7 =	vadd.s32 v2, v1;
	v6 =	vadd.s32 v1, v3  }
0x436: {  	vm0 =	vlt.s32 v7, $0x5F;
	_ =	sdelay $0x5  }
0x437: {  	v7 =	vnsel vm0, $0x5F, v7  }
.Ltmp2:
0x438: {  	(pc) =	sbr.rel @p0 .LBB2_7-.Ltmp2, $3  }
0x439: {  	_ =	sdelay $0x1  }
0x43a: {  	v1, v8, _ =	vpop (xrf1)  }
0x43b: {  	[tilespmem:v7+s18+$0x0] =	vst.idx.msk $0xffff, v1  }
0x43c: {  	_ =	sdelay $0x3  }
0x43d: {  	[tilespmem:v7+s19+$0x0] =	vst.idx.msk $0xffff, v8  }
0x43e: {  	v12 =	vld [tilespmem:$0xC080]  }
0x43f: {  	v11 =	vld [tilespmem:$0xC090]  }
0x440: {  	v10 =	vld [tilespmem:$0xC0A0]  }
0x441: {  	v9 =	vld [tilespmem:$0xC0B0]  }
0x442: {  	v8 =	vld [tilespmem:$0xC0C0]  }
0x443: {  	v7 =	vld [tilespmem:$0xC0D0]  }
0x444: {  	v1 =	vmin.f32 v12, v11  }
0x445: {  	v1 =	vmin.f32 v1, v10  }
0x446: {  	v1 =	vmin.f32 v1, v9  }
0x447: {  	v1 =	vmin.f32 v1, v8  }
0x448: {  	v1 =	vmin.f32 v1, v7  }
0x449: {  	v1 =	vsub.f32 $0.0e+00, v1;
	_ =	sdelay $0x1  }
0x44a: {  	(xrf0) =	vmax.scan.msk.f32 $0xffff, v1;
	_ =	sdelay $0x5  }
0x44b: {  	v1, _, _ =	vpop (xrf0)  }
0x44c: {  	v1 =	vperm.xlane v1, v0;
	_ =	sdelay $0x1  }
0x44d: {  	v1 =	vsub.f32 $0.0e+00, v1;
	_ =	sdelay $0x1  }
0x44e: {  	v6 =	vadd.f32 $-1.000000000e+00, v1;
	_ =	sdelay $0x1  }
0x44f: {  	s6 =	simm.s32 $0x27;
	v13 =	vadd.f32 v5, v6  }
.LBB2_9:
0x450: {  	p0 =	sne.s32 s6, $0x1  }
0x451: {  	v1 =	vmul.f32 $5.000000000e-01, v13;
	_ =	sdelay $0x1  }
0x452: {  	vm0 =	vle.f32 v12, v1;
	vm1 =	vle.f32 v11, v1  }
0x453: {  	v3 =	vmpcnt.ones.xlane vm0;
	v13 =	vmpcnt.ones.xlane vm1;
	vm0 =	vle.f32 v10, v1  }
0x454: {  	v14 =	vmpcnt.ones.xlane vm0;
	vm0 =	vle.f32 v9, v1  }
0x455: {  	v3 =	vadd.s32 v3, v13;
	v13 =	vmpcnt.ones.xlane vm0;
	vm0 =	vle.f32 v8, v1  }
0x456: {  	v3 =	vadd.s32 v14, v3;
	v14 =	vmpcnt.ones.xlane vm0;
	vm0 =	vle.f32 v7, v1  }
0x457: {  	v3 =	vadd.s32 v13, v3;
	v13 =	vmpcnt.ones.xlane vm0  }
.Ltmp3:
0x458: {  	v3 =	vadd.s32 v14, v3;
	(pc) =	sbr.rel @p0 .LBB2_9-.Ltmp3, $4  }
0x459: {  	v3 =	vadd.s32 v13, v3  }
0x45a: {  	vm0 =	vgt.s32 v3, $0x1F  }
0x45b: {  	v6 =	vsel vm0, v6, v1;
	v5 =	vsel vm0, v1, v5  }
0x45c: {  	s6 =	sadd.s32 $0xFFFFFFFF, s6;
	v13 =	vadd.f32 v5, v6  }
0x45d: {  	_ = 	snop  }
0x45e: {  	v1 =	vmul.f32 $5.000000000e-01, v13;
	_ =	sdelay $0x1  }
0x45f: {  	vm0 =	vle.f32 v12, v1;
	vm1 =	vle.f32 v11, v1  }
0x460: {  	vm8 =	vle.f32 v10, v1;
	v3 =	vmpcnt.ones.xlane vm0;
	v13 =	vmpcnt.ones.xlane vm1  }
0x461: {  	vm9 =	vle.f32 v9, v1;
	v14 =	vmpcnt.ones.xlane vm8  }
0x462: {  	vm10 =	vle.f32 v8, v1;
	v3 =	vadd.s32 v3, v13;
	v13 =	vmpcnt.ones.xlane vm9  }
0x463: {  	vm11 =	vle.f32 v7, v1;
	v3 =	vadd.s32 v14, v3;
	v14 =	vmpcnt.ones.xlane vm10  }
0x464: {  	v3 =	vadd.s32 v13, v3;
	v13 =	vmpcnt.ones.xlane vm11  }
0x465: {  	v3 =	vadd.s32 v14, v3  }
0x466: {  	v3 =	vadd.s32 v13, v3  }
0x467: {  	vm12 =	vgt.s32 v3, $0x1F  }
0x468: {  	v6 =	vsel vm12, v6, v1;
	v5 =	vsel vm12, v1, v5  }
0x469: {  	vm13 =	vle.f32 v12, v6;
	vm2 =	vle.f32 v12, v5  }
0x46a: {  	vm3 =	vle.f32 v11, v6;
	vm15 =	vle.f32 v10, v6;
	vm6 =	vle.f32 v9, v6  }
0x46b: {  	vm14 =	vmneg vm13;
	v1 =	vmpcnt.ones.xlane vm13;
	v3 =	vmpcnt.ones.xlane vm3  }
0x46c: {  	vm7 =	vle.f32 v8, v6;
	v11 =	vmpcnt.ones.xlane vm15;
	vm0 =	vmand vm2, vm14  }
0x46d: {  	v9 =	vmpcnt.ones.xlane vm6;
	v10 =	vsel vm0, $0x1, v15;
	v1 =	vadd.s32 v3, v1  }
0x46e: {  	vm8 =	vle.f32 v7, v6;
	v3 =	vmpcnt.ones.xlane vm7;
	(xrf0) =	vadd.scan.msk.s32 $0xffff, v10;
	v1 =	vadd.s32 v11, v1  }
0x46f: {  	v7 =	vmpcnt.ones.xlane vm8;
	v1 =	vadd.s32 v9, v1  }
0x470: {  	v1 =	vadd.s32 v3, v1  }
0x471: {  	v1 =	vadd.s32 v7, v1;
	_ =	sdelay $0x2  }
0x472: {  	v7 =	vsub.s32 $0x20, v1;
	v1, _, _ =	vpop (xrf0)  }
0x473: {  	vm9 =	vle.s32 v1, v7  }
0x474: {  	v1 =	vld [tilespmem:$0xC100];
	vm2 =	vmand vm2, vm9  }
0x475: {  	vm1 =	vmor vm13, vm2  }
0x476: {  	v3 =	vsel vm1, $0x1, v15  }
0x477: {  	(xrf0) =	vadd.scan.msk.s32 $0xffff, v3;
	_ =	sdelay $0x1  }
0x478: {  	v3 =	vshrl.u32 v1, $0x7;
	_ =	sdelay $0x2  }
0x479: {  	s6 =	sshll.u32 s30, $0x8  }
0x47a: {  	s6 =	sand.u32 $0x3FFFFF00, s6;
	v8, _, _ =	vpop (xrf0)  }
0x47b: {  	v3 =	vld.idx.msk [tilespmem:v3+s6+$0x8080], vm1;
	v8 =	vadd.s32 $0xFFFFFFFF, v8  }
0x47c: {  	s1 =	sadd.s32 s2, s1;
	v4 =	vshll.u32 v4, $0x7;
	v9 =	vand.u32 $0xFFFFFF80, v8  }
0x47d: {  	s1 =	smul.u32 $0x310, s1;
	v8 =	vand.u32 $0x7F, v8;
	v9 =	vadd.s32 v4, v9  }
0x47e: {  	v9 =	vor.u32 v8, v9  }
0x47f: {  	v8 =	vmov s1  }
0x480: {  	v3 =	vsub.s32 v3, v8  }
0x481: {  	v1 =	vand.u32 $0x7F, v1;
	v3 =	vshll.u32 v3, $0x7  }
0x482: {  	v1 =	vor.u32 v1, v3  }
0x483: {  	[tilespmem:v9+s20+$0x0] =	vst.idx.msk vm1, v1  }
0x484: {  	v1 =	vld [tilespmem:$0xC090];
	_ =	sdelay $0x4  }
0x485: {  	vm10 =	vle.f32 v1, v6  }
0x486: {  	vm4 =	vle.f32 v1, v5;
	vm11 =	vmneg vm10  }
0x487: {  	vm3 =	vmand vm4, vm11  }
0x488: {  	v1 =	vsel vm3, $0x1, v15  }
0x489: {  	(xrf0) =	vadd.scan.msk.s32 $0xffff, v1;
	_ =	sdelay $0x4  }
0x48a: {  	v1 =	vmpcnt.ones.xlane vm0  }
0x48b: {  	v3, _, _ =	vpop (xrf0)  }
0x48c: {  	v3 =	vadd.s32 v1, v3  }
0x48d: {  	vm12 =	vle.s32 v3, v7  }
0x48e: {  	v3 =	vld [tilespmem:$0xC110];
	vm0 =	vmand vm4, vm12  }
0x48f: {  	vm0 =	vmor vm10, vm0  }
0x490: {  	v9 =	vsel vm0, $0x1, v15  }
0x491: {  	(xrf0) =	vadd.scan.msk.s32 $0xffff, v9;
	_ =	sdelay $0x1  }
0x492: {  	v9 =	vshrl.u32 v3, $0x7;
	_ =	sdelay $0x1  }
0x493: {  	v10 =	vmpcnt.ones.xlane vm1;
	_ =	sdelay $0x1  }
0x494: {  	v10 =	vadd.s32 $0xFFFFFFFF, v10;
	v11, _, _ =	vpop (xrf0)  }
0x495: {  	v9 =	vld.idx.msk [tilespmem:v9+s6+$0x8080], vm0;
	v11 =	vadd.s32 v11, v10  }
0x496: {  	v12 =	vand.u32 $0xFFFFFF80, v11  }
0x497: {  	v11 =	vand.u32 $0x7F, v11;
	v12 =	vadd.s32 v4, v12  }
0x498: {  	v11 =	vor.u32 v11, v12;
	_ =	sdelay $0x1  }
0x499: {  	v9 =	vsub.s32 v9, v8  }
0x49a: {  	v3 =	vand.u32 $0x7F, v3;
	v9 =	vshll.u32 v9, $0x7  }
0x49b: {  	v3 =	vor.u32 v3, v9  }
0x49c: {  	[tilespmem:v11+s20+$0x0] =	vst.idx.msk vm0, v3  }
0x49d: {  	v3 =	vld [tilespmem:$0xC0A0];
	_ =	sdelay $0x4  }
0x49e: {  	vm13 =	vle.f32 v3, v6  }
0x49f: {  	vm15 =	vle.f32 v3, v5;
	vm14 =	vmneg vm13  }
0x4a0: {  	vm2 =	vmand vm15, vm14  }
0x4a1: {  	v3 =	vsel vm2, $0x1, v15  }
0x4a2: {  	(xrf0) =	vadd.scan.msk.s32 $0xffff, v3;
	_ =	sdelay $0x1  }
0x4a3: {  	v3 =	vmpcnt.ones.xlane vm3;
	_ =	sdelay $0x3  }
0x4a4: {  	v1 =	vadd.s32 v1, v3;
	v3, _, _ =	vpop (xrf0)  }
0x4a5: {  	v3 =	vadd.s32 v1, v3  }
0x4a6: {  	vm8 =	vle.s32 v3, v7  }
0x4a7: {  	v3 =	vld [tilespmem:$0xC120];
	vm3 =	vmand vm15, vm8  }
0x4a8: {  	vm1 =	vmor vm13, vm3  }
0x4a9: {  	v9 =	vsel vm1, $0x1, v15  }
0x4aa: {  	(xrf0) =	vadd.scan.msk.s32 $0xffff, v9;
	_ =	sdelay $0x1  }
0x4ab: {  	v9 =	vshrl.u32 v3, $0x7;
	_ =	sdelay $0x1  }
0x4ac: {  	v11 =	vmpcnt.ones.xlane vm0;
	_ =	sdelay $0x1  }
0x4ad: {  	v10 =	vadd.s32 v11, v10;
	v12, _, _ =	vpop (xrf0)  }
0x4ae: {  	v9 =	vld.idx.msk [tilespmem:v9+s6+$0x8080], vm1;
	v11 =	vadd.s32 v12, v10  }
0x4af: {  	v12 =	vand.u32 $0xFFFFFF80, v11  }
0x4b0: {  	v11 =	vand.u32 $0x7F, v11;
	v12 =	vadd.s32 v4, v12  }
0x4b1: {  	v11 =	vor.u32 v11, v12;
	_ =	sdelay $0x1  }
0x4b2: {  	v9 =	vsub.s32 v9, v8  }
0x4b3: {  	v3 =	vand.u32 $0x7F, v3;
	v9 =	vshll.u32 v9, $0x7  }
0x4b4: {  	v3 =	vor.u32 v3, v9  }
0x4b5: {  	[tilespmem:v11+s20+$0x0] =	vst.idx.msk vm1, v3  }
0x4b6: {  	v3 =	vld [tilespmem:$0xC0B0];
	_ =	sdelay $0x4  }
0x4b7: {  	vm9 =	vle.f32 v3, v6  }
0x4b8: {  	vm11 =	vle.f32 v3, v5;
	vm10 =	vmneg vm9  }
0x4b9: {  	vm3 =	vmand vm11, vm10  }
0x4ba: {  	v3 =	vsel vm3, $0x1, v15  }
0x4bb: {  	(xrf0) =	vadd.scan.msk.s32 $0xffff, v3;
	_ =	sdelay $0x1  }
0x4bc: {  	v3 =	vmpcnt.ones.xlane vm2;
	_ =	sdelay $0x3  }
0x4bd: {  	v1 =	vadd.s32 v1, v3;
	v3, _, _ =	vpop (xrf0)  }
0x4be: {  	v3 =	vadd.s32 v1, v3  }
0x4bf: {  	vm12 =	vle.s32 v3, v7  }
0x4c0: {  	v3 =	vld [tilespmem:$0xC130];
	vm2 =	vmand vm11, vm12  }
0x4c1: {  	vm0 =	vmor vm9, vm2  }
0x4c2: {  	v9 =	vsel vm0, $0x1, v15  }
0x4c3: {  	(xrf0) =	vadd.scan.msk.s32 $0xffff, v9;
	_ =	sdelay $0x1  }
0x4c4: {  	v9 =	vshrl.u32 v3, $0x7;
	_ =	sdelay $0x1  }
0x4c5: {  	v11 =	vmpcnt.ones.xlane vm1;
	_ =	sdelay $0x1  }
0x4c6: {  	v10 =	vadd.s32 v11, v10;
	v12, _, _ =	vpop (xrf0)  }
0x4c7: {  	v9 =	vld.idx.msk [tilespmem:v9+s6+$0x8080], vm0;
	v11 =	vadd.s32 v12, v10  }
0x4c8: {  	v12 =	vand.u32 $0xFFFFFF80, v11  }
0x4c9: {  	v11 =	vand.u32 $0x7F, v11;
	v12 =	vadd.s32 v4, v12  }
0x4ca: {  	v11 =	vor.u32 v11, v12;
	_ =	sdelay $0x1  }
0x4cb: {  	v9 =	vsub.s32 v9, v8  }
0x4cc: {  	v3 =	vand.u32 $0x7F, v3;
	v9 =	vshll.u32 v9, $0x7  }
0x4cd: {  	v3 =	vor.u32 v3, v9  }
0x4ce: {  	[tilespmem:v11+s20+$0x0] =	vst.idx.msk vm0, v3  }
0x4cf: {  	v3 =	vld [tilespmem:$0xC0C0];
	_ =	sdelay $0x4  }
0x4d0: {  	vm13 =	vle.f32 v3, v6  }
0x4d1: {  	vm15 =	vle.f32 v3, v5;
	vm14 =	vmneg vm13  }
0x4d2: {  	vm2 =	vmand vm15, vm14  }
0x4d3: {  	v3 =	vsel vm2, $0x1, v15  }
0x4d4: {  	(xrf0) =	vadd.scan.msk.s32 $0xffff, v3;
	_ =	sdelay $0x1  }
0x4d5: {  	v3 =	vmpcnt.ones.xlane vm3;
	_ =	sdelay $0x3  }
0x4d6: {  	v1 =	vadd.s32 v1, v3;
	v3, _, _ =	vpop (xrf0)  }
0x4d7: {  	v3 =	vadd.s32 v1, v3  }
0x4d8: {  	vm7 =	vle.s32 v3, v7  }
0x4d9: {  	v3 =	vld [tilespmem:$0xC140];
	vm3 =	vmand vm15, vm7  }
0x4da: {  	vm1 =	vmor vm13, vm3  }
0x4db: {  	v9 =	vsel vm1, $0x1, v15  }
0x4dc: {  	(xrf0) =	vadd.scan.msk.s32 $0xffff, v9;
	_ =	sdelay $0x1  }
0x4dd: {  	v9 =	vshrl.u32 v3, $0x7;
	_ =	sdelay $0x1  }
0x4de: {  	v11 =	vmpcnt.ones.xlane vm0;
	_ =	sdelay $0x1  }
0x4df: {  	v10 =	vadd.s32 v11, v10;
	v12, _, _ =	vpop (xrf0)  }
0x4e0: {  	v9 =	vld.idx.msk [tilespmem:v9+s6+$0x8080], vm1;
	v11 =	vadd.s32 v12, v10  }
0x4e1: {  	v12 =	vand.u32 $0xFFFFFF80, v11  }
0x4e2: {  	v11 =	vand.u32 $0x7F, v11;
	v12 =	vadd.s32 v4, v12  }
0x4e3: {  	v11 =	vor.u32 v11, v12;
	_ =	sdelay $0x1  }
0x4e4: {  	v9 =	vsub.s32 v9, v8  }
0x4e5: {  	v3 =	vand.u32 $0x7F, v3;
	v9 =	vshll.u32 v9, $0x7  }
0x4e6: {  	v3 =	vor.u32 v3, v9  }
0x4e7: {  	[tilespmem:v11+s20+$0x0] =	vst.idx.msk vm1, v3  }
0x4e8: {  	v3 =	vld [tilespmem:$0xC0D0];
	_ =	sdelay $0x4  }
0x4e9: {  	vm8 =	vle.f32 v3, v6  }
0x4ea: {  	vm10 =	vle.f32 v3, v5;
	vm9 =	vmneg vm8  }
0x4eb: {  	vm3 =	vmand vm10, vm9  }
0x4ec: {  	v3 =	vsel vm3, $0x1, v15  }
0x4ed: {  	(xrf0) =	vadd.scan.msk.s32 $0xffff, v3;
	_ =	sdelay $0x1  }
0x4ee: {  	v3 =	vmpcnt.ones.xlane vm2;
	_ =	sdelay $0x3  }
0x4ef: {  	v1 =	vadd.s32 v1, v3;
	v3, _, _ =	vpop (xrf0)  }
0x4f0: {  	v1 =	vadd.s32 v3, v1  }
0x4f1: {  	vm11 =	vle.s32 v1, v7  }
0x4f2: {  	v1 =	vld [tilespmem:$0xC150];
	vm2 =	vmand vm10, vm11  }
0x4f3: {  	vm0 =	vmor vm8, vm2  }
0x4f4: {  	v3 =	vsel vm0, $0x1, v15  }
0x4f5: {  	(xrf0) =	vadd.scan.msk.s32 $0xffff, v3;
	_ =	sdelay $0x1  }
0x4f6: {  	v3 =	vshrl.u32 v1, $0x7;
	_ =	sdelay $0x1  }
0x4f7: {  	v5 =	vmpcnt.ones.xlane vm1;
	_ =	sdelay $0x1  }
0x4f8: {  	v5 =	vadd.s32 v5, v10;
	v6, _, _ =	vpop (xrf0)  }
0x4f9: {  	v3 =	vld.idx.msk [tilespmem:v3+s6+$0x8080], vm0;
	v5 =	vadd.s32 v6, v5  }
0x4fa: {  	v6 =	vand.u32 $0xFFFFFF80, v5  }
0x4fb: {  	v5 =	vand.u32 $0x7F, v5;
	v4 =	vadd.s32 v4, v6  }
0x4fc: {  	v4 =	vor.u32 v5, v4;
	_ =	sdelay $0x1  }
0x4fd: {  	v3 =	vsub.s32 v3, v8  }
0x4fe: {  	v1 =	vand.u32 $0x7F, v1;
	v3 =	vshll.u32 v3, $0x7  }
0x4ff: {  	p0 =	seq.s32 s30, $0xF;
	v1 =	vor.u32 v1, v3  }
0x500: {  	s7 =	simm.s32 @!p0 $0x9080;
	s1 =	sadd.s32 @!p0 $0x8180, s6;
	s6 =	simm.s32 @!p0 $0x30;
	[tilespmem:v4+s20+$0x0] =	vst.idx.msk vm0, v1;
	v4 =	vmov s0  }
0x501: {  	[tilespmem:s7], [sflag:$0x1] =	stream.indirect.gather @!p0 [hbm4b:s4+s6], $0x80, s1, s6, $0xb8;
	[tilespmem:$0xF200] =	vst v63  }
0x502: {  	_ =	swait.ge [sflag:s21], $0x1800  }
0x503: {  	[sflag:s21] =	ssyncset.done $0x0  }
0x504: {  	[sflag:s21] =	ssyncadd.s32 $0xFFFFE800  }
0x505: {  	v5 =	vld.idx.msk [tilespmem:v4+s12+$0x0], $0xffff;
	[tilespmem:$0xC080] =	vst v16  }
0x506: {  	[tilespmem:$0xC090] =	vst v16  }
0x507: {  	[tilespmem:$0xC0A0] =	vst v16  }
0x508: {  	[tilespmem:$0xC0B0] =	vst v16  }
0x509: {  	[tilespmem:$0xC0C0] =	vst v16  }
0x50a: {  	s1 =	simm.s32 $0xA8F0;
	[tilespmem:$0xC0D0] =	vst v16  }
0x50b: {  	v1 =	vld [tilespmem:s1+$0xFFFFFF90];
	_ =	sdelay $0x2  }
0x50c: {  	s11 =	simm.s32 $0x0  }
0x50d: {  	v3 =	vor.u32 s11, v2  }
0x50e: {  	(xrf1) =	vsort.ascd.msk.f32 $0xffff, v1, v3;
	_ =	sdelay $0x6  }
0x50f: {  	v3 =	vimm.s32 $0x0  }
0x510: {  	v6 =	vadd.s32 v2, v3  }
0x511: {  	vm12 =	vlt.s32 v6, $0x5F  }
0x512: {  	v6 =	vnsel vm12, $0x5F, v6;
	_ =	sdelay $0x3  }
0x513: {  	v7, v8, _ =	vpop (xrf1)  }
0x514: {  	[tilespmem:v6+s18+$0x0] =	vst.idx.msk $0xffff, v7  }
0x515: {  	[tilespmem:v6+s19+$0x0] =	vst.idx.msk $0xffff, v8  }
0x516: {  	v6 =	vld [tilespmem:s1+$0xFFFFFFA0];
	_ =	sdelay $0x2  }
0x517: {  	s15 =	simm.s32 $0x10  }
0x518: {  	v7 =	vor.u32 s15, v2  }
0x519: {  	(xrf1) =	vsort.ascd.msk.f32 $0xffff, v6, v7;
	_ =	sdelay $0x3  }
0x51a: {  	vm13 =	vle.f32 v1, v5  }
0x51b: {  	v1 =	vmpcnt.ones.xlane vm13;
	_ =	sdelay $0x1  }
0x51c: {  	v1 =	vadd.s32 v3, v1  }
0x51d: {  	v3 =	vadd.s32 v2, v1  }
0x51e: {  	vm14 =	vlt.s32 v3, $0x5F  }
0x51f: {  	v3 =	vnsel vm14, $0x5F, v3;
	_ =	sdelay $0x3  }
0x520: {  	v7, v8, _ =	vpop (xrf1)  }
0x521: {  	[tilespmem:v3+s18+$0x0] =	vst.idx.msk $0xffff, v7  }
0x522: {  	[tilespmem:v3+s19+$0x0] =	vst.idx.msk $0xffff, v8  }
0x523: {  	v3 =	vld [tilespmem:s1+$0xFFFFFFB0];
	_ =	sdelay $0x2  }
0x524: {  	s23 =	simm.s32 $0x20  }
0x525: {  	v7 =	vor.u32 s23, v2  }
0x526: {  	(xrf1) =	vsort.ascd.msk.f32 $0xffff, v3, v7;
	_ =	sdelay $0x3  }
0x527: {  	vm15 =	vle.f32 v6, v5  }
0x528: {  	v6 =	vmpcnt.ones.xlane vm15;
	_ =	sdelay $0x1  }
0x529: {  	v1 =	vadd.s32 v1, v6  }
0x52a: {  	v6 =	vadd.s32 v2, v1  }
0x52b: {  	vm4 =	vlt.s32 v6, $0x5F  }
0x52c: {  	v6 =	vnsel vm4, $0x5F, v6;
	_ =	sdelay $0x3  }
0x52d: {  	v7, v8, _ =	vpop (xrf1)  }
0x52e: {  	[tilespmem:v6+s18+$0x0] =	vst.idx.msk $0xffff, v7  }
0x52f: {  	[tilespmem:v6+s19+$0x0] =	vst.idx.msk $0xffff, v8  }
0x530: {  	v6 =	vld [tilespmem:s1+$0xFFFFFFC0];
	_ =	sdelay $0x2  }
0x531: {  	s7 =	simm.s32 $0x30  }
0x532: {  	v7 =	vor.u32 s7, v2  }
0x533: {  	(xrf1) =	vsort.ascd.msk.f32 $0xffff, v6, v7;
	_ =	sdelay $0x3  }
0x534: {  	vm5 =	vle.f32 v3, v5  }
0x535: {  	v3 =	vmpcnt.ones.xlane vm5;
	_ =	sdelay $0x1  }
0x536: {  	v1 =	vadd.s32 v1, v3  }
0x537: {  	v3 =	vadd.s32 v2, v1  }
0x538: {  	vm6 =	vlt.s32 v3, $0x5F  }
0x539: {  	v3 =	vnsel vm6, $0x5F, v3;
	_ =	sdelay $0x3  }
0x53a: {  	v7, v8, _ =	vpop (xrf1)  }
0x53b: {  	[tilespmem:v3+s18+$0x0] =	vst.idx.msk $0xffff, v7  }
0x53c: {  	[tilespmem:v3+s19+$0x0] =	vst.idx.msk $0xffff, v8  }
0x53d: {  	v3 =	vld [tilespmem:s1+$0xFFFFFFD0];
	_ =	sdelay $0x2  }
0x53e: {  	s8 =	simm.s32 $0x40  }
0x53f: {  	v7 =	vor.u32 s8, v2  }
0x540: {  	(xrf1) =	vsort.ascd.msk.f32 $0xffff, v3, v7;
	_ =	sdelay $0x3  }
0x541: {  	vm7 =	vle.f32 v6, v5  }
0x542: {  	v6 =	vmpcnt.ones.xlane vm7;
	_ =	sdelay $0x1  }
0x543: {  	v1 =	vadd.s32 v1, v6  }
0x544: {  	v6 =	vadd.s32 v2, v1  }
0x545: {  	vm8 =	vlt.s32 v6, $0x5F  }
0x546: {  	v6 =	vnsel vm8, $0x5F, v6;
	_ =	sdelay $0x3  }
0x547: {  	v7, v8, _ =	vpop (xrf1)  }
0x548: {  	[tilespmem:v6+s18+$0x0] =	vst.idx.msk $0xffff, v7  }
0x549: {  	[tilespmem:v6+s19+$0x0] =	vst.idx.msk $0xffff, v8  }
0x54a: {  	v6 =	vld [tilespmem:s1+$0xFFFFFFE0];
	_ =	sdelay $0x2  }
0x54b: {  	s11 =	simm.s32 $0x50  }
0x54c: {  	v7 =	vor.u32 s11, v2  }
0x54d: {  	(xrf1) =	vsort.ascd.msk.f32 $0xffff, v6, v7;
	_ =	sdelay $0x3  }
0x54e: {  	vm9 =	vle.f32 v3, v5  }
0x54f: {  	v3 =	vmpcnt.ones.xlane vm9;
	_ =	sdelay $0x1  }
0x550: {  	v1 =	vadd.s32 v1, v3  }
0x551: {  	v3 =	vadd.s32 v2, v1  }
0x552: {  	vm10 =	vlt.s32 v3, $0x5F  }
0x553: {  	v3 =	vnsel vm10, $0x5F, v3;
	_ =	sdelay $0x3  }
0x554: {  	v7, v8, _ =	vpop (xrf1)  }
0x555: {  	[tilespmem:v3+s18+$0x0] =	vst.idx.msk $0xffff, v7  }
0x556: {  	[tilespmem:v3+s19+$0x0] =	vst.idx.msk $0xffff, v8  }
0x557: {  	v3 =	vld [tilespmem:s1+$0xFFFFFFF0];
	_ =	sdelay $0x2  }
0x558: {  	s15 =	simm.s32 $0x60  }
0x559: {  	v7 =	vor.u32 s15, v2  }
0x55a: {  	(xrf1) =	vsort.ascd.msk.f32 $0xffff, v3, v7;
	_ =	sdelay $0x3  }
0x55b: {  	vm11 =	vle.f32 v6, v5  }
0x55c: {  	v6 =	vmpcnt.ones.xlane vm11;
	_ =	sdelay $0x1  }
0x55d: {  	v1 =	vadd.s32 v1, v6  }
0x55e: {  	v6 =	vadd.s32 v2, v1  }
0x55f: {  	vm12 =	vlt.s32 v6, $0x5F  }
0x560: {  	v6 =	vnsel vm12, $0x5F, v6;
	_ =	sdelay $0x3  }
0x561: {  	v7, v8, _ =	vpop (xrf1)  }
0x562: {  	[tilespmem:v6+s18+$0x0] =	vst.idx.msk $0xffff, v7  }
0x563: {  	[tilespmem:v6+s19+$0x0] =	vst.idx.msk $0xffff, v8  }
0x564: {  	v6 =	vld [tilespmem:s1+$0x0];
	_ =	sdelay $0x2  }
0x565: {  	s23 =	simm.s32 $0x70  }
0x566: {  	v7 =	vor.u32 s23, v2  }
0x567: {  	(xrf1) =	vsort.ascd.msk.f32 $0xffff, v6, v7;
	_ =	sdelay $0x3  }
0x568: {  	vm13 =	vle.f32 v3, v5  }
0x569: {  	v3 =	vmpcnt.ones.xlane vm13;
	_ =	sdelay $0x1  }
0x56a: {  	v1 =	vadd.s32 v1, v3  }
0x56b: {  	v3 =	vadd.s32 v2, v1  }
0x56c: {  	vm14 =	vlt.s32 v3, $0x5F  }
0x56d: {  	v7 =	vnsel vm14, $0x5F, v3;
	_ =	sdelay $0x1  }
0x56e: {  	vm15 =	vle.f32 v6, v5  }
0x56f: {  	v3 =	vmpcnt.ones.xlane vm15  }
0x570: {  	v9, v8, _ =	vpop (xrf1)  }
0x571: {  	s0 =	sadd.s32 s2, s0;
	s6 =	simm.s32 $0xF0;
	v6 =	vadd.s32 v1, v3;
	[tilespmem:v7+s18+$0x0] =	vst.idx.msk $0xffff, v9  }
.LBB2_11:
0x572: {  	p0 =	sne.s32 s6, $0x17F0  }
0x573: {  	[tilespmem:v7+s19+$0x0] =	vst.idx.msk $0xffff, v8;
	s1 =	sadd.s32 $0x80, s1;
	s7 =	smov.u32 s6;
	s6 =	sadd.s32 $0x80, s6  }
0x574: {  	v1 =	vld [tilespmem:s1+$0xFFFFFF90];
	_ =	sdelay $0x2  }
0x575: {  	s8 =	sadd.s32 $0xFFFFFF90, s7  }
0x576: {  	v3 =	vor.u32 s8, v2  }
0x577: {  	vm0 =	vle.f32 v1, v5;
	(xrf1) =	vsort.ascd.msk.f32 $0xffff, v1, v3  }
0x578: {  	v1 =	vmpcnt.ones.xlane vm0;
	_ =	sdelay $0x1  }
0x579: {  	v1 =	vadd.s32 v6, v1  }
0x57a: {  	v3 =	vadd.s32 v2, v1  }
0x57b: {  	vm0 =	vlt.s32 v3, $0x5F;
	_ =	sdelay $0x2  }
0x57c: {  	v6 =	vadd.s32 v2, v6  }
0x57d: {  	vm1 =	vlt.s32 v6, $0x5F  }
0x57e: {  	v6 =	vnsel vm1, $0x5F, v6;
	_ =	sdelay $0x3  }
0x57f: {  	v7, v8, _ =	vpop (xrf1)  }
0x580: {  	[tilespmem:v6+s18+$0x0] =	vst.idx.msk $0xffff, v7  }
0x581: {  	[tilespmem:v6+s19+$0x0] =	vst.idx.msk $0xffff, v8  }
0x582: {  	v6 =	vld [tilespmem:s1+$0xFFFFFFA0];
	_ =	sdelay $0x2  }
0x583: {  	s8 =	sadd.s32 $0xFFFFFFA0, s7  }
0x584: {  	v7 =	vor.u32 s8, v2  }
0x585: {  	vm1 =	vle.f32 v6, v5;
	(xrf1) =	vsort.ascd.msk.f32 $0xffff, v6, v7  }
0x586: {  	v6 =	vmpcnt.ones.xlane vm1;
	_ =	sdelay $0x1  }
0x587: {  	v1 =	vadd.s32 v1, v6  }
0x588: {  	v6 =	vadd.s32 v2, v1  }
0x589: {  	vm1 =	vlt.s32 v6, $0x5F;
	_ =	sdelay $0x4  }
0x58a: {  	v3 =	vnsel vm0, $0x5F, v3;
	_ =	sdelay $0x3  }
0x58b: {  	v7, v8, _ =	vpop (xrf1)  }
0x58c: {  	[tilespmem:v3+s18+$0x0] =	vst.idx.msk $0xffff, v7  }
0x58d: {  	[tilespmem:v3+s19+$0x0] =	vst.idx.msk $0xffff, v8  }
0x58e: {  	v3 =	vld [tilespmem:s1+$0xFFFFFFB0];
	_ =	sdelay $0x2  }
0x58f: {  	s8 =	sadd.s32 $0xFFFFFFB0, s7  }
0x590: {  	v7 =	vor.u32 s8, v2  }
0x591: {  	vm0 =	vle.f32 v3, v5;
	(xrf1) =	vsort.ascd.msk.f32 $0xffff, v3, v7  }
0x592: {  	v3 =	vmpcnt.ones.xlane vm0;
	_ =	sdelay $0x1  }
0x593: {  	v1 =	vadd.s32 v1, v3  }
0x594: {  	v3 =	vadd.s32 v2, v1  }
0x595: {  	vm0 =	vlt.s32 v3, $0x5F;
	_ =	sdelay $0x4  }
0x596: {  	v6 =	vnsel vm1, $0x5F, v6;
	_ =	sdelay $0x3  }
0x597: {  	v7, v8, _ =	vpop (xrf1)  }
0x598: {  	[tilespmem:v6+s18+$0x0] =	vst.idx.msk $0xffff, v7  }
0x599: {  	[tilespmem:v6+s19+$0x0] =	vst.idx.msk $0xffff, v8  }
0x59a: {  	v6 =	vld [tilespmem:s1+$0xFFFFFFC0];
	_ =	sdelay $0x2  }
0x59b: {  	s8 =	sadd.s32 $0xFFFFFFC0, s7  }
0x59c: {  	v7 =	vor.u32 s8, v2  }
0x59d: {  	vm1 =	vle.f32 v6, v5;
	(xrf1) =	vsort.ascd.msk.f32 $0xffff, v6, v7  }
0x59e: {  	v6 =	vmpcnt.ones.xlane vm1;
	_ =	sdelay $0x1  }
0x59f: {  	v1 =	vadd.s32 v1, v6  }
0x5a0: {  	v6 =	vadd.s32 v2, v1  }
0x5a1: {  	vm1 =	vlt.s32 v6, $0x5F;
	_ =	sdelay $0x4  }
0x5a2: {  	v3 =	vnsel vm0, $0x5F, v3;
	_ =	sdelay $0x3  }
0x5a3: {  	v7, v8, _ =	vpop (xrf1)  }
0x5a4: {  	[tilespmem:v3+s18+$0x0] =	vst.idx.msk $0xffff, v7  }
0x5a5: {  	[tilespmem:v3+s19+$0x0] =	vst.idx.msk $0xffff, v8  }
0x5a6: {  	v3 =	vld [tilespmem:s1+$0xFFFFFFD0];
	_ =	sdelay $0x2  }
0x5a7: {  	s8 =	sadd.s32 $0xFFFFFFD0, s7  }
0x5a8: {  	v7 =	vor.u32 s8, v2  }
0x5a9: {  	vm0 =	vle.f32 v3, v5;
	(xrf1) =	vsort.ascd.msk.f32 $0xffff, v3, v7  }
0x5aa: {  	v3 =	vmpcnt.ones.xlane vm0;
	_ =	sdelay $0x1  }
0x5ab: {  	v1 =	vadd.s32 v1, v3  }
0x5ac: {  	v3 =	vadd.s32 v2, v1  }
0x5ad: {  	vm0 =	vlt.s32 v3, $0x5F;
	_ =	sdelay $0x4  }
0x5ae: {  	v6 =	vnsel vm1, $0x5F, v6;
	_ =	sdelay $0x3  }
0x5af: {  	v7, v8, _ =	vpop (xrf1)  }
0x5b0: {  	[tilespmem:v6+s18+$0x0] =	vst.idx.msk $0xffff, v7  }
0x5b1: {  	[tilespmem:v6+s19+$0x0] =	vst.idx.msk $0xffff, v8  }
0x5b2: {  	v6 =	vld [tilespmem:s1+$0xFFFFFFE0];
	_ =	sdelay $0x2  }
0x5b3: {  	s8 =	sadd.s32 $0xFFFFFFE0, s7  }
0x5b4: {  	v7 =	vor.u32 s8, v2  }
0x5b5: {  	vm1 =	vle.f32 v6, v5;
	(xrf1) =	vsort.ascd.msk.f32 $0xffff, v6, v7  }
0x5b6: {  	v6 =	vmpcnt.ones.xlane vm1;
	_ =	sdelay $0x1  }
0x5b7: {  	v1 =	vadd.s32 v1, v6  }
0x5b8: {  	v6 =	vadd.s32 v2, v1  }
0x5b9: {  	vm1 =	vlt.s32 v6, $0x5F;
	_ =	sdelay $0x4  }
0x5ba: {  	v3 =	vnsel vm0, $0x5F, v3;
	_ =	sdelay $0x3  }
0x5bb: {  	v7, v8, _ =	vpop (xrf1)  }
0x5bc: {  	[tilespmem:v3+s18+$0x0] =	vst.idx.msk $0xffff, v7  }
0x5bd: {  	[tilespmem:v3+s19+$0x0] =	vst.idx.msk $0xffff, v8  }
0x5be: {  	v3 =	vld [tilespmem:s1+$0xFFFFFFF0];
	_ =	sdelay $0x2  }
0x5bf: {  	s8 =	sadd.s32 $0xFFFFFFF0, s7  }
0x5c0: {  	v7 =	vor.u32 s8, v2  }
0x5c1: {  	(xrf1) =	vsort.ascd.msk.f32 $0xffff, v3, v7;
	_ =	sdelay $0x9  }
0x5c2: {  	v6 =	vnsel vm1, $0x5F, v6;
	_ =	sdelay $0x3  }
0x5c3: {  	v7, v8, _ =	vpop (xrf1)  }
0x5c4: {  	[tilespmem:v6+s18+$0x0] =	vst.idx.msk $0xffff, v7  }
0x5c5: {  	[tilespmem:v6+s19+$0x0] =	vst.idx.msk $0xffff, v8  }
0x5c6: {  	v6 =	vld [tilespmem:s1+$0x0];
	_ =	sdelay $0x3  }
0x5c7: {  	vm0 =	vle.f32 v3, v5;
	v3 =	vor.u32 s7, v2  }
0x5c8: {  	v7 =	vmpcnt.ones.xlane vm0;
	vm0 =	vle.f32 v6, v5;
	(xrf1) =	vsort.ascd.msk.f32 $0xffff, v6, v3  }
0x5c9: {  	v3 =	vmpcnt.ones.xlane vm0  }
0x5ca: {  	v1 =	vadd.s32 v1, v7  }
0x5cb: {  	v7 =	vadd.s32 v2, v1;
	v6 =	vadd.s32 v1, v3;
	_ =	sdelay $0x5  }
0x5cc: {  	vm0 =	vlt.s32 v7, $0x5F  }
0x5cd: {  	v7 =	vnsel vm0, $0x5F, v7  }
.Ltmp4:
0x5ce: {  	(pc) =	sbr.rel @p0 .LBB2_11-.Ltmp4, $3  }
0x5cf: {  	_ =	sdelay $0x1  }
0x5d0: {  	v1, v8, _ =	vpop (xrf1)  }
0x5d1: {  	[tilespmem:v7+s18+$0x0] =	vst.idx.msk $0xffff, v1  }
0x5d2: {  	_ =	sdelay $0x3  }
0x5d3: {  	[tilespmem:v7+s19+$0x0] =	vst.idx.msk $0xffff, v8  }
0x5d4: {  	v12 =	vld [tilespmem:$0xC080]  }
0x5d5: {  	v11 =	vld [tilespmem:$0xC090]  }
0x5d6: {  	v10 =	vld [tilespmem:$0xC0A0]  }
0x5d7: {  	v9 =	vld [tilespmem:$0xC0B0]  }
0x5d8: {  	v8 =	vld [tilespmem:$0xC0C0]  }
0x5d9: {  	v7 =	vld [tilespmem:$0xC0D0]  }
0x5da: {  	v1 =	vmin.f32 v12, v11  }
0x5db: {  	v1 =	vmin.f32 v1, v10  }
0x5dc: {  	v1 =	vmin.f32 v1, v9  }
0x5dd: {  	v1 =	vmin.f32 v1, v8  }
0x5de: {  	v1 =	vmin.f32 v1, v7  }
0x5df: {  	v1 =	vsub.f32 $0.0e+00, v1;
	_ =	sdelay $0x1  }
0x5e0: {  	(xrf0) =	vmax.scan.msk.f32 $0xffff, v1;
	_ =	sdelay $0x5  }
0x5e1: {  	v1, _, _ =	vpop (xrf0)  }
0x5e2: {  	v1 =	vperm.xlane v1, v0;
	_ =	sdelay $0x1  }
0x5e3: {  	v1 =	vsub.f32 $0.0e+00, v1;
	_ =	sdelay $0x1  }
0x5e4: {  	v6 =	vadd.f32 $-1.000000000e+00, v1;
	_ =	sdelay $0x1  }
0x5e5: {  	s1 =	simm.s32 $0x27;
	v13 =	vadd.f32 v5, v6  }
.LBB2_13:
0x5e6: {  	p0 =	sne.s32 s1, $0x1  }
0x5e7: {  	v1 =	vmul.f32 $5.000000000e-01, v13;
	_ =	sdelay $0x1  }
0x5e8: {  	vm0 =	vle.f32 v12, v1;
	vm1 =	vle.f32 v11, v1  }
0x5e9: {  	v3 =	vmpcnt.ones.xlane vm0;
	v13 =	vmpcnt.ones.xlane vm1;
	vm0 =	vle.f32 v10, v1  }
0x5ea: {  	v14 =	vmpcnt.ones.xlane vm0;
	vm0 =	vle.f32 v9, v1  }
0x5eb: {  	v3 =	vadd.s32 v3, v13;
	v13 =	vmpcnt.ones.xlane vm0;
	vm0 =	vle.f32 v8, v1  }
0x5ec: {  	v3 =	vadd.s32 v14, v3;
	v14 =	vmpcnt.ones.xlane vm0;
	vm0 =	vle.f32 v7, v1  }
0x5ed: {  	v3 =	vadd.s32 v13, v3;
	v13 =	vmpcnt.ones.xlane vm0  }
.Ltmp5:
0x5ee: {  	v3 =	vadd.s32 v14, v3;
	(pc) =	sbr.rel @p0 .LBB2_13-.Ltmp5, $4  }
0x5ef: {  	v3 =	vadd.s32 v13, v3  }
0x5f0: {  	vm0 =	vgt.s32 v3, $0x1F  }
0x5f1: {  	v6 =	vsel vm0, v6, v1;
	v5 =	vsel vm0, v1, v5  }
0x5f2: {  	s1 =	sadd.s32 $0xFFFFFFFF, s1;
	v13 =	vadd.f32 v5, v6  }
0x5f3: {  	_ = 	snop  }
0x5f4: {  	v1 =	vmul.f32 $5.000000000e-01, v13;
	_ =	sdelay $0x1  }
0x5f5: {  	vm0 =	vle.f32 v12, v1;
	vm1 =	vle.f32 v11, v1  }
0x5f6: {  	vm14 =	vle.f32 v10, v1;
	v3 =	vmpcnt.ones.xlane vm0;
	v13 =	vmpcnt.ones.xlane vm1  }
0x5f7: {  	vm15 =	vle.f32 v9, v1;
	v14 =	vmpcnt.ones.xlane vm14  }
0x5f8: {  	vm4 =	vle.f32 v8, v1;
	v3 =	vadd.s32 v3, v13;
	v13 =	vmpcnt.ones.xlane vm15  }
0x5f9: {  	vm5 =	vle.f32 v7, v1;
	v3 =	vadd.s32 v14, v3;
	v14 =	vmpcnt.ones.xlane vm4  }
0x5fa: {  	v3 =	vadd.s32 v13, v3;
	v13 =	vmpcnt.ones.xlane vm5  }
0x5fb: {  	v3 =	vadd.s32 v14, v3  }
0x5fc: {  	v3 =	vadd.s32 v13, v3  }
0x5fd: {  	vm6 =	vgt.s32 v3, $0x1F  }
0x5fe: {  	v6 =	vsel vm6, v6, v1;
	v5 =	vsel vm6, v1, v5  }
0x5ff: {  	vm7 =	vle.f32 v12, v6;
	vm2 =	vle.f32 v12, v5  }
0x600: {  	vm3 =	vle.f32 v11, v6;
	vm9 =	vle.f32 v10, v6;
	vm10 =	vle.f32 v9, v6  }
0x601: {  	vm8 =	vmneg vm7;
	v1 =	vmpcnt.ones.xlane vm7;
	v3 =	vmpcnt.ones.xlane vm3  }
0x602: {  	vm11 =	vle.f32 v8, v6;
	v45 =	vmpcnt.ones.xlane vm9;
	vm0 =	vmand vm2, vm8  }
0x603: {  	v9 =	vmpcnt.ones.xlane vm10;
	v44 =	vsel vm0, $0x1, v15;
	v1 =	vadd.s32 v3, v1  }
0x604: {  	vm12 =	vle.f32 v7, v6;
	v3 =	vmpcnt.ones.xlane vm11;
	(xrf0) =	vadd.scan.msk.s32 $0xffff, v44;
	v1 =	vadd.s32 v45, v1  }
0x605: {  	v7 =	vmpcnt.ones.xlane vm12;
	v1 =	vadd.s32 v9, v1  }
0x606: {  	v1 =	vadd.s32 v3, v1  }
0x607: {  	v1 =	vadd.s32 v7, v1;
	_ =	sdelay $0x2  }
0x608: {  	v7 =	vsub.s32 $0x20, v1;
	v1, _, _ =	vpop (xrf0)  }
0x609: {  	vm13 =	vle.s32 v1, v7  }
0x60a: {  	v1 =	vld [tilespmem:$0xC100];
	vm2 =	vmand vm2, vm13  }
0x60b: {  	vm1 =	vmor vm7, vm2  }
0x60c: {  	v3 =	vsel vm1, $0x1, v15  }
0x60d: {  	(xrf0) =	vadd.scan.msk.s32 $0xffff, v3;
	_ =	sdelay $0x1  }
0x60e: {  	v3 =	vshrl.u32 v1, $0x7;
	_ =	sdelay $0x3  }
0x60f: {  	v46, _, _ =	vpop (xrf0)  }
0x610: {  	v3 =	vld.idx.msk [tilespmem:v3+s31+$0x0], vm1;
	v8 =	vadd.s32 $0xFFFFFFFF, v46  }
0x611: {  	v4 =	vshll.u32 v4, $0x7;
	v47 =	vand.u32 $0xFFFFFF80, v8  }
0x612: {  	s0 =	smul.u32 $0x310, s0;
	v8 =	vand.u32 $0x7F, v8;
	v9 =	vadd.s32 v4, v47  }
0x613: {  	v9 =	vor.u32 v8, v9  }
0x614: {  	v48 =	vmov s0  }
0x615: {  	v3 =	vsub.s32 v3, v48  }
0x616: {  	v1 =	vand.u32 $0x7F, v1;
	v3 =	vshll.u32 v3, $0x7  }
0x617: {  	v1 =	vor.u32 v1, v3  }
0x618: {  	[tilespmem:v9+s20+$0x0] =	vst.idx.msk vm1, v1  }
0x619: {  	v1 =	vld [tilespmem:$0xC090];
	_ =	sdelay $0x4  }
0x61a: {  	vm14 =	vle.f32 v1, v6  }
0x61b: {  	vm4 =	vle.f32 v1, v5;
	vm15 =	vmneg vm14  }
0x61c: {  	vm3 =	vmand vm4, vm15  }
0x61d: {  	v1 =	vsel vm3, $0x1, v15  }
0x61e: {  	(xrf0) =	vadd.scan.msk.s32 $0xffff, v1;
	_ =	sdelay $0x4  }
0x61f: {  	v1 =	vmpcnt.ones.xlane vm0  }
0x620: {  	v3, _, _ =	vpop (xrf0)  }
0x621: {  	v3 =	vadd.s32 v1, v3  }
0x622: {  	vm8 =	vle.s32 v3, v7  }
0x623: {  	v3 =	vld [tilespmem:$0xC110];
	vm0 =	vmand vm4, vm8  }
0x624: {  	vm0 =	vmor vm14, vm0  }
0x625: {  	v49 =	vsel vm0, $0x1, v15  }
0x626: {  	(xrf0) =	vadd.scan.msk.s32 $0xffff, v49;
	_ =	sdelay $0x1  }
0x627: {  	v50 =	vshrl.u32 v3, $0x7;
	_ =	sdelay $0x1  }
0x628: {  	v51 =	vmpcnt.ones.xlane vm1;
	_ =	sdelay $0x1  }
0x629: {  	v10 =	vadd.s32 $0xFFFFFFFF, v51;
	v52, _, _ =	vpop (xrf0)  }
0x62a: {  	v9 =	vld.idx.msk [tilespmem:v50+s31+$0x0], vm0;
	v11 =	vadd.s32 v52, v10  }
0x62b: {  	v12 =	vand.u32 $0xFFFFFF80, v11  }
0x62c: {  	v11 =	vand.u32 $0x7F, v11;
	v12 =	vadd.s32 v4, v12  }
0x62d: {  	v11 =	vor.u32 v11, v12;
	_ =	sdelay $0x1  }
0x62e: {  	v9 =	vsub.s32 v9, v48  }
0x62f: {  	v3 =	vand.u32 $0x7F, v3;
	v9 =	vshll.u32 v9, $0x7  }
0x630: {  	v3 =	vor.u32 v3, v9  }
0x631: {  	[tilespmem:v11+s20+$0x0] =	vst.idx.msk vm0, v3  }
0x632: {  	v3 =	vld [tilespmem:$0xC0A0];
	_ =	sdelay $0x4  }
0x633: {  	vm9 =	vle.f32 v3, v6  }
0x634: {  	vm11 =	vle.f32 v3, v5;
	vm10 =	vmneg vm9  }
0x635: {  	vm2 =	vmand vm11, vm10  }
0x636: {  	v3 =	vsel vm2, $0x1, v15  }
0x637: {  	(xrf0) =	vadd.scan.msk.s32 $0xffff, v3;
	_ =	sdelay $0x1  }
0x638: {  	v3 =	vmpcnt.ones.xlane vm3;
	_ =	sdelay $0x3  }
0x639: {  	v1 =	vadd.s32 v1, v3;
	v3, _, _ =	vpop (xrf0)  }
0x63a: {  	v3 =	vadd.s32 v1, v3  }
0x63b: {  	vm12 =	vle.s32 v3, v7  }
0x63c: {  	v3 =	vld [tilespmem:$0xC120];
	vm3 =	vmand vm11, vm12  }
0x63d: {  	vm1 =	vmor vm9, vm3  }
0x63e: {  	v53 =	vsel vm1, $0x1, v15  }
0x63f: {  	(xrf0) =	vadd.scan.msk.s32 $0xffff, v53;
	_ =	sdelay $0x1  }
0x640: {  	v54 =	vshrl.u32 v3, $0x7;
	_ =	sdelay $0x1  }
0x641: {  	v55 =	vmpcnt.ones.xlane vm0;
	_ =	sdelay $0x1  }
0x642: {  	v10 =	vadd.s32 v55, v10;
	v12, _, _ =	vpop (xrf0)  }
0x643: {  	v9 =	vld.idx.msk [tilespmem:v54+s31+$0x0], vm1;
	v11 =	vadd.s32 v12, v10  }
0x644: {  	v12 =	vand.u32 $0xFFFFFF80, v11  }
0x645: {  	v11 =	vand.u32 $0x7F, v11;
	v12 =	vadd.s32 v4, v12  }
0x646: {  	v11 =	vor.u32 v11, v12;
	_ =	sdelay $0x1  }
0x647: {  	v9 =	vsub.s32 v9, v48  }
0x648: {  	v3 =	vand.u32 $0x7F, v3;
	v9 =	vshll.u32 v9, $0x7  }
0x649: {  	v3 =	vor.u32 v3, v9  }
0x64a: {  	[tilespmem:v11+s20+$0x0] =	vst.idx.msk vm1, v3  }
0x64b: {  	v3 =	vld [tilespmem:$0xC0B0];
	_ =	sdelay $0x4  }
0x64c: {  	vm13 =	vle.f32 v3, v6  }
0x64d: {  	vm15 =	vle.f32 v3, v5;
	vm14 =	vmneg vm13  }
0x64e: {  	vm3 =	vmand vm15, vm14  }
0x64f: {  	v3 =	vsel vm3, $0x1, v15  }
0x650: {  	(xrf0) =	vadd.scan.msk.s32 $0xffff, v3;
	_ =	sdelay $0x1  }
0x651: {  	v3 =	vmpcnt.ones.xlane vm2;
	_ =	sdelay $0x3  }
0x652: {  	v1 =	vadd.s32 v1, v3;
	v3, _, _ =	vpop (xrf0)  }
0x653: {  	v3 =	vadd.s32 v1, v3  }
0x654: {  	vm7 =	vle.s32 v3, v7  }
0x655: {  	v3 =	vld [tilespmem:$0xC130];
	vm2 =	vmand vm15, vm7  }
0x656: {  	vm0 =	vmor vm13, vm2  }
0x657: {  	v56 =	vsel vm0, $0x1, v15  }
0x658: {  	(xrf0) =	vadd.scan.msk.s32 $0xffff, v56;
	_ =	sdelay $0x1  }
0x659: {  	v57 =	vshrl.u32 v3, $0x7;
	_ =	sdelay $0x1  }
0x65a: {  	v58 =	vmpcnt.ones.xlane vm1;
	_ =	sdelay $0x1  }
0x65b: {  	v10 =	vadd.s32 v58, v10;
	v12, _, _ =	vpop (xrf0)  }
0x65c: {  	v9 =	vld.idx.msk [tilespmem:v57+s31+$0x0], vm0;
	v11 =	vadd.s32 v12, v10  }
0x65d: {  	v12 =	vand.u32 $0xFFFFFF80, v11  }
0x65e: {  	v11 =	vand.u32 $0x7F, v11;
	v12 =	vadd.s32 v4, v12  }
0x65f: {  	v11 =	vor.u32 v11, v12;
	_ =	sdelay $0x1  }
0x660: {  	v9 =	vsub.s32 v9, v48  }
0x661: {  	v3 =	vand.u32 $0x7F, v3;
	v9 =	vshll.u32 v9, $0x7  }
0x662: {  	v3 =	vor.u32 v3, v9  }
0x663: {  	[tilespmem:v11+s20+$0x0] =	vst.idx.msk vm0, v3  }
0x664: {  	v3 =	vld [tilespmem:$0xC0C0];
	_ =	sdelay $0x4  }
0x665: {  	vm8 =	vle.f32 v3, v6  }
0x666: {  	vm10 =	vle.f32 v3, v5;
	vm9 =	vmneg vm8  }
0x667: {  	vm2 =	vmand vm10, vm9  }
0x668: {  	v3 =	vsel vm2, $0x1, v15  }
0x669: {  	(xrf0) =	vadd.scan.msk.s32 $0xffff, v3;
	_ =	sdelay $0x1  }
0x66a: {  	v3 =	vmpcnt.ones.xlane vm3;
	_ =	sdelay $0x3  }
0x66b: {  	v1 =	vadd.s32 v1, v3;
	v3, _, _ =	vpop (xrf0)  }
0x66c: {  	v3 =	vadd.s32 v1, v3  }
0x66d: {  	vm11 =	vle.s32 v3, v7  }
0x66e: {  	v3 =	vld [tilespmem:$0xC140];
	vm3 =	vmand vm10, vm11  }
0x66f: {  	vm1 =	vmor vm8, vm3  }
0x670: {  	v59 =	vsel vm1, $0x1, v15  }
0x671: {  	(xrf0) =	vadd.scan.msk.s32 $0xffff, v59;
	_ =	sdelay $0x1  }
0x672: {  	v60 =	vshrl.u32 v3, $0x7;
	_ =	sdelay $0x1  }
0x673: {  	v61 =	vmpcnt.ones.xlane vm0;
	_ =	sdelay $0x1  }
0x674: {  	v10 =	vadd.s32 v61, v10;
	v12, _, _ =	vpop (xrf0)  }
0x675: {  	v9 =	vld.idx.msk [tilespmem:v60+s31+$0x0], vm1;
	v11 =	vadd.s32 v12, v10  }
0x676: {  	v12 =	vand.u32 $0xFFFFFF80, v11  }
0x677: {  	v11 =	vand.u32 $0x7F, v11;
	v12 =	vadd.s32 v4, v12  }
0x678: {  	v11 =	vor.u32 v11, v12;
	_ =	sdelay $0x1  }
0x679: {  	v9 =	vsub.s32 v9, v48  }
0x67a: {  	v3 =	vand.u32 $0x7F, v3;
	v9 =	vshll.u32 v9, $0x7  }
0x67b: {  	v3 =	vor.u32 v3, v9  }
0x67c: {  	[tilespmem:v11+s20+$0x0] =	vst.idx.msk vm1, v3  }
0x67d: {  	v3 =	vld [tilespmem:$0xC0D0];
	_ =	sdelay $0x4  }
0x67e: {  	vm12 =	vle.f32 v3, v6  }
0x67f: {  	vm14 =	vle.f32 v3, v5;
	vm13 =	vmneg vm12  }
0x680: {  	vm3 =	vmand vm14, vm13  }
0x681: {  	v3 =	vsel vm3, $0x1, v15  }
0x682: {  	(xrf0) =	vadd.scan.msk.s32 $0xffff, v3;
	_ =	sdelay $0x1  }
0x683: {  	v3 =	vmpcnt.ones.xlane vm2;
	_ =	sdelay $0x3  }
0x684: {  	v1 =	vadd.s32 v1, v3;
	v3, _, _ =	vpop (xrf0)  }
0x685: {  	v1 =	vadd.s32 v3, v1  }
0x686: {  	vm15 =	vle.s32 v1, v7  }
0x687: {  	v1 =	vld [tilespmem:$0xC150];
	vm2 =	vmand vm14, vm15  }
0x688: {  	vm0 =	vmor vm12, vm2  }
0x689: {  	v3 =	vsel vm0, $0x1, v15  }
0x68a: {  	(xrf0) =	vadd.scan.msk.s32 $0xffff, v3;
	_ =	sdelay $0x1  }
0x68b: {  	v3 =	vshrl.u32 v1, $0x7;
	_ =	sdelay $0x1  }
0x68c: {  	v62 =	vmpcnt.ones.xlane vm1;
	_ =	sdelay $0x1  }
0x68d: {  	v5 =	vadd.s32 v62, v10;
	v63, _, _ =	vpop (xrf0)  }
0x68e: {  	v3 =	vld.idx.msk [tilespmem:v3+s31+$0x0], vm0;
	v5 =	vadd.s32 v63, v5  }
0x68f: {  	v6 =	vand.u32 $0xFFFFFF80, v5  }
0x690: {  	s30 =	sadd.s32 $0x1, s30;
	v5 =	vand.u32 $0x7F, v5;
	v4 =	vadd.s32 v4, v6  }
0x691: {  	p0 =	sne.s32 s30, $0x10;
	v4 =	vor.u32 v5, v4  }
.Ltmp6:
0x692: {  	_ = 	snop;
	(pc) =	sbr.rel @p0 .LBB2_6-.Ltmp6, $4  }
0x693: {  	v3 =	vsub.s32 v3, v48  }
0x694: {  	v1 =	vand.u32 $0x7F, v1;
	v3 =	vshll.u32 v3, $0x7  }
0x695: {  	v1 =	vor.u32 v1, v3  }
0x696: {  	[tilespmem:v4+s20+$0x0] =	vst.idx.msk vm0, v1  }
0x697: {  	s0 =	simm.s32 $0xD180  }
0x698: {  	[tilespmem:s0], [sflag:$0x3] =	stream.indirect.gather [hbm4b:s5+s22], $0x80, s20, s22, $0xb8;
	[tilespmem:$0xF200] =	vst v63  }
0x699: {  	s30 =	simm.s32 $0xC200  }
0x69a: {  	[tilespmem:s24], [sflag:$0x4] =	stream.indirect.gather [hbm4b:s5+s22], $0x80, s30, s22, $0xb8;
	[tilespmem:$0xF200] =	vst v63  }
0x69b: {  	_ =	swait.ge [sflag:s25], $0x1000  }
0x69c: {  	[sflag:s25] =	ssyncset.done $0x0  }
0x69d: {  	[sflag:s25] =	ssyncadd.s32 $0xFFFFF000  }
0x69e: {  	v1 =	vld [tilespmem:$0xD180]  }
0x69f: {  	v3 =	vld [tilespmem:$0xD200];
	_ =	sdelay $0x1  }
0x6a0: {  	v4 =	vld [tilespmem:$0xD280];
	_ =	sdelay $0x1  }
0x6a1: {  	v5 =	vld [tilespmem:$0xD300]  }
0x6a2: {  	v1 =	vadd.f32 v3, v1  }
0x6a3: {  	v3 =	vld [tilespmem:$0xD380]  }
0x6a4: {  	v1 =	vadd.f32 v4, v1  }
0x6a5: {  	v4 =	vld [tilespmem:$0xD400]  }
0x6a6: {  	v1 =	vadd.f32 v5, v1  }
0x6a7: {  	v5 =	vld [tilespmem:$0xD480]  }
0x6a8: {  	v1 =	vadd.f32 v3, v1  }
0x6a9: {  	v3 =	vld [tilespmem:$0xD500]  }
0x6aa: {  	v1 =	vadd.f32 v4, v1  }
0x6ab: {  	v4 =	vld [tilespmem:$0xD580]  }
0x6ac: {  	v1 =	vadd.f32 v5, v1  }
0x6ad: {  	v5 =	vld [tilespmem:$0xD600]  }
0x6ae: {  	v1 =	vadd.f32 v3, v1  }
0x6af: {  	v3 =	vld [tilespmem:$0xD680]  }
0x6b0: {  	v1 =	vadd.f32 v4, v1  }
0x6b1: {  	v4 =	vld [tilespmem:$0xD700]  }
0x6b2: {  	v1 =	vadd.f32 v5, v1  }
0x6b3: {  	v5 =	vld [tilespmem:$0xD780]  }
0x6b4: {  	v1 =	vadd.f32 v3, v1  }
0x6b5: {  	v3 =	vld [tilespmem:$0xD800]  }
0x6b6: {  	v1 =	vadd.f32 v4, v1  }
0x6b7: {  	v4 =	vld [tilespmem:$0xD880]  }
0x6b8: {  	v1 =	vadd.f32 v5, v1  }
0x6b9: {  	v5 =	vld [tilespmem:$0xD900]  }
0x6ba: {  	v1 =	vadd.f32 v3, v1  }
0x6bb: {  	v3 =	vld [tilespmem:$0xD980]  }
0x6bc: {  	v1 =	vadd.f32 v4, v1  }
0x6bd: {  	v4 =	vld [tilespmem:$0xDA00]  }
0x6be: {  	v1 =	vadd.f32 v5, v1  }
0x6bf: {  	v5 =	vld [tilespmem:$0xDA80]  }
0x6c0: {  	v1 =	vadd.f32 v3, v1  }
0x6c1: {  	v3 =	vld [tilespmem:$0xDB00]  }
0x6c2: {  	v1 =	vadd.f32 v4, v1  }
0x6c3: {  	v4 =	vld [tilespmem:$0xDB80]  }
0x6c4: {  	v1 =	vadd.f32 v5, v1  }
0x6c5: {  	v5 =	vld [tilespmem:$0xDC00]  }
0x6c6: {  	v1 =	vadd.f32 v3, v1  }
0x6c7: {  	v3 =	vld [tilespmem:$0xDC80]  }
0x6c8: {  	v1 =	vadd.f32 v4, v1  }
0x6c9: {  	v4 =	vld [tilespmem:$0xDD00]  }
0x6ca: {  	v1 =	vadd.f32 v5, v1  }
0x6cb: {  	v5 =	vld [tilespmem:$0xDD80]  }
0x6cc: {  	v1 =	vadd.f32 v3, v1  }
0x6cd: {  	v3 =	vld [tilespmem:$0xDE00]  }
0x6ce: {  	v1 =	vadd.f32 v4, v1  }
0x6cf: {  	v4 =	vld [tilespmem:$0xDE80]  }
0x6d0: {  	v1 =	vadd.f32 v5, v1  }
0x6d1: {  	v5 =	vld [tilespmem:$0xDF00]  }
0x6d2: {  	v1 =	vadd.f32 v3, v1  }
0x6d3: {  	v3 =	vld [tilespmem:$0xDF80]  }
0x6d4: {  	v1 =	vadd.f32 v4, v1  }
0x6d5: {  	v4 =	vld [tilespmem:$0xE000]  }
0x6d6: {  	v1 =	vadd.f32 v5, v1  }
0x6d7: {  	v5 =	vld [tilespmem:$0xE080]  }
0x6d8: {  	v1 =	vadd.f32 v3, v1  }
0x6d9: {  	v3 =	vld [tilespmem:$0xE100]  }
0x6da: {  	v1 =	vadd.f32 v4, v1;
	_ =	sdelay $0x1  }
0x6db: {  	s31 =	simm.s32 $0x0;
	v1 =	vadd.f32 v5, v1  }
0x6dc: {  	v4 =	vld [tilespmem:s31+$0x7000]  }
0x6dd: {  	v1 =	vadd.f32 v3, v1;
	_ =	sdelay $0x1  }
0x6de: {  	v1 =	vmul.f32 $3.125000000e-02, v1;
	_ =	sdelay $0x1  }
0x6df: {  	v1 =	vadd.f32 v1, v4;
	_ =	sdelay $0x1  }
0x6e0: {  	(xrf0) =	vmax.scan.msk.f32 $0xffff, v1;
	_ =	sdelay $0x5  }
0x6e1: {  	v3, _, _ =	vpop (xrf0)  }
0x6e2: {  	v4 =	vmul.u32 $0xFFFFFFFF, v2;
	v3 =	vperm.xlane v3, v0;
	_ =	sdelay $0x1  }
0x6e3: {  	v4 =	vadd.s32 $0x80000000, v4;
	vm0 =	veq.f32 v1, v3  }
0x6e4: {  	v1 =	vnsel vm0, $0x7FFFFFF0, v4  }
0x6e5: {  	(xrf0) =	vmax.scan.msk.u32 $0xffff, v1;
	_ =	sdelay $0x1  }
0x6e6: {  	s1 =	simm.s32 $0x0  }
0x6e7: {  	v1 =	vmov s1  }
0x6e8: {  	v1 =	vand.u32 $0xFFFFFFFE, v1  }
0x6e9: {  	v1 =	vbroadcast v1, $0x0  }
0x6ea: {  	v3, _, _ =	vpop (xrf0)  }
0x6eb: {  	v3 =	vxor.u32 $0x80000000, v3  }
0x6ec: {  	v3 =	vperm.xlane v3, v0;
	_ =	sdelay $0x1  }
0x6ed: {  	p0 =	por $0x0, $0x0;
	v3 =	vsub.s32 $0x0, v3  }
0x6ee: {  	s6 =	simm.s32 @!p0 $0x20;
	s7 =	simm.s32 @!p0 $0xD180;
	s1 =	simm.s32 @!p0 $0xC280;
	[tilespmem:v1+s26+$0x0] =	vst.idx.msk $0x1, v3  }
0x6ef: {  	[tilespmem:s7], [sflag:$0x3] =	stream.indirect.gather @!p0 [hbm4b:s5+s6], $0x80, s1, s6, $0xb8;
	[tilespmem:$0xF200] =	vst v63  }
0x6f0: {  	_ =	swait.ge [sflag:s28], $0x1000  }
0x6f1: {  	[sflag:s28] =	ssyncset.done $0x0  }
0x6f2: {  	[sflag:s28] =	ssyncadd.s32 $0xFFFFF000  }
0x6f3: {  	v1 =	vld [tilespmem:$0xE180]  }
0x6f4: {  	v3 =	vld [tilespmem:$0xE200];
	_ =	sdelay $0x1  }
0x6f5: {  	v5 =	vld [tilespmem:$0xE280];
	_ =	sdelay $0x1  }
0x6f6: {  	v6 =	vld [tilespmem:$0xE300]  }
0x6f7: {  	v1 =	vadd.f32 v3, v1  }
0x6f8: {  	v3 =	vld [tilespmem:$0xE380]  }
0x6f9: {  	v1 =	vadd.f32 v5, v1  }
0x6fa: {  	v5 =	vld [tilespmem:$0xE400]  }
0x6fb: {  	v1 =	vadd.f32 v6, v1  }
0x6fc: {  	v6 =	vld [tilespmem:$0xE480]  }
0x6fd: {  	v1 =	vadd.f32 v3, v1  }
0x6fe: {  	v3 =	vld [tilespmem:$0xE500]  }
0x6ff: {  	v1 =	vadd.f32 v5, v1  }
0x700: {  	v5 =	vld [tilespmem:$0xE580]  }
0x701: {  	v1 =	vadd.f32 v6, v1  }
0x702: {  	v6 =	vld [tilespmem:$0xE600]  }
0x703: {  	v1 =	vadd.f32 v3, v1  }
0x704: {  	v3 =	vld [tilespmem:$0xE680]  }
0x705: {  	v1 =	vadd.f32 v5, v1  }
0x706: {  	v5 =	vld [tilespmem:$0xE700]  }
0x707: {  	v1 =	vadd.f32 v6, v1  }
0x708: {  	v6 =	vld [tilespmem:$0xE780]  }
0x709: {  	v1 =	vadd.f32 v3, v1  }
0x70a: {  	v3 =	vld [tilespmem:$0xE800]  }
0x70b: {  	v1 =	vadd.f32 v5, v1  }
0x70c: {  	v5 =	vld [tilespmem:$0xE880]  }
0x70d: {  	v1 =	vadd.f32 v6, v1  }
0x70e: {  	v6 =	vld [tilespmem:$0xE900]  }
0x70f: {  	v1 =	vadd.f32 v3, v1  }
0x710: {  	v3 =	vld [tilespmem:$0xE980]  }
0x711: {  	v1 =	vadd.f32 v5, v1  }
0x712: {  	v5 =	vld [tilespmem:$0xEA00]  }
0x713: {  	v1 =	vadd.f32 v6, v1  }
0x714: {  	v6 =	vld [tilespmem:$0xEA80]  }
0x715: {  	v1 =	vadd.f32 v3, v1  }
0x716: {  	v3 =	vld [tilespmem:$0xEB00]  }
0x717: {  	v1 =	vadd.f32 v5, v1  }
0x718: {  	v5 =	vld [tilespmem:$0xEB80]  }
0x719: {  	v1 =	vadd.f32 v6, v1  }
0x71a: {  	v6 =	vld [tilespmem:$0xEC00]  }
0x71b: {  	v1 =	vadd.f32 v3, v1  }
0x71c: {  	v3 =	vld [tilespmem:$0xEC80]  }
0x71d: {  	v1 =	vadd.f32 v5, v1  }
0x71e: {  	v5 =	vld [tilespmem:$0xED00]  }
0x71f: {  	v1 =	vadd.f32 v6, v1  }
0x720: {  	v6 =	vld [tilespmem:$0xED80]  }
0x721: {  	v1 =	vadd.f32 v3, v1  }
0x722: {  	v3 =	vld [tilespmem:$0xEE00]  }
0x723: {  	v1 =	vadd.f32 v5, v1  }
0x724: {  	v5 =	vld [tilespmem:$0xEE80]  }
0x725: {  	v1 =	vadd.f32 v6, v1  }
0x726: {  	v6 =	vld [tilespmem:$0xEF00]  }
0x727: {  	v1 =	vadd.f32 v3, v1  }
0x728: {  	v3 =	vld [tilespmem:$0xEF80]  }
0x729: {  	v1 =	vadd.f32 v5, v1  }
0x72a: {  	v5 =	vld [tilespmem:$0xF000]  }
0x72b: {  	v1 =	vadd.f32 v6, v1  }
0x72c: {  	v6 =	vld [tilespmem:$0xF080]  }
0x72d: {  	v1 =	vadd.f32 v3, v1  }
0x72e: {  	v3 =	vld [tilespmem:$0xF100]  }
0x72f: {  	v1 =	vadd.f32 v5, v1;
	_ =	sdelay $0x1  }
0x730: {  	v1 =	vadd.f32 v6, v1  }
0x731: {  	v5 =	vld [tilespmem:s31+$0x7080]  }
0x732: {  	v1 =	vadd.f32 v3, v1;
	_ =	sdelay $0x1  }
0x733: {  	v1 =	vmul.f32 $3.125000000e-02, v1;
	_ =	sdelay $0x1  }
0x734: {  	v1 =	vadd.f32 v1, v5;
	_ =	sdelay $0x1  }
0x735: {  	(xrf0) =	vmax.scan.msk.f32 $0xffff, v1;
	_ =	sdelay $0x5  }
0x736: {  	v3, _, _ =	vpop (xrf0)  }
0x737: {  	v3 =	vperm.xlane v3, v0;
	_ =	sdelay $0x1  }
0x738: {  	vm15 =	veq.f32 v1, v3  }
0x739: {  	v1 =	vnsel vm15, $0x7FFFFFF0, v4  }
0x73a: {  	(xrf0) =	vmax.scan.msk.u32 $0xffff, v1;
	_ =	sdelay $0x4  }
0x73b: {  	s0 =	simm.s32 $0x1  }
0x73c: {  	v5 =	vmov s0;
	v1, _, _ =	vpop (xrf0)  }
0x73d: {  	s1 =	simm.s32 $0x400;
	v6 =	vxor.u32 $0x80000000, v1  }
.LBB2_16:
0x73e: {  	v1 =	vperm.xlane v6, v0;
	s0 =	sadd.s32 $0x2, s0;
	s7 =	smov.u32 s1;
	s1 =	sadd.s32 $0x400, s1  }
0x73f: {  	s6 =	sshra.s32 s7, $0x2;
	p0 =	sne.s32 s1, $0x4000  }
0x740: {  	s8 =	sadd.s32 $0xC200, s6;
	v1 =	vsub.s32 $0x0, v1  }
0x741: {  	[tilespmem:v5+s26+$0x0] =	vst.idx.msk $0x1, v1  }
0x742: {  	[tilespmem:s24], [sflag:$0x4] =	stream.indirect.gather [hbm4b:s5+s22], $0x80, s8, s22, $0xb8;
	[tilespmem:$0xF200] =	vst v63  }
0x743: {  	_ =	swait.ge [sflag:s25], $0x1000  }
0x744: {  	[sflag:s25] =	ssyncset.done $0x0  }
0x745: {  	[sflag:s25] =	ssyncadd.s32 $0xFFFFF000  }
0x746: {  	v1 =	vld [tilespmem:$0xD180]  }
0x747: {  	v3 =	vld [tilespmem:$0xD200];
	_ =	sdelay $0x1  }
0x748: {  	v5 =	vld [tilespmem:$0xD280];
	_ =	sdelay $0x1  }
0x749: {  	v6 =	vld [tilespmem:$0xD300]  }
0x74a: {  	v1 =	vadd.f32 v3, v1  }
0x74b: {  	v3 =	vld [tilespmem:$0xD380]  }
0x74c: {  	v1 =	vadd.f32 v5, v1  }
0x74d: {  	v5 =	vld [tilespmem:$0xD400]  }
0x74e: {  	v1 =	vadd.f32 v6, v1  }
0x74f: {  	v6 =	vld [tilespmem:$0xD480]  }
0x750: {  	v1 =	vadd.f32 v3, v1  }
0x751: {  	v3 =	vld [tilespmem:$0xD500]  }
0x752: {  	v1 =	vadd.f32 v5, v1  }
0x753: {  	v5 =	vld [tilespmem:$0xD580]  }
0x754: {  	v1 =	vadd.f32 v6, v1  }
0x755: {  	v6 =	vld [tilespmem:$0xD600]  }
0x756: {  	v1 =	vadd.f32 v3, v1  }
0x757: {  	v3 =	vld [tilespmem:$0xD680]  }
0x758: {  	v1 =	vadd.f32 v5, v1  }
0x759: {  	v5 =	vld [tilespmem:$0xD700]  }
0x75a: {  	v1 =	vadd.f32 v6, v1  }
0x75b: {  	v6 =	vld [tilespmem:$0xD780]  }
0x75c: {  	v1 =	vadd.f32 v3, v1  }
0x75d: {  	v3 =	vld [tilespmem:$0xD800]  }
0x75e: {  	v1 =	vadd.f32 v5, v1  }
0x75f: {  	v5 =	vld [tilespmem:$0xD880]  }
0x760: {  	v1 =	vadd.f32 v6, v1  }
0x761: {  	v6 =	vld [tilespmem:$0xD900]  }
0x762: {  	v1 =	vadd.f32 v3, v1  }
0x763: {  	v3 =	vld [tilespmem:$0xD980]  }
0x764: {  	v1 =	vadd.f32 v5, v1  }
0x765: {  	v5 =	vld [tilespmem:$0xDA00]  }
0x766: {  	v1 =	vadd.f32 v6, v1  }
0x767: {  	v6 =	vld [tilespmem:$0xDA80]  }
0x768: {  	v1 =	vadd.f32 v3, v1  }
0x769: {  	v3 =	vld [tilespmem:$0xDB00]  }
0x76a: {  	v1 =	vadd.f32 v5, v1  }
0x76b: {  	v5 =	vld [tilespmem:$0xDB80]  }
0x76c: {  	v1 =	vadd.f32 v6, v1  }
0x76d: {  	v6 =	vld [tilespmem:$0xDC00]  }
0x76e: {  	v1 =	vadd.f32 v3, v1  }
0x76f: {  	v3 =	vld [tilespmem:$0xDC80]  }
0x770: {  	v1 =	vadd.f32 v5, v1  }
0x771: {  	v5 =	vld [tilespmem:$0xDD00]  }
0x772: {  	v1 =	vadd.f32 v6, v1  }
0x773: {  	v6 =	vld [tilespmem:$0xDD80]  }
0x774: {  	v1 =	vadd.f32 v3, v1  }
0x775: {  	v3 =	vld [tilespmem:$0xDE00]  }
0x776: {  	v1 =	vadd.f32 v5, v1  }
0x777: {  	v5 =	vld [tilespmem:$0xDE80]  }
0x778: {  	v1 =	vadd.f32 v6, v1  }
0x779: {  	v6 =	vld [tilespmem:$0xDF00]  }
0x77a: {  	v1 =	vadd.f32 v3, v1  }
0x77b: {  	v3 =	vld [tilespmem:$0xDF80]  }
0x77c: {  	v1 =	vadd.f32 v5, v1  }
0x77d: {  	v5 =	vld [tilespmem:$0xE000]  }
0x77e: {  	v1 =	vadd.f32 v6, v1  }
0x77f: {  	v6 =	vld [tilespmem:$0xE080]  }
0x780: {  	v1 =	vadd.f32 v3, v1  }
0x781: {  	v3 =	vld [tilespmem:$0xE100]  }
0x782: {  	v1 =	vadd.f32 v5, v1;
	_ =	sdelay $0x1  }
0x783: {  	v1 =	vadd.f32 v6, v1  }
0x784: {  	v5 =	vld [tilespmem:s6+$0x7000]  }
0x785: {  	v1 =	vadd.f32 v3, v1;
	_ =	sdelay $0x1  }
0x786: {  	v1 =	vmul.f32 $3.125000000e-02, v1;
	_ =	sdelay $0x1  }
0x787: {  	v1 =	vadd.f32 v1, v5;
	_ =	sdelay $0x1  }
0x788: {  	(xrf0) =	vmax.scan.msk.f32 $0xffff, v1;
	_ =	sdelay $0x5  }
0x789: {  	v3, _, _ =	vpop (xrf0)  }
0x78a: {  	v3 =	vperm.xlane v3, v0;
	_ =	sdelay $0x1  }
0x78b: {  	vm0 =	veq.f32 v1, v3  }
0x78c: {  	v1 =	vnsel vm0, $0x7FFFFFF0, v4  }
0x78d: {  	(xrf0) =	vmax.scan.msk.u32 $0xffff, v1;
	_ =	sdelay $0x1  }
0x78e: {  	s8 =	sadd.s32 $0xFFFFFFFF, s0  }
0x78f: {  	v1 =	vmov s8  }
0x790: {  	v1 =	vand.u32 $0xFFFFFFFE, v1  }
0x791: {  	v1 =	vbroadcast v1, $0x0  }
0x792: {  	v3, _, _ =	vpop (xrf0)  }
0x793: {  	v3 =	vxor.u32 $0x80000000, v3  }
0x794: {  	v3 =	vperm.xlane v3, v0  }
0x795: {  	p1 =	seq.s32 s7, $0x3C00  }
0x796: {  	s7 =	sshra.s32 @!p1 s7, $0x2;
	v3 =	vsub.s32 $0x0, v3  }
0x797: {  	s11 =	simm.s32 @!p1 $0xD180;
	s7 =	sadd.s32 @!p1 $0xC280, s7;
	s8 =	simm.s32 @!p1 $0x20;
	[tilespmem:v1+s26+$0x0] =	vst.idx.msk $0x1, v3  }
0x798: {  	[tilespmem:s11], [sflag:$0x3] =	stream.indirect.gather @!p1 [hbm4b:s5+s8], $0x80, s7, s8, $0xb8;
	[tilespmem:$0xF200] =	vst v63  }
0x799: {  	_ =	swait.ge [sflag:s28], $0x1000  }
0x79a: {  	[sflag:s28] =	ssyncset.done $0x0  }
0x79b: {  	[sflag:s28] =	ssyncadd.s32 $0xFFFFF000  }
0x79c: {  	v1 =	vld [tilespmem:$0xE180]  }
0x79d: {  	v3 =	vld [tilespmem:$0xE200]  }
0x79e: {  	v5 =	vld [tilespmem:$0xE280]  }
0x79f: {  	v6 =	vld [tilespmem:$0xE300]  }
0x7a0: {  	v7 =	vld [tilespmem:$0xE380]  }
0x7a1: {  	v8 =	vld [tilespmem:$0xE400]  }
0x7a2: {  	v1 =	vadd.f32 v3, v1;
	v3 =	vld [tilespmem:$0xE480]  }
0x7a3: {  	v9 =	vld [tilespmem:$0xE500]  }
0x7a4: {  	v1 =	vadd.f32 v5, v1;
	v5 =	vld [tilespmem:$0xE580]  }
0x7a5: {  	v10 =	vld [tilespmem:$0xE600]  }
0x7a6: {  	v1 =	vadd.f32 v6, v1;
	v6 =	vld [tilespmem:$0xE680]  }
0x7a7: {  	v11 =	vld [tilespmem:$0xE700]  }
0x7a8: {  	v1 =	vadd.f32 v7, v1;
	v7 =	vld [tilespmem:$0xE780]  }
0x7a9: {  	v12 =	vld [tilespmem:$0xE800]  }
0x7aa: {  	v1 =	vadd.f32 v8, v1;
	v8 =	vld [tilespmem:$0xE880]  }
0x7ab: {  	v13 =	vld [tilespmem:$0xE900]  }
0x7ac: {  	v1 =	vadd.f32 v3, v1;
	v3 =	vld [tilespmem:$0xE980]  }
0x7ad: {  	v14 =	vld [tilespmem:$0xEA00]  }
0x7ae: {  	v1 =	vadd.f32 v9, v1;
	v9 =	vld [tilespmem:$0xEA80]  }
0x7af: {  	v15 =	vld [tilespmem:$0xEB00]  }
0x7b0: {  	v1 =	vadd.f32 v5, v1;
	v5 =	vld [tilespmem:$0xEB80]  }
0x7b1: {  	v16 =	vld [tilespmem:$0xEC00]  }
0x7b2: {  	v1 =	vadd.f32 v10, v1;
	v10 =	vld [tilespmem:$0xEC80]  }
0x7b3: {  	v17 =	vld [tilespmem:$0xED00]  }
0x7b4: {  	v1 =	vadd.f32 v6, v1;
	v6 =	vld [tilespmem:$0xED80]  }
0x7b5: {  	v18 =	vld [tilespmem:$0xEE00]  }
0x7b6: {  	v1 =	vadd.f32 v11, v1;
	v11 =	vld [tilespmem:$0xEE80]  }
0x7b7: {  	v19 =	vld [tilespmem:$0xEF00]  }
0x7b8: {  	v1 =	vadd.f32 v7, v1;
	v7 =	vld [tilespmem:$0xEF80]  }
0x7b9: {  	v20 =	vld [tilespmem:$0xF000]  }
0x7ba: {  	v1 =	vadd.f32 v12, v1;
	v12 =	vld [tilespmem:$0xF080]  }
0x7bb: {  	v21 =	vld [tilespmem:$0xF100]  }
0x7bc: {  	v1 =	vadd.f32 v8, v1;
	v8 =	vld [tilespmem:s6+$0x7080];
	_ =	sdelay $0x1  }
0x7bd: {  	v1 =	vadd.f32 v13, v1;
	_ =	sdelay $0x1  }
0x7be: {  	v1 =	vadd.f32 v3, v1;
	_ =	sdelay $0x1  }
0x7bf: {  	v1 =	vadd.f32 v14, v1;
	_ =	sdelay $0x1  }
0x7c0: {  	v1 =	vadd.f32 v9, v1;
	_ =	sdelay $0x1  }
0x7c1: {  	v1 =	vadd.f32 v15, v1;
	_ =	sdelay $0x1  }
0x7c2: {  	v1 =	vadd.f32 v5, v1;
	_ =	sdelay $0x1  }
0x7c3: {  	v1 =	vadd.f32 v16, v1;
	_ =	sdelay $0x1  }
0x7c4: {  	v1 =	vadd.f32 v10, v1;
	_ =	sdelay $0x1  }
0x7c5: {  	v1 =	vadd.f32 v17, v1;
	_ =	sdelay $0x1  }
0x7c6: {  	v1 =	vadd.f32 v6, v1;
	_ =	sdelay $0x1  }
0x7c7: {  	v1 =	vadd.f32 v18, v1;
	_ =	sdelay $0x1  }
0x7c8: {  	v1 =	vadd.f32 v11, v1;
	_ =	sdelay $0x1  }
0x7c9: {  	v1 =	vadd.f32 v19, v1;
	_ =	sdelay $0x1  }
0x7ca: {  	v1 =	vadd.f32 v7, v1;
	_ =	sdelay $0x1  }
0x7cb: {  	v1 =	vadd.f32 v20, v1;
	_ =	sdelay $0x1  }
0x7cc: {  	v1 =	vadd.f32 v12, v1;
	_ =	sdelay $0x1  }
0x7cd: {  	v1 =	vadd.f32 v21, v1;
	_ =	sdelay $0x1  }
0x7ce: {  	v1 =	vmul.f32 $3.125000000e-02, v1;
	_ =	sdelay $0x1  }
0x7cf: {  	v1 =	vadd.f32 v1, v8;
	_ =	sdelay $0x1  }
0x7d0: {  	(xrf0) =	vmax.scan.msk.f32 $0xffff, v1;
	_ =	sdelay $0x5  }
0x7d1: {  	v3, _, _ =	vpop (xrf0)  }
0x7d2: {  	v3 =	vperm.xlane v3, v0;
	_ =	sdelay $0x1  }
0x7d3: {  	vm0 =	veq.f32 v1, v3  }
0x7d4: {  	v1 =	vnsel vm0, $0x7FFFFFF0, v4  }
0x7d5: {  	(xrf0) =	vmax.scan.msk.u32 $0xffff, v1;
	_ =	sdelay $0x2  }
.Ltmp7:
0x7d6: {  	(pc) =	sbr.rel @p0 .LBB2_16-.Ltmp7, $4  }
0x7d7: {  	_ = 	snop  }
0x7d8: {  	v5 =	vmov s0  }
0x7d9: {  	v1, _, _ =	vpop (xrf0)  }
0x7da: {  	v6 =	vxor.u32 $0x80000000, v1  }
0x7db: {  	_ = 	snop  }
0x7dc: {  	v1 =	vperm.xlane v6, v0  }
0x7dd: {  	s29 =	sadd.s32 $0x1, s29  }
0x7de: {  	p0 =	sne.s32 s29, s9;
	v1 =	vsub.s32 $0x0, v1  }
.Ltmp8:
0x7df: {  	s0 =	rddreg [dreg:$0x5];
	[tilespmem:v5+s26+$0x0] =	vst.idx.msk $0x1, v1;
	(pc) =	sbr.rel @p0 .LBB2_1-.Ltmp8, $4  }
0x7e0: {  	[hbm4b:s0+s3] =	stream.linear.scatter [tilespmem:s26], [sflag:$0x5], $0x20, $0x38;
	[tilespmem:$0xF200] =	vst v63  }
0x7e1: {  	_ =	swait.ge [sflag:s10], $0x20  }
0x7e2: {  	[sflag:s10] =	ssyncset.done $0x0  }
0x7e3: {  	[sflag:s10] =	ssyncadd.s32 $0xFFFFFFE0  }
0x7e4: {  	_ =	sfence.sel $0x180000  }
0x7e5: {  	[bflag:$0x0] =	sbarrier.arrive $0xFFFF  }
0x7e6: {  	_ =	strace $0x90000047  }
0x7e7: {  	s0 =	stileid.u32;
	[bflag:$0x2] =	sbarrier.arrive $0xFFFF  }
0x7e8: {  	p0 =	sne.s32 s0, $0x0;
	s0 =	rddreg [dreg:$0x2]  }
0x7e9: {  	s0 =	sadd.s32 @!p0 $0x100000, s0  }
0x7ea: {  	[sflag:s0] =	ssyncadd.tile.s32 @!p0 $0x1;
	_ =	shalt  }
.Lfunc_end2:
_tile_overlayer_lowered:
.L_overlay_start_2:
0x7eb: {  	(tag) =	ssettag $0x2  }
0x7ec: {  	s0 =	rddreg [dreg:$0x0];
	s2 =	stileid.u32  }
0x7ed: {  	s1 =	rddreg [dreg:$0x1];
	p0 =	sne.s32 s2, $0x0  }
0x7ee: {  	s3 =	rddreg [dreg:$0x2];
	[bflag:$0x3] =	sbarrier.arrive $0xFFFF;
	s2 =	simm.s32 @!p0 $0x1C05  }
0x7ef: {  	[timem:s3], [sflag:s2] =	dma.local @!p0 [hbm:s0], s1  }
0x7f0: {  	s0 =	simm.s32 @!p0 $0x5  }
0x7f1: {  	_ =	swait.ge @!p0 [sflag:s0], s1  }
0x7f2: {  	s1 =	ssub.s32 @!p0 $0x0, s1;
	[sflag:s0] =	ssyncset.done @!p0 $0x0  }
0x7f3: {  	[sflag:s0] =	ssyncadd.s32 @!p0 s1  }
0x7f4: {  	[bflag:$0x3] =	sbarrier.arrive $0xFFFF  }
0x7f5: {  	_ =	shalt  }

</sc_bundles>
